<compile_context>
chip_gen: v7x
topology: tpu7x:2x2x1
jax: 0.10.2.dev20260603
libtpu: 0.0.44.dev20260713+nightly
codegen_flags: <defaults>
</compile_context>

<pallas_src>
import functools

import jax
import jax.numpy as jnp
from jax import lax
from jax.experimental import pallas as pl
from jax.experimental.pallas import tpu as pltpu
from jax.experimental.pallas import tpu_sc as plsc

N = 10000
E = 320000
D = 128
H = 64
NC = 2
NS = 16
L = 16

CHUNK = 128
NCHT = 159
TOTCH = NS * NCHT
EPAD = TOTCH * CHUNK - E
RPT = 624
REM = N - NS * RPT
NSUB = 208


def _sc_propagate2():
    mesh = plsc.VectorSubcoreMesh(core_axis_name="c", subcore_axis_name="s")

    @functools.partial(
        pl.kernel,
        mesh=mesh,
        compiler_params=pltpu.CompilerParams(
            needs_layout_passes=False, use_tc_tiling_on_sc=False),
        out_type=(
            jax.ShapeDtypeStruct((2 * N, H), jnp.float32),
            jax.ShapeDtypeStruct((2 * N, H), jnp.float32),
        ),
        scratch_types=[
            pltpu.VMEM_SHARED((N + 8, H), jnp.float32),
            pltpu.VMEM_SHARED((N + 8, H), jnp.float32),
            pltpu.VMEM_SHARED((N + 8,), jnp.float32),
            pltpu.VMEM((3, CHUNK), jnp.int32),
            pltpu.VMEM((3, CHUNK), jnp.int32),
            pltpu.VMEM((3, CHUNK), jnp.int32),
            pltpu.VMEM((CHUNK, H), jnp.float32),
            pltpu.VMEM((CHUNK, H), jnp.float32),
            pltpu.VMEM((CHUNK, H), jnp.float32),
            pltpu.VMEM((CHUNK,), jnp.int32),
            pltpu.VMEM((CHUNK,), jnp.int32),
            pltpu.VMEM((CHUNK,), jnp.int32),
            pltpu.VMEM((CHUNK,), jnp.float32),
            pltpu.VMEM((NSUB, H), jnp.float32),
            pltpu.VMEM((NSUB,), jnp.float32),
            pltpu.SemaphoreType.DMA,
            pltpu.SemaphoreType.DMA,
            pltpu.SemaphoreType.DMA,
        ],
    )
    def k(xp, packed, z2, z1, o1, t1p, t2p,
          agg1, agg2, deg, idxb0, idxb1, idxb2, rows0, rows1, rows2,
          dstc0, dstc1, dstc2, ones, wb, degb, semg, semi, sems):
        c = lax.axis_index("c")
        s = lax.axis_index("s")
        r0 = s * RPT
        off = c * N

        pltpu.sync_copy(z2, wb)
        pltpu.sync_copy(z1, degb)

        def zero_slice(base, nrows):
            pltpu.sync_copy(wb.at[pl.ds(0, nrows)], agg1.at[pl.ds(base, nrows)])
            pltpu.sync_copy(wb.at[pl.ds(0, nrows)], agg2.at[pl.ds(base, nrows)])
            pltpu.sync_copy(degb.at[pl.ds(0, nrows)], deg.at[pl.ds(base, nrows)])

        for u in range(RPT // NSUB):
            zero_slice(r0 + u * NSUB, NSUB)

        @pl.when(s == NS - 1)
        def _():
            zero_slice(NS * RPT, REM)

        pltpu.sync_copy(o1, ones)
        plsc.subcore_barrier()

        def edge_loop(gsrc, sel, acc, with_deg):
            idxb = (idxb0, idxb1, idxb2)
            rows = (rows0, rows1, rows2)
            dstc = (dstc0, dstc1, dstc2)

            def idx_start(i, k):
                cid = lax.min(s + NS * i, TOTCH - 1)
                pltpu.async_copy(packed.at[cid], idxb[k], semi)

            def idx_wait():
                pltpu.make_async_copy(packed.at[0], idxb0, semi).wait()

            def g_start(k):
                pltpu.async_copy(gsrc.at[idxb[k].at[sel]], rows[k], semg)

            def g_wait(k):
                pltpu.make_async_copy(gsrc.at[idxb[k].at[sel]], rows[k],
                                      semg).wait()

            def dst_copy(k):
                for j in range(CHUNK // L):
                    dstc[k][pl.ds(j * L, L)] = idxb[k][2, pl.ds(j * L, L)]

            def sc_start(k):
                pltpu.async_copy(rows[k], acc.at[dstc[k]], sems, add=True)
                if with_deg:
                    pltpu.async_copy(ones, deg.at[dstc[k]], sems, add=True)

            def sc_drain(k):
                pltpu.make_async_copy(rows[k], acc.at[dstc[k]], sems).wait()
                if with_deg:
                    pltpu.make_async_copy(ones, deg.at[dstc[k]], sems).wait()

            def step(i, k, drain):
                g_wait(k)
                dst_copy(k)
                if drain:
                    sc_drain((k + 1) % 3)
                idx_wait()
                g_start((k + 1) % 3)
                sc_start(k)
                idx_start(i + 3, k)

            idx_start(0, 0)
            idx_start(1, 1)
            idx_start(2, 2)
            idx_wait()
            g_start(0)
            step(0, 0, False)
            step(1, 1, False)
            step(2, 2, True)

            def triple(j, _):
                i0 = 3 * j
                step(i0, 0, True)
                step(i0 + 1, 1, True)
                step(i0 + 2, 2, True)
                return 0

            lax.fori_loop(1, NCHT // 3, triple, 0)
            g_wait(0)
            sc_drain(1)
            sc_drain(2)
            idx_wait()
            idx_wait()

        edge_loop(xp, c, agg1, True)
        plsc.subcore_barrier()

        def normalize_slice(acc, out_hbm, writeback, base, nrows):
            pltpu.sync_copy(acc.at[pl.ds(base, nrows)], wb.at[pl.ds(0, nrows)])
            pltpu.sync_copy(deg.at[pl.ds(base, nrows)], degb.at[pl.ds(0, nrows)])

            def nbody(r, _):
                idx = jnp.full((L,), r, jnp.int32)
                dv = plsc.load_gather(degb, [idx])
                sc = 1.0 / jnp.maximum(dv, 1.0)
                for cc in range(H // L):
                    wb[r, pl.ds(cc * L, L)] = wb[r, pl.ds(cc * L, L)] * sc
                return 0

            lax.fori_loop(0, nrows, nbody, 0)
            if writeback:
                pltpu.sync_copy(wb.at[pl.ds(0, nrows)], acc.at[pl.ds(base, nrows)])
            pltpu.sync_copy(wb.at[pl.ds(0, nrows)],
                            out_hbm.at[pl.ds(off + base, nrows)])

        def normalize(acc, out_hbm, writeback):
            for u in range(RPT // NSUB):
                normalize_slice(acc, out_hbm, writeback, r0 + u * NSUB, NSUB)

            @pl.when(s == NS - 1)
            def _():
                normalize_slice(acc, out_hbm, writeback, NS * RPT, REM)

        normalize(agg1, t1p, True)
        plsc.subcore_barrier()

        edge_loop(agg1, 0, agg2, False)
        plsc.subcore_barrier()

        normalize(agg2, t2p, False)

    return k


_sc_prop = _sc_propagate2()


def _linear_tc(x, t1p, t2p, wt, b2):
    R = 1000
    nb = N // R

    def body(x_ref, t1lo, t1hi, t2lo, t2hi, w_ref, b_ref, o_ref):
        w = w_ref[...]
        a = w[0:D] - w[2 * D:3 * D]
        wb1 = w[D:2 * D]
        wc = w[2 * D:3 * D] * 2.0
        acc = jnp.dot(x_ref[...], a, preferred_element_type=jnp.float32)
        acc += jnp.dot(t1lo[...], wb1[:H], preferred_element_type=jnp.float32)
        acc += jnp.dot(t1hi[...], wb1[H:], preferred_element_type=jnp.float32)
        acc += jnp.dot(t2lo[...], wc[:H], preferred_element_type=jnp.float32)
        acc += jnp.dot(t2hi[...], wc[H:], preferred_element_type=jnp.float32)
        o_ref[...] = acc + b_ref[...]

    return pl.pallas_call(
        body,
        grid=(nb,),
        in_specs=[
            pl.BlockSpec((R, D), lambda i: (i, 0)),
            pl.BlockSpec((R, H), lambda i: (i, 0)),
            pl.BlockSpec((R, H), lambda i: (i + nb, 0)),
            pl.BlockSpec((R, H), lambda i: (i, 0)),
            pl.BlockSpec((R, H), lambda i: (i + nb, 0)),
            pl.BlockSpec((3 * D, D), lambda i: (0, 0)),
            pl.BlockSpec((1, D), lambda i: (0, 0)),
        ],
        out_specs=pl.BlockSpec((R, D), lambda i: (i, 0)),
        out_shape=jax.ShapeDtypeStruct((N, D), jnp.float32),
    )(x, t1p, t1p, t2p, t2p, wt, b2)


def kernel(x, edge_index, W, b):
    xp = jnp.concatenate([x[:, :H], x[:, H:]], axis=0)
    src = jnp.concatenate([edge_index[0], jnp.zeros((EPAD,), jnp.int32)])
    dst = jnp.concatenate([edge_index[1], jnp.full((EPAD,), N, jnp.int32)])
    packed = jnp.stack([src.reshape(TOTCH, CHUNK),
                        (src + N).reshape(TOTCH, CHUNK),
                        dst.reshape(TOTCH, CHUNK)], axis=1)
    z2 = jnp.zeros((NSUB, H), jnp.float32)
    z1 = jnp.zeros((NSUB,), jnp.float32)
    o1 = jnp.ones((CHUNK,), jnp.float32)
    t1p, t2p = _sc_prop(xp, packed, z2, z1, o1)
    return _linear_tc(x, t1p, t2p, W.T, b.reshape(1, D))

# --- scband reference (transcript-rebuilt; emitter-appended) ---
"""Pipeline reference for scband-cheb-conv-5179730559345 (READ-ONLY COPY).

The authoritative reference and input builder live on the scoring server;
editing this copy changes nothing except your own understanding.
"""

import jax, jax.numpy as jnp
import numpy as np

N = 10000
E = 320000
D = 128
K = 2
D_OUT = 128

def setup_inputs(seed: int = 0) -> dict:
    key = jax.random.key(seed)
    k1, k2, k3, k4 = jax.random.split(key, 4)
    x = jax.random.normal(k1, (N, D), dtype=jnp.float32)
    edge_index = jax.random.randint(k2, (2, E), 0, N, dtype=jnp.int32)
    # nn.Linear(in_channels*(k+1), out_channels): weight shape (out, in), bias (out,)
    fan_in = D * (K + 1)
    bound = 1.0 / np.sqrt(fan_in)
    W = jax.random.uniform(k3, (D_OUT, fan_in), dtype=jnp.float32, minval=-bound, maxval=bound)
    b = jax.random.uniform(k4, (D_OUT,), dtype=jnp.float32, minval=-bound, maxval=bound)
    return {"x": x, "edge_index": edge_index, "W": W, "b": b}

def _mean_propagate(h, edge_index):
    src = edge_index[0]
    dst = edge_index[1]
    msgs = jnp.take(h, src, axis=0)
    agg = jax.ops.segment_sum(msgs, dst, num_segments=N)
    deg = jax.ops.segment_sum(jnp.ones((E,), dtype=h.dtype), dst, num_segments=N)
    deg = jnp.clip(deg, 1.0, None)
    return agg / deg[:, None]

def reference(x, edge_index, W, b):
    terms = [x]
    if K >= 1:
        terms.append(_mean_propagate(x, edge_index))
    while len(terms) <= K:
        propagated = _mean_propagate(terms[-1], edge_index)
        terms.append(2.0 * propagated - terms[-2])
    h = jnp.concatenate(terms, axis=-1)
    return h @ W.T + b

if __name__ == "__main__":
    import jax
    _d = setup_inputs()
    print(jax.jit(kernel)(*tuple(_d.values())))

</pallas_src>

<mosaic_0001>
#map = affine_map<(d0, d1) -> (0, 0)>
#map1 = affine_map<(d0, d1) -> (0, 0, 0)>
#map2 = affine_map<(d0, d1) -> (0)>
module attributes {stable_mosaic.version = 14 : i64} {
  func.func @k(%arg0: i32, %arg1: i32, %arg2: memref<20000x64xf32, #tpu.memory_space<hbm>>, %arg3: memref<2544x3x128xi32, #tpu.memory_space<hbm>>, %arg4: memref<208x64xf32, #tpu.memory_space<hbm>>, %arg5: memref<208xf32, #tpu.memory_space<hbm>>, %arg6: memref<128xf32, #tpu.memory_space<hbm>>, %arg7: memref<20000x64xf32, #tpu.memory_space<hbm>>, %arg8: memref<20000x64xf32, #tpu.memory_space<hbm>>, %arg9: memref<10008x64xf32, #tpu.memory_space<vmem_shared>>, %arg10: memref<10008x64xf32, #tpu.memory_space<vmem_shared>>, %arg11: memref<10008xf32, #tpu.memory_space<vmem_shared>>, %arg12: memref<3x128xi32, #tpu.memory_space<vmem>>, %arg13: memref<3x128xi32, #tpu.memory_space<vmem>>, %arg14: memref<3x128xi32, #tpu.memory_space<vmem>>, %arg15: memref<128x64xf32, #tpu.memory_space<vmem>>, %arg16: memref<128x64xf32, #tpu.memory_space<vmem>>, %arg17: memref<128x64xf32, #tpu.memory_space<vmem>>, %arg18: memref<128xi32, #tpu.memory_space<vmem>>, %arg19: memref<128xi32, #tpu.memory_space<vmem>>, %arg20: memref<128xi32, #tpu.memory_space<vmem>>, %arg21: memref<128xf32, #tpu.memory_space<vmem>>, %arg22: memref<208x64xf32, #tpu.memory_space<vmem>>, %arg23: memref<208xf32, #tpu.memory_space<vmem>>, %arg24: memref<!tpu.dma_semaphore, #tpu.memory_space<semaphore_mem>>, %arg25: memref<!tpu.dma_semaphore, #tpu.memory_space<semaphore_mem>>, %arg26: memref<!tpu.dma_semaphore, #tpu.memory_space<semaphore_mem>>) attributes {dimension_semantics = [#tpu.dimension_semantics<core_parallel>, #tpu.dimension_semantics<subcore_parallel>], iteration_bounds = array<i64: 2, 16>, scalar_prefetch = 0 : i64, scratch_operands = 18 : i64, tpu.core_type = #tpu.core_type<sc_vector_subcore>, window_params = [{transform_indices = #map}, {transform_indices = #map1}, {transform_indices = #map}, {transform_indices = #map2}, {transform_indices = #map2}, {transform_indices = #map}, {transform_indices = #map}]} {
    %mul3A = arith.constant 624 : i32
    %mul3A_0 = arith.muli %arg1, %mul3A : i32
    %mul3A_1 = arith.constant 10000 : i32
    %mul3A_2 = arith.muli %arg0, %mul3A_1 : i32
    "tpu.region"() ({
      %run_scoped3A = tpu.sem_alloc : memref<!tpu.dma_semaphore, #tpu.memory_space<semaphore_mem>>
      tpu.enqueue_dma source(%arg4 : memref<208x64xf32, #tpu.memory_space<hbm>>) target(%arg22 : memref<208x64xf32, #tpu.memory_space<vmem>>) target_semaphore(%run_scoped3A : memref<!tpu.dma_semaphore, #tpu.memory_space<semaphore_mem>>)
      tpu.wait_dma2 semaphore(%run_scoped3A : memref<!tpu.dma_semaphore, #tpu.memory_space<semaphore_mem>>) src(%arg4 : memref<208x64xf32, #tpu.memory_space<hbm>>) dst(%arg22 : memref<208x64xf32, #tpu.memory_space<vmem>>)
      tpu.yield
    }) : () -> ()
    "tpu.region"() ({
      %run_scoped3A = tpu.sem_alloc : memref<!tpu.dma_semaphore, #tpu.memory_space<semaphore_mem>>
      tpu.enqueue_dma source(%arg5 : memref<208xf32, #tpu.memory_space<hbm>>) target(%arg23 : memref<208xf32, #tpu.memory_space<vmem>>) target_semaphore(%run_scoped3A : memref<!tpu.dma_semaphore, #tpu.memory_space<semaphore_mem>>)
      tpu.wait_dma2 semaphore(%run_scoped3A : memref<!tpu.dma_semaphore, #tpu.memory_space<semaphore_mem>>) src(%arg5 : memref<208xf32, #tpu.memory_space<hbm>>) dst(%arg23 : memref<208xf32, #tpu.memory_space<vmem>>)
      tpu.yield
    }) : () -> ()
    %add3A = arith.constant 0 : i32
    %add3A_3 = arith.addi %mul3A_0, %add3A : i32
    "tpu.region"() ({
      %run_scoped3A = tpu.sem_alloc : memref<!tpu.dma_semaphore, #tpu.memory_space<semaphore_mem>>
      %dma_start3A_783 = arith.constant 0 : i32
      %dma_start3A_784 = arith.constant 0 : i32
      %dma_start3A_785 = tpu.memref_slice %arg22[%dma_start3A_783, %dma_start3A_784] : memref<208x64xf32, #tpu.memory_space<vmem>> -> memref<208x64xf32, #tpu.memory_space<vmem>>
      %dma_start3A_786 = arith.constant 0 : i32
      %dma_start3A_787 = tpu.memref_slice %arg9[%add3A_3, %dma_start3A_786] : memref<10008x64xf32, #tpu.memory_space<vmem_shared>> -> memref<208x64xf32, #tpu.memory_space<vmem_shared>>
      %dma_start3A_788 = arith.constant 0 : i32
      %dma_start3A_789 = tpu.memref_slice %arg9[%add3A_3, %dma_start3A_788] : memref<10008x64xf32, #tpu.memory_space<vmem_shared>> -> memref<208x64xf32, #tpu.memory_space<vmem_shared>>
      %dma_start3A_790 = arith.constant 0 : i32
      %dma_start3A_791 = arith.constant 0 : i32
      %dma_start3A_792 = tpu.memref_slice %arg22[%dma_start3A_790, %dma_start3A_791] : memref<208x64xf32, #tpu.memory_space<vmem>> -> memref<208x64xf32, #tpu.memory_space<vmem>>
      tpu.enqueue_dma source(%dma_start3A_792 : memref<208x64xf32, #tpu.memory_space<vmem>>) target(%dma_start3A_789 : memref<208x64xf32, #tpu.memory_space<vmem_shared>>) target_semaphore(%run_scoped3A : memref<!tpu.dma_semaphore, #tpu.memory_space<semaphore_mem>>)
      %dma_wait3A_793 = arith.constant 0 : i32
      %dma_wait3A_794 = arith.constant 0 : i32
      %dma_wait3A_795 = tpu.memref_slice %arg22[%dma_wait3A_793, %dma_wait3A_794] : memref<208x64xf32, #tpu.memory_space<vmem>> -> memref<208x64xf32, #tpu.memory_space<vmem>>
      %dma_wait3A_796 = arith.constant 0 : i32
      %dma_wait3A_797 = tpu.memref_slice %arg9[%add3A_3, %dma_wait3A_796] : memref<10008x64xf32, #tpu.memory_space<vmem_shared>> -> memref<208x64xf32, #tpu.memory_space<vmem_shared>>
      %dma_wait3A_798 = arith.constant 0 : i32
      %dma_wait3A_799 = tpu.memref_slice %arg9[%add3A_3, %dma_wait3A_798] : memref<10008x64xf32, #tpu.memory_space<vmem_shared>> -> memref<208x64xf32, #tpu.memory_space<vmem_shared>>
      %dma_wait3A_800 = arith.constant 0 : i32
      %dma_wait3A_801 = arith.constant 0 : i32
      %dma_wait3A_802 = tpu.memref_slice %arg22[%dma_wait3A_800, %dma_wait3A_801] : memref<208x64xf32, #tpu.memory_space<vmem>> -> memref<208x64xf32, #tpu.memory_space<vmem>>
      tpu.wait_dma2 semaphore(%run_scoped3A : memref<!tpu.dma_semaphore, #tpu.memory_space<semaphore_mem>>) src(%dma_wait3A_802 : memref<208x64xf32, #tpu.memory_space<vmem>>) dst(%dma_wait3A_799 : memref<208x64xf32, #tpu.memory_space<vmem_shared>>)
      tpu.yield
    }) : () -> ()
    "tpu.region"() ({
      %run_scoped3A = tpu.sem_alloc : memref<!tpu.dma_semaphore, #tpu.memory_space<semaphore_mem>>
      %dma_start3A_783 = arith.constant 0 : i32
      %dma_start3A_784 = arith.constant 0 : i32
      %dma_start3A_785 = tpu.memref_slice %arg22[%dma_start3A_783, %dma_start3A_784] : memref<208x64xf32, #tpu.memory_space<vmem>> -> memref<208x64xf32, #tpu.memory_space<vmem>>
      %dma_start3A_786 = arith.constant 0 : i32
      %dma_start3A_787 = tpu.memref_slice %arg10[%add3A_3, %dma_start3A_786] : memref<10008x64xf32, #tpu.memory_space<vmem_shared>> -> memref<208x64xf32, #tpu.memory_space<vmem_shared>>
      %dma_start3A_788 = arith.constant 0 : i32
      %dma_start3A_789 = tpu.memref_slice %arg10[%add3A_3, %dma_start3A_788] : memref<10008x64xf32, #tpu.memory_space<vmem_shared>> -> memref<208x64xf32, #tpu.memory_space<vmem_shared>>
      %dma_start3A_790 = arith.constant 0 : i32
      %dma_start3A_791 = arith.constant 0 : i32
      %dma_start3A_792 = tpu.memref_slice %arg22[%dma_start3A_790, %dma_start3A_791] : memref<208x64xf32, #tpu.memory_space<vmem>> -> memref<208x64xf32, #tpu.memory_space<vmem>>
      tpu.enqueue_dma source(%dma_start3A_792 : memref<208x64xf32, #tpu.memory_space<vmem>>) target(%dma_start3A_789 : memref<208x64xf32, #tpu.memory_space<vmem_shared>>) target_semaphore(%run_scoped3A : memref<!tpu.dma_semaphore, #tpu.memory_space<semaphore_mem>>)
      %dma_wait3A_793 = arith.constant 0 : i32
      %dma_wait3A_794 = arith.constant 0 : i32
      %dma_wait3A_795 = tpu.memref_slice %arg22[%dma_wait3A_793, %dma_wait3A_794] : memref<208x64xf32, #tpu.memory_space<vmem>> -> memref<208x64xf32, #tpu.memory_space<vmem>>
      %dma_wait3A_796 = arith.constant 0 : i32
      %dma_wait3A_797 = tpu.memref_slice %arg10[%add3A_3, %dma_wait3A_796] : memref<10008x64xf32, #tpu.memory_space<vmem_shared>> -> memref<208x64xf32, #tpu.memory_space<vmem_shared>>
      %dma_wait3A_798 = arith.constant 0 : i32
      %dma_wait3A_799 = tpu.memref_slice %arg10[%add3A_3, %dma_wait3A_798] : memref<10008x64xf32, #tpu.memory_space<vmem_shared>> -> memref<208x64xf32, #tpu.memory_space<vmem_shared>>
      %dma_wait3A_800 = arith.constant 0 : i32
      %dma_wait3A_801 = arith.constant 0 : i32
      %dma_wait3A_802 = tpu.memref_slice %arg22[%dma_wait3A_800, %dma_wait3A_801] : memref<208x64xf32, #tpu.memory_space<vmem>> -> memref<208x64xf32, #tpu.memory_space<vmem>>
      tpu.wait_dma2 semaphore(%run_scoped3A : memref<!tpu.dma_semaphore, #tpu.memory_space<semaphore_mem>>) src(%dma_wait3A_802 : memref<208x64xf32, #tpu.memory_space<vmem>>) dst(%dma_wait3A_799 : memref<208x64xf32, #tpu.memory_space<vmem_shared>>)
      tpu.yield
    }) : () -> ()
    "tpu.region"() ({
      %run_scoped3A = tpu.sem_alloc : memref<!tpu.dma_semaphore, #tpu.memory_space<semaphore_mem>>
      %dma_start3A_783 = arith.constant 0 : i32
      %dma_start3A_784 = tpu.memref_slice %arg23[%dma_start3A_783] : memref<208xf32, #tpu.memory_space<vmem>> -> memref<208xf32, #tpu.memory_space<vmem>>
      %dma_start3A_785 = tpu.memref_slice %arg11[%add3A_3] : memref<10008xf32, #tpu.memory_space<vmem_shared>> -> memref<208xf32, #tpu.memory_space<vmem_shared>>
      %dma_start3A_786 = tpu.memref_slice %arg11[%add3A_3] : memref<10008xf32, #tpu.memory_space<vmem_shared>> -> memref<208xf32, #tpu.memory_space<vmem_shared>>
      %dma_start3A_787 = arith.constant 0 : i32
      %dma_start3A_788 = tpu.memref_slice %arg23[%dma_start3A_787] : memref<208xf32, #tpu.memory_space<vmem>> -> memref<208xf32, #tpu.memory_space<vmem>>
      tpu.enqueue_dma source(%dma_start3A_788 : memref<208xf32, #tpu.memory_space<vmem>>) target(%dma_start3A_786 : memref<208xf32, #tpu.memory_space<vmem_shared>>) target_semaphore(%run_scoped3A : memref<!tpu.dma_semaphore, #tpu.memory_space<semaphore_mem>>)
      %dma_wait3A_789 = arith.constant 0 : i32
      %dma_wait3A_790 = tpu.memref_slice %arg23[%dma_wait3A_789] : memref<208xf32, #tpu.memory_space<vmem>> -> memref<208xf32, #tpu.memory_space<vmem>>
      %dma_wait3A_791 = tpu.memref_slice %arg11[%add3A_3] : memref<10008xf32, #tpu.memory_space<vmem_shared>> -> memref<208xf32, #tpu.memory_space<vmem_shared>>
      %dma_wait3A_792 = tpu.memref_slice %arg11[%add3A_3] : memref<10008xf32, #tpu.memory_space<vmem_shared>> -> memref<208xf32, #tpu.memory_space<vmem_shared>>
      %dma_wait3A_793 = arith.constant 0 : i32
      %dma_wait3A_794 = tpu.memref_slice %arg23[%dma_wait3A_793] : memref<208xf32, #tpu.memory_space<vmem>> -> memref<208xf32, #tpu.memory_space<vmem>>
      tpu.wait_dma2 semaphore(%run_scoped3A : memref<!tpu.dma_semaphore, #tpu.memory_space<semaphore_mem>>) src(%dma_wait3A_794 : memref<208xf32, #tpu.memory_space<vmem>>) dst(%dma_wait3A_792 : memref<208xf32, #tpu.memory_space<vmem_shared>>)
      tpu.yield
    }) : () -> ()
    %add3A_4 = arith.constant 208 : i32
    %add3A_5 = arith.addi %mul3A_0, %add3A_4 : i32
    "tpu.region"() ({
      %run_scoped3A = tpu.sem_alloc : memref<!tpu.dma_semaphore, #tpu.memory_space<semaphore_mem>>
      %dma_start3A_783 = arith.constant 0 : i32
      %dma_start3A_784 = arith.constant 0 : i32
      %dma_start3A_785 = tpu.memref_slice %arg22[%dma_start3A_783, %dma_start3A_784] : memref<208x64xf32, #tpu.memory_space<vmem>> -> memref<208x64xf32, #tpu.memory_space<vmem>>
      %dma_start3A_786 = arith.constant 0 : i32
      %dma_start3A_787 = tpu.memref_slice %arg9[%add3A_5, %dma_start3A_786] : memref<10008x64xf32, #tpu.memory_space<vmem_shared>> -> memref<208x64xf32, #tpu.memory_space<vmem_shared>>
      %dma_start3A_788 = arith.constant 0 : i32
      %dma_start3A_789 = tpu.memref_slice %arg9[%add3A_5, %dma_start3A_788] : memref<10008x64xf32, #tpu.memory_space<vmem_shared>> -> memref<208x64xf32, #tpu.memory_space<vmem_shared>>
      %dma_start3A_790 = arith.constant 0 : i32
      %dma_start3A_791 = arith.constant 0 : i32
      %dma_start3A_792 = tpu.memref_slice %arg22[%dma_start3A_790, %dma_start3A_791] : memref<208x64xf32, #tpu.memory_space<vmem>> -> memref<208x64xf32, #tpu.memory_space<vmem>>
      tpu.enqueue_dma source(%dma_start3A_792 : memref<208x64xf32, #tpu.memory_space<vmem>>) target(%dma_start3A_789 : memref<208x64xf32, #tpu.memory_space<vmem_shared>>) target_semaphore(%run_scoped3A : memref<!tpu.dma_semaphore, #tpu.memory_space<semaphore_mem>>)
      %dma_wait3A_793 = arith.constant 0 : i32
      %dma_wait3A_794 = arith.constant 0 : i32
      %dma_wait3A_795 = tpu.memref_slice %arg22[%dma_wait3A_793, %dma_wait3A_794] : memref<208x64xf32, #tpu.memory_space<vmem>> -> memref<208x64xf32, #tpu.memory_space<vmem>>
      %dma_wait3A_796 = arith.constant 0 : i32
      %dma_wait3A_797 = tpu.memref_slice %arg9[%add3A_5, %dma_wait3A_796] : memref<10008x64xf32, #tpu.memory_space<vmem_shared>> -> memref<208x64xf32, #tpu.memory_space<vmem_shared>>
      %dma_wait3A_798 = arith.constant 0 : i32
      %dma_wait3A_799 = tpu.memref_slice %arg9[%add3A_5, %dma_wait3A_798] : memref<10008x64xf32, #tpu.memory_space<vmem_shared>> -> memref<208x64xf32, #tpu.memory_space<vmem_shared>>
      %dma_wait3A_800 = arith.constant 0 : i32
      %dma_wait3A_801 = arith.constant 0 : i32
      %dma_wait3A_802 = tpu.memref_slice %arg22[%dma_wait3A_800, %dma_wait3A_801] : memref<208x64xf32, #tpu.memory_space<vmem>> -> memref<208x64xf32, #tpu.memory_space<vmem>>
      tpu.wait_dma2 semaphore(%run_scoped3A : memref<!tpu.dma_semaphore, #tpu.memory_space<semaphore_mem>>) src(%dma_wait3A_802 : memref<208x64xf32, #tpu.memory_space<vmem>>) dst(%dma_wait3A_799 : memref<208x64xf32, #tpu.memory_space<vmem_shared>>)
      tpu.yield
    }) : () -> ()
    "tpu.region"() ({
      %run_scoped3A = tpu.sem_alloc : memref<!tpu.dma_semaphore, #tpu.memory_space<semaphore_mem>>
      %dma_start3A_783 = arith.constant 0 : i32
      %dma_start3A_784 = arith.constant 0 : i32
      %dma_start3A_785 = tpu.memref_slice %arg22[%dma_start3A_783, %dma_start3A_784] : memref<208x64xf32, #tpu.memory_space<vmem>> -> memref<208x64xf32, #tpu.memory_space<vmem>>
      %dma_start3A_786 = arith.constant 0 : i32
      %dma_start3A_787 = tpu.memref_slice %arg10[%add3A_5, %dma_start3A_786] : memref<10008x64xf32, #tpu.memory_space<vmem_shared>> -> memref<208x64xf32, #tpu.memory_space<vmem_shared>>
      %dma_start3A_788 = arith.constant 0 : i32
      %dma_start3A_789 = tpu.memref_slice %arg10[%add3A_5, %dma_start3A_788] : memref<10008x64xf32, #tpu.memory_space<vmem_shared>> -> memref<208x64xf32, #tpu.memory_space<vmem_shared>>
      %dma_start3A_790 = arith.constant 0 : i32
      %dma_start3A_791 = arith.constant 0 : i32
      %dma_start3A_792 = tpu.memref_slice %arg22[%dma_start3A_790, %dma_start3A_791] : memref<208x64xf32, #tpu.memory_space<vmem>> -> memref<208x64xf32, #tpu.memory_space<vmem>>
      tpu.enqueue_dma source(%dma_start3A_792 : memref<208x64xf32, #tpu.memory_space<vmem>>) target(%dma_start3A_789 : memref<208x64xf32, #tpu.memory_space<vmem_shared>>) target_semaphore(%run_scoped3A : memref<!tpu.dma_semaphore, #tpu.memory_space<semaphore_mem>>)
      %dma_wait3A_793 = arith.constant 0 : i32
      %dma_wait3A_794 = arith.constant 0 : i32
      %dma_wait3A_795 = tpu.memref_slice %arg22[%dma_wait3A_793, %dma_wait3A_794] : memref<208x64xf32, #tpu.memory_space<vmem>> -> memref<208x64xf32, #tpu.memory_space<vmem>>
      %dma_wait3A_796 = arith.constant 0 : i32
      %dma_wait3A_797 = tpu.memref_slice %arg10[%add3A_5, %dma_wait3A_796] : memref<10008x64xf32, #tpu.memory_space<vmem_shared>> -> memref<208x64xf32, #tpu.memory_space<vmem_shared>>
      %dma_wait3A_798 = arith.constant 0 : i32
      %dma_wait3A_799 = tpu.memref_slice %arg10[%add3A_5, %dma_wait3A_798] : memref<10008x64xf32, #tpu.memory_space<vmem_shared>> -> memref<208x64xf32, #tpu.memory_space<vmem_shared>>
      %dma_wait3A_800 = arith.constant 0 : i32
      %dma_wait3A_801 = arith.constant 0 : i32
      %dma_wait3A_802 = tpu.memref_slice %arg22[%dma_wait3A_800, %dma_wait3A_801] : memref<208x64xf32, #tpu.memory_space<vmem>> -> memref<208x64xf32, #tpu.memory_space<vmem>>
      tpu.wait_dma2 semaphore(%run_scoped3A : memref<!tpu.dma_semaphore, #tpu.memory_space<semaphore_mem>>) src(%dma_wait3A_802 : memref<208x64xf32, #tpu.memory_space<vmem>>) dst(%dma_wait3A_799 : memref<208x64xf32, #tpu.memory_space<vmem_shared>>)
      tpu.yield
    }) : () -> ()
    "tpu.region"() ({
      %run_scoped3A = tpu.sem_alloc : memref<!tpu.dma_semaphore, #tpu.memory_space<semaphore_mem>>
      %dma_start3A_783 = arith.constant 0 : i32
      %dma_start3A_784 = tpu.memref_slice %arg23[%dma_start3A_783] : memref<208xf32, #tpu.memory_space<vmem>> -> memref<208xf32, #tpu.memory_space<vmem>>
      %dma_start3A_785 = tpu.memref_slice %arg11[%add3A_5] : memref<10008xf32, #tpu.memory_space<vmem_shared>> -> memref<208xf32, #tpu.memory_space<vmem_shared>>
      %dma_start3A_786 = tpu.memref_slice %arg11[%add3A_5] : memref<10008xf32, #tpu.memory_space<vmem_shared>> -> memref<208xf32, #tpu.memory_space<vmem_shared>>
      %dma_start3A_787 = arith.constant 0 : i32
      %dma_start3A_788 = tpu.memref_slice %arg23[%dma_start3A_787] : memref<208xf32, #tpu.memory_space<vmem>> -> memref<208xf32, #tpu.memory_space<vmem>>
      tpu.enqueue_dma source(%dma_start3A_788 : memref<208xf32, #tpu.memory_space<vmem>>) target(%dma_start3A_786 : memref<208xf32, #tpu.memory_space<vmem_shared>>) target_semaphore(%run_scoped3A : memref<!tpu.dma_semaphore, #tpu.memory_space<semaphore_mem>>)
      %dma_wait3A_789 = arith.constant 0 : i32
      %dma_wait3A_790 = tpu.memref_slice %arg23[%dma_wait3A_789] : memref<208xf32, #tpu.memory_space<vmem>> -> memref<208xf32, #tpu.memory_space<vmem>>
      %dma_wait3A_791 = tpu.memref_slice %arg11[%add3A_5] : memref<10008xf32, #tpu.memory_space<vmem_shared>> -> memref<208xf32, #tpu.memory_space<vmem_shared>>
      %dma_wait3A_792 = tpu.memref_slice %arg11[%add3A_5] : memref<10008xf32, #tpu.memory_space<vmem_shared>> -> memref<208xf32, #tpu.memory_space<vmem_shared>>
      %dma_wait3A_793 = arith.constant 0 : i32
      %dma_wait3A_794 = tpu.memref_slice %arg23[%dma_wait3A_793] : memref<208xf32, #tpu.memory_space<vmem>> -> memref<208xf32, #tpu.memory_space<vmem>>
      tpu.wait_dma2 semaphore(%run_scoped3A : memref<!tpu.dma_semaphore, #tpu.memory_space<semaphore_mem>>) src(%dma_wait3A_794 : memref<208xf32, #tpu.memory_space<vmem>>) dst(%dma_wait3A_792 : memref<208xf32, #tpu.memory_space<vmem_shared>>)
      tpu.yield
    }) : () -> ()
    %add3A_6 = arith.constant 416 : i32
    %add3A_7 = arith.addi %mul3A_0, %add3A_6 : i32
    "tpu.region"() ({
      %run_scoped3A = tpu.sem_alloc : memref<!tpu.dma_semaphore, #tpu.memory_space<semaphore_mem>>
      %dma_start3A_783 = arith.constant 0 : i32
      %dma_start3A_784 = arith.constant 0 : i32
      %dma_start3A_785 = tpu.memref_slice %arg22[%dma_start3A_783, %dma_start3A_784] : memref<208x64xf32, #tpu.memory_space<vmem>> -> memref<208x64xf32, #tpu.memory_space<vmem>>
      %dma_start3A_786 = arith.constant 0 : i32
      %dma_start3A_787 = tpu.memref_slice %arg9[%add3A_7, %dma_start3A_786] : memref<10008x64xf32, #tpu.memory_space<vmem_shared>> -> memref<208x64xf32, #tpu.memory_space<vmem_shared>>
      %dma_start3A_788 = arith.constant 0 : i32
      %dma_start3A_789 = tpu.memref_slice %arg9[%add3A_7, %dma_start3A_788] : memref<10008x64xf32, #tpu.memory_space<vmem_shared>> -> memref<208x64xf32, #tpu.memory_space<vmem_shared>>
      %dma_start3A_790 = arith.constant 0 : i32
      %dma_start3A_791 = arith.constant 0 : i32
      %dma_start3A_792 = tpu.memref_slice %arg22[%dma_start3A_790, %dma_start3A_791] : memref<208x64xf32, #tpu.memory_space<vmem>> -> memref<208x64xf32, #tpu.memory_space<vmem>>
      tpu.enqueue_dma source(%dma_start3A_792 : memref<208x64xf32, #tpu.memory_space<vmem>>) target(%dma_start3A_789 : memref<208x64xf32, #tpu.memory_space<vmem_shared>>) target_semaphore(%run_scoped3A : memref<!tpu.dma_semaphore, #tpu.memory_space<semaphore_mem>>)
      %dma_wait3A_793 = arith.constant 0 : i32
      %dma_wait3A_794 = arith.constant 0 : i32
      %dma_wait3A_795 = tpu.memref_slice %arg22[%dma_wait3A_793, %dma_wait3A_794] : memref<208x64xf32, #tpu.memory_space<vmem>> -> memref<208x64xf32, #tpu.memory_space<vmem>>
      %dma_wait3A_796 = arith.constant 0 : i32
      %dma_wait3A_797 = tpu.memref_slice %arg9[%add3A_7, %dma_wait3A_796] : memref<10008x64xf32, #tpu.memory_space<vmem_shared>> -> memref<208x64xf32, #tpu.memory_space<vmem_shared>>
      %dma_wait3A_798 = arith.constant 0 : i32
      %dma_wait3A_799 = tpu.memref_slice %arg9[%add3A_7, %dma_wait3A_798] : memref<10008x64xf32, #tpu.memory_space<vmem_shared>> -> memref<208x64xf32, #tpu.memory_space<vmem_shared>>
      %dma_wait3A_800 = arith.constant 0 : i32
      %dma_wait3A_801 = arith.constant 0 : i32
      %dma_wait3A_802 = tpu.memref_slice %arg22[%dma_wait3A_800, %dma_wait3A_801] : memref<208x64xf32, #tpu.memory_space<vmem>> -> memref<208x64xf32, #tpu.memory_space<vmem>>
      tpu.wait_dma2 semaphore(%run_scoped3A : memref<!tpu.dma_semaphore, #tpu.memory_space<semaphore_mem>>) src(%dma_wait3A_802 : memref<208x64xf32, #tpu.memory_space<vmem>>) dst(%dma_wait3A_799 : memref<208x64xf32, #tpu.memory_space<vmem_shared>>)
      tpu.yield
    }) : () -> ()
    "tpu.region"() ({
      %run_scoped3A = tpu.sem_alloc : memref<!tpu.dma_semaphore, #tpu.memory_space<semaphore_mem>>
      %dma_start3A_783 = arith.constant 0 : i32
      %dma_start3A_784 = arith.constant 0 : i32
      %dma_start3A_785 = tpu.memref_slice %arg22[%dma_start3A_783, %dma_start3A_784] : memref<208x64xf32, #tpu.memory_space<vmem>> -> memref<208x64xf32, #tpu.memory_space<vmem>>
      %dma_start3A_786 = arith.constant 0 : i32
      %dma_start3A_787 = tpu.memref_slice %arg10[%add3A_7, %dma_start3A_786] : memref<10008x64xf32, #tpu.memory_space<vmem_shared>> -> memref<208x64xf32, #tpu.memory_space<vmem_shared>>
      %dma_start3A_788 = arith.constant 0 : i32
      %dma_start3A_789 = tpu.memref_slice %arg10[%add3A_7, %dma_start3A_788] : memref<10008x64xf32, #tpu.memory_space<vmem_shared>> -> memref<208x64xf32, #tpu.memory_space<vmem_shared>>
      %dma_start3A_790 = arith.constant 0 : i32
      %dma_start3A_791 = arith.constant 0 : i32
      %dma_start3A_792 = tpu.memref_slice %arg22[%dma_start3A_790, %dma_start3A_791] : memref<208x64xf32, #tpu.memory_space<vmem>> -> memref<208x64xf32, #tpu.memory_space<vmem>>
      tpu.enqueue_dma source(%dma_start3A_792 : memref<208x64xf32, #tpu.memory_space<vmem>>) target(%dma_start3A_789 : memref<208x64xf32, #tpu.memory_space<vmem_shared>>) target_semaphore(%run_scoped3A : memref<!tpu.dma_semaphore, #tpu.memory_space<semaphore_mem>>)
      %dma_wait3A_793 = arith.constant 0 : i32
      %dma_wait3A_794 = arith.constant 0 : i32
      %dma_wait3A_795 = tpu.memref_slice %arg22[%dma_wait3A_793, %dma_wait3A_794] : memref<208x64xf32, #tpu.memory_space<vmem>> -> memref<208x64xf32, #tpu.memory_space<vmem>>
      %dma_wait3A_796 = arith.constant 0 : i32
      %dma_wait3A_797 = tpu.memref_slice %arg10[%add3A_7, %dma_wait3A_796] : memref<10008x64xf32, #tpu.memory_space<vmem_shared>> -> memref<208x64xf32, #tpu.memory_space<vmem_shared>>
      %dma_wait3A_798 = arith.constant 0 : i32
      %dma_wait3A_799 = tpu.memref_slice %arg10[%add3A_7, %dma_wait3A_798] : memref<10008x64xf32, #tpu.memory_space<vmem_shared>> -> memref<208x64xf32, #tpu.memory_space<vmem_shared>>
      %dma_wait3A_800 = arith.constant 0 : i32
      %dma_wait3A_801 = arith.constant 0 : i32
      %dma_wait3A_802 = tpu.memref_slice %arg22[%dma_wait3A_800, %dma_wait3A_801] : memref<208x64xf32, #tpu.memory_space<vmem>> -> memref<208x64xf32, #tpu.memory_space<vmem>>
      tpu.wait_dma2 semaphore(%run_scoped3A : memref<!tpu.dma_semaphore, #tpu.memory_space<semaphore_mem>>) src(%dma_wait3A_802 : memref<208x64xf32, #tpu.memory_space<vmem>>) dst(%dma_wait3A_799 : memref<208x64xf32, #tpu.memory_space<vmem_shared>>)
      tpu.yield
    }) : () -> ()
    "tpu.region"() ({
      %run_scoped3A = tpu.sem_alloc : memref<!tpu.dma_semaphore, #tpu.memory_space<semaphore_mem>>
      %dma_start3A_783 = arith.constant 0 : i32
      %dma_start3A_784 = tpu.memref_slice %arg23[%dma_start3A_783] : memref<208xf32, #tpu.memory_space<vmem>> -> memref<208xf32, #tpu.memory_space<vmem>>
      %dma_start3A_785 = tpu.memref_slice %arg11[%add3A_7] : memref<10008xf32, #tpu.memory_space<vmem_shared>> -> memref<208xf32, #tpu.memory_space<vmem_shared>>
      %dma_start3A_786 = tpu.memref_slice %arg11[%add3A_7] : memref<10008xf32, #tpu.memory_space<vmem_shared>> -> memref<208xf32, #tpu.memory_space<vmem_shared>>
      %dma_start3A_787 = arith.constant 0 : i32
      %dma_start3A_788 = tpu.memref_slice %arg23[%dma_start3A_787] : memref<208xf32, #tpu.memory_space<vmem>> -> memref<208xf32, #tpu.memory_space<vmem>>
      tpu.enqueue_dma source(%dma_start3A_788 : memref<208xf32, #tpu.memory_space<vmem>>) target(%dma_start3A_786 : memref<208xf32, #tpu.memory_space<vmem_shared>>) target_semaphore(%run_scoped3A : memref<!tpu.dma_semaphore, #tpu.memory_space<semaphore_mem>>)
      %dma_wait3A_789 = arith.constant 0 : i32
      %dma_wait3A_790 = tpu.memref_slice %arg23[%dma_wait3A_789] : memref<208xf32, #tpu.memory_space<vmem>> -> memref<208xf32, #tpu.memory_space<vmem>>
      %dma_wait3A_791 = tpu.memref_slice %arg11[%add3A_7] : memref<10008xf32, #tpu.memory_space<vmem_shared>> -> memref<208xf32, #tpu.memory_space<vmem_shared>>
      %dma_wait3A_792 = tpu.memref_slice %arg11[%add3A_7] : memref<10008xf32, #tpu.memory_space<vmem_shared>> -> memref<208xf32, #tpu.memory_space<vmem_shared>>
      %dma_wait3A_793 = arith.constant 0 : i32
      %dma_wait3A_794 = tpu.memref_slice %arg23[%dma_wait3A_793] : memref<208xf32, #tpu.memory_space<vmem>> -> memref<208xf32, #tpu.memory_space<vmem>>
      tpu.wait_dma2 semaphore(%run_scoped3A : memref<!tpu.dma_semaphore, #tpu.memory_space<semaphore_mem>>) src(%dma_wait3A_794 : memref<208xf32, #tpu.memory_space<vmem>>) dst(%dma_wait3A_792 : memref<208xf32, #tpu.memory_space<vmem_shared>>)
      tpu.yield
    }) : () -> ()
    %eq3A = arith.constant 15 : i32
    %eq3A_8 = arith.cmpi eq, %arg1, %eq3A : i32
    %convert_element_type3A = arith.extui %eq3A_8 : i1 to i32
    %cond3A = arith.constant 0 : i32
    %cond3A_9 = arith.cmpi ne, %convert_element_type3A, %cond3A : i32
    scf.if %cond3A_9 {
      "tpu.region"() ({
        %run_scoped3A = tpu.sem_alloc : memref<!tpu.dma_semaphore, #tpu.memory_space<semaphore_mem>>
        %dma_start3A_783 = arith.constant 0 : i32
        %dma_start3A_784 = arith.constant 0 : i32
        %dma_start3A_785 = tpu.memref_slice %arg22[%dma_start3A_783, %dma_start3A_784] : memref<208x64xf32, #tpu.memory_space<vmem>> -> memref<16x64xf32, #tpu.memory_space<vmem>>
        %dma_start3A_786 = arith.constant 9984 : i32
        %dma_start3A_787 = arith.constant 0 : i32
        %dma_start3A_788 = tpu.memref_slice %arg9[%dma_start3A_786, %dma_start3A_787] : memref<10008x64xf32, #tpu.memory_space<vmem_shared>> -> memref<16x64xf32, #tpu.memory_space<vmem_shared>>
        %dma_start3A_789 = arith.constant 9984 : i32
        %dma_start3A_790 = arith.constant 0 : i32
        %dma_start3A_791 = tpu.memref_slice %arg9[%dma_start3A_789, %dma_start3A_790] : memref<10008x64xf32, #tpu.memory_space<vmem_shared>> -> memref<16x64xf32, #tpu.memory_space<vmem_shared>>
        %dma_start3A_792 = arith.constant 0 : i32
        %dma_start3A_793 = arith.constant 0 : i32
        %dma_start3A_794 = tpu.memref_slice %arg22[%dma_start3A_792, %dma_start3A_793] : memref<208x64xf32, #tpu.memory_space<vmem>> -> memref<16x64xf32, #tpu.memory_space<vmem>>
        tpu.enqueue_dma source(%dma_start3A_794 : memref<16x64xf32, #tpu.memory_space<vmem>>) target(%dma_start3A_791 : memref<16x64xf32, #tpu.memory_space<vmem_shared>>) target_semaphore(%run_scoped3A : memref<!tpu.dma_semaphore, #tpu.memory_space<semaphore_mem>>)
        %dma_wait3A_795 = arith.constant 0 : i32
        %dma_wait3A_796 = arith.constant 0 : i32
        %dma_wait3A_797 = tpu.memref_slice %arg22[%dma_wait3A_795, %dma_wait3A_796] : memref<208x64xf32, #tpu.memory_space<vmem>> -> memref<16x64xf32, #tpu.memory_space<vmem>>
        %dma_wait3A_798 = arith.constant 9984 : i32
        %dma_wait3A_799 = arith.constant 0 : i32
        %dma_wait3A_800 = tpu.memref_slice %arg9[%dma_wait3A_798, %dma_wait3A_799] : memref<10008x64xf32, #tpu.memory_space<vmem_shared>> -> memref<16x64xf32, #tpu.memory_space<vmem_shared>>
        %dma_wait3A_801 = arith.constant 9984 : i32
        %dma_wait3A_802 = arith.constant 0 : i32
        %dma_wait3A_803 = tpu.memref_slice %arg9[%dma_wait3A_801, %dma_wait3A_802] : memref<10008x64xf32, #tpu.memory_space<vmem_shared>> -> memref<16x64xf32, #tpu.memory_space<vmem_shared>>
        %dma_wait3A_804 = arith.constant 0 : i32
        %dma_wait3A_805 = arith.constant 0 : i32
        %dma_wait3A_806 = tpu.memref_slice %arg22[%dma_wait3A_804, %dma_wait3A_805] : memref<208x64xf32, #tpu.memory_space<vmem>> -> memref<16x64xf32, #tpu.memory_space<vmem>>
        tpu.wait_dma2 semaphore(%run_scoped3A : memref<!tpu.dma_semaphore, #tpu.memory_space<semaphore_mem>>) src(%dma_wait3A_806 : memref<16x64xf32, #tpu.memory_space<vmem>>) dst(%dma_wait3A_803 : memref<16x64xf32, #tpu.memory_space<vmem_shared>>)
        tpu.yield
      }) : () -> ()
      "tpu.region"() ({
        %run_scoped3A = tpu.sem_alloc : memref<!tpu.dma_semaphore, #tpu.memory_space<semaphore_mem>>
        %dma_start3A_783 = arith.constant 0 : i32
        %dma_start3A_784 = arith.constant 0 : i32
        %dma_start3A_785 = tpu.memref_slice %arg22[%dma_start3A_783, %dma_start3A_784] : memref<208x64xf32, #tpu.memory_space<vmem>> -> memref<16x64xf32, #tpu.memory_space<vmem>>
        %dma_start3A_786 = arith.constant 9984 : i32
        %dma_start3A_787 = arith.constant 0 : i32
        %dma_start3A_788 = tpu.memref_slice %arg10[%dma_start3A_786, %dma_start3A_787] : memref<10008x64xf32, #tpu.memory_space<vmem_shared>> -> memref<16x64xf32, #tpu.memory_space<vmem_shared>>
        %dma_start3A_789 = arith.constant 9984 : i32
        %dma_start3A_790 = arith.constant 0 : i32
        %dma_start3A_791 = tpu.memref_slice %arg10[%dma_start3A_789, %dma_start3A_790] : memref<10008x64xf32, #tpu.memory_space<vmem_shared>> -> memref<16x64xf32, #tpu.memory_space<vmem_shared>>
        %dma_start3A_792 = arith.constant 0 : i32
        %dma_start3A_793 = arith.constant 0 : i32
        %dma_start3A_794 = tpu.memref_slice %arg22[%dma_start3A_792, %dma_start3A_793] : memref<208x64xf32, #tpu.memory_space<vmem>> -> memref<16x64xf32, #tpu.memory_space<vmem>>
        tpu.enqueue_dma source(%dma_start3A_794 : memref<16x64xf32, #tpu.memory_space<vmem>>) target(%dma_start3A_791 : memref<16x64xf32, #tpu.memory_space<vmem_shared>>) target_semaphore(%run_scoped3A : memref<!tpu.dma_semaphore, #tpu.memory_space<semaphore_mem>>)
        %dma_wait3A_795 = arith.constant 0 : i32
        %dma_wait3A_796 = arith.constant 0 : i32
        %dma_wait3A_797 = tpu.memref_slice %arg22[%dma_wait3A_795, %dma_wait3A_796] : memref<208x64xf32, #tpu.memory_space<vmem>> -> memref<16x64xf32, #tpu.memory_space<vmem>>
        %dma_wait3A_798 = arith.constant 9984 : i32
        %dma_wait3A_799 = arith.constant 0 : i32
        %dma_wait3A_800 = tpu.memref_slice %arg10[%dma_wait3A_798, %dma_wait3A_799] : memref<10008x64xf32, #tpu.memory_space<vmem_shared>> -> memref<16x64xf32, #tpu.memory_space<vmem_shared>>
        %dma_wait3A_801 = arith.constant 9984 : i32
        %dma_wait3A_802 = arith.constant 0 : i32
        %dma_wait3A_803 = tpu.memref_slice %arg10[%dma_wait3A_801, %dma_wait3A_802] : memref<10008x64xf32, #tpu.memory_space<vmem_shared>> -> memref<16x64xf32, #tpu.memory_space<vmem_shared>>
        %dma_wait3A_804 = arith.constant 0 : i32
        %dma_wait3A_805 = arith.constant 0 : i32
        %dma_wait3A_806 = tpu.memref_slice %arg22[%dma_wait3A_804, %dma_wait3A_805] : memref<208x64xf32, #tpu.memory_space<vmem>> -> memref<16x64xf32, #tpu.memory_space<vmem>>
        tpu.wait_dma2 semaphore(%run_scoped3A : memref<!tpu.dma_semaphore, #tpu.memory_space<semaphore_mem>>) src(%dma_wait3A_806 : memref<16x64xf32, #tpu.memory_space<vmem>>) dst(%dma_wait3A_803 : memref<16x64xf32, #tpu.memory_space<vmem_shared>>)
        tpu.yield
      }) : () -> ()
      "tpu.region"() ({
        %run_scoped3A = tpu.sem_alloc : memref<!tpu.dma_semaphore, #tpu.memory_space<semaphore_mem>>
        %dma_start3A_783 = arith.constant 0 : i32
        %dma_start3A_784 = tpu.memref_slice %arg23[%dma_start3A_783] : memref<208xf32, #tpu.memory_space<vmem>> -> memref<16xf32, #tpu.memory_space<vmem>>
        %dma_start3A_785 = arith.constant 9984 : i32
        %dma_start3A_786 = tpu.memref_slice %arg11[%dma_start3A_785] : memref<10008xf32, #tpu.memory_space<vmem_shared>> -> memref<16xf32, #tpu.memory_space<vmem_shared>>
        %dma_start3A_787 = arith.constant 9984 : i32
        %dma_start3A_788 = tpu.memref_slice %arg11[%dma_start3A_787] : memref<10008xf32, #tpu.memory_space<vmem_shared>> -> memref<16xf32, #tpu.memory_space<vmem_shared>>
        %dma_start3A_789 = arith.constant 0 : i32
        %dma_start3A_790 = tpu.memref_slice %arg23[%dma_start3A_789] : memref<208xf32, #tpu.memory_space<vmem>> -> memref<16xf32, #tpu.memory_space<vmem>>
        tpu.enqueue_dma source(%dma_start3A_790 : memref<16xf32, #tpu.memory_space<vmem>>) target(%dma_start3A_788 : memref<16xf32, #tpu.memory_space<vmem_shared>>) target_semaphore(%run_scoped3A : memref<!tpu.dma_semaphore, #tpu.memory_space<semaphore_mem>>)
        %dma_wait3A_791 = arith.constant 0 : i32
        %dma_wait3A_792 = tpu.memref_slice %arg23[%dma_wait3A_791] : memref<208xf32, #tpu.memory_space<vmem>> -> memref<16xf32, #tpu.memory_space<vmem>>
        %dma_wait3A_793 = arith.constant 9984 : i32
        %dma_wait3A_794 = tpu.memref_slice %arg11[%dma_wait3A_793] : memref<10008xf32, #tpu.memory_space<vmem_shared>> -> memref<16xf32, #tpu.memory_space<vmem_shared>>
        %dma_wait3A_795 = arith.constant 9984 : i32
        %dma_wait3A_796 = tpu.memref_slice %arg11[%dma_wait3A_795] : memref<10008xf32, #tpu.memory_space<vmem_shared>> -> memref<16xf32, #tpu.memory_space<vmem_shared>>
        %dma_wait3A_797 = arith.constant 0 : i32
        %dma_wait3A_798 = tpu.memref_slice %arg23[%dma_wait3A_797] : memref<208xf32, #tpu.memory_space<vmem>> -> memref<16xf32, #tpu.memory_space<vmem>>
        tpu.wait_dma2 semaphore(%run_scoped3A : memref<!tpu.dma_semaphore, #tpu.memory_space<semaphore_mem>>) src(%dma_wait3A_798 : memref<16xf32, #tpu.memory_space<vmem>>) dst(%dma_wait3A_796 : memref<16xf32, #tpu.memory_space<vmem_shared>>)
        tpu.yield
      }) : () -> ()
    } else {
    }
    "tpu.region"() ({
      %run_scoped3A = tpu.sem_alloc : memref<!tpu.dma_semaphore, #tpu.memory_space<semaphore_mem>>
      tpu.enqueue_dma source(%arg6 : memref<128xf32, #tpu.memory_space<hbm>>) target(%arg21 : memref<128xf32, #tpu.memory_space<vmem>>) target_semaphore(%run_scoped3A : memref<!tpu.dma_semaphore, #tpu.memory_space<semaphore_mem>>)
      tpu.wait_dma2 semaphore(%run_scoped3A : memref<!tpu.dma_semaphore, #tpu.memory_space<semaphore_mem>>) src(%arg6 : memref<128xf32, #tpu.memory_space<hbm>>) dst(%arg21 : memref<128xf32, #tpu.memory_space<vmem>>)
      tpu.yield
    }) : () -> ()
    %barrier3A = arith.constant 0 : index
    tpu.barrier barrier_id(%barrier3A)
    %add3A_10 = arith.constant 0 : i32
    %add3A_11 = arith.addi %arg1, %add3A_10 : i32
    %min3A = arith.constant 2543 : i32
    %min3A_12 = arith.minsi %add3A_11, %min3A : i32
    %dma_start3A = arith.constant 0 : i32
    %dma_start3A_13 = arith.constant 0 : i32
    %dma_start3A_14 = tpu.memref_slice %arg3[%min3A_12, %dma_start3A, %dma_start3A_13] : memref<2544x3x128xi32, #tpu.memory_space<hbm>> -> memref<1x3x128xi32, #tpu.memory_space<hbm>>
    %dma_start3A_15 = tpu.memref_squeeze %dma_start3A_14 : memref<1x3x128xi32, #tpu.memory_space<hbm>> -> memref<3x128xi32, #tpu.memory_space<hbm>>
    %dma_start3A_16 = arith.constant 0 : i32
    %dma_start3A_17 = arith.constant 0 : i32
    %dma_start3A_18 = tpu.memref_slice %arg3[%min3A_12, %dma_start3A_16, %dma_start3A_17] : memref<2544x3x128xi32, #tpu.memory_space<hbm>> -> memref<1x3x128xi32, #tpu.memory_space<hbm>>
    %dma_start3A_19 = tpu.memref_squeeze %dma_start3A_18 : memref<1x3x128xi32, #tpu.memory_space<hbm>> -> memref<3x128xi32, #tpu.memory_space<hbm>>
    tpu.enqueue_dma source(%dma_start3A_19 : memref<3x128xi32, #tpu.memory_space<hbm>>) target(%arg12 : memref<3x128xi32, #tpu.memory_space<vmem>>) target_semaphore(%arg25 : memref<!tpu.dma_semaphore, #tpu.memory_space<semaphore_mem>>)
    %add3A_20 = arith.constant 16 : i32
    %add3A_21 = arith.addi %arg1, %add3A_20 : i32
    %min3A_22 = arith.constant 2543 : i32
    %min3A_23 = arith.minsi %add3A_21, %min3A_22 : i32
    %dma_start3A_24 = arith.constant 0 : i32
    %dma_start3A_25 = arith.constant 0 : i32
    %dma_start3A_26 = tpu.memref_slice %arg3[%min3A_23, %dma_start3A_24, %dma_start3A_25] : memref<2544x3x128xi32, #tpu.memory_space<hbm>> -> memref<1x3x128xi32, #tpu.memory_space<hbm>>
    %dma_start3A_27 = tpu.memref_squeeze %dma_start3A_26 : memref<1x3x128xi32, #tpu.memory_space<hbm>> -> memref<3x128xi32, #tpu.memory_space<hbm>>
    %dma_start3A_28 = arith.constant 0 : i32
    %dma_start3A_29 = arith.constant 0 : i32
    %dma_start3A_30 = tpu.memref_slice %arg3[%min3A_23, %dma_start3A_28, %dma_start3A_29] : memref<2544x3x128xi32, #tpu.memory_space<hbm>> -> memref<1x3x128xi32, #tpu.memory_space<hbm>>
    %dma_start3A_31 = tpu.memref_squeeze %dma_start3A_30 : memref<1x3x128xi32, #tpu.memory_space<hbm>> -> memref<3x128xi32, #tpu.memory_space<hbm>>
    tpu.enqueue_dma source(%dma_start3A_31 : memref<3x128xi32, #tpu.memory_space<hbm>>) target(%arg13 : memref<3x128xi32, #tpu.memory_space<vmem>>) target_semaphore(%arg25 : memref<!tpu.dma_semaphore, #tpu.memory_space<semaphore_mem>>)
    %add3A_32 = arith.constant 32 : i32
    %add3A_33 = arith.addi %arg1, %add3A_32 : i32
    %min3A_34 = arith.constant 2543 : i32
    %min3A_35 = arith.minsi %add3A_33, %min3A_34 : i32
    %dma_start3A_36 = arith.constant 0 : i32
    %dma_start3A_37 = arith.constant 0 : i32
    %dma_start3A_38 = tpu.memref_slice %arg3[%min3A_35, %dma_start3A_36, %dma_start3A_37] : memref<2544x3x128xi32, #tpu.memory_space<hbm>> -> memref<1x3x128xi32, #tpu.memory_space<hbm>>
    %dma_start3A_39 = tpu.memref_squeeze %dma_start3A_38 : memref<1x3x128xi32, #tpu.memory_space<hbm>> -> memref<3x128xi32, #tpu.memory_space<hbm>>
    %dma_start3A_40 = arith.constant 0 : i32
    %dma_start3A_41 = arith.constant 0 : i32
    %dma_start3A_42 = tpu.memref_slice %arg3[%min3A_35, %dma_start3A_40, %dma_start3A_41] : memref<2544x3x128xi32, #tpu.memory_space<hbm>> -> memref<1x3x128xi32, #tpu.memory_space<hbm>>
    %dma_start3A_43 = tpu.memref_squeeze %dma_start3A_42 : memref<1x3x128xi32, #tpu.memory_space<hbm>> -> memref<3x128xi32, #tpu.memory_space<hbm>>
    tpu.enqueue_dma source(%dma_start3A_43 : memref<3x128xi32, #tpu.memory_space<hbm>>) target(%arg14 : memref<3x128xi32, #tpu.memory_space<vmem>>) target_semaphore(%arg25 : memref<!tpu.dma_semaphore, #tpu.memory_space<semaphore_mem>>)
    %dma_wait3A = arith.constant 0 : i32
    %dma_wait3A_44 = arith.constant 0 : i32
    %dma_wait3A_45 = arith.constant 0 : i32
    %dma_wait3A_46 = tpu.memref_slice %arg3[%dma_wait3A, %dma_wait3A_44, %dma_wait3A_45] : memref<2544x3x128xi32, #tpu.memory_space<hbm>> -> memref<1x3x128xi32, #tpu.memory_space<hbm>>
    %dma_wait3A_47 = tpu.memref_squeeze %dma_wait3A_46 : memref<1x3x128xi32, #tpu.memory_space<hbm>> -> memref<3x128xi32, #tpu.memory_space<hbm>>
    %dma_wait3A_48 = arith.constant 0 : i32
    %dma_wait3A_49 = arith.constant 0 : i32
    %dma_wait3A_50 = tpu.memref_slice %arg3[%dma_wait3A, %dma_wait3A_48, %dma_wait3A_49] : memref<2544x3x128xi32, #tpu.memory_space<hbm>> -> memref<1x3x128xi32, #tpu.memory_space<hbm>>
    %dma_wait3A_51 = tpu.memref_squeeze %dma_wait3A_50 : memref<1x3x128xi32, #tpu.memory_space<hbm>> -> memref<3x128xi32, #tpu.memory_space<hbm>>
    tpu.wait_dma2 semaphore(%arg25 : memref<!tpu.dma_semaphore, #tpu.memory_space<semaphore_mem>>) src(%dma_wait3A_51 : memref<3x128xi32, #tpu.memory_space<hbm>>) dst(%arg12 : memref<3x128xi32, #tpu.memory_space<vmem>>)
    %dma_start3A_52 = arith.constant 0 : i32
    %dma_start3A_53 = tpu.memref_slice %arg12[%arg0, %dma_start3A_52] : memref<3x128xi32, #tpu.memory_space<vmem>> -> memref<1x128xi32, #tpu.memory_space<vmem>>
    %dma_start3A_54 = tpu.memref_squeeze %dma_start3A_53 : memref<1x128xi32, #tpu.memory_space<vmem>> -> memref<128xi32, #tpu.memory_space<vmem>>
    %dma_start3A_55 = arith.constant 0 : i32
    %dma_start3A_56 = arith.constant 0 : i32
    %dma_start3A_57 = tpu.memref_slice %arg2[%dma_start3A_55, %dma_start3A_56] : memref<20000x64xf32, #tpu.memory_space<hbm>> -> memref<20000x64xf32, #tpu.memory_space<hbm>>
    tpu.enqueue_indirect_dma source(%dma_start3A_57 : memref<20000x64xf32, #tpu.memory_space<hbm>>) target(%arg15 : memref<128x64xf32, #tpu.memory_space<vmem>>) offsets(%dma_start3A_54 : memref<128xi32, #tpu.memory_space<vmem>>) semaphore(%arg24 : memref<!tpu.dma_semaphore, #tpu.memory_space<semaphore_mem>>)
    %dma_wait3A_58 = arith.constant 0 : i32
    %dma_wait3A_59 = tpu.memref_slice %arg12[%arg0, %dma_wait3A_58] : memref<3x128xi32, #tpu.memory_space<vmem>> -> memref<1x128xi32, #tpu.memory_space<vmem>>
    %dma_wait3A_60 = tpu.memref_squeeze %dma_wait3A_59 : memref<1x128xi32, #tpu.memory_space<vmem>> -> memref<128xi32, #tpu.memory_space<vmem>>
    %dma_wait3A_61 = arith.constant 0 : i32
    %dma_wait3A_62 = arith.constant 0 : i32
    %dma_wait3A_63 = tpu.memref_slice %arg2[%dma_wait3A_61, %dma_wait3A_62] : memref<20000x64xf32, #tpu.memory_space<hbm>> -> memref<20000x64xf32, #tpu.memory_space<hbm>>
    tpu.wait_indirect_dma semaphore(%arg24 : memref<!tpu.dma_semaphore, #tpu.memory_space<semaphore_mem>>) src(%dma_wait3A_63 : memref<20000x64xf32, #tpu.memory_space<hbm>>) dst(%arg15 : memref<128x64xf32, #tpu.memory_space<vmem>>)
    %get3A = arith.constant 2 : i32
    %get3A_64 = arith.index_cast %get3A : i32 to index
    %get3A_65 = arith.constant 0 : index
    %get3A_66 = tpu.vector_load %arg12[%get3A_64, %get3A_65] {strides = array<i32>} : memref<3x128xi32, #tpu.memory_space<vmem>>, vector<16xi32>,
    %swap3A = arith.constant 0 : index
    %swap3A_67 = tpu.vector_load %arg18[%swap3A] {strides = array<i32>} : memref<128xi32, #tpu.memory_space<vmem>>, vector<16xi32>,
    tpu.vector_store %arg18[%swap3A], %get3A_66 {strides = array<i32>} : memref<128xi32, #tpu.memory_space<vmem>>, vector<16xi32>,
    %get3A_68 = arith.constant 2 : i32
    %get3A_69 = arith.index_cast %get3A_68 : i32 to index
    %get3A_70 = arith.constant 16 : index
    %get3A_71 = tpu.vector_load %arg12[%get3A_69, %get3A_70] {strides = array<i32>} : memref<3x128xi32, #tpu.memory_space<vmem>>, vector<16xi32>,
    %swap3A_72 = arith.constant 16 : index
    %swap3A_73 = tpu.vector_load %arg18[%swap3A_72] {strides = array<i32>} : memref<128xi32, #tpu.memory_space<vmem>>, vector<16xi32>,
    tpu.vector_store %arg18[%swap3A_72], %get3A_71 {strides = array<i32>} : memref<128xi32, #tpu.memory_space<vmem>>, vector<16xi32>,
    %get3A_74 = arith.constant 2 : i32
    %get3A_75 = arith.index_cast %get3A_74 : i32 to index
    %get3A_76 = arith.constant 32 : index
    %get3A_77 = tpu.vector_load %arg12[%get3A_75, %get3A_76] {strides = array<i32>} : memref<3x128xi32, #tpu.memory_space<vmem>>, vector<16xi32>,
    %swap3A_78 = arith.constant 32 : index
    %swap3A_79 = tpu.vector_load %arg18[%swap3A_78] {strides = array<i32>} : memref<128xi32, #tpu.memory_space<vmem>>, vector<16xi32>,
    tpu.vector_store %arg18[%swap3A_78], %get3A_77 {strides = array<i32>} : memref<128xi32, #tpu.memory_space<vmem>>, vector<16xi32>,
    %get3A_80 = arith.constant 2 : i32
    %get3A_81 = arith.index_cast %get3A_80 : i32 to index
    %get3A_82 = arith.constant 48 : index
    %get3A_83 = tpu.vector_load %arg12[%get3A_81, %get3A_82] {strides = array<i32>} : memref<3x128xi32, #tpu.memory_space<vmem>>, vector<16xi32>,
    %swap3A_84 = arith.constant 48 : index
    %swap3A_85 = tpu.vector_load %arg18[%swap3A_84] {strides = array<i32>} : memref<128xi32, #tpu.memory_space<vmem>>, vector<16xi32>,
    tpu.vector_store %arg18[%swap3A_84], %get3A_83 {strides = array<i32>} : memref<128xi32, #tpu.memory_space<vmem>>, vector<16xi32>,
    %get3A_86 = arith.constant 2 : i32
    %get3A_87 = arith.index_cast %get3A_86 : i32 to index
    %get3A_88 = arith.constant 64 : index
    %get3A_89 = tpu.vector_load %arg12[%get3A_87, %get3A_88] {strides = array<i32>} : memref<3x128xi32, #tpu.memory_space<vmem>>, vector<16xi32>,
    %swap3A_90 = arith.constant 64 : index
    %swap3A_91 = tpu.vector_load %arg18[%swap3A_90] {strides = array<i32>} : memref<128xi32, #tpu.memory_space<vmem>>, vector<16xi32>,
    tpu.vector_store %arg18[%swap3A_90], %get3A_89 {strides = array<i32>} : memref<128xi32, #tpu.memory_space<vmem>>, vector<16xi32>,
    %get3A_92 = arith.constant 2 : i32
    %get3A_93 = arith.index_cast %get3A_92 : i32 to index
    %get3A_94 = arith.constant 80 : index
    %get3A_95 = tpu.vector_load %arg12[%get3A_93, %get3A_94] {strides = array<i32>} : memref<3x128xi32, #tpu.memory_space<vmem>>, vector<16xi32>,
    %swap3A_96 = arith.constant 80 : index
    %swap3A_97 = tpu.vector_load %arg18[%swap3A_96] {strides = array<i32>} : memref<128xi32, #tpu.memory_space<vmem>>, vector<16xi32>,
    tpu.vector_store %arg18[%swap3A_96], %get3A_95 {strides = array<i32>} : memref<128xi32, #tpu.memory_space<vmem>>, vector<16xi32>,
    %get3A_98 = arith.constant 2 : i32
    %get3A_99 = arith.index_cast %get3A_98 : i32 to index
    %get3A_100 = arith.constant 96 : index
    %get3A_101 = tpu.vector_load %arg12[%get3A_99, %get3A_100] {strides = array<i32>} : memref<3x128xi32, #tpu.memory_space<vmem>>, vector<16xi32>,
    %swap3A_102 = arith.constant 96 : index
    %swap3A_103 = tpu.vector_load %arg18[%swap3A_102] {strides = array<i32>} : memref<128xi32, #tpu.memory_space<vmem>>, vector<16xi32>,
    tpu.vector_store %arg18[%swap3A_102], %get3A_101 {strides = array<i32>} : memref<128xi32, #tpu.memory_space<vmem>>, vector<16xi32>,
    %get3A_104 = arith.constant 2 : i32
    %get3A_105 = arith.index_cast %get3A_104 : i32 to index
    %get3A_106 = arith.constant 112 : index
    %get3A_107 = tpu.vector_load %arg12[%get3A_105, %get3A_106] {strides = array<i32>} : memref<3x128xi32, #tpu.memory_space<vmem>>, vector<16xi32>,
    %swap3A_108 = arith.constant 112 : index
    %swap3A_109 = tpu.vector_load %arg18[%swap3A_108] {strides = array<i32>} : memref<128xi32, #tpu.memory_space<vmem>>, vector<16xi32>,
    tpu.vector_store %arg18[%swap3A_108], %get3A_107 {strides = array<i32>} : memref<128xi32, #tpu.memory_space<vmem>>, vector<16xi32>,
    %dma_wait3A_110 = arith.constant 0 : i32
    %dma_wait3A_111 = arith.constant 0 : i32
    %dma_wait3A_112 = arith.constant 0 : i32
    %dma_wait3A_113 = tpu.memref_slice %arg3[%dma_wait3A_110, %dma_wait3A_111, %dma_wait3A_112] : memref<2544x3x128xi32, #tpu.memory_space<hbm>> -> memref<1x3x128xi32, #tpu.memory_space<hbm>>
    %dma_wait3A_114 = tpu.memref_squeeze %dma_wait3A_113 : memref<1x3x128xi32, #tpu.memory_space<hbm>> -> memref<3x128xi32, #tpu.memory_space<hbm>>
    %dma_wait3A_115 = arith.constant 0 : i32
    %dma_wait3A_116 = arith.constant 0 : i32
    %dma_wait3A_117 = tpu.memref_slice %arg3[%dma_wait3A_110, %dma_wait3A_115, %dma_wait3A_116] : memref<2544x3x128xi32, #tpu.memory_space<hbm>> -> memref<1x3x128xi32, #tpu.memory_space<hbm>>
    %dma_wait3A_118 = tpu.memref_squeeze %dma_wait3A_117 : memref<1x3x128xi32, #tpu.memory_space<hbm>> -> memref<3x128xi32, #tpu.memory_space<hbm>>
    tpu.wait_dma2 semaphore(%arg25 : memref<!tpu.dma_semaphore, #tpu.memory_space<semaphore_mem>>) src(%dma_wait3A_118 : memref<3x128xi32, #tpu.memory_space<hbm>>) dst(%arg12 : memref<3x128xi32, #tpu.memory_space<vmem>>)
    %dma_start3A_119 = arith.constant 0 : i32
    %dma_start3A_120 = tpu.memref_slice %arg13[%arg0, %dma_start3A_119] : memref<3x128xi32, #tpu.memory_space<vmem>> -> memref<1x128xi32, #tpu.memory_space<vmem>>
    %dma_start3A_121 = tpu.memref_squeeze %dma_start3A_120 : memref<1x128xi32, #tpu.memory_space<vmem>> -> memref<128xi32, #tpu.memory_space<vmem>>
    %dma_start3A_122 = arith.constant 0 : i32
    %dma_start3A_123 = arith.constant 0 : i32
    %dma_start3A_124 = tpu.memref_slice %arg2[%dma_start3A_122, %dma_start3A_123] : memref<20000x64xf32, #tpu.memory_space<hbm>> -> memref<20000x64xf32, #tpu.memory_space<hbm>>
    tpu.enqueue_indirect_dma source(%dma_start3A_124 : memref<20000x64xf32, #tpu.memory_space<hbm>>) target(%arg16 : memref<128x64xf32, #tpu.memory_space<vmem>>) offsets(%dma_start3A_121 : memref<128xi32, #tpu.memory_space<vmem>>) semaphore(%arg24 : memref<!tpu.dma_semaphore, #tpu.memory_space<semaphore_mem>>)
    %dma_start3A_125 = arith.constant 0 : i32
    %dma_start3A_126 = arith.constant 0 : i32
    %dma_start3A_127 = tpu.memref_slice %arg9[%dma_start3A_125, %dma_start3A_126] : memref<10008x64xf32, #tpu.memory_space<vmem_shared>> -> memref<10008x64xf32, #tpu.memory_space<vmem_shared>>
    tpu.enqueue_indirect_dma source(%arg15 : memref<128x64xf32, #tpu.memory_space<vmem>>) target(%dma_start3A_127 : memref<10008x64xf32, #tpu.memory_space<vmem_shared>>) offsets(%arg18 : memref<128xi32, #tpu.memory_space<vmem>>) semaphore(%arg26 : memref<!tpu.dma_semaphore, #tpu.memory_space<semaphore_mem>>) {add = true}
    %dma_start3A_128 = arith.constant 0 : i32
    %dma_start3A_129 = tpu.memref_slice %arg11[%dma_start3A_128] : memref<10008xf32, #tpu.memory_space<vmem_shared>> -> memref<10008xf32, #tpu.memory_space<vmem_shared>>
    tpu.enqueue_indirect_dma source(%arg21 : memref<128xf32, #tpu.memory_space<vmem>>) target(%dma_start3A_129 : memref<10008xf32, #tpu.memory_space<vmem_shared>>) offsets(%arg18 : memref<128xi32, #tpu.memory_space<vmem>>) semaphore(%arg26 : memref<!tpu.dma_semaphore, #tpu.memory_space<semaphore_mem>>) {add = true}
    %add3A_130 = arith.constant 48 : i32
    %add3A_131 = arith.addi %arg1, %add3A_130 : i32
    %min3A_132 = arith.constant 2543 : i32
    %min3A_133 = arith.minsi %add3A_131, %min3A_132 : i32
    %dma_start3A_134 = arith.constant 0 : i32
    %dma_start3A_135 = arith.constant 0 : i32
    %dma_start3A_136 = tpu.memref_slice %arg3[%min3A_133, %dma_start3A_134, %dma_start3A_135] : memref<2544x3x128xi32, #tpu.memory_space<hbm>> -> memref<1x3x128xi32, #tpu.memory_space<hbm>>
    %dma_start3A_137 = tpu.memref_squeeze %dma_start3A_136 : memref<1x3x128xi32, #tpu.memory_space<hbm>> -> memref<3x128xi32, #tpu.memory_space<hbm>>
    %dma_start3A_138 = arith.constant 0 : i32
    %dma_start3A_139 = arith.constant 0 : i32
    %dma_start3A_140 = tpu.memref_slice %arg3[%min3A_133, %dma_start3A_138, %dma_start3A_139] : memref<2544x3x128xi32, #tpu.memory_space<hbm>> -> memref<1x3x128xi32, #tpu.memory_space<hbm>>
    %dma_start3A_141 = tpu.memref_squeeze %dma_start3A_140 : memref<1x3x128xi32, #tpu.memory_space<hbm>> -> memref<3x128xi32, #tpu.memory_space<hbm>>
    tpu.enqueue_dma source(%dma_start3A_141 : memref<3x128xi32, #tpu.memory_space<hbm>>) target(%arg12 : memref<3x128xi32, #tpu.memory_space<vmem>>) target_semaphore(%arg25 : memref<!tpu.dma_semaphore, #tpu.memory_space<semaphore_mem>>)
    %dma_wait3A_142 = arith.constant 0 : i32
    %dma_wait3A_143 = tpu.memref_slice %arg13[%arg0, %dma_wait3A_142] : memref<3x128xi32, #tpu.memory_space<vmem>> -> memref<1x128xi32, #tpu.memory_space<vmem>>
    %dma_wait3A_144 = tpu.memref_squeeze %dma_wait3A_143 : memref<1x128xi32, #tpu.memory_space<vmem>> -> memref<128xi32, #tpu.memory_space<vmem>>
    %dma_wait3A_145 = arith.constant 0 : i32
    %dma_wait3A_146 = arith.constant 0 : i32
    %dma_wait3A_147 = tpu.memref_slice %arg2[%dma_wait3A_145, %dma_wait3A_146] : memref<20000x64xf32, #tpu.memory_space<hbm>> -> memref<20000x64xf32, #tpu.memory_space<hbm>>
    tpu.wait_indirect_dma semaphore(%arg24 : memref<!tpu.dma_semaphore, #tpu.memory_space<semaphore_mem>>) src(%dma_wait3A_147 : memref<20000x64xf32, #tpu.memory_space<hbm>>) dst(%arg16 : memref<128x64xf32, #tpu.memory_space<vmem>>)
    %get3A_148 = arith.constant 2 : i32
    %get3A_149 = arith.index_cast %get3A_148 : i32 to index
    %get3A_150 = arith.constant 0 : index
    %get3A_151 = tpu.vector_load %arg13[%get3A_149, %get3A_150] {strides = array<i32>} : memref<3x128xi32, #tpu.memory_space<vmem>>, vector<16xi32>,
    %swap3A_152 = arith.constant 0 : index
    %swap3A_153 = tpu.vector_load %arg19[%swap3A_152] {strides = array<i32>} : memref<128xi32, #tpu.memory_space<vmem>>, vector<16xi32>,
    tpu.vector_store %arg19[%swap3A_152], %get3A_151 {strides = array<i32>} : memref<128xi32, #tpu.memory_space<vmem>>, vector<16xi32>,
    %get3A_154 = arith.constant 2 : i32
    %get3A_155 = arith.index_cast %get3A_154 : i32 to index
    %get3A_156 = arith.constant 16 : index
    %get3A_157 = tpu.vector_load %arg13[%get3A_155, %get3A_156] {strides = array<i32>} : memref<3x128xi32, #tpu.memory_space<vmem>>, vector<16xi32>,
    %swap3A_158 = arith.constant 16 : index
    %swap3A_159 = tpu.vector_load %arg19[%swap3A_158] {strides = array<i32>} : memref<128xi32, #tpu.memory_space<vmem>>, vector<16xi32>,
    tpu.vector_store %arg19[%swap3A_158], %get3A_157 {strides = array<i32>} : memref<128xi32, #tpu.memory_space<vmem>>, vector<16xi32>,
    %get3A_160 = arith.constant 2 : i32
    %get3A_161 = arith.index_cast %get3A_160 : i32 to index
    %get3A_162 = arith.constant 32 : index
    %get3A_163 = tpu.vector_load %arg13[%get3A_161, %get3A_162] {strides = array<i32>} : memref<3x128xi32, #tpu.memory_space<vmem>>, vector<16xi32>,
    %swap3A_164 = arith.constant 32 : index
    %swap3A_165 = tpu.vector_load %arg19[%swap3A_164] {strides = array<i32>} : memref<128xi32, #tpu.memory_space<vmem>>, vector<16xi32>,
    tpu.vector_store %arg19[%swap3A_164], %get3A_163 {strides = array<i32>} : memref<128xi32, #tpu.memory_space<vmem>>, vector<16xi32>,
    %get3A_166 = arith.constant 2 : i32
    %get3A_167 = arith.index_cast %get3A_166 : i32 to index
    %get3A_168 = arith.constant 48 : index
    %get3A_169 = tpu.vector_load %arg13[%get3A_167, %get3A_168] {strides = array<i32>} : memref<3x128xi32, #tpu.memory_space<vmem>>, vector<16xi32>,
    %swap3A_170 = arith.constant 48 : index
    %swap3A_171 = tpu.vector_load %arg19[%swap3A_170] {strides = array<i32>} : memref<128xi32, #tpu.memory_space<vmem>>, vector<16xi32>,
    tpu.vector_store %arg19[%swap3A_170], %get3A_169 {strides = array<i32>} : memref<128xi32, #tpu.memory_space<vmem>>, vector<16xi32>,
    %get3A_172 = arith.constant 2 : i32
    %get3A_173 = arith.index_cast %get3A_172 : i32 to index
    %get3A_174 = arith.constant 64 : index
    %get3A_175 = tpu.vector_load %arg13[%get3A_173, %get3A_174] {strides = array<i32>} : memref<3x128xi32, #tpu.memory_space<vmem>>, vector<16xi32>,
    %swap3A_176 = arith.constant 64 : index
    %swap3A_177 = tpu.vector_load %arg19[%swap3A_176] {strides = array<i32>} : memref<128xi32, #tpu.memory_space<vmem>>, vector<16xi32>,
    tpu.vector_store %arg19[%swap3A_176], %get3A_175 {strides = array<i32>} : memref<128xi32, #tpu.memory_space<vmem>>, vector<16xi32>,
    %get3A_178 = arith.constant 2 : i32
    %get3A_179 = arith.index_cast %get3A_178 : i32 to index
    %get3A_180 = arith.constant 80 : index
    %get3A_181 = tpu.vector_load %arg13[%get3A_179, %get3A_180] {strides = array<i32>} : memref<3x128xi32, #tpu.memory_space<vmem>>, vector<16xi32>,
    %swap3A_182 = arith.constant 80 : index
    %swap3A_183 = tpu.vector_load %arg19[%swap3A_182] {strides = array<i32>} : memref<128xi32, #tpu.memory_space<vmem>>, vector<16xi32>,
    tpu.vector_store %arg19[%swap3A_182], %get3A_181 {strides = array<i32>} : memref<128xi32, #tpu.memory_space<vmem>>, vector<16xi32>,
    %get3A_184 = arith.constant 2 : i32
    %get3A_185 = arith.index_cast %get3A_184 : i32 to index
    %get3A_186 = arith.constant 96 : index
    %get3A_187 = tpu.vector_load %arg13[%get3A_185, %get3A_186] {strides = array<i32>} : memref<3x128xi32, #tpu.memory_space<vmem>>, vector<16xi32>,
    %swap3A_188 = arith.constant 96 : index
    %swap3A_189 = tpu.vector_load %arg19[%swap3A_188] {strides = array<i32>} : memref<128xi32, #tpu.memory_space<vmem>>, vector<16xi32>,
    tpu.vector_store %arg19[%swap3A_188], %get3A_187 {strides = array<i32>} : memref<128xi32, #tpu.memory_space<vmem>>, vector<16xi32>,
    %get3A_190 = arith.constant 2 : i32
    %get3A_191 = arith.index_cast %get3A_190 : i32 to index
    %get3A_192 = arith.constant 112 : index
    %get3A_193 = tpu.vector_load %arg13[%get3A_191, %get3A_192] {strides = array<i32>} : memref<3x128xi32, #tpu.memory_space<vmem>>, vector<16xi32>,
    %swap3A_194 = arith.constant 112 : index
    %swap3A_195 = tpu.vector_load %arg19[%swap3A_194] {strides = array<i32>} : memref<128xi32, #tpu.memory_space<vmem>>, vector<16xi32>,
    tpu.vector_store %arg19[%swap3A_194], %get3A_193 {strides = array<i32>} : memref<128xi32, #tpu.memory_space<vmem>>, vector<16xi32>,
    %dma_wait3A_196 = arith.constant 0 : i32
    %dma_wait3A_197 = arith.constant 0 : i32
    %dma_wait3A_198 = arith.constant 0 : i32
    %dma_wait3A_199 = tpu.memref_slice %arg3[%dma_wait3A_196, %dma_wait3A_197, %dma_wait3A_198] : memref<2544x3x128xi32, #tpu.memory_space<hbm>> -> memref<1x3x128xi32, #tpu.memory_space<hbm>>
    %dma_wait3A_200 = tpu.memref_squeeze %dma_wait3A_199 : memref<1x3x128xi32, #tpu.memory_space<hbm>> -> memref<3x128xi32, #tpu.memory_space<hbm>>
    %dma_wait3A_201 = arith.constant 0 : i32
    %dma_wait3A_202 = arith.constant 0 : i32
    %dma_wait3A_203 = tpu.memref_slice %arg3[%dma_wait3A_196, %dma_wait3A_201, %dma_wait3A_202] : memref<2544x3x128xi32, #tpu.memory_space<hbm>> -> memref<1x3x128xi32, #tpu.memory_space<hbm>>
    %dma_wait3A_204 = tpu.memref_squeeze %dma_wait3A_203 : memref<1x3x128xi32, #tpu.memory_space<hbm>> -> memref<3x128xi32, #tpu.memory_space<hbm>>
    tpu.wait_dma2 semaphore(%arg25 : memref<!tpu.dma_semaphore, #tpu.memory_space<semaphore_mem>>) src(%dma_wait3A_204 : memref<3x128xi32, #tpu.memory_space<hbm>>) dst(%arg12 : memref<3x128xi32, #tpu.memory_space<vmem>>)
    %dma_start3A_205 = arith.constant 0 : i32
    %dma_start3A_206 = tpu.memref_slice %arg14[%arg0, %dma_start3A_205] : memref<3x128xi32, #tpu.memory_space<vmem>> -> memref<1x128xi32, #tpu.memory_space<vmem>>
    %dma_start3A_207 = tpu.memref_squeeze %dma_start3A_206 : memref<1x128xi32, #tpu.memory_space<vmem>> -> memref<128xi32, #tpu.memory_space<vmem>>
    %dma_start3A_208 = arith.constant 0 : i32
    %dma_start3A_209 = arith.constant 0 : i32
    %dma_start3A_210 = tpu.memref_slice %arg2[%dma_start3A_208, %dma_start3A_209] : memref<20000x64xf32, #tpu.memory_space<hbm>> -> memref<20000x64xf32, #tpu.memory_space<hbm>>
    tpu.enqueue_indirect_dma source(%dma_start3A_210 : memref<20000x64xf32, #tpu.memory_space<hbm>>) target(%arg17 : memref<128x64xf32, #tpu.memory_space<vmem>>) offsets(%dma_start3A_207 : memref<128xi32, #tpu.memory_space<vmem>>) semaphore(%arg24 : memref<!tpu.dma_semaphore, #tpu.memory_space<semaphore_mem>>)
    %dma_start3A_211 = arith.constant 0 : i32
    %dma_start3A_212 = arith.constant 0 : i32
    %dma_start3A_213 = tpu.memref_slice %arg9[%dma_start3A_211, %dma_start3A_212] : memref<10008x64xf32, #tpu.memory_space<vmem_shared>> -> memref<10008x64xf32, #tpu.memory_space<vmem_shared>>
    tpu.enqueue_indirect_dma source(%arg16 : memref<128x64xf32, #tpu.memory_space<vmem>>) target(%dma_start3A_213 : memref<10008x64xf32, #tpu.memory_space<vmem_shared>>) offsets(%arg19 : memref<128xi32, #tpu.memory_space<vmem>>) semaphore(%arg26 : memref<!tpu.dma_semaphore, #tpu.memory_space<semaphore_mem>>) {add = true}
    %dma_start3A_214 = arith.constant 0 : i32
    %dma_start3A_215 = tpu.memref_slice %arg11[%dma_start3A_214] : memref<10008xf32, #tpu.memory_space<vmem_shared>> -> memref<10008xf32, #tpu.memory_space<vmem_shared>>
    tpu.enqueue_indirect_dma source(%arg21 : memref<128xf32, #tpu.memory_space<vmem>>) target(%dma_start3A_215 : memref<10008xf32, #tpu.memory_space<vmem_shared>>) offsets(%arg19 : memref<128xi32, #tpu.memory_space<vmem>>) semaphore(%arg26 : memref<!tpu.dma_semaphore, #tpu.memory_space<semaphore_mem>>) {add = true}
    %add3A_216 = arith.constant 64 : i32
    %add3A_217 = arith.addi %arg1, %add3A_216 : i32
    %min3A_218 = arith.constant 2543 : i32
    %min3A_219 = arith.minsi %add3A_217, %min3A_218 : i32
    %dma_start3A_220 = arith.constant 0 : i32
    %dma_start3A_221 = arith.constant 0 : i32
    %dma_start3A_222 = tpu.memref_slice %arg3[%min3A_219, %dma_start3A_220, %dma_start3A_221] : memref<2544x3x128xi32, #tpu.memory_space<hbm>> -> memref<1x3x128xi32, #tpu.memory_space<hbm>>
    %dma_start3A_223 = tpu.memref_squeeze %dma_start3A_222 : memref<1x3x128xi32, #tpu.memory_space<hbm>> -> memref<3x128xi32, #tpu.memory_space<hbm>>
    %dma_start3A_224 = arith.constant 0 : i32
    %dma_start3A_225 = arith.constant 0 : i32
    %dma_start3A_226 = tpu.memref_slice %arg3[%min3A_219, %dma_start3A_224, %dma_start3A_225] : memref<2544x3x128xi32, #tpu.memory_space<hbm>> -> memref<1x3x128xi32, #tpu.memory_space<hbm>>
    %dma_start3A_227 = tpu.memref_squeeze %dma_start3A_226 : memref<1x3x128xi32, #tpu.memory_space<hbm>> -> memref<3x128xi32, #tpu.memory_space<hbm>>
    tpu.enqueue_dma source(%dma_start3A_227 : memref<3x128xi32, #tpu.memory_space<hbm>>) target(%arg13 : memref<3x128xi32, #tpu.memory_space<vmem>>) target_semaphore(%arg25 : memref<!tpu.dma_semaphore, #tpu.memory_space<semaphore_mem>>)
    %dma_wait3A_228 = arith.constant 0 : i32
    %dma_wait3A_229 = tpu.memref_slice %arg14[%arg0, %dma_wait3A_228] : memref<3x128xi32, #tpu.memory_space<vmem>> -> memref<1x128xi32, #tpu.memory_space<vmem>>
    %dma_wait3A_230 = tpu.memref_squeeze %dma_wait3A_229 : memref<1x128xi32, #tpu.memory_space<vmem>> -> memref<128xi32, #tpu.memory_space<vmem>>
    %dma_wait3A_231 = arith.constant 0 : i32
    %dma_wait3A_232 = arith.constant 0 : i32
    %dma_wait3A_233 = tpu.memref_slice %arg2[%dma_wait3A_231, %dma_wait3A_232] : memref<20000x64xf32, #tpu.memory_space<hbm>> -> memref<20000x64xf32, #tpu.memory_space<hbm>>
    tpu.wait_indirect_dma semaphore(%arg24 : memref<!tpu.dma_semaphore, #tpu.memory_space<semaphore_mem>>) src(%dma_wait3A_233 : memref<20000x64xf32, #tpu.memory_space<hbm>>) dst(%arg17 : memref<128x64xf32, #tpu.memory_space<vmem>>)
    %get3A_234 = arith.constant 2 : i32
    %get3A_235 = arith.index_cast %get3A_234 : i32 to index
    %get3A_236 = arith.constant 0 : index
    %get3A_237 = tpu.vector_load %arg14[%get3A_235, %get3A_236] {strides = array<i32>} : memref<3x128xi32, #tpu.memory_space<vmem>>, vector<16xi32>,
    %swap3A_238 = arith.constant 0 : index
    %swap3A_239 = tpu.vector_load %arg20[%swap3A_238] {strides = array<i32>} : memref<128xi32, #tpu.memory_space<vmem>>, vector<16xi32>,
    tpu.vector_store %arg20[%swap3A_238], %get3A_237 {strides = array<i32>} : memref<128xi32, #tpu.memory_space<vmem>>, vector<16xi32>,
    %get3A_240 = arith.constant 2 : i32
    %get3A_241 = arith.index_cast %get3A_240 : i32 to index
    %get3A_242 = arith.constant 16 : index
    %get3A_243 = tpu.vector_load %arg14[%get3A_241, %get3A_242] {strides = array<i32>} : memref<3x128xi32, #tpu.memory_space<vmem>>, vector<16xi32>,
    %swap3A_244 = arith.constant 16 : index
    %swap3A_245 = tpu.vector_load %arg20[%swap3A_244] {strides = array<i32>} : memref<128xi32, #tpu.memory_space<vmem>>, vector<16xi32>,
    tpu.vector_store %arg20[%swap3A_244], %get3A_243 {strides = array<i32>} : memref<128xi32, #tpu.memory_space<vmem>>, vector<16xi32>,
    %get3A_246 = arith.constant 2 : i32
    %get3A_247 = arith.index_cast %get3A_246 : i32 to index
    %get3A_248 = arith.constant 32 : index
    %get3A_249 = tpu.vector_load %arg14[%get3A_247, %get3A_248] {strides = array<i32>} : memref<3x128xi32, #tpu.memory_space<vmem>>, vector<16xi32>,
    %swap3A_250 = arith.constant 32 : index
    %swap3A_251 = tpu.vector_load %arg20[%swap3A_250] {strides = array<i32>} : memref<128xi32, #tpu.memory_space<vmem>>, vector<16xi32>,
    tpu.vector_store %arg20[%swap3A_250], %get3A_249 {strides = array<i32>} : memref<128xi32, #tpu.memory_space<vmem>>, vector<16xi32>,
    %get3A_252 = arith.constant 2 : i32
    %get3A_253 = arith.index_cast %get3A_252 : i32 to index
    %get3A_254 = arith.constant 48 : index
    %get3A_255 = tpu.vector_load %arg14[%get3A_253, %get3A_254] {strides = array<i32>} : memref<3x128xi32, #tpu.memory_space<vmem>>, vector<16xi32>,
    %swap3A_256 = arith.constant 48 : index
    %swap3A_257 = tpu.vector_load %arg20[%swap3A_256] {strides = array<i32>} : memref<128xi32, #tpu.memory_space<vmem>>, vector<16xi32>,
    tpu.vector_store %arg20[%swap3A_256], %get3A_255 {strides = array<i32>} : memref<128xi32, #tpu.memory_space<vmem>>, vector<16xi32>,
    %get3A_258 = arith.constant 2 : i32
    %get3A_259 = arith.index_cast %get3A_258 : i32 to index
    %get3A_260 = arith.constant 64 : index
    %get3A_261 = tpu.vector_load %arg14[%get3A_259, %get3A_260] {strides = array<i32>} : memref<3x128xi32, #tpu.memory_space<vmem>>, vector<16xi32>,
    %swap3A_262 = arith.constant 64 : index
    %swap3A_263 = tpu.vector_load %arg20[%swap3A_262] {strides = array<i32>} : memref<128xi32, #tpu.memory_space<vmem>>, vector<16xi32>,
    tpu.vector_store %arg20[%swap3A_262], %get3A_261 {strides = array<i32>} : memref<128xi32, #tpu.memory_space<vmem>>, vector<16xi32>,
    %get3A_264 = arith.constant 2 : i32
    %get3A_265 = arith.index_cast %get3A_264 : i32 to index
    %get3A_266 = arith.constant 80 : index
    %get3A_267 = tpu.vector_load %arg14[%get3A_265, %get3A_266] {strides = array<i32>} : memref<3x128xi32, #tpu.memory_space<vmem>>, vector<16xi32>,
    %swap3A_268 = arith.constant 80 : index
    %swap3A_269 = tpu.vector_load %arg20[%swap3A_268] {strides = array<i32>} : memref<128xi32, #tpu.memory_space<vmem>>, vector<16xi32>,
    tpu.vector_store %arg20[%swap3A_268], %get3A_267 {strides = array<i32>} : memref<128xi32, #tpu.memory_space<vmem>>, vector<16xi32>,
    %get3A_270 = arith.constant 2 : i32
    %get3A_271 = arith.index_cast %get3A_270 : i32 to index
    %get3A_272 = arith.constant 96 : index
    %get3A_273 = tpu.vector_load %arg14[%get3A_271, %get3A_272] {strides = array<i32>} : memref<3x128xi32, #tpu.memory_space<vmem>>, vector<16xi32>,
    %swap3A_274 = arith.constant 96 : index
    %swap3A_275 = tpu.vector_load %arg20[%swap3A_274] {strides = array<i32>} : memref<128xi32, #tpu.memory_space<vmem>>, vector<16xi32>,
    tpu.vector_store %arg20[%swap3A_274], %get3A_273 {strides = array<i32>} : memref<128xi32, #tpu.memory_space<vmem>>, vector<16xi32>,
    %get3A_276 = arith.constant 2 : i32
    %get3A_277 = arith.index_cast %get3A_276 : i32 to index
    %get3A_278 = arith.constant 112 : index
    %get3A_279 = tpu.vector_load %arg14[%get3A_277, %get3A_278] {strides = array<i32>} : memref<3x128xi32, #tpu.memory_space<vmem>>, vector<16xi32>,
    %swap3A_280 = arith.constant 112 : index
    %swap3A_281 = tpu.vector_load %arg20[%swap3A_280] {strides = array<i32>} : memref<128xi32, #tpu.memory_space<vmem>>, vector<16xi32>,
    tpu.vector_store %arg20[%swap3A_280], %get3A_279 {strides = array<i32>} : memref<128xi32, #tpu.memory_space<vmem>>, vector<16xi32>,
    %dma_wait3A_282 = arith.constant 0 : i32
    %dma_wait3A_283 = arith.constant 0 : i32
    %dma_wait3A_284 = tpu.memref_slice %arg9[%dma_wait3A_282, %dma_wait3A_283] : memref<10008x64xf32, #tpu.memory_space<vmem_shared>> -> memref<10008x64xf32, #tpu.memory_space<vmem_shared>>
    tpu.wait_indirect_dma semaphore(%arg26 : memref<!tpu.dma_semaphore, #tpu.memory_space<semaphore_mem>>) src(%arg15 : memref<128x64xf32, #tpu.memory_space<vmem>>) dst(%dma_wait3A_284 : memref<10008x64xf32, #tpu.memory_space<vmem_shared>>)
    %dma_wait3A_285 = arith.constant 0 : i32
    %dma_wait3A_286 = tpu.memref_slice %arg11[%dma_wait3A_285] : memref<10008xf32, #tpu.memory_space<vmem_shared>> -> memref<10008xf32, #tpu.memory_space<vmem_shared>>
    tpu.wait_indirect_dma semaphore(%arg26 : memref<!tpu.dma_semaphore, #tpu.memory_space<semaphore_mem>>) src(%arg21 : memref<128xf32, #tpu.memory_space<vmem>>) dst(%dma_wait3A_286 : memref<10008xf32, #tpu.memory_space<vmem_shared>>)
    %dma_wait3A_287 = arith.constant 0 : i32
    %dma_wait3A_288 = arith.constant 0 : i32
    %dma_wait3A_289 = arith.constant 0 : i32
    %dma_wait3A_290 = tpu.memref_slice %arg3[%dma_wait3A_287, %dma_wait3A_288, %dma_wait3A_289] : memref<2544x3x128xi32, #tpu.memory_space<hbm>> -> memref<1x3x128xi32, #tpu.memory_space<hbm>>
    %dma_wait3A_291 = tpu.memref_squeeze %dma_wait3A_290 : memref<1x3x128xi32, #tpu.memory_space<hbm>> -> memref<3x128xi32, #tpu.memory_space<hbm>>
    %dma_wait3A_292 = arith.constant 0 : i32
    %dma_wait3A_293 = arith.constant 0 : i32
    %dma_wait3A_294 = tpu.memref_slice %arg3[%dma_wait3A_287, %dma_wait3A_292, %dma_wait3A_293] : memref<2544x3x128xi32, #tpu.memory_space<hbm>> -> memref<1x3x128xi32, #tpu.memory_space<hbm>>
    %dma_wait3A_295 = tpu.memref_squeeze %dma_wait3A_294 : memref<1x3x128xi32, #tpu.memory_space<hbm>> -> memref<3x128xi32, #tpu.memory_space<hbm>>
    tpu.wait_dma2 semaphore(%arg25 : memref<!tpu.dma_semaphore, #tpu.memory_space<semaphore_mem>>) src(%dma_wait3A_295 : memref<3x128xi32, #tpu.memory_space<hbm>>) dst(%arg12 : memref<3x128xi32, #tpu.memory_space<vmem>>)
    %dma_start3A_296 = arith.constant 0 : i32
    %dma_start3A_297 = tpu.memref_slice %arg12[%arg0, %dma_start3A_296] : memref<3x128xi32, #tpu.memory_space<vmem>> -> memref<1x128xi32, #tpu.memory_space<vmem>>
    %dma_start3A_298 = tpu.memref_squeeze %dma_start3A_297 : memref<1x128xi32, #tpu.memory_space<vmem>> -> memref<128xi32, #tpu.memory_space<vmem>>
    %dma_start3A_299 = arith.constant 0 : i32
    %dma_start3A_300 = arith.constant 0 : i32
    %dma_start3A_301 = tpu.memref_slice %arg2[%dma_start3A_299, %dma_start3A_300] : memref<20000x64xf32, #tpu.memory_space<hbm>> -> memref<20000x64xf32, #tpu.memory_space<hbm>>
    tpu.enqueue_indirect_dma source(%dma_start3A_301 : memref<20000x64xf32, #tpu.memory_space<hbm>>) target(%arg15 : memref<128x64xf32, #tpu.memory_space<vmem>>) offsets(%dma_start3A_298 : memref<128xi32, #tpu.memory_space<vmem>>) semaphore(%arg24 : memref<!tpu.dma_semaphore, #tpu.memory_space<semaphore_mem>>)
    %dma_start3A_302 = arith.constant 0 : i32
    %dma_start3A_303 = arith.constant 0 : i32
    %dma_start3A_304 = tpu.memref_slice %arg9[%dma_start3A_302, %dma_start3A_303] : memref<10008x64xf32, #tpu.memory_space<vmem_shared>> -> memref<10008x64xf32, #tpu.memory_space<vmem_shared>>
    tpu.enqueue_indirect_dma source(%arg17 : memref<128x64xf32, #tpu.memory_space<vmem>>) target(%dma_start3A_304 : memref<10008x64xf32, #tpu.memory_space<vmem_shared>>) offsets(%arg20 : memref<128xi32, #tpu.memory_space<vmem>>) semaphore(%arg26 : memref<!tpu.dma_semaphore, #tpu.memory_space<semaphore_mem>>) {add = true}
    %dma_start3A_305 = arith.constant 0 : i32
    %dma_start3A_306 = tpu.memref_slice %arg11[%dma_start3A_305] : memref<10008xf32, #tpu.memory_space<vmem_shared>> -> memref<10008xf32, #tpu.memory_space<vmem_shared>>
    tpu.enqueue_indirect_dma source(%arg21 : memref<128xf32, #tpu.memory_space<vmem>>) target(%dma_start3A_306 : memref<10008xf32, #tpu.memory_space<vmem_shared>>) offsets(%arg20 : memref<128xi32, #tpu.memory_space<vmem>>) semaphore(%arg26 : memref<!tpu.dma_semaphore, #tpu.memory_space<semaphore_mem>>) {add = true}
    %add3A_307 = arith.constant 80 : i32
    %add3A_308 = arith.addi %arg1, %add3A_307 : i32
    %min3A_309 = arith.constant 2543 : i32
    %min3A_310 = arith.minsi %add3A_308, %min3A_309 : i32
    %dma_start3A_311 = arith.constant 0 : i32
    %dma_start3A_312 = arith.constant 0 : i32
    %dma_start3A_313 = tpu.memref_slice %arg3[%min3A_310, %dma_start3A_311, %dma_start3A_312] : memref<2544x3x128xi32, #tpu.memory_space<hbm>> -> memref<1x3x128xi32, #tpu.memory_space<hbm>>
    %dma_start3A_314 = tpu.memref_squeeze %dma_start3A_313 : memref<1x3x128xi32, #tpu.memory_space<hbm>> -> memref<3x128xi32, #tpu.memory_space<hbm>>
    %dma_start3A_315 = arith.constant 0 : i32
    %dma_start3A_316 = arith.constant 0 : i32
    %dma_start3A_317 = tpu.memref_slice %arg3[%min3A_310, %dma_start3A_315, %dma_start3A_316] : memref<2544x3x128xi32, #tpu.memory_space<hbm>> -> memref<1x3x128xi32, #tpu.memory_space<hbm>>
    %dma_start3A_318 = tpu.memref_squeeze %dma_start3A_317 : memref<1x3x128xi32, #tpu.memory_space<hbm>> -> memref<3x128xi32, #tpu.memory_space<hbm>>
    tpu.enqueue_dma source(%dma_start3A_318 : memref<3x128xi32, #tpu.memory_space<hbm>>) target(%arg14 : memref<3x128xi32, #tpu.memory_space<vmem>>) target_semaphore(%arg25 : memref<!tpu.dma_semaphore, #tpu.memory_space<semaphore_mem>>)
    %scan3A = arith.constant 0 : i32
    %scan3A_319 = arith.constant 1 : i32
    %scan3A_320 = arith.constant 52 : i32
    %scan3A_321 = arith.addi %scan3A_319, %scan3A_320 : i32
    %scan3A_322 = arith.constant 1 : i32
    %scan3A_323 = scf.for %scan3A_783 = %scan3A_319 to %scan3A_321 step %scan3A_322 iter_args(%scan3A_784 = %scan3A) -> (i32)  : i32 {
      %mul3A_785 = arith.constant 3 : i32
      %mul3A_786 = arith.muli %mul3A_785, %scan3A_783 : i32
      %dma_wait3A_787 = arith.constant 0 : i32
      %dma_wait3A_788 = tpu.memref_slice %arg12[%arg0, %dma_wait3A_787] : memref<3x128xi32, #tpu.memory_space<vmem>> -> memref<1x128xi32, #tpu.memory_space<vmem>>
      %dma_wait3A_789 = tpu.memref_squeeze %dma_wait3A_788 : memref<1x128xi32, #tpu.memory_space<vmem>> -> memref<128xi32, #tpu.memory_space<vmem>>
      %dma_wait3A_790 = arith.constant 0 : i32
      %dma_wait3A_791 = arith.constant 0 : i32
      %dma_wait3A_792 = tpu.memref_slice %arg2[%dma_wait3A_790, %dma_wait3A_791] : memref<20000x64xf32, #tpu.memory_space<hbm>> -> memref<20000x64xf32, #tpu.memory_space<hbm>>
      tpu.wait_indirect_dma semaphore(%arg24 : memref<!tpu.dma_semaphore, #tpu.memory_space<semaphore_mem>>) src(%dma_wait3A_792 : memref<20000x64xf32, #tpu.memory_space<hbm>>) dst(%arg15 : memref<128x64xf32, #tpu.memory_space<vmem>>)
      %get3A_793 = arith.constant 2 : i32
      %get3A_794 = arith.index_cast %get3A_793 : i32 to index
      %get3A_795 = arith.constant 0 : index
      %get3A_796 = tpu.vector_load %arg12[%get3A_794, %get3A_795] {strides = array<i32>} : memref<3x128xi32, #tpu.memory_space<vmem>>, vector<16xi32>,
      %swap3A_797 = arith.constant 0 : index
      %swap3A_798 = tpu.vector_load %arg18[%swap3A_797] {strides = array<i32>} : memref<128xi32, #tpu.memory_space<vmem>>, vector<16xi32>,
      tpu.vector_store %arg18[%swap3A_797], %get3A_796 {strides = array<i32>} : memref<128xi32, #tpu.memory_space<vmem>>, vector<16xi32>,
      %get3A_799 = arith.constant 2 : i32
      %get3A_800 = arith.index_cast %get3A_799 : i32 to index
      %get3A_801 = arith.constant 16 : index
      %get3A_802 = tpu.vector_load %arg12[%get3A_800, %get3A_801] {strides = array<i32>} : memref<3x128xi32, #tpu.memory_space<vmem>>, vector<16xi32>,
      %swap3A_803 = arith.constant 16 : index
      %swap3A_804 = tpu.vector_load %arg18[%swap3A_803] {strides = array<i32>} : memref<128xi32, #tpu.memory_space<vmem>>, vector<16xi32>,
      tpu.vector_store %arg18[%swap3A_803], %get3A_802 {strides = array<i32>} : memref<128xi32, #tpu.memory_space<vmem>>, vector<16xi32>,
      %get3A_805 = arith.constant 2 : i32
      %get3A_806 = arith.index_cast %get3A_805 : i32 to index
      %get3A_807 = arith.constant 32 : index
      %get3A_808 = tpu.vector_load %arg12[%get3A_806, %get3A_807] {strides = array<i32>} : memref<3x128xi32, #tpu.memory_space<vmem>>, vector<16xi32>,
      %swap3A_809 = arith.constant 32 : index
      %swap3A_810 = tpu.vector_load %arg18[%swap3A_809] {strides = array<i32>} : memref<128xi32, #tpu.memory_space<vmem>>, vector<16xi32>,
      tpu.vector_store %arg18[%swap3A_809], %get3A_808 {strides = array<i32>} : memref<128xi32, #tpu.memory_space<vmem>>, vector<16xi32>,
      %get3A_811 = arith.constant 2 : i32
      %get3A_812 = arith.index_cast %get3A_811 : i32 to index
      %get3A_813 = arith.constant 48 : index
      %get3A_814 = tpu.vector_load %arg12[%get3A_812, %get3A_813] {strides = array<i32>} : memref<3x128xi32, #tpu.memory_space<vmem>>, vector<16xi32>,
      %swap3A_815 = arith.constant 48 : index
      %swap3A_816 = tpu.vector_load %arg18[%swap3A_815] {strides = array<i32>} : memref<128xi32, #tpu.memory_space<vmem>>, vector<16xi32>,
      tpu.vector_store %arg18[%swap3A_815], %get3A_814 {strides = array<i32>} : memref<128xi32, #tpu.memory_space<vmem>>, vector<16xi32>,
      %get3A_817 = arith.constant 2 : i32
      %get3A_818 = arith.index_cast %get3A_817 : i32 to index
      %get3A_819 = arith.constant 64 : index
      %get3A_820 = tpu.vector_load %arg12[%get3A_818, %get3A_819] {strides = array<i32>} : memref<3x128xi32, #tpu.memory_space<vmem>>, vector<16xi32>,
      %swap3A_821 = arith.constant 64 : index
      %swap3A_822 = tpu.vector_load %arg18[%swap3A_821] {strides = array<i32>} : memref<128xi32, #tpu.memory_space<vmem>>, vector<16xi32>,
      tpu.vector_store %arg18[%swap3A_821], %get3A_820 {strides = array<i32>} : memref<128xi32, #tpu.memory_space<vmem>>, vector<16xi32>,
      %get3A_823 = arith.constant 2 : i32
      %get3A_824 = arith.index_cast %get3A_823 : i32 to index
      %get3A_825 = arith.constant 80 : index
      %get3A_826 = tpu.vector_load %arg12[%get3A_824, %get3A_825] {strides = array<i32>} : memref<3x128xi32, #tpu.memory_space<vmem>>, vector<16xi32>,
      %swap3A_827 = arith.constant 80 : index
      %swap3A_828 = tpu.vector_load %arg18[%swap3A_827] {strides = array<i32>} : memref<128xi32, #tpu.memory_space<vmem>>, vector<16xi32>,
      tpu.vector_store %arg18[%swap3A_827], %get3A_826 {strides = array<i32>} : memref<128xi32, #tpu.memory_space<vmem>>, vector<16xi32>,
      %get3A_829 = arith.constant 2 : i32
      %get3A_830 = arith.index_cast %get3A_829 : i32 to index
      %get3A_831 = arith.constant 96 : index
      %get3A_832 = tpu.vector_load %arg12[%get3A_830, %get3A_831] {strides = array<i32>} : memref<3x128xi32, #tpu.memory_space<vmem>>, vector<16xi32>,
      %swap3A_833 = arith.constant 96 : index
      %swap3A_834 = tpu.vector_load %arg18[%swap3A_833] {strides = array<i32>} : memref<128xi32, #tpu.memory_space<vmem>>, vector<16xi32>,
      tpu.vector_store %arg18[%swap3A_833], %get3A_832 {strides = array<i32>} : memref<128xi32, #tpu.memory_space<vmem>>, vector<16xi32>,
      %get3A_835 = arith.constant 2 : i32
      %get3A_836 = arith.index_cast %get3A_835 : i32 to index
      %get3A_837 = arith.constant 112 : index
      %get3A_838 = tpu.vector_load %arg12[%get3A_836, %get3A_837] {strides = array<i32>} : memref<3x128xi32, #tpu.memory_space<vmem>>, vector<16xi32>,
      %swap3A_839 = arith.constant 112 : index
      %swap3A_840 = tpu.vector_load %arg18[%swap3A_839] {strides = array<i32>} : memref<128xi32, #tpu.memory_space<vmem>>, vector<16xi32>,
      tpu.vector_store %arg18[%swap3A_839], %get3A_838 {strides = array<i32>} : memref<128xi32, #tpu.memory_space<vmem>>, vector<16xi32>,
      %dma_wait3A_841 = arith.constant 0 : i32
      %dma_wait3A_842 = arith.constant 0 : i32
      %dma_wait3A_843 = tpu.memref_slice %arg9[%dma_wait3A_841, %dma_wait3A_842] : memref<10008x64xf32, #tpu.memory_space<vmem_shared>> -> memref<10008x64xf32, #tpu.memory_space<vmem_shared>>
      tpu.wait_indirect_dma semaphore(%arg26 : memref<!tpu.dma_semaphore, #tpu.memory_space<semaphore_mem>>) src(%arg16 : memref<128x64xf32, #tpu.memory_space<vmem>>) dst(%dma_wait3A_843 : memref<10008x64xf32, #tpu.memory_space<vmem_shared>>)
      %dma_wait3A_844 = arith.constant 0 : i32
      %dma_wait3A_845 = tpu.memref_slice %arg11[%dma_wait3A_844] : memref<10008xf32, #tpu.memory_space<vmem_shared>> -> memref<10008xf32, #tpu.memory_space<vmem_shared>>
      tpu.wait_indirect_dma semaphore(%arg26 : memref<!tpu.dma_semaphore, #tpu.memory_space<semaphore_mem>>) src(%arg21 : memref<128xf32, #tpu.memory_space<vmem>>) dst(%dma_wait3A_845 : memref<10008xf32, #tpu.memory_space<vmem_shared>>)
      %dma_wait3A_846 = arith.constant 0 : i32
      %dma_wait3A_847 = arith.constant 0 : i32
      %dma_wait3A_848 = arith.constant 0 : i32
      %dma_wait3A_849 = tpu.memref_slice %arg3[%dma_wait3A_846, %dma_wait3A_847, %dma_wait3A_848] : memref<2544x3x128xi32, #tpu.memory_space<hbm>> -> memref<1x3x128xi32, #tpu.memory_space<hbm>>
      %dma_wait3A_850 = tpu.memref_squeeze %dma_wait3A_849 : memref<1x3x128xi32, #tpu.memory_space<hbm>> -> memref<3x128xi32, #tpu.memory_space<hbm>>
      %dma_wait3A_851 = arith.constant 0 : i32
      %dma_wait3A_852 = arith.constant 0 : i32
      %dma_wait3A_853 = tpu.memref_slice %arg3[%dma_wait3A_846, %dma_wait3A_851, %dma_wait3A_852] : memref<2544x3x128xi32, #tpu.memory_space<hbm>> -> memref<1x3x128xi32, #tpu.memory_space<hbm>>
      %dma_wait3A_854 = tpu.memref_squeeze %dma_wait3A_853 : memref<1x3x128xi32, #tpu.memory_space<hbm>> -> memref<3x128xi32, #tpu.memory_space<hbm>>
      tpu.wait_dma2 semaphore(%arg25 : memref<!tpu.dma_semaphore, #tpu.memory_space<semaphore_mem>>) src(%dma_wait3A_854 : memref<3x128xi32, #tpu.memory_space<hbm>>) dst(%arg12 : memref<3x128xi32, #tpu.memory_space<vmem>>)
      %dma_start3A_855 = arith.constant 0 : i32
      %dma_start3A_856 = tpu.memref_slice %arg13[%arg0, %dma_start3A_855] : memref<3x128xi32, #tpu.memory_space<vmem>> -> memref<1x128xi32, #tpu.memory_space<vmem>>
      %dma_start3A_857 = tpu.memref_squeeze %dma_start3A_856 : memref<1x128xi32, #tpu.memory_space<vmem>> -> memref<128xi32, #tpu.memory_space<vmem>>
      %dma_start3A_858 = arith.constant 0 : i32
      %dma_start3A_859 = arith.constant 0 : i32
      %dma_start3A_860 = tpu.memref_slice %arg2[%dma_start3A_858, %dma_start3A_859] : memref<20000x64xf32, #tpu.memory_space<hbm>> -> memref<20000x64xf32, #tpu.memory_space<hbm>>
      tpu.enqueue_indirect_dma source(%dma_start3A_860 : memref<20000x64xf32, #tpu.memory_space<hbm>>) target(%arg16 : memref<128x64xf32, #tpu.memory_space<vmem>>) offsets(%dma_start3A_857 : memref<128xi32, #tpu.memory_space<vmem>>) semaphore(%arg24 : memref<!tpu.dma_semaphore, #tpu.memory_space<semaphore_mem>>)
      %dma_start3A_861 = arith.constant 0 : i32
      %dma_start3A_862 = arith.constant 0 : i32
      %dma_start3A_863 = tpu.memref_slice %arg9[%dma_start3A_861, %dma_start3A_862] : memref<10008x64xf32, #tpu.memory_space<vmem_shared>> -> memref<10008x64xf32, #tpu.memory_space<vmem_shared>>
      tpu.enqueue_indirect_dma source(%arg15 : memref<128x64xf32, #tpu.memory_space<vmem>>) target(%dma_start3A_863 : memref<10008x64xf32, #tpu.memory_space<vmem_shared>>) offsets(%arg18 : memref<128xi32, #tpu.memory_space<vmem>>) semaphore(%arg26 : memref<!tpu.dma_semaphore, #tpu.memory_space<semaphore_mem>>) {add = true}
      %dma_start3A_864 = arith.constant 0 : i32
      %dma_start3A_865 = tpu.memref_slice %arg11[%dma_start3A_864] : memref<10008xf32, #tpu.memory_space<vmem_shared>> -> memref<10008xf32, #tpu.memory_space<vmem_shared>>
      tpu.enqueue_indirect_dma source(%arg21 : memref<128xf32, #tpu.memory_space<vmem>>) target(%dma_start3A_865 : memref<10008xf32, #tpu.memory_space<vmem_shared>>) offsets(%arg18 : memref<128xi32, #tpu.memory_space<vmem>>) semaphore(%arg26 : memref<!tpu.dma_semaphore, #tpu.memory_space<semaphore_mem>>) {add = true}
      %add3A_866 = arith.constant 3 : i32
      %add3A_867 = arith.addi %mul3A_786, %add3A_866 : i32
      %mul3A_868 = arith.constant 16 : i32
      %mul3A_869 = arith.muli %mul3A_868, %add3A_867 : i32
      %add3A_870 = arith.addi %arg1, %mul3A_869 : i32
      %min3A_871 = arith.constant 2543 : i32
      %min3A_872 = arith.minsi %add3A_870, %min3A_871 : i32
      %dma_start3A_873 = arith.constant 0 : i32
      %dma_start3A_874 = arith.constant 0 : i32
      %dma_start3A_875 = tpu.memref_slice %arg3[%min3A_872, %dma_start3A_873, %dma_start3A_874] : memref<2544x3x128xi32, #tpu.memory_space<hbm>> -> memref<1x3x128xi32, #tpu.memory_space<hbm>>
      %dma_start3A_876 = tpu.memref_squeeze %dma_start3A_875 : memref<1x3x128xi32, #tpu.memory_space<hbm>> -> memref<3x128xi32, #tpu.memory_space<hbm>>
      %dma_start3A_877 = arith.constant 0 : i32
      %dma_start3A_878 = arith.constant 0 : i32
      %dma_start3A_879 = tpu.memref_slice %arg3[%min3A_872, %dma_start3A_877, %dma_start3A_878] : memref<2544x3x128xi32, #tpu.memory_space<hbm>> -> memref<1x3x128xi32, #tpu.memory_space<hbm>>
      %dma_start3A_880 = tpu.memref_squeeze %dma_start3A_879 : memref<1x3x128xi32, #tpu.memory_space<hbm>> -> memref<3x128xi32, #tpu.memory_space<hbm>>
      tpu.enqueue_dma source(%dma_start3A_880 : memref<3x128xi32, #tpu.memory_space<hbm>>) target(%arg12 : memref<3x128xi32, #tpu.memory_space<vmem>>) target_semaphore(%arg25 : memref<!tpu.dma_semaphore, #tpu.memory_space<semaphore_mem>>)
      %add3A_881 = arith.constant 1 : i32
      %add3A_882 = arith.addi %mul3A_786, %add3A_881 : i32
      %dma_wait3A_883 = arith.constant 0 : i32
      %dma_wait3A_884 = tpu.memref_slice %arg13[%arg0, %dma_wait3A_883] : memref<3x128xi32, #tpu.memory_space<vmem>> -> memref<1x128xi32, #tpu.memory_space<vmem>>
      %dma_wait3A_885 = tpu.memref_squeeze %dma_wait3A_884 : memref<1x128xi32, #tpu.memory_space<vmem>> -> memref<128xi32, #tpu.memory_space<vmem>>
      %dma_wait3A_886 = arith.constant 0 : i32
      %dma_wait3A_887 = arith.constant 0 : i32
      %dma_wait3A_888 = tpu.memref_slice %arg2[%dma_wait3A_886, %dma_wait3A_887] : memref<20000x64xf32, #tpu.memory_space<hbm>> -> memref<20000x64xf32, #tpu.memory_space<hbm>>
      tpu.wait_indirect_dma semaphore(%arg24 : memref<!tpu.dma_semaphore, #tpu.memory_space<semaphore_mem>>) src(%dma_wait3A_888 : memref<20000x64xf32, #tpu.memory_space<hbm>>) dst(%arg16 : memref<128x64xf32, #tpu.memory_space<vmem>>)
      %get3A_889 = arith.constant 2 : i32
      %get3A_890 = arith.index_cast %get3A_889 : i32 to index
      %get3A_891 = arith.constant 0 : index
      %get3A_892 = tpu.vector_load %arg13[%get3A_890, %get3A_891] {strides = array<i32>} : memref<3x128xi32, #tpu.memory_space<vmem>>, vector<16xi32>,
      %swap3A_893 = arith.constant 0 : index
      %swap3A_894 = tpu.vector_load %arg19[%swap3A_893] {strides = array<i32>} : memref<128xi32, #tpu.memory_space<vmem>>, vector<16xi32>,
      tpu.vector_store %arg19[%swap3A_893], %get3A_892 {strides = array<i32>} : memref<128xi32, #tpu.memory_space<vmem>>, vector<16xi32>,
      %get3A_895 = arith.constant 2 : i32
      %get3A_896 = arith.index_cast %get3A_895 : i32 to index
      %get3A_897 = arith.constant 16 : index
      %get3A_898 = tpu.vector_load %arg13[%get3A_896, %get3A_897] {strides = array<i32>} : memref<3x128xi32, #tpu.memory_space<vmem>>, vector<16xi32>,
      %swap3A_899 = arith.constant 16 : index
      %swap3A_900 = tpu.vector_load %arg19[%swap3A_899] {strides = array<i32>} : memref<128xi32, #tpu.memory_space<vmem>>, vector<16xi32>,
      tpu.vector_store %arg19[%swap3A_899], %get3A_898 {strides = array<i32>} : memref<128xi32, #tpu.memory_space<vmem>>, vector<16xi32>,
      %get3A_901 = arith.constant 2 : i32
      %get3A_902 = arith.index_cast %get3A_901 : i32 to index
      %get3A_903 = arith.constant 32 : index
      %get3A_904 = tpu.vector_load %arg13[%get3A_902, %get3A_903] {strides = array<i32>} : memref<3x128xi32, #tpu.memory_space<vmem>>, vector<16xi32>,
      %swap3A_905 = arith.constant 32 : index
      %swap3A_906 = tpu.vector_load %arg19[%swap3A_905] {strides = array<i32>} : memref<128xi32, #tpu.memory_space<vmem>>, vector<16xi32>,
      tpu.vector_store %arg19[%swap3A_905], %get3A_904 {strides = array<i32>} : memref<128xi32, #tpu.memory_space<vmem>>, vector<16xi32>,
      %get3A_907 = arith.constant 2 : i32
      %get3A_908 = arith.index_cast %get3A_907 : i32 to index
      %get3A_909 = arith.constant 48 : index
      %get3A_910 = tpu.vector_load %arg13[%get3A_908, %get3A_909] {strides = array<i32>} : memref<3x128xi32, #tpu.memory_space<vmem>>, vector<16xi32>,
      %swap3A_911 = arith.constant 48 : index
      %swap3A_912 = tpu.vector_load %arg19[%swap3A_911] {strides = array<i32>} : memref<128xi32, #tpu.memory_space<vmem>>, vector<16xi32>,
      tpu.vector_store %arg19[%swap3A_911], %get3A_910 {strides = array<i32>} : memref<128xi32, #tpu.memory_space<vmem>>, vector<16xi32>,
      %get3A_913 = arith.constant 2 : i32
      %get3A_914 = arith.index_cast %get3A_913 : i32 to index
      %get3A_915 = arith.constant 64 : index
      %get3A_916 = tpu.vector_load %arg13[%get3A_914, %get3A_915] {strides = array<i32>} : memref<3x128xi32, #tpu.memory_space<vmem>>, vector<16xi32>,
      %swap3A_917 = arith.constant 64 : index
      %swap3A_918 = tpu.vector_load %arg19[%swap3A_917] {strides = array<i32>} : memref<128xi32, #tpu.memory_space<vmem>>, vector<16xi32>,
      tpu.vector_store %arg19[%swap3A_917], %get3A_916 {strides = array<i32>} : memref<128xi32, #tpu.memory_space<vmem>>, vector<16xi32>,
      %get3A_919 = arith.constant 2 : i32
      %get3A_920 = arith.index_cast %get3A_919 : i32 to index
      %get3A_921 = arith.constant 80 : index
      %get3A_922 = tpu.vector_load %arg13[%get3A_920, %get3A_921] {strides = array<i32>} : memref<3x128xi32, #tpu.memory_space<vmem>>, vector<16xi32>,
      %swap3A_923 = arith.constant 80 : index
      %swap3A_924 = tpu.vector_load %arg19[%swap3A_923] {strides = array<i32>} : memref<128xi32, #tpu.memory_space<vmem>>, vector<16xi32>,
      tpu.vector_store %arg19[%swap3A_923], %get3A_922 {strides = array<i32>} : memref<128xi32, #tpu.memory_space<vmem>>, vector<16xi32>,
      %get3A_925 = arith.constant 2 : i32
      %get3A_926 = arith.index_cast %get3A_925 : i32 to index
      %get3A_927 = arith.constant 96 : index
      %get3A_928 = tpu.vector_load %arg13[%get3A_926, %get3A_927] {strides = array<i32>} : memref<3x128xi32, #tpu.memory_space<vmem>>, vector<16xi32>,
      %swap3A_929 = arith.constant 96 : index
      %swap3A_930 = tpu.vector_load %arg19[%swap3A_929] {strides = array<i32>} : memref<128xi32, #tpu.memory_space<vmem>>, vector<16xi32>,
      tpu.vector_store %arg19[%swap3A_929], %get3A_928 {strides = array<i32>} : memref<128xi32, #tpu.memory_space<vmem>>, vector<16xi32>,
      %get3A_931 = arith.constant 2 : i32
      %get3A_932 = arith.index_cast %get3A_931 : i32 to index
      %get3A_933 = arith.constant 112 : index
      %get3A_934 = tpu.vector_load %arg13[%get3A_932, %get3A_933] {strides = array<i32>} : memref<3x128xi32, #tpu.memory_space<vmem>>, vector<16xi32>,
      %swap3A_935 = arith.constant 112 : index
      %swap3A_936 = tpu.vector_load %arg19[%swap3A_935] {strides = array<i32>} : memref<128xi32, #tpu.memory_space<vmem>>, vector<16xi32>,
      tpu.vector_store %arg19[%swap3A_935], %get3A_934 {strides = array<i32>} : memref<128xi32, #tpu.memory_space<vmem>>, vector<16xi32>,
      %dma_wait3A_937 = arith.constant 0 : i32
      %dma_wait3A_938 = arith.constant 0 : i32
      %dma_wait3A_939 = tpu.memref_slice %arg9[%dma_wait3A_937, %dma_wait3A_938] : memref<10008x64xf32, #tpu.memory_space<vmem_shared>> -> memref<10008x64xf32, #tpu.memory_space<vmem_shared>>
      tpu.wait_indirect_dma semaphore(%arg26 : memref<!tpu.dma_semaphore, #tpu.memory_space<semaphore_mem>>) src(%arg17 : memref<128x64xf32, #tpu.memory_space<vmem>>) dst(%dma_wait3A_939 : memref<10008x64xf32, #tpu.memory_space<vmem_shared>>)
      %dma_wait3A_940 = arith.constant 0 : i32
      %dma_wait3A_941 = tpu.memref_slice %arg11[%dma_wait3A_940] : memref<10008xf32, #tpu.memory_space<vmem_shared>> -> memref<10008xf32, #tpu.memory_space<vmem_shared>>
      tpu.wait_indirect_dma semaphore(%arg26 : memref<!tpu.dma_semaphore, #tpu.memory_space<semaphore_mem>>) src(%arg21 : memref<128xf32, #tpu.memory_space<vmem>>) dst(%dma_wait3A_941 : memref<10008xf32, #tpu.memory_space<vmem_shared>>)
      %dma_wait3A_942 = arith.constant 0 : i32
      %dma_wait3A_943 = arith.constant 0 : i32
      %dma_wait3A_944 = arith.constant 0 : i32
      %dma_wait3A_945 = tpu.memref_slice %arg3[%dma_wait3A_942, %dma_wait3A_943, %dma_wait3A_944] : memref<2544x3x128xi32, #tpu.memory_space<hbm>> -> memref<1x3x128xi32, #tpu.memory_space<hbm>>
      %dma_wait3A_946 = tpu.memref_squeeze %dma_wait3A_945 : memref<1x3x128xi32, #tpu.memory_space<hbm>> -> memref<3x128xi32, #tpu.memory_space<hbm>>
      %dma_wait3A_947 = arith.constant 0 : i32
      %dma_wait3A_948 = arith.constant 0 : i32
      %dma_wait3A_949 = tpu.memref_slice %arg3[%dma_wait3A_942, %dma_wait3A_947, %dma_wait3A_948] : memref<2544x3x128xi32, #tpu.memory_space<hbm>> -> memref<1x3x128xi32, #tpu.memory_space<hbm>>
      %dma_wait3A_950 = tpu.memref_squeeze %dma_wait3A_949 : memref<1x3x128xi32, #tpu.memory_space<hbm>> -> memref<3x128xi32, #tpu.memory_space<hbm>>
      tpu.wait_dma2 semaphore(%arg25 : memref<!tpu.dma_semaphore, #tpu.memory_space<semaphore_mem>>) src(%dma_wait3A_950 : memref<3x128xi32, #tpu.memory_space<hbm>>) dst(%arg12 : memref<3x128xi32, #tpu.memory_space<vmem>>)
      %dma_start3A_951 = arith.constant 0 : i32
      %dma_start3A_952 = tpu.memref_slice %arg14[%arg0, %dma_start3A_951] : memref<3x128xi32, #tpu.memory_space<vmem>> -> memref<1x128xi32, #tpu.memory_space<vmem>>
      %dma_start3A_953 = tpu.memref_squeeze %dma_start3A_952 : memref<1x128xi32, #tpu.memory_space<vmem>> -> memref<128xi32, #tpu.memory_space<vmem>>
      %dma_start3A_954 = arith.constant 0 : i32
      %dma_start3A_955 = arith.constant 0 : i32
      %dma_start3A_956 = tpu.memref_slice %arg2[%dma_start3A_954, %dma_start3A_955] : memref<20000x64xf32, #tpu.memory_space<hbm>> -> memref<20000x64xf32, #tpu.memory_space<hbm>>
      tpu.enqueue_indirect_dma source(%dma_start3A_956 : memref<20000x64xf32, #tpu.memory_space<hbm>>) target(%arg17 : memref<128x64xf32, #tpu.memory_space<vmem>>) offsets(%dma_start3A_953 : memref<128xi32, #tpu.memory_space<vmem>>) semaphore(%arg24 : memref<!tpu.dma_semaphore, #tpu.memory_space<semaphore_mem>>)
      %dma_start3A_957 = arith.constant 0 : i32
      %dma_start3A_958 = arith.constant 0 : i32
      %dma_start3A_959 = tpu.memref_slice %arg9[%dma_start3A_957, %dma_start3A_958] : memref<10008x64xf32, #tpu.memory_space<vmem_shared>> -> memref<10008x64xf32, #tpu.memory_space<vmem_shared>>
      tpu.enqueue_indirect_dma source(%arg16 : memref<128x64xf32, #tpu.memory_space<vmem>>) target(%dma_start3A_959 : memref<10008x64xf32, #tpu.memory_space<vmem_shared>>) offsets(%arg19 : memref<128xi32, #tpu.memory_space<vmem>>) semaphore(%arg26 : memref<!tpu.dma_semaphore, #tpu.memory_space<semaphore_mem>>) {add = true}
      %dma_start3A_960 = arith.constant 0 : i32
      %dma_start3A_961 = tpu.memref_slice %arg11[%dma_start3A_960] : memref<10008xf32, #tpu.memory_space<vmem_shared>> -> memref<10008xf32, #tpu.memory_space<vmem_shared>>
      tpu.enqueue_indirect_dma source(%arg21 : memref<128xf32, #tpu.memory_space<vmem>>) target(%dma_start3A_961 : memref<10008xf32, #tpu.memory_space<vmem_shared>>) offsets(%arg19 : memref<128xi32, #tpu.memory_space<vmem>>) semaphore(%arg26 : memref<!tpu.dma_semaphore, #tpu.memory_space<semaphore_mem>>) {add = true}
      %add3A_962 = arith.constant 3 : i32
      %add3A_963 = arith.addi %add3A_882, %add3A_962 : i32
      %mul3A_964 = arith.constant 16 : i32
      %mul3A_965 = arith.muli %mul3A_964, %add3A_963 : i32
      %add3A_966 = arith.addi %arg1, %mul3A_965 : i32
      %min3A_967 = arith.constant 2543 : i32
      %min3A_968 = arith.minsi %add3A_966, %min3A_967 : i32
      %dma_start3A_969 = arith.constant 0 : i32
      %dma_start3A_970 = arith.constant 0 : i32
      %dma_start3A_971 = tpu.memref_slice %arg3[%min3A_968, %dma_start3A_969, %dma_start3A_970] : memref<2544x3x128xi32, #tpu.memory_space<hbm>> -> memref<1x3x128xi32, #tpu.memory_space<hbm>>
      %dma_start3A_972 = tpu.memref_squeeze %dma_start3A_971 : memref<1x3x128xi32, #tpu.memory_space<hbm>> -> memref<3x128xi32, #tpu.memory_space<hbm>>
      %dma_start3A_973 = arith.constant 0 : i32
      %dma_start3A_974 = arith.constant 0 : i32
      %dma_start3A_975 = tpu.memref_slice %arg3[%min3A_968, %dma_start3A_973, %dma_start3A_974] : memref<2544x3x128xi32, #tpu.memory_space<hbm>> -> memref<1x3x128xi32, #tpu.memory_space<hbm>>
      %dma_start3A_976 = tpu.memref_squeeze %dma_start3A_975 : memref<1x3x128xi32, #tpu.memory_space<hbm>> -> memref<3x128xi32, #tpu.memory_space<hbm>>
      tpu.enqueue_dma source(%dma_start3A_976 : memref<3x128xi32, #tpu.memory_space<hbm>>) target(%arg13 : memref<3x128xi32, #tpu.memory_space<vmem>>) target_semaphore(%arg25 : memref<!tpu.dma_semaphore, #tpu.memory_space<semaphore_mem>>)
      %add3A_977 = arith.constant 2 : i32
      %add3A_978 = arith.addi %mul3A_786, %add3A_977 : i32
      %dma_wait3A_979 = arith.constant 0 : i32
      %dma_wait3A_980 = tpu.memref_slice %arg14[%arg0, %dma_wait3A_979] : memref<3x128xi32, #tpu.memory_space<vmem>> -> memref<1x128xi32, #tpu.memory_space<vmem>>
      %dma_wait3A_981 = tpu.memref_squeeze %dma_wait3A_980 : memref<1x128xi32, #tpu.memory_space<vmem>> -> memref<128xi32, #tpu.memory_space<vmem>>
      %dma_wait3A_982 = arith.constant 0 : i32
      %dma_wait3A_983 = arith.constant 0 : i32
      %dma_wait3A_984 = tpu.memref_slice %arg2[%dma_wait3A_982, %dma_wait3A_983] : memref<20000x64xf32, #tpu.memory_space<hbm>> -> memref<20000x64xf32, #tpu.memory_space<hbm>>
      tpu.wait_indirect_dma semaphore(%arg24 : memref<!tpu.dma_semaphore, #tpu.memory_space<semaphore_mem>>) src(%dma_wait3A_984 : memref<20000x64xf32, #tpu.memory_space<hbm>>) dst(%arg17 : memref<128x64xf32, #tpu.memory_space<vmem>>)
      %get3A_985 = arith.constant 2 : i32
      %get3A_986 = arith.index_cast %get3A_985 : i32 to index
      %get3A_987 = arith.constant 0 : index
      %get3A_988 = tpu.vector_load %arg14[%get3A_986, %get3A_987] {strides = array<i32>} : memref<3x128xi32, #tpu.memory_space<vmem>>, vector<16xi32>,
      %swap3A_989 = arith.constant 0 : index
      %swap3A_990 = tpu.vector_load %arg20[%swap3A_989] {strides = array<i32>} : memref<128xi32, #tpu.memory_space<vmem>>, vector<16xi32>,
      tpu.vector_store %arg20[%swap3A_989], %get3A_988 {strides = array<i32>} : memref<128xi32, #tpu.memory_space<vmem>>, vector<16xi32>,
      %get3A_991 = arith.constant 2 : i32
      %get3A_992 = arith.index_cast %get3A_991 : i32 to index
      %get3A_993 = arith.constant 16 : index
      %get3A_994 = tpu.vector_load %arg14[%get3A_992, %get3A_993] {strides = array<i32>} : memref<3x128xi32, #tpu.memory_space<vmem>>, vector<16xi32>,
      %swap3A_995 = arith.constant 16 : index
      %swap3A_996 = tpu.vector_load %arg20[%swap3A_995] {strides = array<i32>} : memref<128xi32, #tpu.memory_space<vmem>>, vector<16xi32>,
      tpu.vector_store %arg20[%swap3A_995], %get3A_994 {strides = array<i32>} : memref<128xi32, #tpu.memory_space<vmem>>, vector<16xi32>,
      %get3A_997 = arith.constant 2 : i32
      %get3A_998 = arith.index_cast %get3A_997 : i32 to index
      %get3A_999 = arith.constant 32 : index
      %get3A_1000 = tpu.vector_load %arg14[%get3A_998, %get3A_999] {strides = array<i32>} : memref<3x128xi32, #tpu.memory_space<vmem>>, vector<16xi32>,
      %swap3A_1001 = arith.constant 32 : index
      %swap3A_1002 = tpu.vector_load %arg20[%swap3A_1001] {strides = array<i32>} : memref<128xi32, #tpu.memory_space<vmem>>, vector<16xi32>,
      tpu.vector_store %arg20[%swap3A_1001], %get3A_1000 {strides = array<i32>} : memref<128xi32, #tpu.memory_space<vmem>>, vector<16xi32>,
      %get3A_1003 = arith.constant 2 : i32
      %get3A_1004 = arith.index_cast %get3A_1003 : i32 to index
      %get3A_1005 = arith.constant 48 : index
      %get3A_1006 = tpu.vector_load %arg14[%get3A_1004, %get3A_1005] {strides = array<i32>} : memref<3x128xi32, #tpu.memory_space<vmem>>, vector<16xi32>,
      %swap3A_1007 = arith.constant 48 : index
      %swap3A_1008 = tpu.vector_load %arg20[%swap3A_1007] {strides = array<i32>} : memref<128xi32, #tpu.memory_space<vmem>>, vector<16xi32>,
      tpu.vector_store %arg20[%swap3A_1007], %get3A_1006 {strides = array<i32>} : memref<128xi32, #tpu.memory_space<vmem>>, vector<16xi32>,
      %get3A_1009 = arith.constant 2 : i32
      %get3A_1010 = arith.index_cast %get3A_1009 : i32 to index
      %get3A_1011 = arith.constant 64 : index
      %get3A_1012 = tpu.vector_load %arg14[%get3A_1010, %get3A_1011] {strides = array<i32>} : memref<3x128xi32, #tpu.memory_space<vmem>>, vector<16xi32>,
      %swap3A_1013 = arith.constant 64 : index
      %swap3A_1014 = tpu.vector_load %arg20[%swap3A_1013] {strides = array<i32>} : memref<128xi32, #tpu.memory_space<vmem>>, vector<16xi32>,
      tpu.vector_store %arg20[%swap3A_1013], %get3A_1012 {strides = array<i32>} : memref<128xi32, #tpu.memory_space<vmem>>, vector<16xi32>,
      %get3A_1015 = arith.constant 2 : i32
      %get3A_1016 = arith.index_cast %get3A_1015 : i32 to index
      %get3A_1017 = arith.constant 80 : index
      %get3A_1018 = tpu.vector_load %arg14[%get3A_1016, %get3A_1017] {strides = array<i32>} : memref<3x128xi32, #tpu.memory_space<vmem>>, vector<16xi32>,
      %swap3A_1019 = arith.constant 80 : index
      %swap3A_1020 = tpu.vector_load %arg20[%swap3A_1019] {strides = array<i32>} : memref<128xi32, #tpu.memory_space<vmem>>, vector<16xi32>,
      tpu.vector_store %arg20[%swap3A_1019], %get3A_1018 {strides = array<i32>} : memref<128xi32, #tpu.memory_space<vmem>>, vector<16xi32>,
      %get3A_1021 = arith.constant 2 : i32
      %get3A_1022 = arith.index_cast %get3A_1021 : i32 to index
      %get3A_1023 = arith.constant 96 : index
      %get3A_1024 = tpu.vector_load %arg14[%get3A_1022, %get3A_1023] {strides = array<i32>} : memref<3x128xi32, #tpu.memory_space<vmem>>, vector<16xi32>,
      %swap3A_1025 = arith.constant 96 : index
      %swap3A_1026 = tpu.vector_load %arg20[%swap3A_1025] {strides = array<i32>} : memref<128xi32, #tpu.memory_space<vmem>>, vector<16xi32>,
      tpu.vector_store %arg20[%swap3A_1025], %get3A_1024 {strides = array<i32>} : memref<128xi32, #tpu.memory_space<vmem>>, vector<16xi32>,
      %get3A_1027 = arith.constant 2 : i32
      %get3A_1028 = arith.index_cast %get3A_1027 : i32 to index
      %get3A_1029 = arith.constant 112 : index
      %get3A_1030 = tpu.vector_load %arg14[%get3A_1028, %get3A_1029] {strides = array<i32>} : memref<3x128xi32, #tpu.memory_space<vmem>>, vector<16xi32>,
      %swap3A_1031 = arith.constant 112 : index
      %swap3A_1032 = tpu.vector_load %arg20[%swap3A_1031] {strides = array<i32>} : memref<128xi32, #tpu.memory_space<vmem>>, vector<16xi32>,
      tpu.vector_store %arg20[%swap3A_1031], %get3A_1030 {strides = array<i32>} : memref<128xi32, #tpu.memory_space<vmem>>, vector<16xi32>,
      %dma_wait3A_1033 = arith.constant 0 : i32
      %dma_wait3A_1034 = arith.constant 0 : i32
      %dma_wait3A_1035 = tpu.memref_slice %arg9[%dma_wait3A_1033, %dma_wait3A_1034] : memref<10008x64xf32, #tpu.memory_space<vmem_shared>> -> memref<10008x64xf32, #tpu.memory_space<vmem_shared>>
      tpu.wait_indirect_dma semaphore(%arg26 : memref<!tpu.dma_semaphore, #tpu.memory_space<semaphore_mem>>) src(%arg15 : memref<128x64xf32, #tpu.memory_space<vmem>>) dst(%dma_wait3A_1035 : memref<10008x64xf32, #tpu.memory_space<vmem_shared>>)
      %dma_wait3A_1036 = arith.constant 0 : i32
      %dma_wait3A_1037 = tpu.memref_slice %arg11[%dma_wait3A_1036] : memref<10008xf32, #tpu.memory_space<vmem_shared>> -> memref<10008xf32, #tpu.memory_space<vmem_shared>>
      tpu.wait_indirect_dma semaphore(%arg26 : memref<!tpu.dma_semaphore, #tpu.memory_space<semaphore_mem>>) src(%arg21 : memref<128xf32, #tpu.memory_space<vmem>>) dst(%dma_wait3A_1037 : memref<10008xf32, #tpu.memory_space<vmem_shared>>)
      %dma_wait3A_1038 = arith.constant 0 : i32
      %dma_wait3A_1039 = arith.constant 0 : i32
      %dma_wait3A_1040 = arith.constant 0 : i32
      %dma_wait3A_1041 = tpu.memref_slice %arg3[%dma_wait3A_1038, %dma_wait3A_1039, %dma_wait3A_1040] : memref<2544x3x128xi32, #tpu.memory_space<hbm>> -> memref<1x3x128xi32, #tpu.memory_space<hbm>>
      %dma_wait3A_1042 = tpu.memref_squeeze %dma_wait3A_1041 : memref<1x3x128xi32, #tpu.memory_space<hbm>> -> memref<3x128xi32, #tpu.memory_space<hbm>>
      %dma_wait3A_1043 = arith.constant 0 : i32
      %dma_wait3A_1044 = arith.constant 0 : i32
      %dma_wait3A_1045 = tpu.memref_slice %arg3[%dma_wait3A_1038, %dma_wait3A_1043, %dma_wait3A_1044] : memref<2544x3x128xi32, #tpu.memory_space<hbm>> -> memref<1x3x128xi32, #tpu.memory_space<hbm>>
      %dma_wait3A_1046 = tpu.memref_squeeze %dma_wait3A_1045 : memref<1x3x128xi32, #tpu.memory_space<hbm>> -> memref<3x128xi32, #tpu.memory_space<hbm>>
      tpu.wait_dma2 semaphore(%arg25 : memref<!tpu.dma_semaphore, #tpu.memory_space<semaphore_mem>>) src(%dma_wait3A_1046 : memref<3x128xi32, #tpu.memory_space<hbm>>) dst(%arg12 : memref<3x128xi32, #tpu.memory_space<vmem>>)
      %dma_start3A_1047 = arith.constant 0 : i32
      %dma_start3A_1048 = tpu.memref_slice %arg12[%arg0, %dma_start3A_1047] : memref<3x128xi32, #tpu.memory_space<vmem>> -> memref<1x128xi32, #tpu.memory_space<vmem>>
      %dma_start3A_1049 = tpu.memref_squeeze %dma_start3A_1048 : memref<1x128xi32, #tpu.memory_space<vmem>> -> memref<128xi32, #tpu.memory_space<vmem>>
      %dma_start3A_1050 = arith.constant 0 : i32
      %dma_start3A_1051 = arith.constant 0 : i32
      %dma_start3A_1052 = tpu.memref_slice %arg2[%dma_start3A_1050, %dma_start3A_1051] : memref<20000x64xf32, #tpu.memory_space<hbm>> -> memref<20000x64xf32, #tpu.memory_space<hbm>>
      tpu.enqueue_indirect_dma source(%dma_start3A_1052 : memref<20000x64xf32, #tpu.memory_space<hbm>>) target(%arg15 : memref<128x64xf32, #tpu.memory_space<vmem>>) offsets(%dma_start3A_1049 : memref<128xi32, #tpu.memory_space<vmem>>) semaphore(%arg24 : memref<!tpu.dma_semaphore, #tpu.memory_space<semaphore_mem>>)
      %dma_start3A_1053 = arith.constant 0 : i32
      %dma_start3A_1054 = arith.constant 0 : i32
      %dma_start3A_1055 = tpu.memref_slice %arg9[%dma_start3A_1053, %dma_start3A_1054] : memref<10008x64xf32, #tpu.memory_space<vmem_shared>> -> memref<10008x64xf32, #tpu.memory_space<vmem_shared>>
      tpu.enqueue_indirect_dma source(%arg17 : memref<128x64xf32, #tpu.memory_space<vmem>>) target(%dma_start3A_1055 : memref<10008x64xf32, #tpu.memory_space<vmem_shared>>) offsets(%arg20 : memref<128xi32, #tpu.memory_space<vmem>>) semaphore(%arg26 : memref<!tpu.dma_semaphore, #tpu.memory_space<semaphore_mem>>) {add = true}
      %dma_start3A_1056 = arith.constant 0 : i32
      %dma_start3A_1057 = tpu.memref_slice %arg11[%dma_start3A_1056] : memref<10008xf32, #tpu.memory_space<vmem_shared>> -> memref<10008xf32, #tpu.memory_space<vmem_shared>>
      tpu.enqueue_indirect_dma source(%arg21 : memref<128xf32, #tpu.memory_space<vmem>>) target(%dma_start3A_1057 : memref<10008xf32, #tpu.memory_space<vmem_shared>>) offsets(%arg20 : memref<128xi32, #tpu.memory_space<vmem>>) semaphore(%arg26 : memref<!tpu.dma_semaphore, #tpu.memory_space<semaphore_mem>>) {add = true}
      %add3A_1058 = arith.constant 3 : i32
      %add3A_1059 = arith.addi %add3A_978, %add3A_1058 : i32
      %mul3A_1060 = arith.constant 16 : i32
      %mul3A_1061 = arith.muli %mul3A_1060, %add3A_1059 : i32
      %add3A_1062 = arith.addi %arg1, %mul3A_1061 : i32
      %min3A_1063 = arith.constant 2543 : i32
      %min3A_1064 = arith.minsi %add3A_1062, %min3A_1063 : i32
      %dma_start3A_1065 = arith.constant 0 : i32
      %dma_start3A_1066 = arith.constant 0 : i32
      %dma_start3A_1067 = tpu.memref_slice %arg3[%min3A_1064, %dma_start3A_1065, %dma_start3A_1066] : memref<2544x3x128xi32, #tpu.memory_space<hbm>> -> memref<1x3x128xi32, #tpu.memory_space<hbm>>
      %dma_start3A_1068 = tpu.memref_squeeze %dma_start3A_1067 : memref<1x3x128xi32, #tpu.memory_space<hbm>> -> memref<3x128xi32, #tpu.memory_space<hbm>>
      %dma_start3A_1069 = arith.constant 0 : i32
      %dma_start3A_1070 = arith.constant 0 : i32
      %dma_start3A_1071 = tpu.memref_slice %arg3[%min3A_1064, %dma_start3A_1069, %dma_start3A_1070] : memref<2544x3x128xi32, #tpu.memory_space<hbm>> -> memref<1x3x128xi32, #tpu.memory_space<hbm>>
      %dma_start3A_1072 = tpu.memref_squeeze %dma_start3A_1071 : memref<1x3x128xi32, #tpu.memory_space<hbm>> -> memref<3x128xi32, #tpu.memory_space<hbm>>
      tpu.enqueue_dma source(%dma_start3A_1072 : memref<3x128xi32, #tpu.memory_space<hbm>>) target(%arg14 : memref<3x128xi32, #tpu.memory_space<vmem>>) target_semaphore(%arg25 : memref<!tpu.dma_semaphore, #tpu.memory_space<semaphore_mem>>)
      %scan3A_1073 = arith.constant 0 : i32
      scf.yield %scan3A_1073 : i32
    }
    %scan3A_324 = arith.constant 52 : i32
    %dma_wait3A_325 = arith.constant 0 : i32
    %dma_wait3A_326 = tpu.memref_slice %arg12[%arg0, %dma_wait3A_325] : memref<3x128xi32, #tpu.memory_space<vmem>> -> memref<1x128xi32, #tpu.memory_space<vmem>>
    %dma_wait3A_327 = tpu.memref_squeeze %dma_wait3A_326 : memref<1x128xi32, #tpu.memory_space<vmem>> -> memref<128xi32, #tpu.memory_space<vmem>>
    %dma_wait3A_328 = arith.constant 0 : i32
    %dma_wait3A_329 = arith.constant 0 : i32
    %dma_wait3A_330 = tpu.memref_slice %arg2[%dma_wait3A_328, %dma_wait3A_329] : memref<20000x64xf32, #tpu.memory_space<hbm>> -> memref<20000x64xf32, #tpu.memory_space<hbm>>
    tpu.wait_indirect_dma semaphore(%arg24 : memref<!tpu.dma_semaphore, #tpu.memory_space<semaphore_mem>>) src(%dma_wait3A_330 : memref<20000x64xf32, #tpu.memory_space<hbm>>) dst(%arg15 : memref<128x64xf32, #tpu.memory_space<vmem>>)
    %dma_wait3A_331 = arith.constant 0 : i32
    %dma_wait3A_332 = arith.constant 0 : i32
    %dma_wait3A_333 = tpu.memref_slice %arg9[%dma_wait3A_331, %dma_wait3A_332] : memref<10008x64xf32, #tpu.memory_space<vmem_shared>> -> memref<10008x64xf32, #tpu.memory_space<vmem_shared>>
    tpu.wait_indirect_dma semaphore(%arg26 : memref<!tpu.dma_semaphore, #tpu.memory_space<semaphore_mem>>) src(%arg16 : memref<128x64xf32, #tpu.memory_space<vmem>>) dst(%dma_wait3A_333 : memref<10008x64xf32, #tpu.memory_space<vmem_shared>>)
    %dma_wait3A_334 = arith.constant 0 : i32
    %dma_wait3A_335 = tpu.memref_slice %arg11[%dma_wait3A_334] : memref<10008xf32, #tpu.memory_space<vmem_shared>> -> memref<10008xf32, #tpu.memory_space<vmem_shared>>
    tpu.wait_indirect_dma semaphore(%arg26 : memref<!tpu.dma_semaphore, #tpu.memory_space<semaphore_mem>>) src(%arg21 : memref<128xf32, #tpu.memory_space<vmem>>) dst(%dma_wait3A_335 : memref<10008xf32, #tpu.memory_space<vmem_shared>>)
    %dma_wait3A_336 = arith.constant 0 : i32
    %dma_wait3A_337 = arith.constant 0 : i32
    %dma_wait3A_338 = tpu.memref_slice %arg9[%dma_wait3A_336, %dma_wait3A_337] : memref<10008x64xf32, #tpu.memory_space<vmem_shared>> -> memref<10008x64xf32, #tpu.memory_space<vmem_shared>>
    tpu.wait_indirect_dma semaphore(%arg26 : memref<!tpu.dma_semaphore, #tpu.memory_space<semaphore_mem>>) src(%arg17 : memref<128x64xf32, #tpu.memory_space<vmem>>) dst(%dma_wait3A_338 : memref<10008x64xf32, #tpu.memory_space<vmem_shared>>)
    %dma_wait3A_339 = arith.constant 0 : i32
    %dma_wait3A_340 = tpu.memref_slice %arg11[%dma_wait3A_339] : memref<10008xf32, #tpu.memory_space<vmem_shared>> -> memref<10008xf32, #tpu.memory_space<vmem_shared>>
    tpu.wait_indirect_dma semaphore(%arg26 : memref<!tpu.dma_semaphore, #tpu.memory_space<semaphore_mem>>) src(%arg21 : memref<128xf32, #tpu.memory_space<vmem>>) dst(%dma_wait3A_340 : memref<10008xf32, #tpu.memory_space<vmem_shared>>)
    %dma_wait3A_341 = arith.constant 0 : i32
    %dma_wait3A_342 = arith.constant 0 : i32
    %dma_wait3A_343 = arith.constant 0 : i32
    %dma_wait3A_344 = tpu.memref_slice %arg3[%dma_wait3A_341, %dma_wait3A_342, %dma_wait3A_343] : memref<2544x3x128xi32, #tpu.memory_space<hbm>> -> memref<1x3x128xi32, #tpu.memory_space<hbm>>
    %dma_wait3A_345 = tpu.memref_squeeze %dma_wait3A_344 : memref<1x3x128xi32, #tpu.memory_space<hbm>> -> memref<3x128xi32, #tpu.memory_space<hbm>>
    %dma_wait3A_346 = arith.constant 0 : i32
    %dma_wait3A_347 = arith.constant 0 : i32
    %dma_wait3A_348 = tpu.memref_slice %arg3[%dma_wait3A_341, %dma_wait3A_346, %dma_wait3A_347] : memref<2544x3x128xi32, #tpu.memory_space<hbm>> -> memref<1x3x128xi32, #tpu.memory_space<hbm>>
    %dma_wait3A_349 = tpu.memref_squeeze %dma_wait3A_348 : memref<1x3x128xi32, #tpu.memory_space<hbm>> -> memref<3x128xi32, #tpu.memory_space<hbm>>
    tpu.wait_dma2 semaphore(%arg25 : memref<!tpu.dma_semaphore, #tpu.memory_space<semaphore_mem>>) src(%dma_wait3A_349 : memref<3x128xi32, #tpu.memory_space<hbm>>) dst(%arg12 : memref<3x128xi32, #tpu.memory_space<vmem>>)
    %dma_wait3A_350 = arith.constant 0 : i32
    %dma_wait3A_351 = arith.constant 0 : i32
    %dma_wait3A_352 = arith.constant 0 : i32
    %dma_wait3A_353 = tpu.memref_slice %arg3[%dma_wait3A_350, %dma_wait3A_351, %dma_wait3A_352] : memref<2544x3x128xi32, #tpu.memory_space<hbm>> -> memref<1x3x128xi32, #tpu.memory_space<hbm>>
    %dma_wait3A_354 = tpu.memref_squeeze %dma_wait3A_353 : memref<1x3x128xi32, #tpu.memory_space<hbm>> -> memref<3x128xi32, #tpu.memory_space<hbm>>
    %dma_wait3A_355 = arith.constant 0 : i32
    %dma_wait3A_356 = arith.constant 0 : i32
    %dma_wait3A_357 = tpu.memref_slice %arg3[%dma_wait3A_350, %dma_wait3A_355, %dma_wait3A_356] : memref<2544x3x128xi32, #tpu.memory_space<hbm>> -> memref<1x3x128xi32, #tpu.memory_space<hbm>>
    %dma_wait3A_358 = tpu.memref_squeeze %dma_wait3A_357 : memref<1x3x128xi32, #tpu.memory_space<hbm>> -> memref<3x128xi32, #tpu.memory_space<hbm>>
    tpu.wait_dma2 semaphore(%arg25 : memref<!tpu.dma_semaphore, #tpu.memory_space<semaphore_mem>>) src(%dma_wait3A_358 : memref<3x128xi32, #tpu.memory_space<hbm>>) dst(%arg12 : memref<3x128xi32, #tpu.memory_space<vmem>>)
    %barrier3A_359 = arith.constant 0 : index
    tpu.barrier barrier_id(%barrier3A_359)
    %add3A_360 = arith.constant 0 : i32
    %add3A_361 = arith.addi %mul3A_0, %add3A_360 : i32
    "tpu.region"() ({
      %run_scoped3A = tpu.sem_alloc : memref<!tpu.dma_semaphore, #tpu.memory_space<semaphore_mem>>
      %dma_start3A_783 = arith.constant 0 : i32
      %dma_start3A_784 = arith.constant 0 : i32
      %dma_start3A_785 = tpu.memref_slice %arg22[%dma_start3A_783, %dma_start3A_784] : memref<208x64xf32, #tpu.memory_space<vmem>> -> memref<208x64xf32, #tpu.memory_space<vmem>>
      %dma_start3A_786 = arith.constant 0 : i32
      %dma_start3A_787 = tpu.memref_slice %arg9[%add3A_361, %dma_start3A_786] : memref<10008x64xf32, #tpu.memory_space<vmem_shared>> -> memref<208x64xf32, #tpu.memory_space<vmem_shared>>
      %dma_start3A_788 = arith.constant 0 : i32
      %dma_start3A_789 = arith.constant 0 : i32
      %dma_start3A_790 = tpu.memref_slice %arg22[%dma_start3A_788, %dma_start3A_789] : memref<208x64xf32, #tpu.memory_space<vmem>> -> memref<208x64xf32, #tpu.memory_space<vmem>>
      %dma_start3A_791 = arith.constant 0 : i32
      %dma_start3A_792 = tpu.memref_slice %arg9[%add3A_361, %dma_start3A_791] : memref<10008x64xf32, #tpu.memory_space<vmem_shared>> -> memref<208x64xf32, #tpu.memory_space<vmem_shared>>
      tpu.enqueue_dma source(%dma_start3A_792 : memref<208x64xf32, #tpu.memory_space<vmem_shared>>) target(%dma_start3A_790 : memref<208x64xf32, #tpu.memory_space<vmem>>) target_semaphore(%run_scoped3A : memref<!tpu.dma_semaphore, #tpu.memory_space<semaphore_mem>>)
      %dma_wait3A_793 = arith.constant 0 : i32
      %dma_wait3A_794 = arith.constant 0 : i32
      %dma_wait3A_795 = tpu.memref_slice %arg22[%dma_wait3A_793, %dma_wait3A_794] : memref<208x64xf32, #tpu.memory_space<vmem>> -> memref<208x64xf32, #tpu.memory_space<vmem>>
      %dma_wait3A_796 = arith.constant 0 : i32
      %dma_wait3A_797 = tpu.memref_slice %arg9[%add3A_361, %dma_wait3A_796] : memref<10008x64xf32, #tpu.memory_space<vmem_shared>> -> memref<208x64xf32, #tpu.memory_space<vmem_shared>>
      %dma_wait3A_798 = arith.constant 0 : i32
      %dma_wait3A_799 = arith.constant 0 : i32
      %dma_wait3A_800 = tpu.memref_slice %arg22[%dma_wait3A_798, %dma_wait3A_799] : memref<208x64xf32, #tpu.memory_space<vmem>> -> memref<208x64xf32, #tpu.memory_space<vmem>>
      %dma_wait3A_801 = arith.constant 0 : i32
      %dma_wait3A_802 = tpu.memref_slice %arg9[%add3A_361, %dma_wait3A_801] : memref<10008x64xf32, #tpu.memory_space<vmem_shared>> -> memref<208x64xf32, #tpu.memory_space<vmem_shared>>
      tpu.wait_dma2 semaphore(%run_scoped3A : memref<!tpu.dma_semaphore, #tpu.memory_space<semaphore_mem>>) src(%dma_wait3A_802 : memref<208x64xf32, #tpu.memory_space<vmem_shared>>) dst(%dma_wait3A_800 : memref<208x64xf32, #tpu.memory_space<vmem>>)
      tpu.yield
    }) : () -> ()
    "tpu.region"() ({
      %run_scoped3A = tpu.sem_alloc : memref<!tpu.dma_semaphore, #tpu.memory_space<semaphore_mem>>
      %dma_start3A_783 = arith.constant 0 : i32
      %dma_start3A_784 = tpu.memref_slice %arg23[%dma_start3A_783] : memref<208xf32, #tpu.memory_space<vmem>> -> memref<208xf32, #tpu.memory_space<vmem>>
      %dma_start3A_785 = tpu.memref_slice %arg11[%add3A_361] : memref<10008xf32, #tpu.memory_space<vmem_shared>> -> memref<208xf32, #tpu.memory_space<vmem_shared>>
      %dma_start3A_786 = arith.constant 0 : i32
      %dma_start3A_787 = tpu.memref_slice %arg23[%dma_start3A_786] : memref<208xf32, #tpu.memory_space<vmem>> -> memref<208xf32, #tpu.memory_space<vmem>>
      %dma_start3A_788 = tpu.memref_slice %arg11[%add3A_361] : memref<10008xf32, #tpu.memory_space<vmem_shared>> -> memref<208xf32, #tpu.memory_space<vmem_shared>>
      tpu.enqueue_dma source(%dma_start3A_788 : memref<208xf32, #tpu.memory_space<vmem_shared>>) target(%dma_start3A_787 : memref<208xf32, #tpu.memory_space<vmem>>) target_semaphore(%run_scoped3A : memref<!tpu.dma_semaphore, #tpu.memory_space<semaphore_mem>>)
      %dma_wait3A_789 = arith.constant 0 : i32
      %dma_wait3A_790 = tpu.memref_slice %arg23[%dma_wait3A_789] : memref<208xf32, #tpu.memory_space<vmem>> -> memref<208xf32, #tpu.memory_space<vmem>>
      %dma_wait3A_791 = tpu.memref_slice %arg11[%add3A_361] : memref<10008xf32, #tpu.memory_space<vmem_shared>> -> memref<208xf32, #tpu.memory_space<vmem_shared>>
      %dma_wait3A_792 = arith.constant 0 : i32
      %dma_wait3A_793 = tpu.memref_slice %arg23[%dma_wait3A_792] : memref<208xf32, #tpu.memory_space<vmem>> -> memref<208xf32, #tpu.memory_space<vmem>>
      %dma_wait3A_794 = tpu.memref_slice %arg11[%add3A_361] : memref<10008xf32, #tpu.memory_space<vmem_shared>> -> memref<208xf32, #tpu.memory_space<vmem_shared>>
      tpu.wait_dma2 semaphore(%run_scoped3A : memref<!tpu.dma_semaphore, #tpu.memory_space<semaphore_mem>>) src(%dma_wait3A_794 : memref<208xf32, #tpu.memory_space<vmem_shared>>) dst(%dma_wait3A_793 : memref<208xf32, #tpu.memory_space<vmem>>)
      tpu.yield
    }) : () -> ()
    %scan3A_362 = arith.constant 0 : i32
    %scan3A_363 = arith.constant 0 : i32
    %scan3A_364 = arith.constant 208 : i32
    %scan3A_365 = arith.addi %scan3A_363, %scan3A_364 : i32
    %scan3A_366 = arith.constant 1 : i32
    %scan3A_367 = scf.for %scan3A_783 = %scan3A_363 to %scan3A_365 step %scan3A_366 iter_args(%scan3A_784 = %scan3A_362) -> (i32)  : i32 {
      %broadcast_in_dim3A = vector.broadcast %scan3A_783 : i32 to vector<16xi32>
      %gather3A = tpu.vector_load_idx %arg23[%broadcast_in_dim3A] : memref<208xf32, #tpu.memory_space<vmem>>[vector<16xi32>], vector<16xf32>,
      %max3A = arith.constant 1.000000e+00 : f32
      %max3A_785 = vector.broadcast %max3A : f32 to vector<16xf32>
      %max3A_786 = arith.maximumf %gather3A, %max3A_785 : vector<16xf32>
      %div3A = arith.constant 1.000000e+00 : f32
      %div3A_787 = vector.broadcast %div3A : f32 to vector<16xf32>
      %div3A_788 = arith.divf %div3A_787, %max3A_786 : vector<16xf32>
      %get3A_789 = arith.index_cast %scan3A_783 : i32 to index
      %get3A_790 = arith.constant 0 : index
      %get3A_791 = tpu.vector_load %arg22[%get3A_789, %get3A_790] {strides = array<i32>} : memref<208x64xf32, #tpu.memory_space<vmem>>, vector<16xf32>,
      %mul3A_792 = arith.mulf %get3A_791, %div3A_788 : vector<16xf32>
      %swap3A_793 = arith.index_cast %scan3A_783 : i32 to index
      %swap3A_794 = arith.constant 0 : index
      %swap3A_795 = tpu.vector_load %arg22[%swap3A_793, %swap3A_794] {strides = array<i32>} : memref<208x64xf32, #tpu.memory_space<vmem>>, vector<16xf32>,
      tpu.vector_store %arg22[%swap3A_793, %swap3A_794], %mul3A_792 {strides = array<i32>} : memref<208x64xf32, #tpu.memory_space<vmem>>, vector<16xf32>,
      %get3A_796 = arith.index_cast %scan3A_783 : i32 to index
      %get3A_797 = arith.constant 16 : index
      %get3A_798 = tpu.vector_load %arg22[%get3A_796, %get3A_797] {strides = array<i32>} : memref<208x64xf32, #tpu.memory_space<vmem>>, vector<16xf32>,
      %mul3A_799 = arith.mulf %get3A_798, %div3A_788 : vector<16xf32>
      %swap3A_800 = arith.index_cast %scan3A_783 : i32 to index
      %swap3A_801 = arith.constant 16 : index
      %swap3A_802 = tpu.vector_load %arg22[%swap3A_800, %swap3A_801] {strides = array<i32>} : memref<208x64xf32, #tpu.memory_space<vmem>>, vector<16xf32>,
      tpu.vector_store %arg22[%swap3A_800, %swap3A_801], %mul3A_799 {strides = array<i32>} : memref<208x64xf32, #tpu.memory_space<vmem>>, vector<16xf32>,
      %get3A_803 = arith.index_cast %scan3A_783 : i32 to index
      %get3A_804 = arith.constant 32 : index
      %get3A_805 = tpu.vector_load %arg22[%get3A_803, %get3A_804] {strides = array<i32>} : memref<208x64xf32, #tpu.memory_space<vmem>>, vector<16xf32>,
      %mul3A_806 = arith.mulf %get3A_805, %div3A_788 : vector<16xf32>
      %swap3A_807 = arith.index_cast %scan3A_783 : i32 to index
      %swap3A_808 = arith.constant 32 : index
      %swap3A_809 = tpu.vector_load %arg22[%swap3A_807, %swap3A_808] {strides = array<i32>} : memref<208x64xf32, #tpu.memory_space<vmem>>, vector<16xf32>,
      tpu.vector_store %arg22[%swap3A_807, %swap3A_808], %mul3A_806 {strides = array<i32>} : memref<208x64xf32, #tpu.memory_space<vmem>>, vector<16xf32>,
      %get3A_810 = arith.index_cast %scan3A_783 : i32 to index
      %get3A_811 = arith.constant 48 : index
      %get3A_812 = tpu.vector_load %arg22[%get3A_810, %get3A_811] {strides = array<i32>} : memref<208x64xf32, #tpu.memory_space<vmem>>, vector<16xf32>,
      %mul3A_813 = arith.mulf %get3A_812, %div3A_788 : vector<16xf32>
      %swap3A_814 = arith.index_cast %scan3A_783 : i32 to index
      %swap3A_815 = arith.constant 48 : index
      %swap3A_816 = tpu.vector_load %arg22[%swap3A_814, %swap3A_815] {strides = array<i32>} : memref<208x64xf32, #tpu.memory_space<vmem>>, vector<16xf32>,
      tpu.vector_store %arg22[%swap3A_814, %swap3A_815], %mul3A_813 {strides = array<i32>} : memref<208x64xf32, #tpu.memory_space<vmem>>, vector<16xf32>,
      %scan3A_817 = arith.constant 0 : i32
      scf.yield %scan3A_817 : i32
    }
    %scan3A_368 = arith.constant 208 : i32
    "tpu.region"() ({
      %run_scoped3A = tpu.sem_alloc : memref<!tpu.dma_semaphore, #tpu.memory_space<semaphore_mem>>
      %dma_start3A_783 = arith.constant 0 : i32
      %dma_start3A_784 = arith.constant 0 : i32
      %dma_start3A_785 = tpu.memref_slice %arg22[%dma_start3A_783, %dma_start3A_784] : memref<208x64xf32, #tpu.memory_space<vmem>> -> memref<208x64xf32, #tpu.memory_space<vmem>>
      %dma_start3A_786 = arith.constant 0 : i32
      %dma_start3A_787 = tpu.memref_slice %arg9[%add3A_361, %dma_start3A_786] : memref<10008x64xf32, #tpu.memory_space<vmem_shared>> -> memref<208x64xf32, #tpu.memory_space<vmem_shared>>
      %dma_start3A_788 = arith.constant 0 : i32
      %dma_start3A_789 = tpu.memref_slice %arg9[%add3A_361, %dma_start3A_788] : memref<10008x64xf32, #tpu.memory_space<vmem_shared>> -> memref<208x64xf32, #tpu.memory_space<vmem_shared>>
      %dma_start3A_790 = arith.constant 0 : i32
      %dma_start3A_791 = arith.constant 0 : i32
      %dma_start3A_792 = tpu.memref_slice %arg22[%dma_start3A_790, %dma_start3A_791] : memref<208x64xf32, #tpu.memory_space<vmem>> -> memref<208x64xf32, #tpu.memory_space<vmem>>
      tpu.enqueue_dma source(%dma_start3A_792 : memref<208x64xf32, #tpu.memory_space<vmem>>) target(%dma_start3A_789 : memref<208x64xf32, #tpu.memory_space<vmem_shared>>) target_semaphore(%run_scoped3A : memref<!tpu.dma_semaphore, #tpu.memory_space<semaphore_mem>>)
      %dma_wait3A_793 = arith.constant 0 : i32
      %dma_wait3A_794 = arith.constant 0 : i32
      %dma_wait3A_795 = tpu.memref_slice %arg22[%dma_wait3A_793, %dma_wait3A_794] : memref<208x64xf32, #tpu.memory_space<vmem>> -> memref<208x64xf32, #tpu.memory_space<vmem>>
      %dma_wait3A_796 = arith.constant 0 : i32
      %dma_wait3A_797 = tpu.memref_slice %arg9[%add3A_361, %dma_wait3A_796] : memref<10008x64xf32, #tpu.memory_space<vmem_shared>> -> memref<208x64xf32, #tpu.memory_space<vmem_shared>>
      %dma_wait3A_798 = arith.constant 0 : i32
      %dma_wait3A_799 = tpu.memref_slice %arg9[%add3A_361, %dma_wait3A_798] : memref<10008x64xf32, #tpu.memory_space<vmem_shared>> -> memref<208x64xf32, #tpu.memory_space<vmem_shared>>
      %dma_wait3A_800 = arith.constant 0 : i32
      %dma_wait3A_801 = arith.constant 0 : i32
      %dma_wait3A_802 = tpu.memref_slice %arg22[%dma_wait3A_800, %dma_wait3A_801] : memref<208x64xf32, #tpu.memory_space<vmem>> -> memref<208x64xf32, #tpu.memory_space<vmem>>
      tpu.wait_dma2 semaphore(%run_scoped3A : memref<!tpu.dma_semaphore, #tpu.memory_space<semaphore_mem>>) src(%dma_wait3A_802 : memref<208x64xf32, #tpu.memory_space<vmem>>) dst(%dma_wait3A_799 : memref<208x64xf32, #tpu.memory_space<vmem_shared>>)
      tpu.yield
    }) : () -> ()
    %add3A_369 = arith.addi %mul3A_2, %add3A_361 : i32
    "tpu.region"() ({
      %run_scoped3A = tpu.sem_alloc : memref<!tpu.dma_semaphore, #tpu.memory_space<semaphore_mem>>
      %dma_start3A_783 = arith.constant 0 : i32
      %dma_start3A_784 = arith.constant 0 : i32
      %dma_start3A_785 = tpu.memref_slice %arg22[%dma_start3A_783, %dma_start3A_784] : memref<208x64xf32, #tpu.memory_space<vmem>> -> memref<208x64xf32, #tpu.memory_space<vmem>>
      %dma_start3A_786 = arith.constant 0 : i32
      %dma_start3A_787 = tpu.memref_slice %arg7[%add3A_369, %dma_start3A_786] : memref<20000x64xf32, #tpu.memory_space<hbm>> -> memref<208x64xf32, #tpu.memory_space<hbm>>
      %dma_start3A_788 = arith.constant 0 : i32
      %dma_start3A_789 = tpu.memref_slice %arg7[%add3A_369, %dma_start3A_788] : memref<20000x64xf32, #tpu.memory_space<hbm>> -> memref<208x64xf32, #tpu.memory_space<hbm>>
      %dma_start3A_790 = arith.constant 0 : i32
      %dma_start3A_791 = arith.constant 0 : i32
      %dma_start3A_792 = tpu.memref_slice %arg22[%dma_start3A_790, %dma_start3A_791] : memref<208x64xf32, #tpu.memory_space<vmem>> -> memref<208x64xf32, #tpu.memory_space<vmem>>
      tpu.enqueue_dma source(%dma_start3A_792 : memref<208x64xf32, #tpu.memory_space<vmem>>) target(%dma_start3A_789 : memref<208x64xf32, #tpu.memory_space<hbm>>) target_semaphore(%run_scoped3A : memref<!tpu.dma_semaphore, #tpu.memory_space<semaphore_mem>>)
      %dma_wait3A_793 = arith.constant 0 : i32
      %dma_wait3A_794 = arith.constant 0 : i32
      %dma_wait3A_795 = tpu.memref_slice %arg22[%dma_wait3A_793, %dma_wait3A_794] : memref<208x64xf32, #tpu.memory_space<vmem>> -> memref<208x64xf32, #tpu.memory_space<vmem>>
      %dma_wait3A_796 = arith.constant 0 : i32
      %dma_wait3A_797 = tpu.memref_slice %arg7[%add3A_369, %dma_wait3A_796] : memref<20000x64xf32, #tpu.memory_space<hbm>> -> memref<208x64xf32, #tpu.memory_space<hbm>>
      %dma_wait3A_798 = arith.constant 0 : i32
      %dma_wait3A_799 = tpu.memref_slice %arg7[%add3A_369, %dma_wait3A_798] : memref<20000x64xf32, #tpu.memory_space<hbm>> -> memref<208x64xf32, #tpu.memory_space<hbm>>
      %dma_wait3A_800 = arith.constant 0 : i32
      %dma_wait3A_801 = arith.constant 0 : i32
      %dma_wait3A_802 = tpu.memref_slice %arg22[%dma_wait3A_800, %dma_wait3A_801] : memref<208x64xf32, #tpu.memory_space<vmem>> -> memref<208x64xf32, #tpu.memory_space<vmem>>
      tpu.wait_dma2 semaphore(%run_scoped3A : memref<!tpu.dma_semaphore, #tpu.memory_space<semaphore_mem>>) src(%dma_wait3A_802 : memref<208x64xf32, #tpu.memory_space<vmem>>) dst(%dma_wait3A_799 : memref<208x64xf32, #tpu.memory_space<hbm>>)
      tpu.yield
    }) : () -> ()
    %add3A_370 = arith.constant 208 : i32
    %add3A_371 = arith.addi %mul3A_0, %add3A_370 : i32
    "tpu.region"() ({
      %run_scoped3A = tpu.sem_alloc : memref<!tpu.dma_semaphore, #tpu.memory_space<semaphore_mem>>
      %dma_start3A_783 = arith.constant 0 : i32
      %dma_start3A_784 = arith.constant 0 : i32
      %dma_start3A_785 = tpu.memref_slice %arg22[%dma_start3A_783, %dma_start3A_784] : memref<208x64xf32, #tpu.memory_space<vmem>> -> memref<208x64xf32, #tpu.memory_space<vmem>>
      %dma_start3A_786 = arith.constant 0 : i32
      %dma_start3A_787 = tpu.memref_slice %arg9[%add3A_371, %dma_start3A_786] : memref<10008x64xf32, #tpu.memory_space<vmem_shared>> -> memref<208x64xf32, #tpu.memory_space<vmem_shared>>
      %dma_start3A_788 = arith.constant 0 : i32
      %dma_start3A_789 = arith.constant 0 : i32
      %dma_start3A_790 = tpu.memref_slice %arg22[%dma_start3A_788, %dma_start3A_789] : memref<208x64xf32, #tpu.memory_space<vmem>> -> memref<208x64xf32, #tpu.memory_space<vmem>>
      %dma_start3A_791 = arith.constant 0 : i32
      %dma_start3A_792 = tpu.memref_slice %arg9[%add3A_371, %dma_start3A_791] : memref<10008x64xf32, #tpu.memory_space<vmem_shared>> -> memref<208x64xf32, #tpu.memory_space<vmem_shared>>
      tpu.enqueue_dma source(%dma_start3A_792 : memref<208x64xf32, #tpu.memory_space<vmem_shared>>) target(%dma_start3A_790 : memref<208x64xf32, #tpu.memory_space<vmem>>) target_semaphore(%run_scoped3A : memref<!tpu.dma_semaphore, #tpu.memory_space<semaphore_mem>>)
      %dma_wait3A_793 = arith.constant 0 : i32
      %dma_wait3A_794 = arith.constant 0 : i32
      %dma_wait3A_795 = tpu.memref_slice %arg22[%dma_wait3A_793, %dma_wait3A_794] : memref<208x64xf32, #tpu.memory_space<vmem>> -> memref<208x64xf32, #tpu.memory_space<vmem>>
      %dma_wait3A_796 = arith.constant 0 : i32
      %dma_wait3A_797 = tpu.memref_slice %arg9[%add3A_371, %dma_wait3A_796] : memref<10008x64xf32, #tpu.memory_space<vmem_shared>> -> memref<208x64xf32, #tpu.memory_space<vmem_shared>>
      %dma_wait3A_798 = arith.constant 0 : i32
      %dma_wait3A_799 = arith.constant 0 : i32
      %dma_wait3A_800 = tpu.memref_slice %arg22[%dma_wait3A_798, %dma_wait3A_799] : memref<208x64xf32, #tpu.memory_space<vmem>> -> memref<208x64xf32, #tpu.memory_space<vmem>>
      %dma_wait3A_801 = arith.constant 0 : i32
      %dma_wait3A_802 = tpu.memref_slice %arg9[%add3A_371, %dma_wait3A_801] : memref<10008x64xf32, #tpu.memory_space<vmem_shared>> -> memref<208x64xf32, #tpu.memory_space<vmem_shared>>
      tpu.wait_dma2 semaphore(%run_scoped3A : memref<!tpu.dma_semaphore, #tpu.memory_space<semaphore_mem>>) src(%dma_wait3A_802 : memref<208x64xf32, #tpu.memory_space<vmem_shared>>) dst(%dma_wait3A_800 : memref<208x64xf32, #tpu.memory_space<vmem>>)
      tpu.yield
    }) : () -> ()
    "tpu.region"() ({
      %run_scoped3A = tpu.sem_alloc : memref<!tpu.dma_semaphore, #tpu.memory_space<semaphore_mem>>
      %dma_start3A_783 = arith.constant 0 : i32
      %dma_start3A_784 = tpu.memref_slice %arg23[%dma_start3A_783] : memref<208xf32, #tpu.memory_space<vmem>> -> memref<208xf32, #tpu.memory_space<vmem>>
      %dma_start3A_785 = tpu.memref_slice %arg11[%add3A_371] : memref<10008xf32, #tpu.memory_space<vmem_shared>> -> memref<208xf32, #tpu.memory_space<vmem_shared>>
      %dma_start3A_786 = arith.constant 0 : i32
      %dma_start3A_787 = tpu.memref_slice %arg23[%dma_start3A_786] : memref<208xf32, #tpu.memory_space<vmem>> -> memref<208xf32, #tpu.memory_space<vmem>>
      %dma_start3A_788 = tpu.memref_slice %arg11[%add3A_371] : memref<10008xf32, #tpu.memory_space<vmem_shared>> -> memref<208xf32, #tpu.memory_space<vmem_shared>>
      tpu.enqueue_dma source(%dma_start3A_788 : memref<208xf32, #tpu.memory_space<vmem_shared>>) target(%dma_start3A_787 : memref<208xf32, #tpu.memory_space<vmem>>) target_semaphore(%run_scoped3A : memref<!tpu.dma_semaphore, #tpu.memory_space<semaphore_mem>>)
      %dma_wait3A_789 = arith.constant 0 : i32
      %dma_wait3A_790 = tpu.memref_slice %arg23[%dma_wait3A_789] : memref<208xf32, #tpu.memory_space<vmem>> -> memref<208xf32, #tpu.memory_space<vmem>>
      %dma_wait3A_791 = tpu.memref_slice %arg11[%add3A_371] : memref<10008xf32, #tpu.memory_space<vmem_shared>> -> memref<208xf32, #tpu.memory_space<vmem_shared>>
      %dma_wait3A_792 = arith.constant 0 : i32
      %dma_wait3A_793 = tpu.memref_slice %arg23[%dma_wait3A_792] : memref<208xf32, #tpu.memory_space<vmem>> -> memref<208xf32, #tpu.memory_space<vmem>>
      %dma_wait3A_794 = tpu.memref_slice %arg11[%add3A_371] : memref<10008xf32, #tpu.memory_space<vmem_shared>> -> memref<208xf32, #tpu.memory_space<vmem_shared>>
      tpu.wait_dma2 semaphore(%run_scoped3A : memref<!tpu.dma_semaphore, #tpu.memory_space<semaphore_mem>>) src(%dma_wait3A_794 : memref<208xf32, #tpu.memory_space<vmem_shared>>) dst(%dma_wait3A_793 : memref<208xf32, #tpu.memory_space<vmem>>)
      tpu.yield
    }) : () -> ()
    %scan3A_372 = arith.constant 0 : i32
    %scan3A_373 = arith.constant 0 : i32
    %scan3A_374 = arith.constant 208 : i32
    %scan3A_375 = arith.addi %scan3A_373, %scan3A_374 : i32
    %scan3A_376 = arith.constant 1 : i32
    %scan3A_377 = scf.for %scan3A_783 = %scan3A_373 to %scan3A_375 step %scan3A_376 iter_args(%scan3A_784 = %scan3A_372) -> (i32)  : i32 {
      %broadcast_in_dim3A = vector.broadcast %scan3A_783 : i32 to vector<16xi32>
      %gather3A = tpu.vector_load_idx %arg23[%broadcast_in_dim3A] : memref<208xf32, #tpu.memory_space<vmem>>[vector<16xi32>], vector<16xf32>,
      %max3A = arith.constant 1.000000e+00 : f32
      %max3A_785 = vector.broadcast %max3A : f32 to vector<16xf32>
      %max3A_786 = arith.maximumf %gather3A, %max3A_785 : vector<16xf32>
      %div3A = arith.constant 1.000000e+00 : f32
      %div3A_787 = vector.broadcast %div3A : f32 to vector<16xf32>
      %div3A_788 = arith.divf %div3A_787, %max3A_786 : vector<16xf32>
      %get3A_789 = arith.index_cast %scan3A_783 : i32 to index
      %get3A_790 = arith.constant 0 : index
      %get3A_791 = tpu.vector_load %arg22[%get3A_789, %get3A_790] {strides = array<i32>} : memref<208x64xf32, #tpu.memory_space<vmem>>, vector<16xf32>,
      %mul3A_792 = arith.mulf %get3A_791, %div3A_788 : vector<16xf32>
      %swap3A_793 = arith.index_cast %scan3A_783 : i32 to index
      %swap3A_794 = arith.constant 0 : index
      %swap3A_795 = tpu.vector_load %arg22[%swap3A_793, %swap3A_794] {strides = array<i32>} : memref<208x64xf32, #tpu.memory_space<vmem>>, vector<16xf32>,
      tpu.vector_store %arg22[%swap3A_793, %swap3A_794], %mul3A_792 {strides = array<i32>} : memref<208x64xf32, #tpu.memory_space<vmem>>, vector<16xf32>,
      %get3A_796 = arith.index_cast %scan3A_783 : i32 to index
      %get3A_797 = arith.constant 16 : index
      %get3A_798 = tpu.vector_load %arg22[%get3A_796, %get3A_797] {strides = array<i32>} : memref<208x64xf32, #tpu.memory_space<vmem>>, vector<16xf32>,
      %mul3A_799 = arith.mulf %get3A_798, %div3A_788 : vector<16xf32>
      %swap3A_800 = arith.index_cast %scan3A_783 : i32 to index
      %swap3A_801 = arith.constant 16 : index
      %swap3A_802 = tpu.vector_load %arg22[%swap3A_800, %swap3A_801] {strides = array<i32>} : memref<208x64xf32, #tpu.memory_space<vmem>>, vector<16xf32>,
      tpu.vector_store %arg22[%swap3A_800, %swap3A_801], %mul3A_799 {strides = array<i32>} : memref<208x64xf32, #tpu.memory_space<vmem>>, vector<16xf32>,
      %get3A_803 = arith.index_cast %scan3A_783 : i32 to index
      %get3A_804 = arith.constant 32 : index
      %get3A_805 = tpu.vector_load %arg22[%get3A_803, %get3A_804] {strides = array<i32>} : memref<208x64xf32, #tpu.memory_space<vmem>>, vector<16xf32>,
      %mul3A_806 = arith.mulf %get3A_805, %div3A_788 : vector<16xf32>
      %swap3A_807 = arith.index_cast %scan3A_783 : i32 to index
      %swap3A_808 = arith.constant 32 : index
      %swap3A_809 = tpu.vector_load %arg22[%swap3A_807, %swap3A_808] {strides = array<i32>} : memref<208x64xf32, #tpu.memory_space<vmem>>, vector<16xf32>,
      tpu.vector_store %arg22[%swap3A_807, %swap3A_808], %mul3A_806 {strides = array<i32>} : memref<208x64xf32, #tpu.memory_space<vmem>>, vector<16xf32>,
      %get3A_810 = arith.index_cast %scan3A_783 : i32 to index
      %get3A_811 = arith.constant 48 : index
      %get3A_812 = tpu.vector_load %arg22[%get3A_810, %get3A_811] {strides = array<i32>} : memref<208x64xf32, #tpu.memory_space<vmem>>, vector<16xf32>,
      %mul3A_813 = arith.mulf %get3A_812, %div3A_788 : vector<16xf32>
      %swap3A_814 = arith.index_cast %scan3A_783 : i32 to index
      %swap3A_815 = arith.constant 48 : index
      %swap3A_816 = tpu.vector_load %arg22[%swap3A_814, %swap3A_815] {strides = array<i32>} : memref<208x64xf32, #tpu.memory_space<vmem>>, vector<16xf32>,
      tpu.vector_store %arg22[%swap3A_814, %swap3A_815], %mul3A_813 {strides = array<i32>} : memref<208x64xf32, #tpu.memory_space<vmem>>, vector<16xf32>,
      %scan3A_817 = arith.constant 0 : i32
      scf.yield %scan3A_817 : i32
    }
    %scan3A_378 = arith.constant 208 : i32
    "tpu.region"() ({
      %run_scoped3A = tpu.sem_alloc : memref<!tpu.dma_semaphore, #tpu.memory_space<semaphore_mem>>
      %dma_start3A_783 = arith.constant 0 : i32
      %dma_start3A_784 = arith.constant 0 : i32
      %dma_start3A_785 = tpu.memref_slice %arg22[%dma_start3A_783, %dma_start3A_784] : memref<208x64xf32, #tpu.memory_space<vmem>> -> memref<208x64xf32, #tpu.memory_space<vmem>>
      %dma_start3A_786 = arith.constant 0 : i32
      %dma_start3A_787 = tpu.memref_slice %arg9[%add3A_371, %dma_start3A_786] : memref<10008x64xf32, #tpu.memory_space<vmem_shared>> -> memref<208x64xf32, #tpu.memory_space<vmem_shared>>
      %dma_start3A_788 = arith.constant 0 : i32
      %dma_start3A_789 = tpu.memref_slice %arg9[%add3A_371, %dma_start3A_788] : memref<10008x64xf32, #tpu.memory_space<vmem_shared>> -> memref<208x64xf32, #tpu.memory_space<vmem_shared>>
      %dma_start3A_790 = arith.constant 0 : i32
      %dma_start3A_791 = arith.constant 0 : i32
      %dma_start3A_792 = tpu.memref_slice %arg22[%dma_start3A_790, %dma_start3A_791] : memref<208x64xf32, #tpu.memory_space<vmem>> -> memref<208x64xf32, #tpu.memory_space<vmem>>
      tpu.enqueue_dma source(%dma_start3A_792 : memref<208x64xf32, #tpu.memory_space<vmem>>) target(%dma_start3A_789 : memref<208x64xf32, #tpu.memory_space<vmem_shared>>) target_semaphore(%run_scoped3A : memref<!tpu.dma_semaphore, #tpu.memory_space<semaphore_mem>>)
      %dma_wait3A_793 = arith.constant 0 : i32
      %dma_wait3A_794 = arith.constant 0 : i32
      %dma_wait3A_795 = tpu.memref_slice %arg22[%dma_wait3A_793, %dma_wait3A_794] : memref<208x64xf32, #tpu.memory_space<vmem>> -> memref<208x64xf32, #tpu.memory_space<vmem>>
      %dma_wait3A_796 = arith.constant 0 : i32
      %dma_wait3A_797 = tpu.memref_slice %arg9[%add3A_371, %dma_wait3A_796] : memref<10008x64xf32, #tpu.memory_space<vmem_shared>> -> memref<208x64xf32, #tpu.memory_space<vmem_shared>>
      %dma_wait3A_798 = arith.constant 0 : i32
      %dma_wait3A_799 = tpu.memref_slice %arg9[%add3A_371, %dma_wait3A_798] : memref<10008x64xf32, #tpu.memory_space<vmem_shared>> -> memref<208x64xf32, #tpu.memory_space<vmem_shared>>
      %dma_wait3A_800 = arith.constant 0 : i32
      %dma_wait3A_801 = arith.constant 0 : i32
      %dma_wait3A_802 = tpu.memref_slice %arg22[%dma_wait3A_800, %dma_wait3A_801] : memref<208x64xf32, #tpu.memory_space<vmem>> -> memref<208x64xf32, #tpu.memory_space<vmem>>
      tpu.wait_dma2 semaphore(%run_scoped3A : memref<!tpu.dma_semaphore, #tpu.memory_space<semaphore_mem>>) src(%dma_wait3A_802 : memref<208x64xf32, #tpu.memory_space<vmem>>) dst(%dma_wait3A_799 : memref<208x64xf32, #tpu.memory_space<vmem_shared>>)
      tpu.yield
    }) : () -> ()
    %add3A_379 = arith.addi %mul3A_2, %add3A_371 : i32
    "tpu.region"() ({
      %run_scoped3A = tpu.sem_alloc : memref<!tpu.dma_semaphore, #tpu.memory_space<semaphore_mem>>
      %dma_start3A_783 = arith.constant 0 : i32
      %dma_start3A_784 = arith.constant 0 : i32
      %dma_start3A_785 = tpu.memref_slice %arg22[%dma_start3A_783, %dma_start3A_784] : memref<208x64xf32, #tpu.memory_space<vmem>> -> memref<208x64xf32, #tpu.memory_space<vmem>>
      %dma_start3A_786 = arith.constant 0 : i32
      %dma_start3A_787 = tpu.memref_slice %arg7[%add3A_379, %dma_start3A_786] : memref<20000x64xf32, #tpu.memory_space<hbm>> -> memref<208x64xf32, #tpu.memory_space<hbm>>
      %dma_start3A_788 = arith.constant 0 : i32
      %dma_start3A_789 = tpu.memref_slice %arg7[%add3A_379, %dma_start3A_788] : memref<20000x64xf32, #tpu.memory_space<hbm>> -> memref<208x64xf32, #tpu.memory_space<hbm>>
      %dma_start3A_790 = arith.constant 0 : i32
      %dma_start3A_791 = arith.constant 0 : i32
      %dma_start3A_792 = tpu.memref_slice %arg22[%dma_start3A_790, %dma_start3A_791] : memref<208x64xf32, #tpu.memory_space<vmem>> -> memref<208x64xf32, #tpu.memory_space<vmem>>
      tpu.enqueue_dma source(%dma_start3A_792 : memref<208x64xf32, #tpu.memory_space<vmem>>) target(%dma_start3A_789 : memref<208x64xf32, #tpu.memory_space<hbm>>) target_semaphore(%run_scoped3A : memref<!tpu.dma_semaphore, #tpu.memory_space<semaphore_mem>>)
      %dma_wait3A_793 = arith.constant 0 : i32
      %dma_wait3A_794 = arith.constant 0 : i32
      %dma_wait3A_795 = tpu.memref_slice %arg22[%dma_wait3A_793, %dma_wait3A_794] : memref<208x64xf32, #tpu.memory_space<vmem>> -> memref<208x64xf32, #tpu.memory_space<vmem>>
      %dma_wait3A_796 = arith.constant 0 : i32
      %dma_wait3A_797 = tpu.memref_slice %arg7[%add3A_379, %dma_wait3A_796] : memref<20000x64xf32, #tpu.memory_space<hbm>> -> memref<208x64xf32, #tpu.memory_space<hbm>>
      %dma_wait3A_798 = arith.constant 0 : i32
      %dma_wait3A_799 = tpu.memref_slice %arg7[%add3A_379, %dma_wait3A_798] : memref<20000x64xf32, #tpu.memory_space<hbm>> -> memref<208x64xf32, #tpu.memory_space<hbm>>
      %dma_wait3A_800 = arith.constant 0 : i32
      %dma_wait3A_801 = arith.constant 0 : i32
      %dma_wait3A_802 = tpu.memref_slice %arg22[%dma_wait3A_800, %dma_wait3A_801] : memref<208x64xf32, #tpu.memory_space<vmem>> -> memref<208x64xf32, #tpu.memory_space<vmem>>
      tpu.wait_dma2 semaphore(%run_scoped3A : memref<!tpu.dma_semaphore, #tpu.memory_space<semaphore_mem>>) src(%dma_wait3A_802 : memref<208x64xf32, #tpu.memory_space<vmem>>) dst(%dma_wait3A_799 : memref<208x64xf32, #tpu.memory_space<hbm>>)
      tpu.yield
    }) : () -> ()
    %add3A_380 = arith.constant 416 : i32
    %add3A_381 = arith.addi %mul3A_0, %add3A_380 : i32
    "tpu.region"() ({
      %run_scoped3A = tpu.sem_alloc : memref<!tpu.dma_semaphore, #tpu.memory_space<semaphore_mem>>
      %dma_start3A_783 = arith.constant 0 : i32
      %dma_start3A_784 = arith.constant 0 : i32
      %dma_start3A_785 = tpu.memref_slice %arg22[%dma_start3A_783, %dma_start3A_784] : memref<208x64xf32, #tpu.memory_space<vmem>> -> memref<208x64xf32, #tpu.memory_space<vmem>>
      %dma_start3A_786 = arith.constant 0 : i32
      %dma_start3A_787 = tpu.memref_slice %arg9[%add3A_381, %dma_start3A_786] : memref<10008x64xf32, #tpu.memory_space<vmem_shared>> -> memref<208x64xf32, #tpu.memory_space<vmem_shared>>
      %dma_start3A_788 = arith.constant 0 : i32
      %dma_start3A_789 = arith.constant 0 : i32
      %dma_start3A_790 = tpu.memref_slice %arg22[%dma_start3A_788, %dma_start3A_789] : memref<208x64xf32, #tpu.memory_space<vmem>> -> memref<208x64xf32, #tpu.memory_space<vmem>>
      %dma_start3A_791 = arith.constant 0 : i32
      %dma_start3A_792 = tpu.memref_slice %arg9[%add3A_381, %dma_start3A_791] : memref<10008x64xf32, #tpu.memory_space<vmem_shared>> -> memref<208x64xf32, #tpu.memory_space<vmem_shared>>
      tpu.enqueue_dma source(%dma_start3A_792 : memref<208x64xf32, #tpu.memory_space<vmem_shared>>) target(%dma_start3A_790 : memref<208x64xf32, #tpu.memory_space<vmem>>) target_semaphore(%run_scoped3A : memref<!tpu.dma_semaphore, #tpu.memory_space<semaphore_mem>>)
      %dma_wait3A_793 = arith.constant 0 : i32
      %dma_wait3A_794 = arith.constant 0 : i32
      %dma_wait3A_795 = tpu.memref_slice %arg22[%dma_wait3A_793, %dma_wait3A_794] : memref<208x64xf32, #tpu.memory_space<vmem>> -> memref<208x64xf32, #tpu.memory_space<vmem>>
      %dma_wait3A_796 = arith.constant 0 : i32
      %dma_wait3A_797 = tpu.memref_slice %arg9[%add3A_381, %dma_wait3A_796] : memref<10008x64xf32, #tpu.memory_space<vmem_shared>> -> memref<208x64xf32, #tpu.memory_space<vmem_shared>>
      %dma_wait3A_798 = arith.constant 0 : i32
      %dma_wait3A_799 = arith.constant 0 : i32
      %dma_wait3A_800 = tpu.memref_slice %arg22[%dma_wait3A_798, %dma_wait3A_799] : memref<208x64xf32, #tpu.memory_space<vmem>> -> memref<208x64xf32, #tpu.memory_space<vmem>>
      %dma_wait3A_801 = arith.constant 0 : i32
      %dma_wait3A_802 = tpu.memref_slice %arg9[%add3A_381, %dma_wait3A_801] : memref<10008x64xf32, #tpu.memory_space<vmem_shared>> -> memref<208x64xf32, #tpu.memory_space<vmem_shared>>
      tpu.wait_dma2 semaphore(%run_scoped3A : memref<!tpu.dma_semaphore, #tpu.memory_space<semaphore_mem>>) src(%dma_wait3A_802 : memref<208x64xf32, #tpu.memory_space<vmem_shared>>) dst(%dma_wait3A_800 : memref<208x64xf32, #tpu.memory_space<vmem>>)
      tpu.yield
    }) : () -> ()
    "tpu.region"() ({
      %run_scoped3A = tpu.sem_alloc : memref<!tpu.dma_semaphore, #tpu.memory_space<semaphore_mem>>
      %dma_start3A_783 = arith.constant 0 : i32
      %dma_start3A_784 = tpu.memref_slice %arg23[%dma_start3A_783] : memref<208xf32, #tpu.memory_space<vmem>> -> memref<208xf32, #tpu.memory_space<vmem>>
      %dma_start3A_785 = tpu.memref_slice %arg11[%add3A_381] : memref<10008xf32, #tpu.memory_space<vmem_shared>> -> memref<208xf32, #tpu.memory_space<vmem_shared>>
      %dma_start3A_786 = arith.constant 0 : i32
      %dma_start3A_787 = tpu.memref_slice %arg23[%dma_start3A_786] : memref<208xf32, #tpu.memory_space<vmem>> -> memref<208xf32, #tpu.memory_space<vmem>>
      %dma_start3A_788 = tpu.memref_slice %arg11[%add3A_381] : memref<10008xf32, #tpu.memory_space<vmem_shared>> -> memref<208xf32, #tpu.memory_space<vmem_shared>>
      tpu.enqueue_dma source(%dma_start3A_788 : memref<208xf32, #tpu.memory_space<vmem_shared>>) target(%dma_start3A_787 : memref<208xf32, #tpu.memory_space<vmem>>) target_semaphore(%run_scoped3A : memref<!tpu.dma_semaphore, #tpu.memory_space<semaphore_mem>>)
      %dma_wait3A_789 = arith.constant 0 : i32
      %dma_wait3A_790 = tpu.memref_slice %arg23[%dma_wait3A_789] : memref<208xf32, #tpu.memory_space<vmem>> -> memref<208xf32, #tpu.memory_space<vmem>>
      %dma_wait3A_791 = tpu.memref_slice %arg11[%add3A_381] : memref<10008xf32, #tpu.memory_space<vmem_shared>> -> memref<208xf32, #tpu.memory_space<vmem_shared>>
      %dma_wait3A_792 = arith.constant 0 : i32
      %dma_wait3A_793 = tpu.memref_slice %arg23[%dma_wait3A_792] : memref<208xf32, #tpu.memory_space<vmem>> -> memref<208xf32, #tpu.memory_space<vmem>>
      %dma_wait3A_794 = tpu.memref_slice %arg11[%add3A_381] : memref<10008xf32, #tpu.memory_space<vmem_shared>> -> memref<208xf32, #tpu.memory_space<vmem_shared>>
      tpu.wait_dma2 semaphore(%run_scoped3A : memref<!tpu.dma_semaphore, #tpu.memory_space<semaphore_mem>>) src(%dma_wait3A_794 : memref<208xf32, #tpu.memory_space<vmem_shared>>) dst(%dma_wait3A_793 : memref<208xf32, #tpu.memory_space<vmem>>)
      tpu.yield
    }) : () -> ()
    %scan3A_382 = arith.constant 0 : i32
    %scan3A_383 = arith.constant 0 : i32
    %scan3A_384 = arith.constant 208 : i32
    %scan3A_385 = arith.addi %scan3A_383, %scan3A_384 : i32
    %scan3A_386 = arith.constant 1 : i32
    %scan3A_387 = scf.for %scan3A_783 = %scan3A_383 to %scan3A_385 step %scan3A_386 iter_args(%scan3A_784 = %scan3A_382) -> (i32)  : i32 {
      %broadcast_in_dim3A = vector.broadcast %scan3A_783 : i32 to vector<16xi32>
      %gather3A = tpu.vector_load_idx %arg23[%broadcast_in_dim3A] : memref<208xf32, #tpu.memory_space<vmem>>[vector<16xi32>], vector<16xf32>,
      %max3A = arith.constant 1.000000e+00 : f32
      %max3A_785 = vector.broadcast %max3A : f32 to vector<16xf32>
      %max3A_786 = arith.maximumf %gather3A, %max3A_785 : vector<16xf32>
      %div3A = arith.constant 1.000000e+00 : f32
      %div3A_787 = vector.broadcast %div3A : f32 to vector<16xf32>
      %div3A_788 = arith.divf %div3A_787, %max3A_786 : vector<16xf32>
      %get3A_789 = arith.index_cast %scan3A_783 : i32 to index
      %get3A_790 = arith.constant 0 : index
      %get3A_791 = tpu.vector_load %arg22[%get3A_789, %get3A_790] {strides = array<i32>} : memref<208x64xf32, #tpu.memory_space<vmem>>, vector<16xf32>,
      %mul3A_792 = arith.mulf %get3A_791, %div3A_788 : vector<16xf32>
      %swap3A_793 = arith.index_cast %scan3A_783 : i32 to index
      %swap3A_794 = arith.constant 0 : index
      %swap3A_795 = tpu.vector_load %arg22[%swap3A_793, %swap3A_794] {strides = array<i32>} : memref<208x64xf32, #tpu.memory_space<vmem>>, vector<16xf32>,
      tpu.vector_store %arg22[%swap3A_793, %swap3A_794], %mul3A_792 {strides = array<i32>} : memref<208x64xf32, #tpu.memory_space<vmem>>, vector<16xf32>,
      %get3A_796 = arith.index_cast %scan3A_783 : i32 to index
      %get3A_797 = arith.constant 16 : index
      %get3A_798 = tpu.vector_load %arg22[%get3A_796, %get3A_797] {strides = array<i32>} : memref<208x64xf32, #tpu.memory_space<vmem>>, vector<16xf32>,
      %mul3A_799 = arith.mulf %get3A_798, %div3A_788 : vector<16xf32>
      %swap3A_800 = arith.index_cast %scan3A_783 : i32 to index
      %swap3A_801 = arith.constant 16 : index
      %swap3A_802 = tpu.vector_load %arg22[%swap3A_800, %swap3A_801] {strides = array<i32>} : memref<208x64xf32, #tpu.memory_space<vmem>>, vector<16xf32>,
      tpu.vector_store %arg22[%swap3A_800, %swap3A_801], %mul3A_799 {strides = array<i32>} : memref<208x64xf32, #tpu.memory_space<vmem>>, vector<16xf32>,
      %get3A_803 = arith.index_cast %scan3A_783 : i32 to index
      %get3A_804 = arith.constant 32 : index
      %get3A_805 = tpu.vector_load %arg22[%get3A_803, %get3A_804] {strides = array<i32>} : memref<208x64xf32, #tpu.memory_space<vmem>>, vector<16xf32>,
      %mul3A_806 = arith.mulf %get3A_805, %div3A_788 : vector<16xf32>
      %swap3A_807 = arith.index_cast %scan3A_783 : i32 to index
      %swap3A_808 = arith.constant 32 : index
      %swap3A_809 = tpu.vector_load %arg22[%swap3A_807, %swap3A_808] {strides = array<i32>} : memref<208x64xf32, #tpu.memory_space<vmem>>, vector<16xf32>,
      tpu.vector_store %arg22[%swap3A_807, %swap3A_808], %mul3A_806 {strides = array<i32>} : memref<208x64xf32, #tpu.memory_space<vmem>>, vector<16xf32>,
      %get3A_810 = arith.index_cast %scan3A_783 : i32 to index
      %get3A_811 = arith.constant 48 : index
      %get3A_812 = tpu.vector_load %arg22[%get3A_810, %get3A_811] {strides = array<i32>} : memref<208x64xf32, #tpu.memory_space<vmem>>, vector<16xf32>,
      %mul3A_813 = arith.mulf %get3A_812, %div3A_788 : vector<16xf32>
      %swap3A_814 = arith.index_cast %scan3A_783 : i32 to index
      %swap3A_815 = arith.constant 48 : index
      %swap3A_816 = tpu.vector_load %arg22[%swap3A_814, %swap3A_815] {strides = array<i32>} : memref<208x64xf32, #tpu.memory_space<vmem>>, vector<16xf32>,
      tpu.vector_store %arg22[%swap3A_814, %swap3A_815], %mul3A_813 {strides = array<i32>} : memref<208x64xf32, #tpu.memory_space<vmem>>, vector<16xf32>,
      %scan3A_817 = arith.constant 0 : i32
      scf.yield %scan3A_817 : i32
    }
    %scan3A_388 = arith.constant 208 : i32
    "tpu.region"() ({
      %run_scoped3A = tpu.sem_alloc : memref<!tpu.dma_semaphore, #tpu.memory_space<semaphore_mem>>
      %dma_start3A_783 = arith.constant 0 : i32
      %dma_start3A_784 = arith.constant 0 : i32
      %dma_start3A_785 = tpu.memref_slice %arg22[%dma_start3A_783, %dma_start3A_784] : memref<208x64xf32, #tpu.memory_space<vmem>> -> memref<208x64xf32, #tpu.memory_space<vmem>>
      %dma_start3A_786 = arith.constant 0 : i32
      %dma_start3A_787 = tpu.memref_slice %arg9[%add3A_381, %dma_start3A_786] : memref<10008x64xf32, #tpu.memory_space<vmem_shared>> -> memref<208x64xf32, #tpu.memory_space<vmem_shared>>
      %dma_start3A_788 = arith.constant 0 : i32
      %dma_start3A_789 = tpu.memref_slice %arg9[%add3A_381, %dma_start3A_788] : memref<10008x64xf32, #tpu.memory_space<vmem_shared>> -> memref<208x64xf32, #tpu.memory_space<vmem_shared>>
      %dma_start3A_790 = arith.constant 0 : i32
      %dma_start3A_791 = arith.constant 0 : i32
      %dma_start3A_792 = tpu.memref_slice %arg22[%dma_start3A_790, %dma_start3A_791] : memref<208x64xf32, #tpu.memory_space<vmem>> -> memref<208x64xf32, #tpu.memory_space<vmem>>
      tpu.enqueue_dma source(%dma_start3A_792 : memref<208x64xf32, #tpu.memory_space<vmem>>) target(%dma_start3A_789 : memref<208x64xf32, #tpu.memory_space<vmem_shared>>) target_semaphore(%run_scoped3A : memref<!tpu.dma_semaphore, #tpu.memory_space<semaphore_mem>>)
      %dma_wait3A_793 = arith.constant 0 : i32
      %dma_wait3A_794 = arith.constant 0 : i32
      %dma_wait3A_795 = tpu.memref_slice %arg22[%dma_wait3A_793, %dma_wait3A_794] : memref<208x64xf32, #tpu.memory_space<vmem>> -> memref<208x64xf32, #tpu.memory_space<vmem>>
      %dma_wait3A_796 = arith.constant 0 : i32
      %dma_wait3A_797 = tpu.memref_slice %arg9[%add3A_381, %dma_wait3A_796] : memref<10008x64xf32, #tpu.memory_space<vmem_shared>> -> memref<208x64xf32, #tpu.memory_space<vmem_shared>>
      %dma_wait3A_798 = arith.constant 0 : i32
      %dma_wait3A_799 = tpu.memref_slice %arg9[%add3A_381, %dma_wait3A_798] : memref<10008x64xf32, #tpu.memory_space<vmem_shared>> -> memref<208x64xf32, #tpu.memory_space<vmem_shared>>
      %dma_wait3A_800 = arith.constant 0 : i32
      %dma_wait3A_801 = arith.constant 0 : i32
      %dma_wait3A_802 = tpu.memref_slice %arg22[%dma_wait3A_800, %dma_wait3A_801] : memref<208x64xf32, #tpu.memory_space<vmem>> -> memref<208x64xf32, #tpu.memory_space<vmem>>
      tpu.wait_dma2 semaphore(%run_scoped3A : memref<!tpu.dma_semaphore, #tpu.memory_space<semaphore_mem>>) src(%dma_wait3A_802 : memref<208x64xf32, #tpu.memory_space<vmem>>) dst(%dma_wait3A_799 : memref<208x64xf32, #tpu.memory_space<vmem_shared>>)
      tpu.yield
    }) : () -> ()
    %add3A_389 = arith.addi %mul3A_2, %add3A_381 : i32
    "tpu.region"() ({
      %run_scoped3A = tpu.sem_alloc : memref<!tpu.dma_semaphore, #tpu.memory_space<semaphore_mem>>
      %dma_start3A_783 = arith.constant 0 : i32
      %dma_start3A_784 = arith.constant 0 : i32
      %dma_start3A_785 = tpu.memref_slice %arg22[%dma_start3A_783, %dma_start3A_784] : memref<208x64xf32, #tpu.memory_space<vmem>> -> memref<208x64xf32, #tpu.memory_space<vmem>>
      %dma_start3A_786 = arith.constant 0 : i32
      %dma_start3A_787 = tpu.memref_slice %arg7[%add3A_389, %dma_start3A_786] : memref<20000x64xf32, #tpu.memory_space<hbm>> -> memref<208x64xf32, #tpu.memory_space<hbm>>
      %dma_start3A_788 = arith.constant 0 : i32
      %dma_start3A_789 = tpu.memref_slice %arg7[%add3A_389, %dma_start3A_788] : memref<20000x64xf32, #tpu.memory_space<hbm>> -> memref<208x64xf32, #tpu.memory_space<hbm>>
      %dma_start3A_790 = arith.constant 0 : i32
      %dma_start3A_791 = arith.constant 0 : i32
      %dma_start3A_792 = tpu.memref_slice %arg22[%dma_start3A_790, %dma_start3A_791] : memref<208x64xf32, #tpu.memory_space<vmem>> -> memref<208x64xf32, #tpu.memory_space<vmem>>
      tpu.enqueue_dma source(%dma_start3A_792 : memref<208x64xf32, #tpu.memory_space<vmem>>) target(%dma_start3A_789 : memref<208x64xf32, #tpu.memory_space<hbm>>) target_semaphore(%run_scoped3A : memref<!tpu.dma_semaphore, #tpu.memory_space<semaphore_mem>>)
      %dma_wait3A_793 = arith.constant 0 : i32
      %dma_wait3A_794 = arith.constant 0 : i32
      %dma_wait3A_795 = tpu.memref_slice %arg22[%dma_wait3A_793, %dma_wait3A_794] : memref<208x64xf32, #tpu.memory_space<vmem>> -> memref<208x64xf32, #tpu.memory_space<vmem>>
      %dma_wait3A_796 = arith.constant 0 : i32
      %dma_wait3A_797 = tpu.memref_slice %arg7[%add3A_389, %dma_wait3A_796] : memref<20000x64xf32, #tpu.memory_space<hbm>> -> memref<208x64xf32, #tpu.memory_space<hbm>>
      %dma_wait3A_798 = arith.constant 0 : i32
      %dma_wait3A_799 = tpu.memref_slice %arg7[%add3A_389, %dma_wait3A_798] : memref<20000x64xf32, #tpu.memory_space<hbm>> -> memref<208x64xf32, #tpu.memory_space<hbm>>
      %dma_wait3A_800 = arith.constant 0 : i32
      %dma_wait3A_801 = arith.constant 0 : i32
      %dma_wait3A_802 = tpu.memref_slice %arg22[%dma_wait3A_800, %dma_wait3A_801] : memref<208x64xf32, #tpu.memory_space<vmem>> -> memref<208x64xf32, #tpu.memory_space<vmem>>
      tpu.wait_dma2 semaphore(%run_scoped3A : memref<!tpu.dma_semaphore, #tpu.memory_space<semaphore_mem>>) src(%dma_wait3A_802 : memref<208x64xf32, #tpu.memory_space<vmem>>) dst(%dma_wait3A_799 : memref<208x64xf32, #tpu.memory_space<hbm>>)
      tpu.yield
    }) : () -> ()
    %eq3A_390 = arith.constant 15 : i32
    %eq3A_391 = arith.cmpi eq, %arg1, %eq3A_390 : i32
    %convert_element_type3A_392 = arith.extui %eq3A_391 : i1 to i32
    %cond3A_393 = arith.constant 0 : i32
    %cond3A_394 = arith.cmpi ne, %convert_element_type3A_392, %cond3A_393 : i32
    scf.if %cond3A_394 {
      "tpu.region"() ({
        %run_scoped3A = tpu.sem_alloc : memref<!tpu.dma_semaphore, #tpu.memory_space<semaphore_mem>>
        %dma_start3A_792 = arith.constant 0 : i32
        %dma_start3A_793 = arith.constant 0 : i32
        %dma_start3A_794 = tpu.memref_slice %arg22[%dma_start3A_792, %dma_start3A_793] : memref<208x64xf32, #tpu.memory_space<vmem>> -> memref<16x64xf32, #tpu.memory_space<vmem>>
        %dma_start3A_795 = arith.constant 9984 : i32
        %dma_start3A_796 = arith.constant 0 : i32
        %dma_start3A_797 = tpu.memref_slice %arg9[%dma_start3A_795, %dma_start3A_796] : memref<10008x64xf32, #tpu.memory_space<vmem_shared>> -> memref<16x64xf32, #tpu.memory_space<vmem_shared>>
        %dma_start3A_798 = arith.constant 0 : i32
        %dma_start3A_799 = arith.constant 0 : i32
        %dma_start3A_800 = tpu.memref_slice %arg22[%dma_start3A_798, %dma_start3A_799] : memref<208x64xf32, #tpu.memory_space<vmem>> -> memref<16x64xf32, #tpu.memory_space<vmem>>
        %dma_start3A_801 = arith.constant 9984 : i32
        %dma_start3A_802 = arith.constant 0 : i32
        %dma_start3A_803 = tpu.memref_slice %arg9[%dma_start3A_801, %dma_start3A_802] : memref<10008x64xf32, #tpu.memory_space<vmem_shared>> -> memref<16x64xf32, #tpu.memory_space<vmem_shared>>
        tpu.enqueue_dma source(%dma_start3A_803 : memref<16x64xf32, #tpu.memory_space<vmem_shared>>) target(%dma_start3A_800 : memref<16x64xf32, #tpu.memory_space<vmem>>) target_semaphore(%run_scoped3A : memref<!tpu.dma_semaphore, #tpu.memory_space<semaphore_mem>>)
        %dma_wait3A_804 = arith.constant 0 : i32
        %dma_wait3A_805 = arith.constant 0 : i32
        %dma_wait3A_806 = tpu.memref_slice %arg22[%dma_wait3A_804, %dma_wait3A_805] : memref<208x64xf32, #tpu.memory_space<vmem>> -> memref<16x64xf32, #tpu.memory_space<vmem>>
        %dma_wait3A_807 = arith.constant 9984 : i32
        %dma_wait3A_808 = arith.constant 0 : i32
        %dma_wait3A_809 = tpu.memref_slice %arg9[%dma_wait3A_807, %dma_wait3A_808] : memref<10008x64xf32, #tpu.memory_space<vmem_shared>> -> memref<16x64xf32, #tpu.memory_space<vmem_shared>>
        %dma_wait3A_810 = arith.constant 0 : i32
        %dma_wait3A_811 = arith.constant 0 : i32
        %dma_wait3A_812 = tpu.memref_slice %arg22[%dma_wait3A_810, %dma_wait3A_811] : memref<208x64xf32, #tpu.memory_space<vmem>> -> memref<16x64xf32, #tpu.memory_space<vmem>>
        %dma_wait3A_813 = arith.constant 9984 : i32
        %dma_wait3A_814 = arith.constant 0 : i32
        %dma_wait3A_815 = tpu.memref_slice %arg9[%dma_wait3A_813, %dma_wait3A_814] : memref<10008x64xf32, #tpu.memory_space<vmem_shared>> -> memref<16x64xf32, #tpu.memory_space<vmem_shared>>
        tpu.wait_dma2 semaphore(%run_scoped3A : memref<!tpu.dma_semaphore, #tpu.memory_space<semaphore_mem>>) src(%dma_wait3A_815 : memref<16x64xf32, #tpu.memory_space<vmem_shared>>) dst(%dma_wait3A_812 : memref<16x64xf32, #tpu.memory_space<vmem>>)
        tpu.yield
      }) : () -> ()
      "tpu.region"() ({
        %run_scoped3A = tpu.sem_alloc : memref<!tpu.dma_semaphore, #tpu.memory_space<semaphore_mem>>
        %dma_start3A_792 = arith.constant 0 : i32
        %dma_start3A_793 = tpu.memref_slice %arg23[%dma_start3A_792] : memref<208xf32, #tpu.memory_space<vmem>> -> memref<16xf32, #tpu.memory_space<vmem>>
        %dma_start3A_794 = arith.constant 9984 : i32
        %dma_start3A_795 = tpu.memref_slice %arg11[%dma_start3A_794] : memref<10008xf32, #tpu.memory_space<vmem_shared>> -> memref<16xf32, #tpu.memory_space<vmem_shared>>
        %dma_start3A_796 = arith.constant 0 : i32
        %dma_start3A_797 = tpu.memref_slice %arg23[%dma_start3A_796] : memref<208xf32, #tpu.memory_space<vmem>> -> memref<16xf32, #tpu.memory_space<vmem>>
        %dma_start3A_798 = arith.constant 9984 : i32
        %dma_start3A_799 = tpu.memref_slice %arg11[%dma_start3A_798] : memref<10008xf32, #tpu.memory_space<vmem_shared>> -> memref<16xf32, #tpu.memory_space<vmem_shared>>
        tpu.enqueue_dma source(%dma_start3A_799 : memref<16xf32, #tpu.memory_space<vmem_shared>>) target(%dma_start3A_797 : memref<16xf32, #tpu.memory_space<vmem>>) target_semaphore(%run_scoped3A : memref<!tpu.dma_semaphore, #tpu.memory_space<semaphore_mem>>)
        %dma_wait3A_800 = arith.constant 0 : i32
        %dma_wait3A_801 = tpu.memref_slice %arg23[%dma_wait3A_800] : memref<208xf32, #tpu.memory_space<vmem>> -> memref<16xf32, #tpu.memory_space<vmem>>
        %dma_wait3A_802 = arith.constant 9984 : i32
        %dma_wait3A_803 = tpu.memref_slice %arg11[%dma_wait3A_802] : memref<10008xf32, #tpu.memory_space<vmem_shared>> -> memref<16xf32, #tpu.memory_space<vmem_shared>>
        %dma_wait3A_804 = arith.constant 0 : i32
        %dma_wait3A_805 = tpu.memref_slice %arg23[%dma_wait3A_804] : memref<208xf32, #tpu.memory_space<vmem>> -> memref<16xf32, #tpu.memory_space<vmem>>
        %dma_wait3A_806 = arith.constant 9984 : i32
        %dma_wait3A_807 = tpu.memref_slice %arg11[%dma_wait3A_806] : memref<10008xf32, #tpu.memory_space<vmem_shared>> -> memref<16xf32, #tpu.memory_space<vmem_shared>>
        tpu.wait_dma2 semaphore(%run_scoped3A : memref<!tpu.dma_semaphore, #tpu.memory_space<semaphore_mem>>) src(%dma_wait3A_807 : memref<16xf32, #tpu.memory_space<vmem_shared>>) dst(%dma_wait3A_805 : memref<16xf32, #tpu.memory_space<vmem>>)
        tpu.yield
      }) : () -> ()
      %scan3A_783 = arith.constant 0 : i32
      %scan3A_784 = arith.constant 0 : i32
      %scan3A_785 = arith.constant 16 : i32
      %scan3A_786 = arith.addi %scan3A_784, %scan3A_785 : i32
      %scan3A_787 = arith.constant 1 : i32
      %scan3A_788 = scf.for %scan3A_792 = %scan3A_784 to %scan3A_786 step %scan3A_787 iter_args(%scan3A_793 = %scan3A_783) -> (i32)  : i32 {
        %broadcast_in_dim3A = vector.broadcast %scan3A_792 : i32 to vector<16xi32>
        %gather3A = tpu.vector_load_idx %arg23[%broadcast_in_dim3A] : memref<208xf32, #tpu.memory_space<vmem>>[vector<16xi32>], vector<16xf32>,
        %max3A = arith.constant 1.000000e+00 : f32
        %max3A_794 = vector.broadcast %max3A : f32 to vector<16xf32>
        %max3A_795 = arith.maximumf %gather3A, %max3A_794 : vector<16xf32>
        %div3A = arith.constant 1.000000e+00 : f32
        %div3A_796 = vector.broadcast %div3A : f32 to vector<16xf32>
        %div3A_797 = arith.divf %div3A_796, %max3A_795 : vector<16xf32>
        %get3A_798 = arith.index_cast %scan3A_792 : i32 to index
        %get3A_799 = arith.constant 0 : index
        %get3A_800 = tpu.vector_load %arg22[%get3A_798, %get3A_799] {strides = array<i32>} : memref<208x64xf32, #tpu.memory_space<vmem>>, vector<16xf32>,
        %mul3A_801 = arith.mulf %get3A_800, %div3A_797 : vector<16xf32>
        %swap3A_802 = arith.index_cast %scan3A_792 : i32 to index
        %swap3A_803 = arith.constant 0 : index
        %swap3A_804 = tpu.vector_load %arg22[%swap3A_802, %swap3A_803] {strides = array<i32>} : memref<208x64xf32, #tpu.memory_space<vmem>>, vector<16xf32>,
        tpu.vector_store %arg22[%swap3A_802, %swap3A_803], %mul3A_801 {strides = array<i32>} : memref<208x64xf32, #tpu.memory_space<vmem>>, vector<16xf32>,
        %get3A_805 = arith.index_cast %scan3A_792 : i32 to index
        %get3A_806 = arith.constant 16 : index
        %get3A_807 = tpu.vector_load %arg22[%get3A_805, %get3A_806] {strides = array<i32>} : memref<208x64xf32, #tpu.memory_space<vmem>>, vector<16xf32>,
        %mul3A_808 = arith.mulf %get3A_807, %div3A_797 : vector<16xf32>
        %swap3A_809 = arith.index_cast %scan3A_792 : i32 to index
        %swap3A_810 = arith.constant 16 : index
        %swap3A_811 = tpu.vector_load %arg22[%swap3A_809, %swap3A_810] {strides = array<i32>} : memref<208x64xf32, #tpu.memory_space<vmem>>, vector<16xf32>,
        tpu.vector_store %arg22[%swap3A_809, %swap3A_810], %mul3A_808 {strides = array<i32>} : memref<208x64xf32, #tpu.memory_space<vmem>>, vector<16xf32>,
        %get3A_812 = arith.index_cast %scan3A_792 : i32 to index
        %get3A_813 = arith.constant 32 : index
        %get3A_814 = tpu.vector_load %arg22[%get3A_812, %get3A_813] {strides = array<i32>} : memref<208x64xf32, #tpu.memory_space<vmem>>, vector<16xf32>,
        %mul3A_815 = arith.mulf %get3A_814, %div3A_797 : vector<16xf32>
        %swap3A_816 = arith.index_cast %scan3A_792 : i32 to index
        %swap3A_817 = arith.constant 32 : index
        %swap3A_818 = tpu.vector_load %arg22[%swap3A_816, %swap3A_817] {strides = array<i32>} : memref<208x64xf32, #tpu.memory_space<vmem>>, vector<16xf32>,
        tpu.vector_store %arg22[%swap3A_816, %swap3A_817], %mul3A_815 {strides = array<i32>} : memref<208x64xf32, #tpu.memory_space<vmem>>, vector<16xf32>,
        %get3A_819 = arith.index_cast %scan3A_792 : i32 to index
        %get3A_820 = arith.constant 48 : index
        %get3A_821 = tpu.vector_load %arg22[%get3A_819, %get3A_820] {strides = array<i32>} : memref<208x64xf32, #tpu.memory_space<vmem>>, vector<16xf32>,
        %mul3A_822 = arith.mulf %get3A_821, %div3A_797 : vector<16xf32>
        %swap3A_823 = arith.index_cast %scan3A_792 : i32 to index
        %swap3A_824 = arith.constant 48 : index
        %swap3A_825 = tpu.vector_load %arg22[%swap3A_823, %swap3A_824] {strides = array<i32>} : memref<208x64xf32, #tpu.memory_space<vmem>>, vector<16xf32>,
        tpu.vector_store %arg22[%swap3A_823, %swap3A_824], %mul3A_822 {strides = array<i32>} : memref<208x64xf32, #tpu.memory_space<vmem>>, vector<16xf32>,
        %scan3A_826 = arith.constant 0 : i32
        scf.yield %scan3A_826 : i32
      }
      %scan3A_789 = arith.constant 16 : i32
      "tpu.region"() ({
        %run_scoped3A = tpu.sem_alloc : memref<!tpu.dma_semaphore, #tpu.memory_space<semaphore_mem>>
        %dma_start3A_792 = arith.constant 0 : i32
        %dma_start3A_793 = arith.constant 0 : i32
        %dma_start3A_794 = tpu.memref_slice %arg22[%dma_start3A_792, %dma_start3A_793] : memref<208x64xf32, #tpu.memory_space<vmem>> -> memref<16x64xf32, #tpu.memory_space<vmem>>
        %dma_start3A_795 = arith.constant 9984 : i32
        %dma_start3A_796 = arith.constant 0 : i32
        %dma_start3A_797 = tpu.memref_slice %arg9[%dma_start3A_795, %dma_start3A_796] : memref<10008x64xf32, #tpu.memory_space<vmem_shared>> -> memref<16x64xf32, #tpu.memory_space<vmem_shared>>
        %dma_start3A_798 = arith.constant 9984 : i32
        %dma_start3A_799 = arith.constant 0 : i32
        %dma_start3A_800 = tpu.memref_slice %arg9[%dma_start3A_798, %dma_start3A_799] : memref<10008x64xf32, #tpu.memory_space<vmem_shared>> -> memref<16x64xf32, #tpu.memory_space<vmem_shared>>
        %dma_start3A_801 = arith.constant 0 : i32
        %dma_start3A_802 = arith.constant 0 : i32
        %dma_start3A_803 = tpu.memref_slice %arg22[%dma_start3A_801, %dma_start3A_802] : memref<208x64xf32, #tpu.memory_space<vmem>> -> memref<16x64xf32, #tpu.memory_space<vmem>>
        tpu.enqueue_dma source(%dma_start3A_803 : memref<16x64xf32, #tpu.memory_space<vmem>>) target(%dma_start3A_800 : memref<16x64xf32, #tpu.memory_space<vmem_shared>>) target_semaphore(%run_scoped3A : memref<!tpu.dma_semaphore, #tpu.memory_space<semaphore_mem>>)
        %dma_wait3A_804 = arith.constant 0 : i32
        %dma_wait3A_805 = arith.constant 0 : i32
        %dma_wait3A_806 = tpu.memref_slice %arg22[%dma_wait3A_804, %dma_wait3A_805] : memref<208x64xf32, #tpu.memory_space<vmem>> -> memref<16x64xf32, #tpu.memory_space<vmem>>
        %dma_wait3A_807 = arith.constant 9984 : i32
        %dma_wait3A_808 = arith.constant 0 : i32
        %dma_wait3A_809 = tpu.memref_slice %arg9[%dma_wait3A_807, %dma_wait3A_808] : memref<10008x64xf32, #tpu.memory_space<vmem_shared>> -> memref<16x64xf32, #tpu.memory_space<vmem_shared>>
        %dma_wait3A_810 = arith.constant 9984 : i32
        %dma_wait3A_811 = arith.constant 0 : i32
        %dma_wait3A_812 = tpu.memref_slice %arg9[%dma_wait3A_810, %dma_wait3A_811] : memref<10008x64xf32, #tpu.memory_space<vmem_shared>> -> memref<16x64xf32, #tpu.memory_space<vmem_shared>>
        %dma_wait3A_813 = arith.constant 0 : i32
        %dma_wait3A_814 = arith.constant 0 : i32
        %dma_wait3A_815 = tpu.memref_slice %arg22[%dma_wait3A_813, %dma_wait3A_814] : memref<208x64xf32, #tpu.memory_space<vmem>> -> memref<16x64xf32, #tpu.memory_space<vmem>>
        tpu.wait_dma2 semaphore(%run_scoped3A : memref<!tpu.dma_semaphore, #tpu.memory_space<semaphore_mem>>) src(%dma_wait3A_815 : memref<16x64xf32, #tpu.memory_space<vmem>>) dst(%dma_wait3A_812 : memref<16x64xf32, #tpu.memory_space<vmem_shared>>)
        tpu.yield
      }) : () -> ()
      %add3A_790 = arith.constant 9984 : i32
      %add3A_791 = arith.addi %mul3A_2, %add3A_790 : i32
      "tpu.region"() ({
        %run_scoped3A = tpu.sem_alloc : memref<!tpu.dma_semaphore, #tpu.memory_space<semaphore_mem>>
        %dma_start3A_792 = arith.constant 0 : i32
        %dma_start3A_793 = arith.constant 0 : i32
        %dma_start3A_794 = tpu.memref_slice %arg22[%dma_start3A_792, %dma_start3A_793] : memref<208x64xf32, #tpu.memory_space<vmem>> -> memref<16x64xf32, #tpu.memory_space<vmem>>
        %dma_start3A_795 = arith.constant 0 : i32
        %dma_start3A_796 = tpu.memref_slice %arg7[%add3A_791, %dma_start3A_795] : memref<20000x64xf32, #tpu.memory_space<hbm>> -> memref<16x64xf32, #tpu.memory_space<hbm>>
        %dma_start3A_797 = arith.constant 0 : i32
        %dma_start3A_798 = tpu.memref_slice %arg7[%add3A_791, %dma_start3A_797] : memref<20000x64xf32, #tpu.memory_space<hbm>> -> memref<16x64xf32, #tpu.memory_space<hbm>>
        %dma_start3A_799 = arith.constant 0 : i32
        %dma_start3A_800 = arith.constant 0 : i32
        %dma_start3A_801 = tpu.memref_slice %arg22[%dma_start3A_799, %dma_start3A_800] : memref<208x64xf32, #tpu.memory_space<vmem>> -> memref<16x64xf32, #tpu.memory_space<vmem>>
        tpu.enqueue_dma source(%dma_start3A_801 : memref<16x64xf32, #tpu.memory_space<vmem>>) target(%dma_start3A_798 : memref<16x64xf32, #tpu.memory_space<hbm>>) target_semaphore(%run_scoped3A : memref<!tpu.dma_semaphore, #tpu.memory_space<semaphore_mem>>)
        %dma_wait3A_802 = arith.constant 0 : i32
        %dma_wait3A_803 = arith.constant 0 : i32
        %dma_wait3A_804 = tpu.memref_slice %arg22[%dma_wait3A_802, %dma_wait3A_803] : memref<208x64xf32, #tpu.memory_space<vmem>> -> memref<16x64xf32, #tpu.memory_space<vmem>>
        %dma_wait3A_805 = arith.constant 0 : i32
        %dma_wait3A_806 = tpu.memref_slice %arg7[%add3A_791, %dma_wait3A_805] : memref<20000x64xf32, #tpu.memory_space<hbm>> -> memref<16x64xf32, #tpu.memory_space<hbm>>
        %dma_wait3A_807 = arith.constant 0 : i32
        %dma_wait3A_808 = tpu.memref_slice %arg7[%add3A_791, %dma_wait3A_807] : memref<20000x64xf32, #tpu.memory_space<hbm>> -> memref<16x64xf32, #tpu.memory_space<hbm>>
        %dma_wait3A_809 = arith.constant 0 : i32
        %dma_wait3A_810 = arith.constant 0 : i32
        %dma_wait3A_811 = tpu.memref_slice %arg22[%dma_wait3A_809, %dma_wait3A_810] : memref<208x64xf32, #tpu.memory_space<vmem>> -> memref<16x64xf32, #tpu.memory_space<vmem>>
        tpu.wait_dma2 semaphore(%run_scoped3A : memref<!tpu.dma_semaphore, #tpu.memory_space<semaphore_mem>>) src(%dma_wait3A_811 : memref<16x64xf32, #tpu.memory_space<vmem>>) dst(%dma_wait3A_808 : memref<16x64xf32, #tpu.memory_space<hbm>>)
        tpu.yield
      }) : () -> ()
    } else {
    }
    %barrier3A_395 = arith.constant 0 : index
    tpu.barrier barrier_id(%barrier3A_395)
    %add3A_396 = arith.constant 0 : i32
    %add3A_397 = arith.addi %arg1, %add3A_396 : i32
    %min3A_398 = arith.constant 2543 : i32
    %min3A_399 = arith.minsi %add3A_397, %min3A_398 : i32
    %dma_start3A_400 = arith.constant 0 : i32
    %dma_start3A_401 = arith.constant 0 : i32
    %dma_start3A_402 = tpu.memref_slice %arg3[%min3A_399, %dma_start3A_400, %dma_start3A_401] : memref<2544x3x128xi32, #tpu.memory_space<hbm>> -> memref<1x3x128xi32, #tpu.memory_space<hbm>>
    %dma_start3A_403 = tpu.memref_squeeze %dma_start3A_402 : memref<1x3x128xi32, #tpu.memory_space<hbm>> -> memref<3x128xi32, #tpu.memory_space<hbm>>
    %dma_start3A_404 = arith.constant 0 : i32
    %dma_start3A_405 = arith.constant 0 : i32
    %dma_start3A_406 = tpu.memref_slice %arg3[%min3A_399, %dma_start3A_404, %dma_start3A_405] : memref<2544x3x128xi32, #tpu.memory_space<hbm>> -> memref<1x3x128xi32, #tpu.memory_space<hbm>>
    %dma_start3A_407 = tpu.memref_squeeze %dma_start3A_406 : memref<1x3x128xi32, #tpu.memory_space<hbm>> -> memref<3x128xi32, #tpu.memory_space<hbm>>
    tpu.enqueue_dma source(%dma_start3A_407 : memref<3x128xi32, #tpu.memory_space<hbm>>) target(%arg12 : memref<3x128xi32, #tpu.memory_space<vmem>>) target_semaphore(%arg25 : memref<!tpu.dma_semaphore, #tpu.memory_space<semaphore_mem>>)
    %add3A_408 = arith.constant 16 : i32
    %add3A_409 = arith.addi %arg1, %add3A_408 : i32
    %min3A_410 = arith.constant 2543 : i32
    %min3A_411 = arith.minsi %add3A_409, %min3A_410 : i32
    %dma_start3A_412 = arith.constant 0 : i32
    %dma_start3A_413 = arith.constant 0 : i32
    %dma_start3A_414 = tpu.memref_slice %arg3[%min3A_411, %dma_start3A_412, %dma_start3A_413] : memref<2544x3x128xi32, #tpu.memory_space<hbm>> -> memref<1x3x128xi32, #tpu.memory_space<hbm>>
    %dma_start3A_415 = tpu.memref_squeeze %dma_start3A_414 : memref<1x3x128xi32, #tpu.memory_space<hbm>> -> memref<3x128xi32, #tpu.memory_space<hbm>>
    %dma_start3A_416 = arith.constant 0 : i32
    %dma_start3A_417 = arith.constant 0 : i32
    %dma_start3A_418 = tpu.memref_slice %arg3[%min3A_411, %dma_start3A_416, %dma_start3A_417] : memref<2544x3x128xi32, #tpu.memory_space<hbm>> -> memref<1x3x128xi32, #tpu.memory_space<hbm>>
    %dma_start3A_419 = tpu.memref_squeeze %dma_start3A_418 : memref<1x3x128xi32, #tpu.memory_space<hbm>> -> memref<3x128xi32, #tpu.memory_space<hbm>>
    tpu.enqueue_dma source(%dma_start3A_419 : memref<3x128xi32, #tpu.memory_space<hbm>>) target(%arg13 : memref<3x128xi32, #tpu.memory_space<vmem>>) target_semaphore(%arg25 : memref<!tpu.dma_semaphore, #tpu.memory_space<semaphore_mem>>)
    %add3A_420 = arith.constant 32 : i32
    %add3A_421 = arith.addi %arg1, %add3A_420 : i32
    %min3A_422 = arith.constant 2543 : i32
    %min3A_423 = arith.minsi %add3A_421, %min3A_422 : i32
    %dma_start3A_424 = arith.constant 0 : i32
    %dma_start3A_425 = arith.constant 0 : i32
    %dma_start3A_426 = tpu.memref_slice %arg3[%min3A_423, %dma_start3A_424, %dma_start3A_425] : memref<2544x3x128xi32, #tpu.memory_space<hbm>> -> memref<1x3x128xi32, #tpu.memory_space<hbm>>
    %dma_start3A_427 = tpu.memref_squeeze %dma_start3A_426 : memref<1x3x128xi32, #tpu.memory_space<hbm>> -> memref<3x128xi32, #tpu.memory_space<hbm>>
    %dma_start3A_428 = arith.constant 0 : i32
    %dma_start3A_429 = arith.constant 0 : i32
    %dma_start3A_430 = tpu.memref_slice %arg3[%min3A_423, %dma_start3A_428, %dma_start3A_429] : memref<2544x3x128xi32, #tpu.memory_space<hbm>> -> memref<1x3x128xi32, #tpu.memory_space<hbm>>
    %dma_start3A_431 = tpu.memref_squeeze %dma_start3A_430 : memref<1x3x128xi32, #tpu.memory_space<hbm>> -> memref<3x128xi32, #tpu.memory_space<hbm>>
    tpu.enqueue_dma source(%dma_start3A_431 : memref<3x128xi32, #tpu.memory_space<hbm>>) target(%arg14 : memref<3x128xi32, #tpu.memory_space<vmem>>) target_semaphore(%arg25 : memref<!tpu.dma_semaphore, #tpu.memory_space<semaphore_mem>>)
    %dma_wait3A_432 = arith.constant 0 : i32
    %dma_wait3A_433 = arith.constant 0 : i32
    %dma_wait3A_434 = arith.constant 0 : i32
    %dma_wait3A_435 = tpu.memref_slice %arg3[%dma_wait3A_432, %dma_wait3A_433, %dma_wait3A_434] : memref<2544x3x128xi32, #tpu.memory_space<hbm>> -> memref<1x3x128xi32, #tpu.memory_space<hbm>>
    %dma_wait3A_436 = tpu.memref_squeeze %dma_wait3A_435 : memref<1x3x128xi32, #tpu.memory_space<hbm>> -> memref<3x128xi32, #tpu.memory_space<hbm>>
    %dma_wait3A_437 = arith.constant 0 : i32
    %dma_wait3A_438 = arith.constant 0 : i32
    %dma_wait3A_439 = tpu.memref_slice %arg3[%dma_wait3A_432, %dma_wait3A_437, %dma_wait3A_438] : memref<2544x3x128xi32, #tpu.memory_space<hbm>> -> memref<1x3x128xi32, #tpu.memory_space<hbm>>
    %dma_wait3A_440 = tpu.memref_squeeze %dma_wait3A_439 : memref<1x3x128xi32, #tpu.memory_space<hbm>> -> memref<3x128xi32, #tpu.memory_space<hbm>>
    tpu.wait_dma2 semaphore(%arg25 : memref<!tpu.dma_semaphore, #tpu.memory_space<semaphore_mem>>) src(%dma_wait3A_440 : memref<3x128xi32, #tpu.memory_space<hbm>>) dst(%arg12 : memref<3x128xi32, #tpu.memory_space<vmem>>)
    %dma_start3A_441 = arith.constant 0 : i32
    %dma_start3A_442 = arith.constant 0 : i32
    %dma_start3A_443 = tpu.memref_slice %arg12[%dma_start3A_441, %dma_start3A_442] : memref<3x128xi32, #tpu.memory_space<vmem>> -> memref<1x128xi32, #tpu.memory_space<vmem>>
    %dma_start3A_444 = tpu.memref_squeeze %dma_start3A_443 : memref<1x128xi32, #tpu.memory_space<vmem>> -> memref<128xi32, #tpu.memory_space<vmem>>
    %dma_start3A_445 = arith.constant 0 : i32
    %dma_start3A_446 = arith.constant 0 : i32
    %dma_start3A_447 = tpu.memref_slice %arg9[%dma_start3A_445, %dma_start3A_446] : memref<10008x64xf32, #tpu.memory_space<vmem_shared>> -> memref<10008x64xf32, #tpu.memory_space<vmem_shared>>
    tpu.enqueue_indirect_dma source(%dma_start3A_447 : memref<10008x64xf32, #tpu.memory_space<vmem_shared>>) target(%arg15 : memref<128x64xf32, #tpu.memory_space<vmem>>) offsets(%dma_start3A_444 : memref<128xi32, #tpu.memory_space<vmem>>) semaphore(%arg24 : memref<!tpu.dma_semaphore, #tpu.memory_space<semaphore_mem>>)
    %dma_wait3A_448 = arith.constant 0 : i32
    %dma_wait3A_449 = arith.constant 0 : i32
    %dma_wait3A_450 = tpu.memref_slice %arg12[%dma_wait3A_448, %dma_wait3A_449] : memref<3x128xi32, #tpu.memory_space<vmem>> -> memref<1x128xi32, #tpu.memory_space<vmem>>
    %dma_wait3A_451 = tpu.memref_squeeze %dma_wait3A_450 : memref<1x128xi32, #tpu.memory_space<vmem>> -> memref<128xi32, #tpu.memory_space<vmem>>
    %dma_wait3A_452 = arith.constant 0 : i32
    %dma_wait3A_453 = arith.constant 0 : i32
    %dma_wait3A_454 = tpu.memref_slice %arg9[%dma_wait3A_452, %dma_wait3A_453] : memref<10008x64xf32, #tpu.memory_space<vmem_shared>> -> memref<10008x64xf32, #tpu.memory_space<vmem_shared>>
    tpu.wait_indirect_dma semaphore(%arg24 : memref<!tpu.dma_semaphore, #tpu.memory_space<semaphore_mem>>) src(%dma_wait3A_454 : memref<10008x64xf32, #tpu.memory_space<vmem_shared>>) dst(%arg15 : memref<128x64xf32, #tpu.memory_space<vmem>>)
    %get3A_455 = arith.constant 2 : i32
    %get3A_456 = arith.index_cast %get3A_455 : i32 to index
    %get3A_457 = arith.constant 0 : index
    %get3A_458 = tpu.vector_load %arg12[%get3A_456, %get3A_457] {strides = array<i32>} : memref<3x128xi32, #tpu.memory_space<vmem>>, vector<16xi32>,
    %swap3A_459 = arith.constant 0 : index
    %swap3A_460 = tpu.vector_load %arg18[%swap3A_459] {strides = array<i32>} : memref<128xi32, #tpu.memory_space<vmem>>, vector<16xi32>,
    tpu.vector_store %arg18[%swap3A_459], %get3A_458 {strides = array<i32>} : memref<128xi32, #tpu.memory_space<vmem>>, vector<16xi32>,
    %get3A_461 = arith.constant 2 : i32
    %get3A_462 = arith.index_cast %get3A_461 : i32 to index
    %get3A_463 = arith.constant 16 : index
    %get3A_464 = tpu.vector_load %arg12[%get3A_462, %get3A_463] {strides = array<i32>} : memref<3x128xi32, #tpu.memory_space<vmem>>, vector<16xi32>,
    %swap3A_465 = arith.constant 16 : index
    %swap3A_466 = tpu.vector_load %arg18[%swap3A_465] {strides = array<i32>} : memref<128xi32, #tpu.memory_space<vmem>>, vector<16xi32>,
    tpu.vector_store %arg18[%swap3A_465], %get3A_464 {strides = array<i32>} : memref<128xi32, #tpu.memory_space<vmem>>, vector<16xi32>,
    %get3A_467 = arith.constant 2 : i32
    %get3A_468 = arith.index_cast %get3A_467 : i32 to index
    %get3A_469 = arith.constant 32 : index
    %get3A_470 = tpu.vector_load %arg12[%get3A_468, %get3A_469] {strides = array<i32>} : memref<3x128xi32, #tpu.memory_space<vmem>>, vector<16xi32>,
    %swap3A_471 = arith.constant 32 : index
    %swap3A_472 = tpu.vector_load %arg18[%swap3A_471] {strides = array<i32>} : memref<128xi32, #tpu.memory_space<vmem>>, vector<16xi32>,
    tpu.vector_store %arg18[%swap3A_471], %get3A_470 {strides = array<i32>} : memref<128xi32, #tpu.memory_space<vmem>>, vector<16xi32>,
    %get3A_473 = arith.constant 2 : i32
    %get3A_474 = arith.index_cast %get3A_473 : i32 to index
    %get3A_475 = arith.constant 48 : index
    %get3A_476 = tpu.vector_load %arg12[%get3A_474, %get3A_475] {strides = array<i32>} : memref<3x128xi32, #tpu.memory_space<vmem>>, vector<16xi32>,
    %swap3A_477 = arith.constant 48 : index
    %swap3A_478 = tpu.vector_load %arg18[%swap3A_477] {strides = array<i32>} : memref<128xi32, #tpu.memory_space<vmem>>, vector<16xi32>,
    tpu.vector_store %arg18[%swap3A_477], %get3A_476 {strides = array<i32>} : memref<128xi32, #tpu.memory_space<vmem>>, vector<16xi32>,
    %get3A_479 = arith.constant 2 : i32
    %get3A_480 = arith.index_cast %get3A_479 : i32 to index
    %get3A_481 = arith.constant 64 : index
    %get3A_482 = tpu.vector_load %arg12[%get3A_480, %get3A_481] {strides = array<i32>} : memref<3x128xi32, #tpu.memory_space<vmem>>, vector<16xi32>,
    %swap3A_483 = arith.constant 64 : index
    %swap3A_484 = tpu.vector_load %arg18[%swap3A_483] {strides = array<i32>} : memref<128xi32, #tpu.memory_space<vmem>>, vector<16xi32>,
    tpu.vector_store %arg18[%swap3A_483], %get3A_482 {strides = array<i32>} : memref<128xi32, #tpu.memory_space<vmem>>, vector<16xi32>,
    %get3A_485 = arith.constant 2 : i32
    %get3A_486 = arith.index_cast %get3A_485 : i32 to index
    %get3A_487 = arith.constant 80 : index
    %get3A_488 = tpu.vector_load %arg12[%get3A_486, %get3A_487] {strides = array<i32>} : memref<3x128xi32, #tpu.memory_space<vmem>>, vector<16xi32>,
    %swap3A_489 = arith.constant 80 : index
    %swap3A_490 = tpu.vector_load %arg18[%swap3A_489] {strides = array<i32>} : memref<128xi32, #tpu.memory_space<vmem>>, vector<16xi32>,
    tpu.vector_store %arg18[%swap3A_489], %get3A_488 {strides = array<i32>} : memref<128xi32, #tpu.memory_space<vmem>>, vector<16xi32>,
    %get3A_491 = arith.constant 2 : i32
    %get3A_492 = arith.index_cast %get3A_491 : i32 to index
    %get3A_493 = arith.constant 96 : index
    %get3A_494 = tpu.vector_load %arg12[%get3A_492, %get3A_493] {strides = array<i32>} : memref<3x128xi32, #tpu.memory_space<vmem>>, vector<16xi32>,
    %swap3A_495 = arith.constant 96 : index
    %swap3A_496 = tpu.vector_load %arg18[%swap3A_495] {strides = array<i32>} : memref<128xi32, #tpu.memory_space<vmem>>, vector<16xi32>,
    tpu.vector_store %arg18[%swap3A_495], %get3A_494 {strides = array<i32>} : memref<128xi32, #tpu.memory_space<vmem>>, vector<16xi32>,
    %get3A_497 = arith.constant 2 : i32
    %get3A_498 = arith.index_cast %get3A_497 : i32 to index
    %get3A_499 = arith.constant 112 : index
    %get3A_500 = tpu.vector_load %arg12[%get3A_498, %get3A_499] {strides = array<i32>} : memref<3x128xi32, #tpu.memory_space<vmem>>, vector<16xi32>,
    %swap3A_501 = arith.constant 112 : index
    %swap3A_502 = tpu.vector_load %arg18[%swap3A_501] {strides = array<i32>} : memref<128xi32, #tpu.memory_space<vmem>>, vector<16xi32>,
    tpu.vector_store %arg18[%swap3A_501], %get3A_500 {strides = array<i32>} : memref<128xi32, #tpu.memory_space<vmem>>, vector<16xi32>,
    %dma_wait3A_503 = arith.constant 0 : i32
    %dma_wait3A_504 = arith.constant 0 : i32
    %dma_wait3A_505 = arith.constant 0 : i32
    %dma_wait3A_506 = tpu.memref_slice %arg3[%dma_wait3A_503, %dma_wait3A_504, %dma_wait3A_505] : memref<2544x3x128xi32, #tpu.memory_space<hbm>> -> memref<1x3x128xi32, #tpu.memory_space<hbm>>
    %dma_wait3A_507 = tpu.memref_squeeze %dma_wait3A_506 : memref<1x3x128xi32, #tpu.memory_space<hbm>> -> memref<3x128xi32, #tpu.memory_space<hbm>>
    %dma_wait3A_508 = arith.constant 0 : i32
    %dma_wait3A_509 = arith.constant 0 : i32
    %dma_wait3A_510 = tpu.memref_slice %arg3[%dma_wait3A_503, %dma_wait3A_508, %dma_wait3A_509] : memref<2544x3x128xi32, #tpu.memory_space<hbm>> -> memref<1x3x128xi32, #tpu.memory_space<hbm>>
    %dma_wait3A_511 = tpu.memref_squeeze %dma_wait3A_510 : memref<1x3x128xi32, #tpu.memory_space<hbm>> -> memref<3x128xi32, #tpu.memory_space<hbm>>
    tpu.wait_dma2 semaphore(%arg25 : memref<!tpu.dma_semaphore, #tpu.memory_space<semaphore_mem>>) src(%dma_wait3A_511 : memref<3x128xi32, #tpu.memory_space<hbm>>) dst(%arg12 : memref<3x128xi32, #tpu.memory_space<vmem>>)
    %dma_start3A_512 = arith.constant 0 : i32
    %dma_start3A_513 = arith.constant 0 : i32
    %dma_start3A_514 = tpu.memref_slice %arg13[%dma_start3A_512, %dma_start3A_513] : memref<3x128xi32, #tpu.memory_space<vmem>> -> memref<1x128xi32, #tpu.memory_space<vmem>>
    %dma_start3A_515 = tpu.memref_squeeze %dma_start3A_514 : memref<1x128xi32, #tpu.memory_space<vmem>> -> memref<128xi32, #tpu.memory_space<vmem>>
    %dma_start3A_516 = arith.constant 0 : i32
    %dma_start3A_517 = arith.constant 0 : i32
    %dma_start3A_518 = tpu.memref_slice %arg9[%dma_start3A_516, %dma_start3A_517] : memref<10008x64xf32, #tpu.memory_space<vmem_shared>> -> memref<10008x64xf32, #tpu.memory_space<vmem_shared>>
    tpu.enqueue_indirect_dma source(%dma_start3A_518 : memref<10008x64xf32, #tpu.memory_space<vmem_shared>>) target(%arg16 : memref<128x64xf32, #tpu.memory_space<vmem>>) offsets(%dma_start3A_515 : memref<128xi32, #tpu.memory_space<vmem>>) semaphore(%arg24 : memref<!tpu.dma_semaphore, #tpu.memory_space<semaphore_mem>>)
    %dma_start3A_519 = arith.constant 0 : i32
    %dma_start3A_520 = arith.constant 0 : i32
    %dma_start3A_521 = tpu.memref_slice %arg10[%dma_start3A_519, %dma_start3A_520] : memref<10008x64xf32, #tpu.memory_space<vmem_shared>> -> memref<10008x64xf32, #tpu.memory_space<vmem_shared>>
    tpu.enqueue_indirect_dma source(%arg15 : memref<128x64xf32, #tpu.memory_space<vmem>>) target(%dma_start3A_521 : memref<10008x64xf32, #tpu.memory_space<vmem_shared>>) offsets(%arg18 : memref<128xi32, #tpu.memory_space<vmem>>) semaphore(%arg26 : memref<!tpu.dma_semaphore, #tpu.memory_space<semaphore_mem>>) {add = true}
    %add3A_522 = arith.constant 48 : i32
    %add3A_523 = arith.addi %arg1, %add3A_522 : i32
    %min3A_524 = arith.constant 2543 : i32
    %min3A_525 = arith.minsi %add3A_523, %min3A_524 : i32
    %dma_start3A_526 = arith.constant 0 : i32
    %dma_start3A_527 = arith.constant 0 : i32
    %dma_start3A_528 = tpu.memref_slice %arg3[%min3A_525, %dma_start3A_526, %dma_start3A_527] : memref<2544x3x128xi32, #tpu.memory_space<hbm>> -> memref<1x3x128xi32, #tpu.memory_space<hbm>>
    %dma_start3A_529 = tpu.memref_squeeze %dma_start3A_528 : memref<1x3x128xi32, #tpu.memory_space<hbm>> -> memref<3x128xi32, #tpu.memory_space<hbm>>
    %dma_start3A_530 = arith.constant 0 : i32
    %dma_start3A_531 = arith.constant 0 : i32
    %dma_start3A_532 = tpu.memref_slice %arg3[%min3A_525, %dma_start3A_530, %dma_start3A_531] : memref<2544x3x128xi32, #tpu.memory_space<hbm>> -> memref<1x3x128xi32, #tpu.memory_space<hbm>>
    %dma_start3A_533 = tpu.memref_squeeze %dma_start3A_532 : memref<1x3x128xi32, #tpu.memory_space<hbm>> -> memref<3x128xi32, #tpu.memory_space<hbm>>
    tpu.enqueue_dma source(%dma_start3A_533 : memref<3x128xi32, #tpu.memory_space<hbm>>) target(%arg12 : memref<3x128xi32, #tpu.memory_space<vmem>>) target_semaphore(%arg25 : memref<!tpu.dma_semaphore, #tpu.memory_space<semaphore_mem>>)
    %dma_wait3A_534 = arith.constant 0 : i32
    %dma_wait3A_535 = arith.constant 0 : i32
    %dma_wait3A_536 = tpu.memref_slice %arg13[%dma_wait3A_534, %dma_wait3A_535] : memref<3x128xi32, #tpu.memory_space<vmem>> -> memref<1x128xi32, #tpu.memory_space<vmem>>
    %dma_wait3A_537 = tpu.memref_squeeze %dma_wait3A_536 : memref<1x128xi32, #tpu.memory_space<vmem>> -> memref<128xi32, #tpu.memory_space<vmem>>
    %dma_wait3A_538 = arith.constant 0 : i32
    %dma_wait3A_539 = arith.constant 0 : i32
    %dma_wait3A_540 = tpu.memref_slice %arg9[%dma_wait3A_538, %dma_wait3A_539] : memref<10008x64xf32, #tpu.memory_space<vmem_shared>> -> memref<10008x64xf32, #tpu.memory_space<vmem_shared>>
    tpu.wait_indirect_dma semaphore(%arg24 : memref<!tpu.dma_semaphore, #tpu.memory_space<semaphore_mem>>) src(%dma_wait3A_540 : memref<10008x64xf32, #tpu.memory_space<vmem_shared>>) dst(%arg16 : memref<128x64xf32, #tpu.memory_space<vmem>>)
    %get3A_541 = arith.constant 2 : i32
    %get3A_542 = arith.index_cast %get3A_541 : i32 to index
    %get3A_543 = arith.constant 0 : index
    %get3A_544 = tpu.vector_load %arg13[%get3A_542, %get3A_543] {strides = array<i32>} : memref<3x128xi32, #tpu.memory_space<vmem>>, vector<16xi32>,
    %swap3A_545 = arith.constant 0 : index
    %swap3A_546 = tpu.vector_load %arg19[%swap3A_545] {strides = array<i32>} : memref<128xi32, #tpu.memory_space<vmem>>, vector<16xi32>,
    tpu.vector_store %arg19[%swap3A_545], %get3A_544 {strides = array<i32>} : memref<128xi32, #tpu.memory_space<vmem>>, vector<16xi32>,
    %get3A_547 = arith.constant 2 : i32
    %get3A_548 = arith.index_cast %get3A_547 : i32 to index
    %get3A_549 = arith.constant 16 : index
    %get3A_550 = tpu.vector_load %arg13[%get3A_548, %get3A_549] {strides = array<i32>} : memref<3x128xi32, #tpu.memory_space<vmem>>, vector<16xi32>,
    %swap3A_551 = arith.constant 16 : index
    %swap3A_552 = tpu.vector_load %arg19[%swap3A_551] {strides = array<i32>} : memref<128xi32, #tpu.memory_space<vmem>>, vector<16xi32>,
    tpu.vector_store %arg19[%swap3A_551], %get3A_550 {strides = array<i32>} : memref<128xi32, #tpu.memory_space<vmem>>, vector<16xi32>,
    %get3A_553 = arith.constant 2 : i32
    %get3A_554 = arith.index_cast %get3A_553 : i32 to index
    %get3A_555 = arith.constant 32 : index
    %get3A_556 = tpu.vector_load %arg13[%get3A_554, %get3A_555] {strides = array<i32>} : memref<3x128xi32, #tpu.memory_space<vmem>>, vector<16xi32>,
    %swap3A_557 = arith.constant 32 : index
    %swap3A_558 = tpu.vector_load %arg19[%swap3A_557] {strides = array<i32>} : memref<128xi32, #tpu.memory_space<vmem>>, vector<16xi32>,
    tpu.vector_store %arg19[%swap3A_557], %get3A_556 {strides = array<i32>} : memref<128xi32, #tpu.memory_space<vmem>>, vector<16xi32>,
    %get3A_559 = arith.constant 2 : i32
    %get3A_560 = arith.index_cast %get3A_559 : i32 to index
    %get3A_561 = arith.constant 48 : index
    %get3A_562 = tpu.vector_load %arg13[%get3A_560, %get3A_561] {strides = array<i32>} : memref<3x128xi32, #tpu.memory_space<vmem>>, vector<16xi32>,
    %swap3A_563 = arith.constant 48 : index
    %swap3A_564 = tpu.vector_load %arg19[%swap3A_563] {strides = array<i32>} : memref<128xi32, #tpu.memory_space<vmem>>, vector<16xi32>,
    tpu.vector_store %arg19[%swap3A_563], %get3A_562 {strides = array<i32>} : memref<128xi32, #tpu.memory_space<vmem>>, vector<16xi32>,
    %get3A_565 = arith.constant 2 : i32
    %get3A_566 = arith.index_cast %get3A_565 : i32 to index
    %get3A_567 = arith.constant 64 : index
    %get3A_568 = tpu.vector_load %arg13[%get3A_566, %get3A_567] {strides = array<i32>} : memref<3x128xi32, #tpu.memory_space<vmem>>, vector<16xi32>,
    %swap3A_569 = arith.constant 64 : index
    %swap3A_570 = tpu.vector_load %arg19[%swap3A_569] {strides = array<i32>} : memref<128xi32, #tpu.memory_space<vmem>>, vector<16xi32>,
    tpu.vector_store %arg19[%swap3A_569], %get3A_568 {strides = array<i32>} : memref<128xi32, #tpu.memory_space<vmem>>, vector<16xi32>,
    %get3A_571 = arith.constant 2 : i32
    %get3A_572 = arith.index_cast %get3A_571 : i32 to index
    %get3A_573 = arith.constant 80 : index
    %get3A_574 = tpu.vector_load %arg13[%get3A_572, %get3A_573] {strides = array<i32>} : memref<3x128xi32, #tpu.memory_space<vmem>>, vector<16xi32>,
    %swap3A_575 = arith.constant 80 : index
    %swap3A_576 = tpu.vector_load %arg19[%swap3A_575] {strides = array<i32>} : memref<128xi32, #tpu.memory_space<vmem>>, vector<16xi32>,
    tpu.vector_store %arg19[%swap3A_575], %get3A_574 {strides = array<i32>} : memref<128xi32, #tpu.memory_space<vmem>>, vector<16xi32>,
    %get3A_577 = arith.constant 2 : i32
    %get3A_578 = arith.index_cast %get3A_577 : i32 to index
    %get3A_579 = arith.constant 96 : index
    %get3A_580 = tpu.vector_load %arg13[%get3A_578, %get3A_579] {strides = array<i32>} : memref<3x128xi32, #tpu.memory_space<vmem>>, vector<16xi32>,
    %swap3A_581 = arith.constant 96 : index
    %swap3A_582 = tpu.vector_load %arg19[%swap3A_581] {strides = array<i32>} : memref<128xi32, #tpu.memory_space<vmem>>, vector<16xi32>,
    tpu.vector_store %arg19[%swap3A_581], %get3A_580 {strides = array<i32>} : memref<128xi32, #tpu.memory_space<vmem>>, vector<16xi32>,
    %get3A_583 = arith.constant 2 : i32
    %get3A_584 = arith.index_cast %get3A_583 : i32 to index
    %get3A_585 = arith.constant 112 : index
    %get3A_586 = tpu.vector_load %arg13[%get3A_584, %get3A_585] {strides = array<i32>} : memref<3x128xi32, #tpu.memory_space<vmem>>, vector<16xi32>,
    %swap3A_587 = arith.constant 112 : index
    %swap3A_588 = tpu.vector_load %arg19[%swap3A_587] {strides = array<i32>} : memref<128xi32, #tpu.memory_space<vmem>>, vector<16xi32>,
    tpu.vector_store %arg19[%swap3A_587], %get3A_586 {strides = array<i32>} : memref<128xi32, #tpu.memory_space<vmem>>, vector<16xi32>,
    %dma_wait3A_589 = arith.constant 0 : i32
    %dma_wait3A_590 = arith.constant 0 : i32
    %dma_wait3A_591 = arith.constant 0 : i32
    %dma_wait3A_592 = tpu.memref_slice %arg3[%dma_wait3A_589, %dma_wait3A_590, %dma_wait3A_591] : memref<2544x3x128xi32, #tpu.memory_space<hbm>> -> memref<1x3x128xi32, #tpu.memory_space<hbm>>
    %dma_wait3A_593 = tpu.memref_squeeze %dma_wait3A_592 : memref<1x3x128xi32, #tpu.memory_space<hbm>> -> memref<3x128xi32, #tpu.memory_space<hbm>>
    %dma_wait3A_594 = arith.constant 0 : i32
    %dma_wait3A_595 = arith.constant 0 : i32
    %dma_wait3A_596 = tpu.memref_slice %arg3[%dma_wait3A_589, %dma_wait3A_594, %dma_wait3A_595] : memref<2544x3x128xi32, #tpu.memory_space<hbm>> -> memref<1x3x128xi32, #tpu.memory_space<hbm>>
    %dma_wait3A_597 = tpu.memref_squeeze %dma_wait3A_596 : memref<1x3x128xi32, #tpu.memory_space<hbm>> -> memref<3x128xi32, #tpu.memory_space<hbm>>
    tpu.wait_dma2 semaphore(%arg25 : memref<!tpu.dma_semaphore, #tpu.memory_space<semaphore_mem>>) src(%dma_wait3A_597 : memref<3x128xi32, #tpu.memory_space<hbm>>) dst(%arg12 : memref<3x128xi32, #tpu.memory_space<vmem>>)
    %dma_start3A_598 = arith.constant 0 : i32
    %dma_start3A_599 = arith.constant 0 : i32
    %dma_start3A_600 = tpu.memref_slice %arg14[%dma_start3A_598, %dma_start3A_599] : memref<3x128xi32, #tpu.memory_space<vmem>> -> memref<1x128xi32, #tpu.memory_space<vmem>>
    %dma_start3A_601 = tpu.memref_squeeze %dma_start3A_600 : memref<1x128xi32, #tpu.memory_space<vmem>> -> memref<128xi32, #tpu.memory_space<vmem>>
    %dma_start3A_602 = arith.constant 0 : i32
    %dma_start3A_603 = arith.constant 0 : i32
    %dma_start3A_604 = tpu.memref_slice %arg9[%dma_start3A_602, %dma_start3A_603] : memref<10008x64xf32, #tpu.memory_space<vmem_shared>> -> memref<10008x64xf32, #tpu.memory_space<vmem_shared>>
    tpu.enqueue_indirect_dma source(%dma_start3A_604 : memref<10008x64xf32, #tpu.memory_space<vmem_shared>>) target(%arg17 : memref<128x64xf32, #tpu.memory_space<vmem>>) offsets(%dma_start3A_601 : memref<128xi32, #tpu.memory_space<vmem>>) semaphore(%arg24 : memref<!tpu.dma_semaphore, #tpu.memory_space<semaphore_mem>>)
    %dma_start3A_605 = arith.constant 0 : i32
    %dma_start3A_606 = arith.constant 0 : i32
    %dma_start3A_607 = tpu.memref_slice %arg10[%dma_start3A_605, %dma_start3A_606] : memref<10008x64xf32, #tpu.memory_space<vmem_shared>> -> memref<10008x64xf32, #tpu.memory_space<vmem_shared>>
    tpu.enqueue_indirect_dma source(%arg16 : memref<128x64xf32, #tpu.memory_space<vmem>>) target(%dma_start3A_607 : memref<10008x64xf32, #tpu.memory_space<vmem_shared>>) offsets(%arg19 : memref<128xi32, #tpu.memory_space<vmem>>) semaphore(%arg26 : memref<!tpu.dma_semaphore, #tpu.memory_space<semaphore_mem>>) {add = true}
    %add3A_608 = arith.constant 64 : i32
    %add3A_609 = arith.addi %arg1, %add3A_608 : i32
    %min3A_610 = arith.constant 2543 : i32
    %min3A_611 = arith.minsi %add3A_609, %min3A_610 : i32
    %dma_start3A_612 = arith.constant 0 : i32
    %dma_start3A_613 = arith.constant 0 : i32
    %dma_start3A_614 = tpu.memref_slice %arg3[%min3A_611, %dma_start3A_612, %dma_start3A_613] : memref<2544x3x128xi32, #tpu.memory_space<hbm>> -> memref<1x3x128xi32, #tpu.memory_space<hbm>>
    %dma_start3A_615 = tpu.memref_squeeze %dma_start3A_614 : memref<1x3x128xi32, #tpu.memory_space<hbm>> -> memref<3x128xi32, #tpu.memory_space<hbm>>
    %dma_start3A_616 = arith.constant 0 : i32
    %dma_start3A_617 = arith.constant 0 : i32
    %dma_start3A_618 = tpu.memref_slice %arg3[%min3A_611, %dma_start3A_616, %dma_start3A_617] : memref<2544x3x128xi32, #tpu.memory_space<hbm>> -> memref<1x3x128xi32, #tpu.memory_space<hbm>>
    %dma_start3A_619 = tpu.memref_squeeze %dma_start3A_618 : memref<1x3x128xi32, #tpu.memory_space<hbm>> -> memref<3x128xi32, #tpu.memory_space<hbm>>
    tpu.enqueue_dma source(%dma_start3A_619 : memref<3x128xi32, #tpu.memory_space<hbm>>) target(%arg13 : memref<3x128xi32, #tpu.memory_space<vmem>>) target_semaphore(%arg25 : memref<!tpu.dma_semaphore, #tpu.memory_space<semaphore_mem>>)
    %dma_wait3A_620 = arith.constant 0 : i32
    %dma_wait3A_621 = arith.constant 0 : i32
    %dma_wait3A_622 = tpu.memref_slice %arg14[%dma_wait3A_620, %dma_wait3A_621] : memref<3x128xi32, #tpu.memory_space<vmem>> -> memref<1x128xi32, #tpu.memory_space<vmem>>
    %dma_wait3A_623 = tpu.memref_squeeze %dma_wait3A_622 : memref<1x128xi32, #tpu.memory_space<vmem>> -> memref<128xi32, #tpu.memory_space<vmem>>
    %dma_wait3A_624 = arith.constant 0 : i32
    %dma_wait3A_625 = arith.constant 0 : i32
    %dma_wait3A_626 = tpu.memref_slice %arg9[%dma_wait3A_624, %dma_wait3A_625] : memref<10008x64xf32, #tpu.memory_space<vmem_shared>> -> memref<10008x64xf32, #tpu.memory_space<vmem_shared>>
    tpu.wait_indirect_dma semaphore(%arg24 : memref<!tpu.dma_semaphore, #tpu.memory_space<semaphore_mem>>) src(%dma_wait3A_626 : memref<10008x64xf32, #tpu.memory_space<vmem_shared>>) dst(%arg17 : memref<128x64xf32, #tpu.memory_space<vmem>>)
    %get3A_627 = arith.constant 2 : i32
    %get3A_628 = arith.index_cast %get3A_627 : i32 to index
    %get3A_629 = arith.constant 0 : index
    %get3A_630 = tpu.vector_load %arg14[%get3A_628, %get3A_629] {strides = array<i32>} : memref<3x128xi32, #tpu.memory_space<vmem>>, vector<16xi32>,
    %swap3A_631 = arith.constant 0 : index
    %swap3A_632 = tpu.vector_load %arg20[%swap3A_631] {strides = array<i32>} : memref<128xi32, #tpu.memory_space<vmem>>, vector<16xi32>,
    tpu.vector_store %arg20[%swap3A_631], %get3A_630 {strides = array<i32>} : memref<128xi32, #tpu.memory_space<vmem>>, vector<16xi32>,
    %get3A_633 = arith.constant 2 : i32
    %get3A_634 = arith.index_cast %get3A_633 : i32 to index
    %get3A_635 = arith.constant 16 : index
    %get3A_636 = tpu.vector_load %arg14[%get3A_634, %get3A_635] {strides = array<i32>} : memref<3x128xi32, #tpu.memory_space<vmem>>, vector<16xi32>,
    %swap3A_637 = arith.constant 16 : index
    %swap3A_638 = tpu.vector_load %arg20[%swap3A_637] {strides = array<i32>} : memref<128xi32, #tpu.memory_space<vmem>>, vector<16xi32>,
    tpu.vector_store %arg20[%swap3A_637], %get3A_636 {strides = array<i32>} : memref<128xi32, #tpu.memory_space<vmem>>, vector<16xi32>,
    %get3A_639 = arith.constant 2 : i32
    %get3A_640 = arith.index_cast %get3A_639 : i32 to index
    %get3A_641 = arith.constant 32 : index
    %get3A_642 = tpu.vector_load %arg14[%get3A_640, %get3A_641] {strides = array<i32>} : memref<3x128xi32, #tpu.memory_space<vmem>>, vector<16xi32>,
    %swap3A_643 = arith.constant 32 : index
    %swap3A_644 = tpu.vector_load %arg20[%swap3A_643] {strides = array<i32>} : memref<128xi32, #tpu.memory_space<vmem>>, vector<16xi32>,
    tpu.vector_store %arg20[%swap3A_643], %get3A_642 {strides = array<i32>} : memref<128xi32, #tpu.memory_space<vmem>>, vector<16xi32>,
    %get3A_645 = arith.constant 2 : i32
    %get3A_646 = arith.index_cast %get3A_645 : i32 to index
    %get3A_647 = arith.constant 48 : index
    %get3A_648 = tpu.vector_load %arg14[%get3A_646, %get3A_647] {strides = array<i32>} : memref<3x128xi32, #tpu.memory_space<vmem>>, vector<16xi32>,
    %swap3A_649 = arith.constant 48 : index
    %swap3A_650 = tpu.vector_load %arg20[%swap3A_649] {strides = array<i32>} : memref<128xi32, #tpu.memory_space<vmem>>, vector<16xi32>,
    tpu.vector_store %arg20[%swap3A_649], %get3A_648 {strides = array<i32>} : memref<128xi32, #tpu.memory_space<vmem>>, vector<16xi32>,
    %get3A_651 = arith.constant 2 : i32
    %get3A_652 = arith.index_cast %get3A_651 : i32 to index
    %get3A_653 = arith.constant 64 : index
    %get3A_654 = tpu.vector_load %arg14[%get3A_652, %get3A_653] {strides = array<i32>} : memref<3x128xi32, #tpu.memory_space<vmem>>, vector<16xi32>,
    %swap3A_655 = arith.constant 64 : index
    %swap3A_656 = tpu.vector_load %arg20[%swap3A_655] {strides = array<i32>} : memref<128xi32, #tpu.memory_space<vmem>>, vector<16xi32>,
    tpu.vector_store %arg20[%swap3A_655], %get3A_654 {strides = array<i32>} : memref<128xi32, #tpu.memory_space<vmem>>, vector<16xi32>,
    %get3A_657 = arith.constant 2 : i32
    %get3A_658 = arith.index_cast %get3A_657 : i32 to index
    %get3A_659 = arith.constant 80 : index
    %get3A_660 = tpu.vector_load %arg14[%get3A_658, %get3A_659] {strides = array<i32>} : memref<3x128xi32, #tpu.memory_space<vmem>>, vector<16xi32>,
    %swap3A_661 = arith.constant 80 : index
    %swap3A_662 = tpu.vector_load %arg20[%swap3A_661] {strides = array<i32>} : memref<128xi32, #tpu.memory_space<vmem>>, vector<16xi32>,
    tpu.vector_store %arg20[%swap3A_661], %get3A_660 {strides = array<i32>} : memref<128xi32, #tpu.memory_space<vmem>>, vector<16xi32>,
    %get3A_663 = arith.constant 2 : i32
    %get3A_664 = arith.index_cast %get3A_663 : i32 to index
    %get3A_665 = arith.constant 96 : index
    %get3A_666 = tpu.vector_load %arg14[%get3A_664, %get3A_665] {strides = array<i32>} : memref<3x128xi32, #tpu.memory_space<vmem>>, vector<16xi32>,
    %swap3A_667 = arith.constant 96 : index
    %swap3A_668 = tpu.vector_load %arg20[%swap3A_667] {strides = array<i32>} : memref<128xi32, #tpu.memory_space<vmem>>, vector<16xi32>,
    tpu.vector_store %arg20[%swap3A_667], %get3A_666 {strides = array<i32>} : memref<128xi32, #tpu.memory_space<vmem>>, vector<16xi32>,
    %get3A_669 = arith.constant 2 : i32
    %get3A_670 = arith.index_cast %get3A_669 : i32 to index
    %get3A_671 = arith.constant 112 : index
    %get3A_672 = tpu.vector_load %arg14[%get3A_670, %get3A_671] {strides = array<i32>} : memref<3x128xi32, #tpu.memory_space<vmem>>, vector<16xi32>,
    %swap3A_673 = arith.constant 112 : index
    %swap3A_674 = tpu.vector_load %arg20[%swap3A_673] {strides = array<i32>} : memref<128xi32, #tpu.memory_space<vmem>>, vector<16xi32>,
    tpu.vector_store %arg20[%swap3A_673], %get3A_672 {strides = array<i32>} : memref<128xi32, #tpu.memory_space<vmem>>, vector<16xi32>,
    %dma_wait3A_675 = arith.constant 0 : i32
    %dma_wait3A_676 = arith.constant 0 : i32
    %dma_wait3A_677 = tpu.memref_slice %arg10[%dma_wait3A_675, %dma_wait3A_676] : memref<10008x64xf32, #tpu.memory_space<vmem_shared>> -> memref<10008x64xf32, #tpu.memory_space<vmem_shared>>
    tpu.wait_indirect_dma semaphore(%arg26 : memref<!tpu.dma_semaphore, #tpu.memory_space<semaphore_mem>>) src(%arg15 : memref<128x64xf32, #tpu.memory_space<vmem>>) dst(%dma_wait3A_677 : memref<10008x64xf32, #tpu.memory_space<vmem_shared>>)
    %dma_wait3A_678 = arith.constant 0 : i32
    %dma_wait3A_679 = arith.constant 0 : i32
    %dma_wait3A_680 = arith.constant 0 : i32
    %dma_wait3A_681 = tpu.memref_slice %arg3[%dma_wait3A_678, %dma_wait3A_679, %dma_wait3A_680] : memref<2544x3x128xi32, #tpu.memory_space<hbm>> -> memref<1x3x128xi32, #tpu.memory_space<hbm>>
    %dma_wait3A_682 = tpu.memref_squeeze %dma_wait3A_681 : memref<1x3x128xi32, #tpu.memory_space<hbm>> -> memref<3x128xi32, #tpu.memory_space<hbm>>
    %dma_wait3A_683 = arith.constant 0 : i32
    %dma_wait3A_684 = arith.constant 0 : i32
    %dma_wait3A_685 = tpu.memref_slice %arg3[%dma_wait3A_678, %dma_wait3A_683, %dma_wait3A_684] : memref<2544x3x128xi32, #tpu.memory_space<hbm>> -> memref<1x3x128xi32, #tpu.memory_space<hbm>>
    %dma_wait3A_686 = tpu.memref_squeeze %dma_wait3A_685 : memref<1x3x128xi32, #tpu.memory_space<hbm>> -> memref<3x128xi32, #tpu.memory_space<hbm>>
    tpu.wait_dma2 semaphore(%arg25 : memref<!tpu.dma_semaphore, #tpu.memory_space<semaphore_mem>>) src(%dma_wait3A_686 : memref<3x128xi32, #tpu.memory_space<hbm>>) dst(%arg12 : memref<3x128xi32, #tpu.memory_space<vmem>>)
    %dma_start3A_687 = arith.constant 0 : i32
    %dma_start3A_688 = arith.constant 0 : i32
    %dma_start3A_689 = tpu.memref_slice %arg12[%dma_start3A_687, %dma_start3A_688] : memref<3x128xi32, #tpu.memory_space<vmem>> -> memref<1x128xi32, #tpu.memory_space<vmem>>
    %dma_start3A_690 = tpu.memref_squeeze %dma_start3A_689 : memref<1x128xi32, #tpu.memory_space<vmem>> -> memref<128xi32, #tpu.memory_space<vmem>>
    %dma_start3A_691 = arith.constant 0 : i32
    %dma_start3A_692 = arith.constant 0 : i32
    %dma_start3A_693 = tpu.memref_slice %arg9[%dma_start3A_691, %dma_start3A_692] : memref<10008x64xf32, #tpu.memory_space<vmem_shared>> -> memref<10008x64xf32, #tpu.memory_space<vmem_shared>>
    tpu.enqueue_indirect_dma source(%dma_start3A_693 : memref<10008x64xf32, #tpu.memory_space<vmem_shared>>) target(%arg15 : memref<128x64xf32, #tpu.memory_space<vmem>>) offsets(%dma_start3A_690 : memref<128xi32, #tpu.memory_space<vmem>>) semaphore(%arg24 : memref<!tpu.dma_semaphore, #tpu.memory_space<semaphore_mem>>)
    %dma_start3A_694 = arith.constant 0 : i32
    %dma_start3A_695 = arith.constant 0 : i32
    %dma_start3A_696 = tpu.memref_slice %arg10[%dma_start3A_694, %dma_start3A_695] : memref<10008x64xf32, #tpu.memory_space<vmem_shared>> -> memref<10008x64xf32, #tpu.memory_space<vmem_shared>>
    tpu.enqueue_indirect_dma source(%arg17 : memref<128x64xf32, #tpu.memory_space<vmem>>) target(%dma_start3A_696 : memref<10008x64xf32, #tpu.memory_space<vmem_shared>>) offsets(%arg20 : memref<128xi32, #tpu.memory_space<vmem>>) semaphore(%arg26 : memref<!tpu.dma_semaphore, #tpu.memory_space<semaphore_mem>>) {add = true}
    %add3A_697 = arith.constant 80 : i32
    %add3A_698 = arith.addi %arg1, %add3A_697 : i32
    %min3A_699 = arith.constant 2543 : i32
    %min3A_700 = arith.minsi %add3A_698, %min3A_699 : i32
    %dma_start3A_701 = arith.constant 0 : i32
    %dma_start3A_702 = arith.constant 0 : i32
    %dma_start3A_703 = tpu.memref_slice %arg3[%min3A_700, %dma_start3A_701, %dma_start3A_702] : memref<2544x3x128xi32, #tpu.memory_space<hbm>> -> memref<1x3x128xi32, #tpu.memory_space<hbm>>
    %dma_start3A_704 = tpu.memref_squeeze %dma_start3A_703 : memref<1x3x128xi32, #tpu.memory_space<hbm>> -> memref<3x128xi32, #tpu.memory_space<hbm>>
    %dma_start3A_705 = arith.constant 0 : i32
    %dma_start3A_706 = arith.constant 0 : i32
    %dma_start3A_707 = tpu.memref_slice %arg3[%min3A_700, %dma_start3A_705, %dma_start3A_706] : memref<2544x3x128xi32, #tpu.memory_space<hbm>> -> memref<1x3x128xi32, #tpu.memory_space<hbm>>
    %dma_start3A_708 = tpu.memref_squeeze %dma_start3A_707 : memref<1x3x128xi32, #tpu.memory_space<hbm>> -> memref<3x128xi32, #tpu.memory_space<hbm>>
    tpu.enqueue_dma source(%dma_start3A_708 : memref<3x128xi32, #tpu.memory_space<hbm>>) target(%arg14 : memref<3x128xi32, #tpu.memory_space<vmem>>) target_semaphore(%arg25 : memref<!tpu.dma_semaphore, #tpu.memory_space<semaphore_mem>>)
    %scan3A_709 = arith.constant 0 : i32
    %scan3A_710 = arith.constant 1 : i32
    %scan3A_711 = arith.constant 52 : i32
    %scan3A_712 = arith.addi %scan3A_710, %scan3A_711 : i32
    %scan3A_713 = arith.constant 1 : i32
    %scan3A_714 = scf.for %scan3A_783 = %scan3A_710 to %scan3A_712 step %scan3A_713 iter_args(%scan3A_784 = %scan3A_709) -> (i32)  : i32 {
      %mul3A_785 = arith.constant 3 : i32
      %mul3A_786 = arith.muli %mul3A_785, %scan3A_783 : i32
      %dma_wait3A_787 = arith.constant 0 : i32
      %dma_wait3A_788 = arith.constant 0 : i32
      %dma_wait3A_789 = tpu.memref_slice %arg12[%dma_wait3A_787, %dma_wait3A_788] : memref<3x128xi32, #tpu.memory_space<vmem>> -> memref<1x128xi32, #tpu.memory_space<vmem>>
      %dma_wait3A_790 = tpu.memref_squeeze %dma_wait3A_789 : memref<1x128xi32, #tpu.memory_space<vmem>> -> memref<128xi32, #tpu.memory_space<vmem>>
      %dma_wait3A_791 = arith.constant 0 : i32
      %dma_wait3A_792 = arith.constant 0 : i32
      %dma_wait3A_793 = tpu.memref_slice %arg9[%dma_wait3A_791, %dma_wait3A_792] : memref<10008x64xf32, #tpu.memory_space<vmem_shared>> -> memref<10008x64xf32, #tpu.memory_space<vmem_shared>>
      tpu.wait_indirect_dma semaphore(%arg24 : memref<!tpu.dma_semaphore, #tpu.memory_space<semaphore_mem>>) src(%dma_wait3A_793 : memref<10008x64xf32, #tpu.memory_space<vmem_shared>>) dst(%arg15 : memref<128x64xf32, #tpu.memory_space<vmem>>)
      %get3A_794 = arith.constant 2 : i32
      %get3A_795 = arith.index_cast %get3A_794 : i32 to index
      %get3A_796 = arith.constant 0 : index
      %get3A_797 = tpu.vector_load %arg12[%get3A_795, %get3A_796] {strides = array<i32>} : memref<3x128xi32, #tpu.memory_space<vmem>>, vector<16xi32>,
      %swap3A_798 = arith.constant 0 : index
      %swap3A_799 = tpu.vector_load %arg18[%swap3A_798] {strides = array<i32>} : memref<128xi32, #tpu.memory_space<vmem>>, vector<16xi32>,
      tpu.vector_store %arg18[%swap3A_798], %get3A_797 {strides = array<i32>} : memref<128xi32, #tpu.memory_space<vmem>>, vector<16xi32>,
      %get3A_800 = arith.constant 2 : i32
      %get3A_801 = arith.index_cast %get3A_800 : i32 to index
      %get3A_802 = arith.constant 16 : index
      %get3A_803 = tpu.vector_load %arg12[%get3A_801, %get3A_802] {strides = array<i32>} : memref<3x128xi32, #tpu.memory_space<vmem>>, vector<16xi32>,
      %swap3A_804 = arith.constant 16 : index
      %swap3A_805 = tpu.vector_load %arg18[%swap3A_804] {strides = array<i32>} : memref<128xi32, #tpu.memory_space<vmem>>, vector<16xi32>,
      tpu.vector_store %arg18[%swap3A_804], %get3A_803 {strides = array<i32>} : memref<128xi32, #tpu.memory_space<vmem>>, vector<16xi32>,
      %get3A_806 = arith.constant 2 : i32
      %get3A_807 = arith.index_cast %get3A_806 : i32 to index
      %get3A_808 = arith.constant 32 : index
      %get3A_809 = tpu.vector_load %arg12[%get3A_807, %get3A_808] {strides = array<i32>} : memref<3x128xi32, #tpu.memory_space<vmem>>, vector<16xi32>,
      %swap3A_810 = arith.constant 32 : index
      %swap3A_811 = tpu.vector_load %arg18[%swap3A_810] {strides = array<i32>} : memref<128xi32, #tpu.memory_space<vmem>>, vector<16xi32>,
      tpu.vector_store %arg18[%swap3A_810], %get3A_809 {strides = array<i32>} : memref<128xi32, #tpu.memory_space<vmem>>, vector<16xi32>,
      %get3A_812 = arith.constant 2 : i32
      %get3A_813 = arith.index_cast %get3A_812 : i32 to index
      %get3A_814 = arith.constant 48 : index
      %get3A_815 = tpu.vector_load %arg12[%get3A_813, %get3A_814] {strides = array<i32>} : memref<3x128xi32, #tpu.memory_space<vmem>>, vector<16xi32>,
      %swap3A_816 = arith.constant 48 : index
      %swap3A_817 = tpu.vector_load %arg18[%swap3A_816] {strides = array<i32>} : memref<128xi32, #tpu.memory_space<vmem>>, vector<16xi32>,
      tpu.vector_store %arg18[%swap3A_816], %get3A_815 {strides = array<i32>} : memref<128xi32, #tpu.memory_space<vmem>>, vector<16xi32>,
      %get3A_818 = arith.constant 2 : i32
      %get3A_819 = arith.index_cast %get3A_818 : i32 to index
      %get3A_820 = arith.constant 64 : index
      %get3A_821 = tpu.vector_load %arg12[%get3A_819, %get3A_820] {strides = array<i32>} : memref<3x128xi32, #tpu.memory_space<vmem>>, vector<16xi32>,
      %swap3A_822 = arith.constant 64 : index
      %swap3A_823 = tpu.vector_load %arg18[%swap3A_822] {strides = array<i32>} : memref<128xi32, #tpu.memory_space<vmem>>, vector<16xi32>,
      tpu.vector_store %arg18[%swap3A_822], %get3A_821 {strides = array<i32>} : memref<128xi32, #tpu.memory_space<vmem>>, vector<16xi32>,
      %get3A_824 = arith.constant 2 : i32
      %get3A_825 = arith.index_cast %get3A_824 : i32 to index
      %get3A_826 = arith.constant 80 : index
      %get3A_827 = tpu.vector_load %arg12[%get3A_825, %get3A_826] {strides = array<i32>} : memref<3x128xi32, #tpu.memory_space<vmem>>, vector<16xi32>,
      %swap3A_828 = arith.constant 80 : index
      %swap3A_829 = tpu.vector_load %arg18[%swap3A_828] {strides = array<i32>} : memref<128xi32, #tpu.memory_space<vmem>>, vector<16xi32>,
      tpu.vector_store %arg18[%swap3A_828], %get3A_827 {strides = array<i32>} : memref<128xi32, #tpu.memory_space<vmem>>, vector<16xi32>,
      %get3A_830 = arith.constant 2 : i32
      %get3A_831 = arith.index_cast %get3A_830 : i32 to index
      %get3A_832 = arith.constant 96 : index
      %get3A_833 = tpu.vector_load %arg12[%get3A_831, %get3A_832] {strides = array<i32>} : memref<3x128xi32, #tpu.memory_space<vmem>>, vector<16xi32>,
      %swap3A_834 = arith.constant 96 : index
      %swap3A_835 = tpu.vector_load %arg18[%swap3A_834] {strides = array<i32>} : memref<128xi32, #tpu.memory_space<vmem>>, vector<16xi32>,
      tpu.vector_store %arg18[%swap3A_834], %get3A_833 {strides = array<i32>} : memref<128xi32, #tpu.memory_space<vmem>>, vector<16xi32>,
      %get3A_836 = arith.constant 2 : i32
      %get3A_837 = arith.index_cast %get3A_836 : i32 to index
      %get3A_838 = arith.constant 112 : index
      %get3A_839 = tpu.vector_load %arg12[%get3A_837, %get3A_838] {strides = array<i32>} : memref<3x128xi32, #tpu.memory_space<vmem>>, vector<16xi32>,
      %swap3A_840 = arith.constant 112 : index
      %swap3A_841 = tpu.vector_load %arg18[%swap3A_840] {strides = array<i32>} : memref<128xi32, #tpu.memory_space<vmem>>, vector<16xi32>,
      tpu.vector_store %arg18[%swap3A_840], %get3A_839 {strides = array<i32>} : memref<128xi32, #tpu.memory_space<vmem>>, vector<16xi32>,
      %dma_wait3A_842 = arith.constant 0 : i32
      %dma_wait3A_843 = arith.constant 0 : i32
      %dma_wait3A_844 = tpu.memref_slice %arg10[%dma_wait3A_842, %dma_wait3A_843] : memref<10008x64xf32, #tpu.memory_space<vmem_shared>> -> memref<10008x64xf32, #tpu.memory_space<vmem_shared>>
      tpu.wait_indirect_dma semaphore(%arg26 : memref<!tpu.dma_semaphore, #tpu.memory_space<semaphore_mem>>) src(%arg16 : memref<128x64xf32, #tpu.memory_space<vmem>>) dst(%dma_wait3A_844 : memref<10008x64xf32, #tpu.memory_space<vmem_shared>>)
      %dma_wait3A_845 = arith.constant 0 : i32
      %dma_wait3A_846 = arith.constant 0 : i32
      %dma_wait3A_847 = arith.constant 0 : i32
      %dma_wait3A_848 = tpu.memref_slice %arg3[%dma_wait3A_845, %dma_wait3A_846, %dma_wait3A_847] : memref<2544x3x128xi32, #tpu.memory_space<hbm>> -> memref<1x3x128xi32, #tpu.memory_space<hbm>>
      %dma_wait3A_849 = tpu.memref_squeeze %dma_wait3A_848 : memref<1x3x128xi32, #tpu.memory_space<hbm>> -> memref<3x128xi32, #tpu.memory_space<hbm>>
      %dma_wait3A_850 = arith.constant 0 : i32
      %dma_wait3A_851 = arith.constant 0 : i32
      %dma_wait3A_852 = tpu.memref_slice %arg3[%dma_wait3A_845, %dma_wait3A_850, %dma_wait3A_851] : memref<2544x3x128xi32, #tpu.memory_space<hbm>> -> memref<1x3x128xi32, #tpu.memory_space<hbm>>
      %dma_wait3A_853 = tpu.memref_squeeze %dma_wait3A_852 : memref<1x3x128xi32, #tpu.memory_space<hbm>> -> memref<3x128xi32, #tpu.memory_space<hbm>>
      tpu.wait_dma2 semaphore(%arg25 : memref<!tpu.dma_semaphore, #tpu.memory_space<semaphore_mem>>) src(%dma_wait3A_853 : memref<3x128xi32, #tpu.memory_space<hbm>>) dst(%arg12 : memref<3x128xi32, #tpu.memory_space<vmem>>)
      %dma_start3A_854 = arith.constant 0 : i32
      %dma_start3A_855 = arith.constant 0 : i32
      %dma_start3A_856 = tpu.memref_slice %arg13[%dma_start3A_854, %dma_start3A_855] : memref<3x128xi32, #tpu.memory_space<vmem>> -> memref<1x128xi32, #tpu.memory_space<vmem>>
      %dma_start3A_857 = tpu.memref_squeeze %dma_start3A_856 : memref<1x128xi32, #tpu.memory_space<vmem>> -> memref<128xi32, #tpu.memory_space<vmem>>
      %dma_start3A_858 = arith.constant 0 : i32
      %dma_start3A_859 = arith.constant 0 : i32
      %dma_start3A_860 = tpu.memref_slice %arg9[%dma_start3A_858, %dma_start3A_859] : memref<10008x64xf32, #tpu.memory_space<vmem_shared>> -> memref<10008x64xf32, #tpu.memory_space<vmem_shared>>
      tpu.enqueue_indirect_dma source(%dma_start3A_860 : memref<10008x64xf32, #tpu.memory_space<vmem_shared>>) target(%arg16 : memref<128x64xf32, #tpu.memory_space<vmem>>) offsets(%dma_start3A_857 : memref<128xi32, #tpu.memory_space<vmem>>) semaphore(%arg24 : memref<!tpu.dma_semaphore, #tpu.memory_space<semaphore_mem>>)
      %dma_start3A_861 = arith.constant 0 : i32
      %dma_start3A_862 = arith.constant 0 : i32
      %dma_start3A_863 = tpu.memref_slice %arg10[%dma_start3A_861, %dma_start3A_862] : memref<10008x64xf32, #tpu.memory_space<vmem_shared>> -> memref<10008x64xf32, #tpu.memory_space<vmem_shared>>
      tpu.enqueue_indirect_dma source(%arg15 : memref<128x64xf32, #tpu.memory_space<vmem>>) target(%dma_start3A_863 : memref<10008x64xf32, #tpu.memory_space<vmem_shared>>) offsets(%arg18 : memref<128xi32, #tpu.memory_space<vmem>>) semaphore(%arg26 : memref<!tpu.dma_semaphore, #tpu.memory_space<semaphore_mem>>) {add = true}
      %add3A_864 = arith.constant 3 : i32
      %add3A_865 = arith.addi %mul3A_786, %add3A_864 : i32
      %mul3A_866 = arith.constant 16 : i32
      %mul3A_867 = arith.muli %mul3A_866, %add3A_865 : i32
      %add3A_868 = arith.addi %arg1, %mul3A_867 : i32
      %min3A_869 = arith.constant 2543 : i32
      %min3A_870 = arith.minsi %add3A_868, %min3A_869 : i32
      %dma_start3A_871 = arith.constant 0 : i32
      %dma_start3A_872 = arith.constant 0 : i32
      %dma_start3A_873 = tpu.memref_slice %arg3[%min3A_870, %dma_start3A_871, %dma_start3A_872] : memref<2544x3x128xi32, #tpu.memory_space<hbm>> -> memref<1x3x128xi32, #tpu.memory_space<hbm>>
      %dma_start3A_874 = tpu.memref_squeeze %dma_start3A_873 : memref<1x3x128xi32, #tpu.memory_space<hbm>> -> memref<3x128xi32, #tpu.memory_space<hbm>>
      %dma_start3A_875 = arith.constant 0 : i32
      %dma_start3A_876 = arith.constant 0 : i32
      %dma_start3A_877 = tpu.memref_slice %arg3[%min3A_870, %dma_start3A_875, %dma_start3A_876] : memref<2544x3x128xi32, #tpu.memory_space<hbm>> -> memref<1x3x128xi32, #tpu.memory_space<hbm>>
      %dma_start3A_878 = tpu.memref_squeeze %dma_start3A_877 : memref<1x3x128xi32, #tpu.memory_space<hbm>> -> memref<3x128xi32, #tpu.memory_space<hbm>>
      tpu.enqueue_dma source(%dma_start3A_878 : memref<3x128xi32, #tpu.memory_space<hbm>>) target(%arg12 : memref<3x128xi32, #tpu.memory_space<vmem>>) target_semaphore(%arg25 : memref<!tpu.dma_semaphore, #tpu.memory_space<semaphore_mem>>)
      %add3A_879 = arith.constant 1 : i32
      %add3A_880 = arith.addi %mul3A_786, %add3A_879 : i32
      %dma_wait3A_881 = arith.constant 0 : i32
      %dma_wait3A_882 = arith.constant 0 : i32
      %dma_wait3A_883 = tpu.memref_slice %arg13[%dma_wait3A_881, %dma_wait3A_882] : memref<3x128xi32, #tpu.memory_space<vmem>> -> memref<1x128xi32, #tpu.memory_space<vmem>>
      %dma_wait3A_884 = tpu.memref_squeeze %dma_wait3A_883 : memref<1x128xi32, #tpu.memory_space<vmem>> -> memref<128xi32, #tpu.memory_space<vmem>>
      %dma_wait3A_885 = arith.constant 0 : i32
      %dma_wait3A_886 = arith.constant 0 : i32
      %dma_wait3A_887 = tpu.memref_slice %arg9[%dma_wait3A_885, %dma_wait3A_886] : memref<10008x64xf32, #tpu.memory_space<vmem_shared>> -> memref<10008x64xf32, #tpu.memory_space<vmem_shared>>
      tpu.wait_indirect_dma semaphore(%arg24 : memref<!tpu.dma_semaphore, #tpu.memory_space<semaphore_mem>>) src(%dma_wait3A_887 : memref<10008x64xf32, #tpu.memory_space<vmem_shared>>) dst(%arg16 : memref<128x64xf32, #tpu.memory_space<vmem>>)
      %get3A_888 = arith.constant 2 : i32
      %get3A_889 = arith.index_cast %get3A_888 : i32 to index
      %get3A_890 = arith.constant 0 : index
      %get3A_891 = tpu.vector_load %arg13[%get3A_889, %get3A_890] {strides = array<i32>} : memref<3x128xi32, #tpu.memory_space<vmem>>, vector<16xi32>,
      %swap3A_892 = arith.constant 0 : index
      %swap3A_893 = tpu.vector_load %arg19[%swap3A_892] {strides = array<i32>} : memref<128xi32, #tpu.memory_space<vmem>>, vector<16xi32>,
      tpu.vector_store %arg19[%swap3A_892], %get3A_891 {strides = array<i32>} : memref<128xi32, #tpu.memory_space<vmem>>, vector<16xi32>,
      %get3A_894 = arith.constant 2 : i32
      %get3A_895 = arith.index_cast %get3A_894 : i32 to index
      %get3A_896 = arith.constant 16 : index
      %get3A_897 = tpu.vector_load %arg13[%get3A_895, %get3A_896] {strides = array<i32>} : memref<3x128xi32, #tpu.memory_space<vmem>>, vector<16xi32>,
      %swap3A_898 = arith.constant 16 : index
      %swap3A_899 = tpu.vector_load %arg19[%swap3A_898] {strides = array<i32>} : memref<128xi32, #tpu.memory_space<vmem>>, vector<16xi32>,
      tpu.vector_store %arg19[%swap3A_898], %get3A_897 {strides = array<i32>} : memref<128xi32, #tpu.memory_space<vmem>>, vector<16xi32>,
      %get3A_900 = arith.constant 2 : i32
      %get3A_901 = arith.index_cast %get3A_900 : i32 to index
      %get3A_902 = arith.constant 32 : index
      %get3A_903 = tpu.vector_load %arg13[%get3A_901, %get3A_902] {strides = array<i32>} : memref<3x128xi32, #tpu.memory_space<vmem>>, vector<16xi32>,
      %swap3A_904 = arith.constant 32 : index
      %swap3A_905 = tpu.vector_load %arg19[%swap3A_904] {strides = array<i32>} : memref<128xi32, #tpu.memory_space<vmem>>, vector<16xi32>,
      tpu.vector_store %arg19[%swap3A_904], %get3A_903 {strides = array<i32>} : memref<128xi32, #tpu.memory_space<vmem>>, vector<16xi32>,
      %get3A_906 = arith.constant 2 : i32
      %get3A_907 = arith.index_cast %get3A_906 : i32 to index
      %get3A_908 = arith.constant 48 : index
      %get3A_909 = tpu.vector_load %arg13[%get3A_907, %get3A_908] {strides = array<i32>} : memref<3x128xi32, #tpu.memory_space<vmem>>, vector<16xi32>,
      %swap3A_910 = arith.constant 48 : index
      %swap3A_911 = tpu.vector_load %arg19[%swap3A_910] {strides = array<i32>} : memref<128xi32, #tpu.memory_space<vmem>>, vector<16xi32>,
      tpu.vector_store %arg19[%swap3A_910], %get3A_909 {strides = array<i32>} : memref<128xi32, #tpu.memory_space<vmem>>, vector<16xi32>,
      %get3A_912 = arith.constant 2 : i32
      %get3A_913 = arith.index_cast %get3A_912 : i32 to index
      %get3A_914 = arith.constant 64 : index
      %get3A_915 = tpu.vector_load %arg13[%get3A_913, %get3A_914] {strides = array<i32>} : memref<3x128xi32, #tpu.memory_space<vmem>>, vector<16xi32>,
      %swap3A_916 = arith.constant 64 : index
      %swap3A_917 = tpu.vector_load %arg19[%swap3A_916] {strides = array<i32>} : memref<128xi32, #tpu.memory_space<vmem>>, vector<16xi32>,
      tpu.vector_store %arg19[%swap3A_916], %get3A_915 {strides = array<i32>} : memref<128xi32, #tpu.memory_space<vmem>>, vector<16xi32>,
      %get3A_918 = arith.constant 2 : i32
      %get3A_919 = arith.index_cast %get3A_918 : i32 to index
      %get3A_920 = arith.constant 80 : index
      %get3A_921 = tpu.vector_load %arg13[%get3A_919, %get3A_920] {strides = array<i32>} : memref<3x128xi32, #tpu.memory_space<vmem>>, vector<16xi32>,
      %swap3A_922 = arith.constant 80 : index
      %swap3A_923 = tpu.vector_load %arg19[%swap3A_922] {strides = array<i32>} : memref<128xi32, #tpu.memory_space<vmem>>, vector<16xi32>,
      tpu.vector_store %arg19[%swap3A_922], %get3A_921 {strides = array<i32>} : memref<128xi32, #tpu.memory_space<vmem>>, vector<16xi32>,
      %get3A_924 = arith.constant 2 : i32
      %get3A_925 = arith.index_cast %get3A_924 : i32 to index
      %get3A_926 = arith.constant 96 : index
      %get3A_927 = tpu.vector_load %arg13[%get3A_925, %get3A_926] {strides = array<i32>} : memref<3x128xi32, #tpu.memory_space<vmem>>, vector<16xi32>,
      %swap3A_928 = arith.constant 96 : index
      %swap3A_929 = tpu.vector_load %arg19[%swap3A_928] {strides = array<i32>} : memref<128xi32, #tpu.memory_space<vmem>>, vector<16xi32>,
      tpu.vector_store %arg19[%swap3A_928], %get3A_927 {strides = array<i32>} : memref<128xi32, #tpu.memory_space<vmem>>, vector<16xi32>,
      %get3A_930 = arith.constant 2 : i32
      %get3A_931 = arith.index_cast %get3A_930 : i32 to index
      %get3A_932 = arith.constant 112 : index
      %get3A_933 = tpu.vector_load %arg13[%get3A_931, %get3A_932] {strides = array<i32>} : memref<3x128xi32, #tpu.memory_space<vmem>>, vector<16xi32>,
      %swap3A_934 = arith.constant 112 : index
      %swap3A_935 = tpu.vector_load %arg19[%swap3A_934] {strides = array<i32>} : memref<128xi32, #tpu.memory_space<vmem>>, vector<16xi32>,
      tpu.vector_store %arg19[%swap3A_934], %get3A_933 {strides = array<i32>} : memref<128xi32, #tpu.memory_space<vmem>>, vector<16xi32>,
      %dma_wait3A_936 = arith.constant 0 : i32
      %dma_wait3A_937 = arith.constant 0 : i32
      %dma_wait3A_938 = tpu.memref_slice %arg10[%dma_wait3A_936, %dma_wait3A_937] : memref<10008x64xf32, #tpu.memory_space<vmem_shared>> -> memref<10008x64xf32, #tpu.memory_space<vmem_shared>>
      tpu.wait_indirect_dma semaphore(%arg26 : memref<!tpu.dma_semaphore, #tpu.memory_space<semaphore_mem>>) src(%arg17 : memref<128x64xf32, #tpu.memory_space<vmem>>) dst(%dma_wait3A_938 : memref<10008x64xf32, #tpu.memory_space<vmem_shared>>)
      %dma_wait3A_939 = arith.constant 0 : i32
      %dma_wait3A_940 = arith.constant 0 : i32
      %dma_wait3A_941 = arith.constant 0 : i32
      %dma_wait3A_942 = tpu.memref_slice %arg3[%dma_wait3A_939, %dma_wait3A_940, %dma_wait3A_941] : memref<2544x3x128xi32, #tpu.memory_space<hbm>> -> memref<1x3x128xi32, #tpu.memory_space<hbm>>
      %dma_wait3A_943 = tpu.memref_squeeze %dma_wait3A_942 : memref<1x3x128xi32, #tpu.memory_space<hbm>> -> memref<3x128xi32, #tpu.memory_space<hbm>>
      %dma_wait3A_944 = arith.constant 0 : i32
      %dma_wait3A_945 = arith.constant 0 : i32
      %dma_wait3A_946 = tpu.memref_slice %arg3[%dma_wait3A_939, %dma_wait3A_944, %dma_wait3A_945] : memref<2544x3x128xi32, #tpu.memory_space<hbm>> -> memref<1x3x128xi32, #tpu.memory_space<hbm>>
      %dma_wait3A_947 = tpu.memref_squeeze %dma_wait3A_946 : memref<1x3x128xi32, #tpu.memory_space<hbm>> -> memref<3x128xi32, #tpu.memory_space<hbm>>
      tpu.wait_dma2 semaphore(%arg25 : memref<!tpu.dma_semaphore, #tpu.memory_space<semaphore_mem>>) src(%dma_wait3A_947 : memref<3x128xi32, #tpu.memory_space<hbm>>) dst(%arg12 : memref<3x128xi32, #tpu.memory_space<vmem>>)
      %dma_start3A_948 = arith.constant 0 : i32
      %dma_start3A_949 = arith.constant 0 : i32
      %dma_start3A_950 = tpu.memref_slice %arg14[%dma_start3A_948, %dma_start3A_949] : memref<3x128xi32, #tpu.memory_space<vmem>> -> memref<1x128xi32, #tpu.memory_space<vmem>>
      %dma_start3A_951 = tpu.memref_squeeze %dma_start3A_950 : memref<1x128xi32, #tpu.memory_space<vmem>> -> memref<128xi32, #tpu.memory_space<vmem>>
      %dma_start3A_952 = arith.constant 0 : i32
      %dma_start3A_953 = arith.constant 0 : i32
      %dma_start3A_954 = tpu.memref_slice %arg9[%dma_start3A_952, %dma_start3A_953] : memref<10008x64xf32, #tpu.memory_space<vmem_shared>> -> memref<10008x64xf32, #tpu.memory_space<vmem_shared>>
      tpu.enqueue_indirect_dma source(%dma_start3A_954 : memref<10008x64xf32, #tpu.memory_space<vmem_shared>>) target(%arg17 : memref<128x64xf32, #tpu.memory_space<vmem>>) offsets(%dma_start3A_951 : memref<128xi32, #tpu.memory_space<vmem>>) semaphore(%arg24 : memref<!tpu.dma_semaphore, #tpu.memory_space<semaphore_mem>>)
      %dma_start3A_955 = arith.constant 0 : i32
      %dma_start3A_956 = arith.constant 0 : i32
      %dma_start3A_957 = tpu.memref_slice %arg10[%dma_start3A_955, %dma_start3A_956] : memref<10008x64xf32, #tpu.memory_space<vmem_shared>> -> memref<10008x64xf32, #tpu.memory_space<vmem_shared>>
      tpu.enqueue_indirect_dma source(%arg16 : memref<128x64xf32, #tpu.memory_space<vmem>>) target(%dma_start3A_957 : memref<10008x64xf32, #tpu.memory_space<vmem_shared>>) offsets(%arg19 : memref<128xi32, #tpu.memory_space<vmem>>) semaphore(%arg26 : memref<!tpu.dma_semaphore, #tpu.memory_space<semaphore_mem>>) {add = true}
      %add3A_958 = arith.constant 3 : i32
      %add3A_959 = arith.addi %add3A_880, %add3A_958 : i32
      %mul3A_960 = arith.constant 16 : i32
      %mul3A_961 = arith.muli %mul3A_960, %add3A_959 : i32
      %add3A_962 = arith.addi %arg1, %mul3A_961 : i32
      %min3A_963 = arith.constant 2543 : i32
      %min3A_964 = arith.minsi %add3A_962, %min3A_963 : i32
      %dma_start3A_965 = arith.constant 0 : i32
      %dma_start3A_966 = arith.constant 0 : i32
      %dma_start3A_967 = tpu.memref_slice %arg3[%min3A_964, %dma_start3A_965, %dma_start3A_966] : memref<2544x3x128xi32, #tpu.memory_space<hbm>> -> memref<1x3x128xi32, #tpu.memory_space<hbm>>
      %dma_start3A_968 = tpu.memref_squeeze %dma_start3A_967 : memref<1x3x128xi32, #tpu.memory_space<hbm>> -> memref<3x128xi32, #tpu.memory_space<hbm>>
      %dma_start3A_969 = arith.constant 0 : i32
      %dma_start3A_970 = arith.constant 0 : i32
      %dma_start3A_971 = tpu.memref_slice %arg3[%min3A_964, %dma_start3A_969, %dma_start3A_970] : memref<2544x3x128xi32, #tpu.memory_space<hbm>> -> memref<1x3x128xi32, #tpu.memory_space<hbm>>
      %dma_start3A_972 = tpu.memref_squeeze %dma_start3A_971 : memref<1x3x128xi32, #tpu.memory_space<hbm>> -> memref<3x128xi32, #tpu.memory_space<hbm>>
      tpu.enqueue_dma source(%dma_start3A_972 : memref<3x128xi32, #tpu.memory_space<hbm>>) target(%arg13 : memref<3x128xi32, #tpu.memory_space<vmem>>) target_semaphore(%arg25 : memref<!tpu.dma_semaphore, #tpu.memory_space<semaphore_mem>>)
      %add3A_973 = arith.constant 2 : i32
      %add3A_974 = arith.addi %mul3A_786, %add3A_973 : i32
      %dma_wait3A_975 = arith.constant 0 : i32
      %dma_wait3A_976 = arith.constant 0 : i32
      %dma_wait3A_977 = tpu.memref_slice %arg14[%dma_wait3A_975, %dma_wait3A_976] : memref<3x128xi32, #tpu.memory_space<vmem>> -> memref<1x128xi32, #tpu.memory_space<vmem>>
      %dma_wait3A_978 = tpu.memref_squeeze %dma_wait3A_977 : memref<1x128xi32, #tpu.memory_space<vmem>> -> memref<128xi32, #tpu.memory_space<vmem>>
      %dma_wait3A_979 = arith.constant 0 : i32
      %dma_wait3A_980 = arith.constant 0 : i32
      %dma_wait3A_981 = tpu.memref_slice %arg9[%dma_wait3A_979, %dma_wait3A_980] : memref<10008x64xf32, #tpu.memory_space<vmem_shared>> -> memref<10008x64xf32, #tpu.memory_space<vmem_shared>>
      tpu.wait_indirect_dma semaphore(%arg24 : memref<!tpu.dma_semaphore, #tpu.memory_space<semaphore_mem>>) src(%dma_wait3A_981 : memref<10008x64xf32, #tpu.memory_space<vmem_shared>>) dst(%arg17 : memref<128x64xf32, #tpu.memory_space<vmem>>)
      %get3A_982 = arith.constant 2 : i32
      %get3A_983 = arith.index_cast %get3A_982 : i32 to index
      %get3A_984 = arith.constant 0 : index
      %get3A_985 = tpu.vector_load %arg14[%get3A_983, %get3A_984] {strides = array<i32>} : memref<3x128xi32, #tpu.memory_space<vmem>>, vector<16xi32>,
      %swap3A_986 = arith.constant 0 : index
      %swap3A_987 = tpu.vector_load %arg20[%swap3A_986] {strides = array<i32>} : memref<128xi32, #tpu.memory_space<vmem>>, vector<16xi32>,
      tpu.vector_store %arg20[%swap3A_986], %get3A_985 {strides = array<i32>} : memref<128xi32, #tpu.memory_space<vmem>>, vector<16xi32>,
      %get3A_988 = arith.constant 2 : i32
      %get3A_989 = arith.index_cast %get3A_988 : i32 to index
      %get3A_990 = arith.constant 16 : index
      %get3A_991 = tpu.vector_load %arg14[%get3A_989, %get3A_990] {strides = array<i32>} : memref<3x128xi32, #tpu.memory_space<vmem>>, vector<16xi32>,
      %swap3A_992 = arith.constant 16 : index
      %swap3A_993 = tpu.vector_load %arg20[%swap3A_992] {strides = array<i32>} : memref<128xi32, #tpu.memory_space<vmem>>, vector<16xi32>,
      tpu.vector_store %arg20[%swap3A_992], %get3A_991 {strides = array<i32>} : memref<128xi32, #tpu.memory_space<vmem>>, vector<16xi32>,
      %get3A_994 = arith.constant 2 : i32
      %get3A_995 = arith.index_cast %get3A_994 : i32 to index
      %get3A_996 = arith.constant 32 : index
      %get3A_997 = tpu.vector_load %arg14[%get3A_995, %get3A_996] {strides = array<i32>} : memref<3x128xi32, #tpu.memory_space<vmem>>, vector<16xi32>,
      %swap3A_998 = arith.constant 32 : index
      %swap3A_999 = tpu.vector_load %arg20[%swap3A_998] {strides = array<i32>} : memref<128xi32, #tpu.memory_space<vmem>>, vector<16xi32>,
      tpu.vector_store %arg20[%swap3A_998], %get3A_997 {strides = array<i32>} : memref<128xi32, #tpu.memory_space<vmem>>, vector<16xi32>,
      %get3A_1000 = arith.constant 2 : i32
      %get3A_1001 = arith.index_cast %get3A_1000 : i32 to index
      %get3A_1002 = arith.constant 48 : index
      %get3A_1003 = tpu.vector_load %arg14[%get3A_1001, %get3A_1002] {strides = array<i32>} : memref<3x128xi32, #tpu.memory_space<vmem>>, vector<16xi32>,
      %swap3A_1004 = arith.constant 48 : index
      %swap3A_1005 = tpu.vector_load %arg20[%swap3A_1004] {strides = array<i32>} : memref<128xi32, #tpu.memory_space<vmem>>, vector<16xi32>,
      tpu.vector_store %arg20[%swap3A_1004], %get3A_1003 {strides = array<i32>} : memref<128xi32, #tpu.memory_space<vmem>>, vector<16xi32>,
      %get3A_1006 = arith.constant 2 : i32
      %get3A_1007 = arith.index_cast %get3A_1006 : i32 to index
      %get3A_1008 = arith.constant 64 : index
      %get3A_1009 = tpu.vector_load %arg14[%get3A_1007, %get3A_1008] {strides = array<i32>} : memref<3x128xi32, #tpu.memory_space<vmem>>, vector<16xi32>,
      %swap3A_1010 = arith.constant 64 : index
      %swap3A_1011 = tpu.vector_load %arg20[%swap3A_1010] {strides = array<i32>} : memref<128xi32, #tpu.memory_space<vmem>>, vector<16xi32>,
      tpu.vector_store %arg20[%swap3A_1010], %get3A_1009 {strides = array<i32>} : memref<128xi32, #tpu.memory_space<vmem>>, vector<16xi32>,
      %get3A_1012 = arith.constant 2 : i32
      %get3A_1013 = arith.index_cast %get3A_1012 : i32 to index
      %get3A_1014 = arith.constant 80 : index
      %get3A_1015 = tpu.vector_load %arg14[%get3A_1013, %get3A_1014] {strides = array<i32>} : memref<3x128xi32, #tpu.memory_space<vmem>>, vector<16xi32>,
      %swap3A_1016 = arith.constant 80 : index
      %swap3A_1017 = tpu.vector_load %arg20[%swap3A_1016] {strides = array<i32>} : memref<128xi32, #tpu.memory_space<vmem>>, vector<16xi32>,
      tpu.vector_store %arg20[%swap3A_1016], %get3A_1015 {strides = array<i32>} : memref<128xi32, #tpu.memory_space<vmem>>, vector<16xi32>,
      %get3A_1018 = arith.constant 2 : i32
      %get3A_1019 = arith.index_cast %get3A_1018 : i32 to index
      %get3A_1020 = arith.constant 96 : index
      %get3A_1021 = tpu.vector_load %arg14[%get3A_1019, %get3A_1020] {strides = array<i32>} : memref<3x128xi32, #tpu.memory_space<vmem>>, vector<16xi32>,
      %swap3A_1022 = arith.constant 96 : index
      %swap3A_1023 = tpu.vector_load %arg20[%swap3A_1022] {strides = array<i32>} : memref<128xi32, #tpu.memory_space<vmem>>, vector<16xi32>,
      tpu.vector_store %arg20[%swap3A_1022], %get3A_1021 {strides = array<i32>} : memref<128xi32, #tpu.memory_space<vmem>>, vector<16xi32>,
      %get3A_1024 = arith.constant 2 : i32
      %get3A_1025 = arith.index_cast %get3A_1024 : i32 to index
      %get3A_1026 = arith.constant 112 : index
      %get3A_1027 = tpu.vector_load %arg14[%get3A_1025, %get3A_1026] {strides = array<i32>} : memref<3x128xi32, #tpu.memory_space<vmem>>, vector<16xi32>,
      %swap3A_1028 = arith.constant 112 : index
      %swap3A_1029 = tpu.vector_load %arg20[%swap3A_1028] {strides = array<i32>} : memref<128xi32, #tpu.memory_space<vmem>>, vector<16xi32>,
      tpu.vector_store %arg20[%swap3A_1028], %get3A_1027 {strides = array<i32>} : memref<128xi32, #tpu.memory_space<vmem>>, vector<16xi32>,
      %dma_wait3A_1030 = arith.constant 0 : i32
      %dma_wait3A_1031 = arith.constant 0 : i32
      %dma_wait3A_1032 = tpu.memref_slice %arg10[%dma_wait3A_1030, %dma_wait3A_1031] : memref<10008x64xf32, #tpu.memory_space<vmem_shared>> -> memref<10008x64xf32, #tpu.memory_space<vmem_shared>>
      tpu.wait_indirect_dma semaphore(%arg26 : memref<!tpu.dma_semaphore, #tpu.memory_space<semaphore_mem>>) src(%arg15 : memref<128x64xf32, #tpu.memory_space<vmem>>) dst(%dma_wait3A_1032 : memref<10008x64xf32, #tpu.memory_space<vmem_shared>>)
      %dma_wait3A_1033 = arith.constant 0 : i32
      %dma_wait3A_1034 = arith.constant 0 : i32
      %dma_wait3A_1035 = arith.constant 0 : i32
      %dma_wait3A_1036 = tpu.memref_slice %arg3[%dma_wait3A_1033, %dma_wait3A_1034, %dma_wait3A_1035] : memref<2544x3x128xi32, #tpu.memory_space<hbm>> -> memref<1x3x128xi32, #tpu.memory_space<hbm>>
      %dma_wait3A_1037 = tpu.memref_squeeze %dma_wait3A_1036 : memref<1x3x128xi32, #tpu.memory_space<hbm>> -> memref<3x128xi32, #tpu.memory_space<hbm>>
      %dma_wait3A_1038 = arith.constant 0 : i32
      %dma_wait3A_1039 = arith.constant 0 : i32
      %dma_wait3A_1040 = tpu.memref_slice %arg3[%dma_wait3A_1033, %dma_wait3A_1038, %dma_wait3A_1039] : memref<2544x3x128xi32, #tpu.memory_space<hbm>> -> memref<1x3x128xi32, #tpu.memory_space<hbm>>
      %dma_wait3A_1041 = tpu.memref_squeeze %dma_wait3A_1040 : memref<1x3x128xi32, #tpu.memory_space<hbm>> -> memref<3x128xi32, #tpu.memory_space<hbm>>
      tpu.wait_dma2 semaphore(%arg25 : memref<!tpu.dma_semaphore, #tpu.memory_space<semaphore_mem>>) src(%dma_wait3A_1041 : memref<3x128xi32, #tpu.memory_space<hbm>>) dst(%arg12 : memref<3x128xi32, #tpu.memory_space<vmem>>)
      %dma_start3A_1042 = arith.constant 0 : i32
      %dma_start3A_1043 = arith.constant 0 : i32
      %dma_start3A_1044 = tpu.memref_slice %arg12[%dma_start3A_1042, %dma_start3A_1043] : memref<3x128xi32, #tpu.memory_space<vmem>> -> memref<1x128xi32, #tpu.memory_space<vmem>>
      %dma_start3A_1045 = tpu.memref_squeeze %dma_start3A_1044 : memref<1x128xi32, #tpu.memory_space<vmem>> -> memref<128xi32, #tpu.memory_space<vmem>>
      %dma_start3A_1046 = arith.constant 0 : i32
      %dma_start3A_1047 = arith.constant 0 : i32
      %dma_start3A_1048 = tpu.memref_slice %arg9[%dma_start3A_1046, %dma_start3A_1047] : memref<10008x64xf32, #tpu.memory_space<vmem_shared>> -> memref<10008x64xf32, #tpu.memory_space<vmem_shared>>
      tpu.enqueue_indirect_dma source(%dma_start3A_1048 : memref<10008x64xf32, #tpu.memory_space<vmem_shared>>) target(%arg15 : memref<128x64xf32, #tpu.memory_space<vmem>>) offsets(%dma_start3A_1045 : memref<128xi32, #tpu.memory_space<vmem>>) semaphore(%arg24 : memref<!tpu.dma_semaphore, #tpu.memory_space<semaphore_mem>>)
      %dma_start3A_1049 = arith.constant 0 : i32
      %dma_start3A_1050 = arith.constant 0 : i32
      %dma_start3A_1051 = tpu.memref_slice %arg10[%dma_start3A_1049, %dma_start3A_1050] : memref<10008x64xf32, #tpu.memory_space<vmem_shared>> -> memref<10008x64xf32, #tpu.memory_space<vmem_shared>>
      tpu.enqueue_indirect_dma source(%arg17 : memref<128x64xf32, #tpu.memory_space<vmem>>) target(%dma_start3A_1051 : memref<10008x64xf32, #tpu.memory_space<vmem_shared>>) offsets(%arg20 : memref<128xi32, #tpu.memory_space<vmem>>) semaphore(%arg26 : memref<!tpu.dma_semaphore, #tpu.memory_space<semaphore_mem>>) {add = true}
      %add3A_1052 = arith.constant 3 : i32
      %add3A_1053 = arith.addi %add3A_974, %add3A_1052 : i32
      %mul3A_1054 = arith.constant 16 : i32
      %mul3A_1055 = arith.muli %mul3A_1054, %add3A_1053 : i32
      %add3A_1056 = arith.addi %arg1, %mul3A_1055 : i32
      %min3A_1057 = arith.constant 2543 : i32
      %min3A_1058 = arith.minsi %add3A_1056, %min3A_1057 : i32
      %dma_start3A_1059 = arith.constant 0 : i32
      %dma_start3A_1060 = arith.constant 0 : i32
      %dma_start3A_1061 = tpu.memref_slice %arg3[%min3A_1058, %dma_start3A_1059, %dma_start3A_1060] : memref<2544x3x128xi32, #tpu.memory_space<hbm>> -> memref<1x3x128xi32, #tpu.memory_space<hbm>>
      %dma_start3A_1062 = tpu.memref_squeeze %dma_start3A_1061 : memref<1x3x128xi32, #tpu.memory_space<hbm>> -> memref<3x128xi32, #tpu.memory_space<hbm>>
      %dma_start3A_1063 = arith.constant 0 : i32
      %dma_start3A_1064 = arith.constant 0 : i32
      %dma_start3A_1065 = tpu.memref_slice %arg3[%min3A_1058, %dma_start3A_1063, %dma_start3A_1064] : memref<2544x3x128xi32, #tpu.memory_space<hbm>> -> memref<1x3x128xi32, #tpu.memory_space<hbm>>
      %dma_start3A_1066 = tpu.memref_squeeze %dma_start3A_1065 : memref<1x3x128xi32, #tpu.memory_space<hbm>> -> memref<3x128xi32, #tpu.memory_space<hbm>>
      tpu.enqueue_dma source(%dma_start3A_1066 : memref<3x128xi32, #tpu.memory_space<hbm>>) target(%arg14 : memref<3x128xi32, #tpu.memory_space<vmem>>) target_semaphore(%arg25 : memref<!tpu.dma_semaphore, #tpu.memory_space<semaphore_mem>>)
      %scan3A_1067 = arith.constant 0 : i32
      scf.yield %scan3A_1067 : i32
    }
    %scan3A_715 = arith.constant 52 : i32
    %dma_wait3A_716 = arith.constant 0 : i32
    %dma_wait3A_717 = arith.constant 0 : i32
    %dma_wait3A_718 = tpu.memref_slice %arg12[%dma_wait3A_716, %dma_wait3A_717] : memref<3x128xi32, #tpu.memory_space<vmem>> -> memref<1x128xi32, #tpu.memory_space<vmem>>
    %dma_wait3A_719 = tpu.memref_squeeze %dma_wait3A_718 : memref<1x128xi32, #tpu.memory_space<vmem>> -> memref<128xi32, #tpu.memory_space<vmem>>
    %dma_wait3A_720 = arith.constant 0 : i32
    %dma_wait3A_721 = arith.constant 0 : i32
    %dma_wait3A_722 = tpu.memref_slice %arg9[%dma_wait3A_720, %dma_wait3A_721] : memref<10008x64xf32, #tpu.memory_space<vmem_shared>> -> memref<10008x64xf32, #tpu.memory_space<vmem_shared>>
    tpu.wait_indirect_dma semaphore(%arg24 : memref<!tpu.dma_semaphore, #tpu.memory_space<semaphore_mem>>) src(%dma_wait3A_722 : memref<10008x64xf32, #tpu.memory_space<vmem_shared>>) dst(%arg15 : memref<128x64xf32, #tpu.memory_space<vmem>>)
    %dma_wait3A_723 = arith.constant 0 : i32
    %dma_wait3A_724 = arith.constant 0 : i32
    %dma_wait3A_725 = tpu.memref_slice %arg10[%dma_wait3A_723, %dma_wait3A_724] : memref<10008x64xf32, #tpu.memory_space<vmem_shared>> -> memref<10008x64xf32, #tpu.memory_space<vmem_shared>>
    tpu.wait_indirect_dma semaphore(%arg26 : memref<!tpu.dma_semaphore, #tpu.memory_space<semaphore_mem>>) src(%arg16 : memref<128x64xf32, #tpu.memory_space<vmem>>) dst(%dma_wait3A_725 : memref<10008x64xf32, #tpu.memory_space<vmem_shared>>)
    %dma_wait3A_726 = arith.constant 0 : i32
    %dma_wait3A_727 = arith.constant 0 : i32
    %dma_wait3A_728 = tpu.memref_slice %arg10[%dma_wait3A_726, %dma_wait3A_727] : memref<10008x64xf32, #tpu.memory_space<vmem_shared>> -> memref<10008x64xf32, #tpu.memory_space<vmem_shared>>
    tpu.wait_indirect_dma semaphore(%arg26 : memref<!tpu.dma_semaphore, #tpu.memory_space<semaphore_mem>>) src(%arg17 : memref<128x64xf32, #tpu.memory_space<vmem>>) dst(%dma_wait3A_728 : memref<10008x64xf32, #tpu.memory_space<vmem_shared>>)
    %dma_wait3A_729 = arith.constant 0 : i32
    %dma_wait3A_730 = arith.constant 0 : i32
    %dma_wait3A_731 = arith.constant 0 : i32
    %dma_wait3A_732 = tpu.memref_slice %arg3[%dma_wait3A_729, %dma_wait3A_730, %dma_wait3A_731] : memref<2544x3x128xi32, #tpu.memory_space<hbm>> -> memref<1x3x128xi32, #tpu.memory_space<hbm>>
    %dma_wait3A_733 = tpu.memref_squeeze %dma_wait3A_732 : memref<1x3x128xi32, #tpu.memory_space<hbm>> -> memref<3x128xi32, #tpu.memory_space<hbm>>
    %dma_wait3A_734 = arith.constant 0 : i32
    %dma_wait3A_735 = arith.constant 0 : i32
    %dma_wait3A_736 = tpu.memref_slice %arg3[%dma_wait3A_729, %dma_wait3A_734, %dma_wait3A_735] : memref<2544x3x128xi32, #tpu.memory_space<hbm>> -> memref<1x3x128xi32, #tpu.memory_space<hbm>>
    %dma_wait3A_737 = tpu.memref_squeeze %dma_wait3A_736 : memref<1x3x128xi32, #tpu.memory_space<hbm>> -> memref<3x128xi32, #tpu.memory_space<hbm>>
    tpu.wait_dma2 semaphore(%arg25 : memref<!tpu.dma_semaphore, #tpu.memory_space<semaphore_mem>>) src(%dma_wait3A_737 : memref<3x128xi32, #tpu.memory_space<hbm>>) dst(%arg12 : memref<3x128xi32, #tpu.memory_space<vmem>>)
    %dma_wait3A_738 = arith.constant 0 : i32
    %dma_wait3A_739 = arith.constant 0 : i32
    %dma_wait3A_740 = arith.constant 0 : i32
    %dma_wait3A_741 = tpu.memref_slice %arg3[%dma_wait3A_738, %dma_wait3A_739, %dma_wait3A_740] : memref<2544x3x128xi32, #tpu.memory_space<hbm>> -> memref<1x3x128xi32, #tpu.memory_space<hbm>>
    %dma_wait3A_742 = tpu.memref_squeeze %dma_wait3A_741 : memref<1x3x128xi32, #tpu.memory_space<hbm>> -> memref<3x128xi32, #tpu.memory_space<hbm>>
    %dma_wait3A_743 = arith.constant 0 : i32
    %dma_wait3A_744 = arith.constant 0 : i32
    %dma_wait3A_745 = tpu.memref_slice %arg3[%dma_wait3A_738, %dma_wait3A_743, %dma_wait3A_744] : memref<2544x3x128xi32, #tpu.memory_space<hbm>> -> memref<1x3x128xi32, #tpu.memory_space<hbm>>
    %dma_wait3A_746 = tpu.memref_squeeze %dma_wait3A_745 : memref<1x3x128xi32, #tpu.memory_space<hbm>> -> memref<3x128xi32, #tpu.memory_space<hbm>>
    tpu.wait_dma2 semaphore(%arg25 : memref<!tpu.dma_semaphore, #tpu.memory_space<semaphore_mem>>) src(%dma_wait3A_746 : memref<3x128xi32, #tpu.memory_space<hbm>>) dst(%arg12 : memref<3x128xi32, #tpu.memory_space<vmem>>)
    %barrier3A_747 = arith.constant 0 : index
    tpu.barrier barrier_id(%barrier3A_747)
    %add3A_748 = arith.constant 0 : i32
    %add3A_749 = arith.addi %mul3A_0, %add3A_748 : i32
    "tpu.region"() ({
      %run_scoped3A = tpu.sem_alloc : memref<!tpu.dma_semaphore, #tpu.memory_space<semaphore_mem>>
      %dma_start3A_783 = arith.constant 0 : i32
      %dma_start3A_784 = arith.constant 0 : i32
      %dma_start3A_785 = tpu.memref_slice %arg22[%dma_start3A_783, %dma_start3A_784] : memref<208x64xf32, #tpu.memory_space<vmem>> -> memref<208x64xf32, #tpu.memory_space<vmem>>
      %dma_start3A_786 = arith.constant 0 : i32
      %dma_start3A_787 = tpu.memref_slice %arg10[%add3A_749, %dma_start3A_786] : memref<10008x64xf32, #tpu.memory_space<vmem_shared>> -> memref<208x64xf32, #tpu.memory_space<vmem_shared>>
      %dma_start3A_788 = arith.constant 0 : i32
      %dma_start3A_789 = arith.constant 0 : i32
      %dma_start3A_790 = tpu.memref_slice %arg22[%dma_start3A_788, %dma_start3A_789] : memref<208x64xf32, #tpu.memory_space<vmem>> -> memref<208x64xf32, #tpu.memory_space<vmem>>
      %dma_start3A_791 = arith.constant 0 : i32
      %dma_start3A_792 = tpu.memref_slice %arg10[%add3A_749, %dma_start3A_791] : memref<10008x64xf32, #tpu.memory_space<vmem_shared>> -> memref<208x64xf32, #tpu.memory_space<vmem_shared>>
      tpu.enqueue_dma source(%dma_start3A_792 : memref<208x64xf32, #tpu.memory_space<vmem_shared>>) target(%dma_start3A_790 : memref<208x64xf32, #tpu.memory_space<vmem>>) target_semaphore(%run_scoped3A : memref<!tpu.dma_semaphore, #tpu.memory_space<semaphore_mem>>)
      %dma_wait3A_793 = arith.constant 0 : i32
      %dma_wait3A_794 = arith.constant 0 : i32
      %dma_wait3A_795 = tpu.memref_slice %arg22[%dma_wait3A_793, %dma_wait3A_794] : memref<208x64xf32, #tpu.memory_space<vmem>> -> memref<208x64xf32, #tpu.memory_space<vmem>>
      %dma_wait3A_796 = arith.constant 0 : i32
      %dma_wait3A_797 = tpu.memref_slice %arg10[%add3A_749, %dma_wait3A_796] : memref<10008x64xf32, #tpu.memory_space<vmem_shared>> -> memref<208x64xf32, #tpu.memory_space<vmem_shared>>
      %dma_wait3A_798 = arith.constant 0 : i32
      %dma_wait3A_799 = arith.constant 0 : i32
      %dma_wait3A_800 = tpu.memref_slice %arg22[%dma_wait3A_798, %dma_wait3A_799] : memref<208x64xf32, #tpu.memory_space<vmem>> -> memref<208x64xf32, #tpu.memory_space<vmem>>
      %dma_wait3A_801 = arith.constant 0 : i32
      %dma_wait3A_802 = tpu.memref_slice %arg10[%add3A_749, %dma_wait3A_801] : memref<10008x64xf32, #tpu.memory_space<vmem_shared>> -> memref<208x64xf32, #tpu.memory_space<vmem_shared>>
      tpu.wait_dma2 semaphore(%run_scoped3A : memref<!tpu.dma_semaphore, #tpu.memory_space<semaphore_mem>>) src(%dma_wait3A_802 : memref<208x64xf32, #tpu.memory_space<vmem_shared>>) dst(%dma_wait3A_800 : memref<208x64xf32, #tpu.memory_space<vmem>>)
      tpu.yield
    }) : () -> ()
    "tpu.region"() ({
      %run_scoped3A = tpu.sem_alloc : memref<!tpu.dma_semaphore, #tpu.memory_space<semaphore_mem>>
      %dma_start3A_783 = arith.constant 0 : i32
      %dma_start3A_784 = tpu.memref_slice %arg23[%dma_start3A_783] : memref<208xf32, #tpu.memory_space<vmem>> -> memref<208xf32, #tpu.memory_space<vmem>>
      %dma_start3A_785 = tpu.memref_slice %arg11[%add3A_749] : memref<10008xf32, #tpu.memory_space<vmem_shared>> -> memref<208xf32, #tpu.memory_space<vmem_shared>>
      %dma_start3A_786 = arith.constant 0 : i32
      %dma_start3A_787 = tpu.memref_slice %arg23[%dma_start3A_786] : memref<208xf32, #tpu.memory_space<vmem>> -> memref<208xf32, #tpu.memory_space<vmem>>
      %dma_start3A_788 = tpu.memref_slice %arg11[%add3A_749] : memref<10008xf32, #tpu.memory_space<vmem_shared>> -> memref<208xf32, #tpu.memory_space<vmem_shared>>
      tpu.enqueue_dma source(%dma_start3A_788 : memref<208xf32, #tpu.memory_space<vmem_shared>>) target(%dma_start3A_787 : memref<208xf32, #tpu.memory_space<vmem>>) target_semaphore(%run_scoped3A : memref<!tpu.dma_semaphore, #tpu.memory_space<semaphore_mem>>)
      %dma_wait3A_789 = arith.constant 0 : i32
      %dma_wait3A_790 = tpu.memref_slice %arg23[%dma_wait3A_789] : memref<208xf32, #tpu.memory_space<vmem>> -> memref<208xf32, #tpu.memory_space<vmem>>
      %dma_wait3A_791 = tpu.memref_slice %arg11[%add3A_749] : memref<10008xf32, #tpu.memory_space<vmem_shared>> -> memref<208xf32, #tpu.memory_space<vmem_shared>>
      %dma_wait3A_792 = arith.constant 0 : i32
      %dma_wait3A_793 = tpu.memref_slice %arg23[%dma_wait3A_792] : memref<208xf32, #tpu.memory_space<vmem>> -> memref<208xf32, #tpu.memory_space<vmem>>
      %dma_wait3A_794 = tpu.memref_slice %arg11[%add3A_749] : memref<10008xf32, #tpu.memory_space<vmem_shared>> -> memref<208xf32, #tpu.memory_space<vmem_shared>>
      tpu.wait_dma2 semaphore(%run_scoped3A : memref<!tpu.dma_semaphore, #tpu.memory_space<semaphore_mem>>) src(%dma_wait3A_794 : memref<208xf32, #tpu.memory_space<vmem_shared>>) dst(%dma_wait3A_793 : memref<208xf32, #tpu.memory_space<vmem>>)
      tpu.yield
    }) : () -> ()
    %scan3A_750 = arith.constant 0 : i32
    %scan3A_751 = arith.constant 0 : i32
    %scan3A_752 = arith.constant 208 : i32
    %scan3A_753 = arith.addi %scan3A_751, %scan3A_752 : i32
    %scan3A_754 = arith.constant 1 : i32
    %scan3A_755 = scf.for %scan3A_783 = %scan3A_751 to %scan3A_753 step %scan3A_754 iter_args(%scan3A_784 = %scan3A_750) -> (i32)  : i32 {
      %broadcast_in_dim3A = vector.broadcast %scan3A_783 : i32 to vector<16xi32>
      %gather3A = tpu.vector_load_idx %arg23[%broadcast_in_dim3A] : memref<208xf32, #tpu.memory_space<vmem>>[vector<16xi32>], vector<16xf32>,
      %max3A = arith.constant 1.000000e+00 : f32
      %max3A_785 = vector.broadcast %max3A : f32 to vector<16xf32>
      %max3A_786 = arith.maximumf %gather3A, %max3A_785 : vector<16xf32>
      %div3A = arith.constant 1.000000e+00 : f32
      %div3A_787 = vector.broadcast %div3A : f32 to vector<16xf32>
      %div3A_788 = arith.divf %div3A_787, %max3A_786 : vector<16xf32>
      %get3A_789 = arith.index_cast %scan3A_783 : i32 to index
      %get3A_790 = arith.constant 0 : index
      %get3A_791 = tpu.vector_load %arg22[%get3A_789, %get3A_790] {strides = array<i32>} : memref<208x64xf32, #tpu.memory_space<vmem>>, vector<16xf32>,
      %mul3A_792 = arith.mulf %get3A_791, %div3A_788 : vector<16xf32>
      %swap3A_793 = arith.index_cast %scan3A_783 : i32 to index
      %swap3A_794 = arith.constant 0 : index
      %swap3A_795 = tpu.vector_load %arg22[%swap3A_793, %swap3A_794] {strides = array<i32>} : memref<208x64xf32, #tpu.memory_space<vmem>>, vector<16xf32>,
      tpu.vector_store %arg22[%swap3A_793, %swap3A_794], %mul3A_792 {strides = array<i32>} : memref<208x64xf32, #tpu.memory_space<vmem>>, vector<16xf32>,
      %get3A_796 = arith.index_cast %scan3A_783 : i32 to index
      %get3A_797 = arith.constant 16 : index
      %get3A_798 = tpu.vector_load %arg22[%get3A_796, %get3A_797] {strides = array<i32>} : memref<208x64xf32, #tpu.memory_space<vmem>>, vector<16xf32>,
      %mul3A_799 = arith.mulf %get3A_798, %div3A_788 : vector<16xf32>
      %swap3A_800 = arith.index_cast %scan3A_783 : i32 to index
      %swap3A_801 = arith.constant 16 : index
      %swap3A_802 = tpu.vector_load %arg22[%swap3A_800, %swap3A_801] {strides = array<i32>} : memref<208x64xf32, #tpu.memory_space<vmem>>, vector<16xf32>,
      tpu.vector_store %arg22[%swap3A_800, %swap3A_801], %mul3A_799 {strides = array<i32>} : memref<208x64xf32, #tpu.memory_space<vmem>>, vector<16xf32>,
      %get3A_803 = arith.index_cast %scan3A_783 : i32 to index
      %get3A_804 = arith.constant 32 : index
      %get3A_805 = tpu.vector_load %arg22[%get3A_803, %get3A_804] {strides = array<i32>} : memref<208x64xf32, #tpu.memory_space<vmem>>, vector<16xf32>,
      %mul3A_806 = arith.mulf %get3A_805, %div3A_788 : vector<16xf32>
      %swap3A_807 = arith.index_cast %scan3A_783 : i32 to index
      %swap3A_808 = arith.constant 32 : index
      %swap3A_809 = tpu.vector_load %arg22[%swap3A_807, %swap3A_808] {strides = array<i32>} : memref<208x64xf32, #tpu.memory_space<vmem>>, vector<16xf32>,
      tpu.vector_store %arg22[%swap3A_807, %swap3A_808], %mul3A_806 {strides = array<i32>} : memref<208x64xf32, #tpu.memory_space<vmem>>, vector<16xf32>,
      %get3A_810 = arith.index_cast %scan3A_783 : i32 to index
      %get3A_811 = arith.constant 48 : index
      %get3A_812 = tpu.vector_load %arg22[%get3A_810, %get3A_811] {strides = array<i32>} : memref<208x64xf32, #tpu.memory_space<vmem>>, vector<16xf32>,
      %mul3A_813 = arith.mulf %get3A_812, %div3A_788 : vector<16xf32>
      %swap3A_814 = arith.index_cast %scan3A_783 : i32 to index
      %swap3A_815 = arith.constant 48 : index
      %swap3A_816 = tpu.vector_load %arg22[%swap3A_814, %swap3A_815] {strides = array<i32>} : memref<208x64xf32, #tpu.memory_space<vmem>>, vector<16xf32>,
      tpu.vector_store %arg22[%swap3A_814, %swap3A_815], %mul3A_813 {strides = array<i32>} : memref<208x64xf32, #tpu.memory_space<vmem>>, vector<16xf32>,
      %scan3A_817 = arith.constant 0 : i32
      scf.yield %scan3A_817 : i32
    }
    %scan3A_756 = arith.constant 208 : i32
    %add3A_757 = arith.addi %mul3A_2, %add3A_749 : i32
    "tpu.region"() ({
      %run_scoped3A = tpu.sem_alloc : memref<!tpu.dma_semaphore, #tpu.memory_space<semaphore_mem>>
      %dma_start3A_783 = arith.constant 0 : i32
      %dma_start3A_784 = arith.constant 0 : i32
      %dma_start3A_785 = tpu.memref_slice %arg22[%dma_start3A_783, %dma_start3A_784] : memref<208x64xf32, #tpu.memory_space<vmem>> -> memref<208x64xf32, #tpu.memory_space<vmem>>
      %dma_start3A_786 = arith.constant 0 : i32
      %dma_start3A_787 = tpu.memref_slice %arg8[%add3A_757, %dma_start3A_786] : memref<20000x64xf32, #tpu.memory_space<hbm>> -> memref<208x64xf32, #tpu.memory_space<hbm>>
      %dma_start3A_788 = arith.constant 0 : i32
      %dma_start3A_789 = tpu.memref_slice %arg8[%add3A_757, %dma_start3A_788] : memref<20000x64xf32, #tpu.memory_space<hbm>> -> memref<208x64xf32, #tpu.memory_space<hbm>>
      %dma_start3A_790 = arith.constant 0 : i32
      %dma_start3A_791 = arith.constant 0 : i32
      %dma_start3A_792 = tpu.memref_slice %arg22[%dma_start3A_790, %dma_start3A_791] : memref<208x64xf32, #tpu.memory_space<vmem>> -> memref<208x64xf32, #tpu.memory_space<vmem>>
      tpu.enqueue_dma source(%dma_start3A_792 : memref<208x64xf32, #tpu.memory_space<vmem>>) target(%dma_start3A_789 : memref<208x64xf32, #tpu.memory_space<hbm>>) target_semaphore(%run_scoped3A : memref<!tpu.dma_semaphore, #tpu.memory_space<semaphore_mem>>)
      %dma_wait3A_793 = arith.constant 0 : i32
      %dma_wait3A_794 = arith.constant 0 : i32
      %dma_wait3A_795 = tpu.memref_slice %arg22[%dma_wait3A_793, %dma_wait3A_794] : memref<208x64xf32, #tpu.memory_space<vmem>> -> memref<208x64xf32, #tpu.memory_space<vmem>>
      %dma_wait3A_796 = arith.constant 0 : i32
      %dma_wait3A_797 = tpu.memref_slice %arg8[%add3A_757, %dma_wait3A_796] : memref<20000x64xf32, #tpu.memory_space<hbm>> -> memref<208x64xf32, #tpu.memory_space<hbm>>
      %dma_wait3A_798 = arith.constant 0 : i32
      %dma_wait3A_799 = tpu.memref_slice %arg8[%add3A_757, %dma_wait3A_798] : memref<20000x64xf32, #tpu.memory_space<hbm>> -> memref<208x64xf32, #tpu.memory_space<hbm>>
      %dma_wait3A_800 = arith.constant 0 : i32
      %dma_wait3A_801 = arith.constant 0 : i32
      %dma_wait3A_802 = tpu.memref_slice %arg22[%dma_wait3A_800, %dma_wait3A_801] : memref<208x64xf32, #tpu.memory_space<vmem>> -> memref<208x64xf32, #tpu.memory_space<vmem>>
      tpu.wait_dma2 semaphore(%run_scoped3A : memref<!tpu.dma_semaphore, #tpu.memory_space<semaphore_mem>>) src(%dma_wait3A_802 : memref<208x64xf32, #tpu.memory_space<vmem>>) dst(%dma_wait3A_799 : memref<208x64xf32, #tpu.memory_space<hbm>>)
      tpu.yield
    }) : () -> ()
    %add3A_758 = arith.constant 208 : i32
    %add3A_759 = arith.addi %mul3A_0, %add3A_758 : i32
    "tpu.region"() ({
      %run_scoped3A = tpu.sem_alloc : memref<!tpu.dma_semaphore, #tpu.memory_space<semaphore_mem>>
      %dma_start3A_783 = arith.constant 0 : i32
      %dma_start3A_784 = arith.constant 0 : i32
      %dma_start3A_785 = tpu.memref_slice %arg22[%dma_start3A_783, %dma_start3A_784] : memref<208x64xf32, #tpu.memory_space<vmem>> -> memref<208x64xf32, #tpu.memory_space<vmem>>
      %dma_start3A_786 = arith.constant 0 : i32
      %dma_start3A_787 = tpu.memref_slice %arg10[%add3A_759, %dma_start3A_786] : memref<10008x64xf32, #tpu.memory_space<vmem_shared>> -> memref<208x64xf32, #tpu.memory_space<vmem_shared>>
      %dma_start3A_788 = arith.constant 0 : i32
      %dma_start3A_789 = arith.constant 0 : i32
      %dma_start3A_790 = tpu.memref_slice %arg22[%dma_start3A_788, %dma_start3A_789] : memref<208x64xf32, #tpu.memory_space<vmem>> -> memref<208x64xf32, #tpu.memory_space<vmem>>
      %dma_start3A_791 = arith.constant 0 : i32
      %dma_start3A_792 = tpu.memref_slice %arg10[%add3A_759, %dma_start3A_791] : memref<10008x64xf32, #tpu.memory_space<vmem_shared>> -> memref<208x64xf32, #tpu.memory_space<vmem_shared>>
      tpu.enqueue_dma source(%dma_start3A_792 : memref<208x64xf32, #tpu.memory_space<vmem_shared>>) target(%dma_start3A_790 : memref<208x64xf32, #tpu.memory_space<vmem>>) target_semaphore(%run_scoped3A : memref<!tpu.dma_semaphore, #tpu.memory_space<semaphore_mem>>)
      %dma_wait3A_793 = arith.constant 0 : i32
      %dma_wait3A_794 = arith.constant 0 : i32
      %dma_wait3A_795 = tpu.memref_slice %arg22[%dma_wait3A_793, %dma_wait3A_794] : memref<208x64xf32, #tpu.memory_space<vmem>> -> memref<208x64xf32, #tpu.memory_space<vmem>>
      %dma_wait3A_796 = arith.constant 0 : i32
      %dma_wait3A_797 = tpu.memref_slice %arg10[%add3A_759, %dma_wait3A_796] : memref<10008x64xf32, #tpu.memory_space<vmem_shared>> -> memref<208x64xf32, #tpu.memory_space<vmem_shared>>
      %dma_wait3A_798 = arith.constant 0 : i32
      %dma_wait3A_799 = arith.constant 0 : i32
      %dma_wait3A_800 = tpu.memref_slice %arg22[%dma_wait3A_798, %dma_wait3A_799] : memref<208x64xf32, #tpu.memory_space<vmem>> -> memref<208x64xf32, #tpu.memory_space<vmem>>
      %dma_wait3A_801 = arith.constant 0 : i32
      %dma_wait3A_802 = tpu.memref_slice %arg10[%add3A_759, %dma_wait3A_801] : memref<10008x64xf32, #tpu.memory_space<vmem_shared>> -> memref<208x64xf32, #tpu.memory_space<vmem_shared>>
      tpu.wait_dma2 semaphore(%run_scoped3A : memref<!tpu.dma_semaphore, #tpu.memory_space<semaphore_mem>>) src(%dma_wait3A_802 : memref<208x64xf32, #tpu.memory_space<vmem_shared>>) dst(%dma_wait3A_800 : memref<208x64xf32, #tpu.memory_space<vmem>>)
      tpu.yield
    }) : () -> ()
    "tpu.region"() ({
      %run_scoped3A = tpu.sem_alloc : memref<!tpu.dma_semaphore, #tpu.memory_space<semaphore_mem>>
      %dma_start3A_783 = arith.constant 0 : i32
      %dma_start3A_784 = tpu.memref_slice %arg23[%dma_start3A_783] : memref<208xf32, #tpu.memory_space<vmem>> -> memref<208xf32, #tpu.memory_space<vmem>>
      %dma_start3A_785 = tpu.memref_slice %arg11[%add3A_759] : memref<10008xf32, #tpu.memory_space<vmem_shared>> -> memref<208xf32, #tpu.memory_space<vmem_shared>>
      %dma_start3A_786 = arith.constant 0 : i32
      %dma_start3A_787 = tpu.memref_slice %arg23[%dma_start3A_786] : memref<208xf32, #tpu.memory_space<vmem>> -> memref<208xf32, #tpu.memory_space<vmem>>
      %dma_start3A_788 = tpu.memref_slice %arg11[%add3A_759] : memref<10008xf32, #tpu.memory_space<vmem_shared>> -> memref<208xf32, #tpu.memory_space<vmem_shared>>
      tpu.enqueue_dma source(%dma_start3A_788 : memref<208xf32, #tpu.memory_space<vmem_shared>>) target(%dma_start3A_787 : memref<208xf32, #tpu.memory_space<vmem>>) target_semaphore(%run_scoped3A : memref<!tpu.dma_semaphore, #tpu.memory_space<semaphore_mem>>)
      %dma_wait3A_789 = arith.constant 0 : i32
      %dma_wait3A_790 = tpu.memref_slice %arg23[%dma_wait3A_789] : memref<208xf32, #tpu.memory_space<vmem>> -> memref<208xf32, #tpu.memory_space<vmem>>
      %dma_wait3A_791 = tpu.memref_slice %arg11[%add3A_759] : memref<10008xf32, #tpu.memory_space<vmem_shared>> -> memref<208xf32, #tpu.memory_space<vmem_shared>>
      %dma_wait3A_792 = arith.constant 0 : i32
      %dma_wait3A_793 = tpu.memref_slice %arg23[%dma_wait3A_792] : memref<208xf32, #tpu.memory_space<vmem>> -> memref<208xf32, #tpu.memory_space<vmem>>
      %dma_wait3A_794 = tpu.memref_slice %arg11[%add3A_759] : memref<10008xf32, #tpu.memory_space<vmem_shared>> -> memref<208xf32, #tpu.memory_space<vmem_shared>>
      tpu.wait_dma2 semaphore(%run_scoped3A : memref<!tpu.dma_semaphore, #tpu.memory_space<semaphore_mem>>) src(%dma_wait3A_794 : memref<208xf32, #tpu.memory_space<vmem_shared>>) dst(%dma_wait3A_793 : memref<208xf32, #tpu.memory_space<vmem>>)
      tpu.yield
    }) : () -> ()
    %scan3A_760 = arith.constant 0 : i32
    %scan3A_761 = arith.constant 0 : i32
    %scan3A_762 = arith.constant 208 : i32
    %scan3A_763 = arith.addi %scan3A_761, %scan3A_762 : i32
    %scan3A_764 = arith.constant 1 : i32
    %scan3A_765 = scf.for %scan3A_783 = %scan3A_761 to %scan3A_763 step %scan3A_764 iter_args(%scan3A_784 = %scan3A_760) -> (i32)  : i32 {
      %broadcast_in_dim3A = vector.broadcast %scan3A_783 : i32 to vector<16xi32>
      %gather3A = tpu.vector_load_idx %arg23[%broadcast_in_dim3A] : memref<208xf32, #tpu.memory_space<vmem>>[vector<16xi32>], vector<16xf32>,
      %max3A = arith.constant 1.000000e+00 : f32
      %max3A_785 = vector.broadcast %max3A : f32 to vector<16xf32>
      %max3A_786 = arith.maximumf %gather3A, %max3A_785 : vector<16xf32>
      %div3A = arith.constant 1.000000e+00 : f32
      %div3A_787 = vector.broadcast %div3A : f32 to vector<16xf32>
      %div3A_788 = arith.divf %div3A_787, %max3A_786 : vector<16xf32>
      %get3A_789 = arith.index_cast %scan3A_783 : i32 to index
      %get3A_790 = arith.constant 0 : index
      %get3A_791 = tpu.vector_load %arg22[%get3A_789, %get3A_790] {strides = array<i32>} : memref<208x64xf32, #tpu.memory_space<vmem>>, vector<16xf32>,
      %mul3A_792 = arith.mulf %get3A_791, %div3A_788 : vector<16xf32>
      %swap3A_793 = arith.index_cast %scan3A_783 : i32 to index
      %swap3A_794 = arith.constant 0 : index
      %swap3A_795 = tpu.vector_load %arg22[%swap3A_793, %swap3A_794] {strides = array<i32>} : memref<208x64xf32, #tpu.memory_space<vmem>>, vector<16xf32>,
      tpu.vector_store %arg22[%swap3A_793, %swap3A_794], %mul3A_792 {strides = array<i32>} : memref<208x64xf32, #tpu.memory_space<vmem>>, vector<16xf32>,
      %get3A_796 = arith.index_cast %scan3A_783 : i32 to index
      %get3A_797 = arith.constant 16 : index
      %get3A_798 = tpu.vector_load %arg22[%get3A_796, %get3A_797] {strides = array<i32>} : memref<208x64xf32, #tpu.memory_space<vmem>>, vector<16xf32>,
      %mul3A_799 = arith.mulf %get3A_798, %div3A_788 : vector<16xf32>
      %swap3A_800 = arith.index_cast %scan3A_783 : i32 to index
      %swap3A_801 = arith.constant 16 : index
      %swap3A_802 = tpu.vector_load %arg22[%swap3A_800, %swap3A_801] {strides = array<i32>} : memref<208x64xf32, #tpu.memory_space<vmem>>, vector<16xf32>,
      tpu.vector_store %arg22[%swap3A_800, %swap3A_801], %mul3A_799 {strides = array<i32>} : memref<208x64xf32, #tpu.memory_space<vmem>>, vector<16xf32>,
      %get3A_803 = arith.index_cast %scan3A_783 : i32 to index
      %get3A_804 = arith.constant 32 : index
      %get3A_805 = tpu.vector_load %arg22[%get3A_803, %get3A_804] {strides = array<i32>} : memref<208x64xf32, #tpu.memory_space<vmem>>, vector<16xf32>,
      %mul3A_806 = arith.mulf %get3A_805, %div3A_788 : vector<16xf32>
      %swap3A_807 = arith.index_cast %scan3A_783 : i32 to index
      %swap3A_808 = arith.constant 32 : index
      %swap3A_809 = tpu.vector_load %arg22[%swap3A_807, %swap3A_808] {strides = array<i32>} : memref<208x64xf32, #tpu.memory_space<vmem>>, vector<16xf32>,
      tpu.vector_store %arg22[%swap3A_807, %swap3A_808], %mul3A_806 {strides = array<i32>} : memref<208x64xf32, #tpu.memory_space<vmem>>, vector<16xf32>,
      %get3A_810 = arith.index_cast %scan3A_783 : i32 to index
      %get3A_811 = arith.constant 48 : index
      %get3A_812 = tpu.vector_load %arg22[%get3A_810, %get3A_811] {strides = array<i32>} : memref<208x64xf32, #tpu.memory_space<vmem>>, vector<16xf32>,
      %mul3A_813 = arith.mulf %get3A_812, %div3A_788 : vector<16xf32>
      %swap3A_814 = arith.index_cast %scan3A_783 : i32 to index
      %swap3A_815 = arith.constant 48 : index
      %swap3A_816 = tpu.vector_load %arg22[%swap3A_814, %swap3A_815] {strides = array<i32>} : memref<208x64xf32, #tpu.memory_space<vmem>>, vector<16xf32>,
      tpu.vector_store %arg22[%swap3A_814, %swap3A_815], %mul3A_813 {strides = array<i32>} : memref<208x64xf32, #tpu.memory_space<vmem>>, vector<16xf32>,
      %scan3A_817 = arith.constant 0 : i32
      scf.yield %scan3A_817 : i32
    }
    %scan3A_766 = arith.constant 208 : i32
    %add3A_767 = arith.addi %mul3A_2, %add3A_759 : i32
    "tpu.region"() ({
      %run_scoped3A = tpu.sem_alloc : memref<!tpu.dma_semaphore, #tpu.memory_space<semaphore_mem>>
      %dma_start3A_783 = arith.constant 0 : i32
      %dma_start3A_784 = arith.constant 0 : i32
      %dma_start3A_785 = tpu.memref_slice %arg22[%dma_start3A_783, %dma_start3A_784] : memref<208x64xf32, #tpu.memory_space<vmem>> -> memref<208x64xf32, #tpu.memory_space<vmem>>
      %dma_start3A_786 = arith.constant 0 : i32
      %dma_start3A_787 = tpu.memref_slice %arg8[%add3A_767, %dma_start3A_786] : memref<20000x64xf32, #tpu.memory_space<hbm>> -> memref<208x64xf32, #tpu.memory_space<hbm>>
      %dma_start3A_788 = arith.constant 0 : i32
      %dma_start3A_789 = tpu.memref_slice %arg8[%add3A_767, %dma_start3A_788] : memref<20000x64xf32, #tpu.memory_space<hbm>> -> memref<208x64xf32, #tpu.memory_space<hbm>>
      %dma_start3A_790 = arith.constant 0 : i32
      %dma_start3A_791 = arith.constant 0 : i32
      %dma_start3A_792 = tpu.memref_slice %arg22[%dma_start3A_790, %dma_start3A_791] : memref<208x64xf32, #tpu.memory_space<vmem>> -> memref<208x64xf32, #tpu.memory_space<vmem>>
      tpu.enqueue_dma source(%dma_start3A_792 : memref<208x64xf32, #tpu.memory_space<vmem>>) target(%dma_start3A_789 : memref<208x64xf32, #tpu.memory_space<hbm>>) target_semaphore(%run_scoped3A : memref<!tpu.dma_semaphore, #tpu.memory_space<semaphore_mem>>)
      %dma_wait3A_793 = arith.constant 0 : i32
      %dma_wait3A_794 = arith.constant 0 : i32
      %dma_wait3A_795 = tpu.memref_slice %arg22[%dma_wait3A_793, %dma_wait3A_794] : memref<208x64xf32, #tpu.memory_space<vmem>> -> memref<208x64xf32, #tpu.memory_space<vmem>>
      %dma_wait3A_796 = arith.constant 0 : i32
      %dma_wait3A_797 = tpu.memref_slice %arg8[%add3A_767, %dma_wait3A_796] : memref<20000x64xf32, #tpu.memory_space<hbm>> -> memref<208x64xf32, #tpu.memory_space<hbm>>
      %dma_wait3A_798 = arith.constant 0 : i32
      %dma_wait3A_799 = tpu.memref_slice %arg8[%add3A_767, %dma_wait3A_798] : memref<20000x64xf32, #tpu.memory_space<hbm>> -> memref<208x64xf32, #tpu.memory_space<hbm>>
      %dma_wait3A_800 = arith.constant 0 : i32
      %dma_wait3A_801 = arith.constant 0 : i32
      %dma_wait3A_802 = tpu.memref_slice %arg22[%dma_wait3A_800, %dma_wait3A_801] : memref<208x64xf32, #tpu.memory_space<vmem>> -> memref<208x64xf32, #tpu.memory_space<vmem>>
      tpu.wait_dma2 semaphore(%run_scoped3A : memref<!tpu.dma_semaphore, #tpu.memory_space<semaphore_mem>>) src(%dma_wait3A_802 : memref<208x64xf32, #tpu.memory_space<vmem>>) dst(%dma_wait3A_799 : memref<208x64xf32, #tpu.memory_space<hbm>>)
      tpu.yield
    }) : () -> ()
    %add3A_768 = arith.constant 416 : i32
    %add3A_769 = arith.addi %mul3A_0, %add3A_768 : i32
    "tpu.region"() ({
      %run_scoped3A = tpu.sem_alloc : memref<!tpu.dma_semaphore, #tpu.memory_space<semaphore_mem>>
      %dma_start3A_783 = arith.constant 0 : i32
      %dma_start3A_784 = arith.constant 0 : i32
      %dma_start3A_785 = tpu.memref_slice %arg22[%dma_start3A_783, %dma_start3A_784] : memref<208x64xf32, #tpu.memory_space<vmem>> -> memref<208x64xf32, #tpu.memory_space<vmem>>
      %dma_start3A_786 = arith.constant 0 : i32
      %dma_start3A_787 = tpu.memref_slice %arg10[%add3A_769, %dma_start3A_786] : memref<10008x64xf32, #tpu.memory_space<vmem_shared>> -> memref<208x64xf32, #tpu.memory_space<vmem_shared>>
      %dma_start3A_788 = arith.constant 0 : i32
      %dma_start3A_789 = arith.constant 0 : i32
      %dma_start3A_790 = tpu.memref_slice %arg22[%dma_start3A_788, %dma_start3A_789] : memref<208x64xf32, #tpu.memory_space<vmem>> -> memref<208x64xf32, #tpu.memory_space<vmem>>
      %dma_start3A_791 = arith.constant 0 : i32
      %dma_start3A_792 = tpu.memref_slice %arg10[%add3A_769, %dma_start3A_791] : memref<10008x64xf32, #tpu.memory_space<vmem_shared>> -> memref<208x64xf32, #tpu.memory_space<vmem_shared>>
      tpu.enqueue_dma source(%dma_start3A_792 : memref<208x64xf32, #tpu.memory_space<vmem_shared>>) target(%dma_start3A_790 : memref<208x64xf32, #tpu.memory_space<vmem>>) target_semaphore(%run_scoped3A : memref<!tpu.dma_semaphore, #tpu.memory_space<semaphore_mem>>)
      %dma_wait3A_793 = arith.constant 0 : i32
      %dma_wait3A_794 = arith.constant 0 : i32
      %dma_wait3A_795 = tpu.memref_slice %arg22[%dma_wait3A_793, %dma_wait3A_794] : memref<208x64xf32, #tpu.memory_space<vmem>> -> memref<208x64xf32, #tpu.memory_space<vmem>>
      %dma_wait3A_796 = arith.constant 0 : i32
      %dma_wait3A_797 = tpu.memref_slice %arg10[%add3A_769, %dma_wait3A_796] : memref<10008x64xf32, #tpu.memory_space<vmem_shared>> -> memref<208x64xf32, #tpu.memory_space<vmem_shared>>
      %dma_wait3A_798 = arith.constant 0 : i32
      %dma_wait3A_799 = arith.constant 0 : i32
      %dma_wait3A_800 = tpu.memref_slice %arg22[%dma_wait3A_798, %dma_wait3A_799] : memref<208x64xf32, #tpu.memory_space<vmem>> -> memref<208x64xf32, #tpu.memory_space<vmem>>
      %dma_wait3A_801 = arith.constant 0 : i32
      %dma_wait3A_802 = tpu.memref_slice %arg10[%add3A_769, %dma_wait3A_801] : memref<10008x64xf32, #tpu.memory_space<vmem_shared>> -> memref<208x64xf32, #tpu.memory_space<vmem_shared>>
      tpu.wait_dma2 semaphore(%run_scoped3A : memref<!tpu.dma_semaphore, #tpu.memory_space<semaphore_mem>>) src(%dma_wait3A_802 : memref<208x64xf32, #tpu.memory_space<vmem_shared>>) dst(%dma_wait3A_800 : memref<208x64xf32, #tpu.memory_space<vmem>>)
      tpu.yield
    }) : () -> ()
    "tpu.region"() ({
      %run_scoped3A = tpu.sem_alloc : memref<!tpu.dma_semaphore, #tpu.memory_space<semaphore_mem>>
      %dma_start3A_783 = arith.constant 0 : i32
      %dma_start3A_784 = tpu.memref_slice %arg23[%dma_start3A_783] : memref<208xf32, #tpu.memory_space<vmem>> -> memref<208xf32, #tpu.memory_space<vmem>>
      %dma_start3A_785 = tpu.memref_slice %arg11[%add3A_769] : memref<10008xf32, #tpu.memory_space<vmem_shared>> -> memref<208xf32, #tpu.memory_space<vmem_shared>>
      %dma_start3A_786 = arith.constant 0 : i32
      %dma_start3A_787 = tpu.memref_slice %arg23[%dma_start3A_786] : memref<208xf32, #tpu.memory_space<vmem>> -> memref<208xf32, #tpu.memory_space<vmem>>
      %dma_start3A_788 = tpu.memref_slice %arg11[%add3A_769] : memref<10008xf32, #tpu.memory_space<vmem_shared>> -> memref<208xf32, #tpu.memory_space<vmem_shared>>
      tpu.enqueue_dma source(%dma_start3A_788 : memref<208xf32, #tpu.memory_space<vmem_shared>>) target(%dma_start3A_787 : memref<208xf32, #tpu.memory_space<vmem>>) target_semaphore(%run_scoped3A : memref<!tpu.dma_semaphore, #tpu.memory_space<semaphore_mem>>)
      %dma_wait3A_789 = arith.constant 0 : i32
      %dma_wait3A_790 = tpu.memref_slice %arg23[%dma_wait3A_789] : memref<208xf32, #tpu.memory_space<vmem>> -> memref<208xf32, #tpu.memory_space<vmem>>
      %dma_wait3A_791 = tpu.memref_slice %arg11[%add3A_769] : memref<10008xf32, #tpu.memory_space<vmem_shared>> -> memref<208xf32, #tpu.memory_space<vmem_shared>>
      %dma_wait3A_792 = arith.constant 0 : i32
      %dma_wait3A_793 = tpu.memref_slice %arg23[%dma_wait3A_792] : memref<208xf32, #tpu.memory_space<vmem>> -> memref<208xf32, #tpu.memory_space<vmem>>
      %dma_wait3A_794 = tpu.memref_slice %arg11[%add3A_769] : memref<10008xf32, #tpu.memory_space<vmem_shared>> -> memref<208xf32, #tpu.memory_space<vmem_shared>>
      tpu.wait_dma2 semaphore(%run_scoped3A : memref<!tpu.dma_semaphore, #tpu.memory_space<semaphore_mem>>) src(%dma_wait3A_794 : memref<208xf32, #tpu.memory_space<vmem_shared>>) dst(%dma_wait3A_793 : memref<208xf32, #tpu.memory_space<vmem>>)
      tpu.yield
    }) : () -> ()
    %scan3A_770 = arith.constant 0 : i32
    %scan3A_771 = arith.constant 0 : i32
    %scan3A_772 = arith.constant 208 : i32
    %scan3A_773 = arith.addi %scan3A_771, %scan3A_772 : i32
    %scan3A_774 = arith.constant 1 : i32
    %scan3A_775 = scf.for %scan3A_783 = %scan3A_771 to %scan3A_773 step %scan3A_774 iter_args(%scan3A_784 = %scan3A_770) -> (i32)  : i32 {
      %broadcast_in_dim3A = vector.broadcast %scan3A_783 : i32 to vector<16xi32>
      %gather3A = tpu.vector_load_idx %arg23[%broadcast_in_dim3A] : memref<208xf32, #tpu.memory_space<vmem>>[vector<16xi32>], vector<16xf32>,
      %max3A = arith.constant 1.000000e+00 : f32
      %max3A_785 = vector.broadcast %max3A : f32 to vector<16xf32>
      %max3A_786 = arith.maximumf %gather3A, %max3A_785 : vector<16xf32>
      %div3A = arith.constant 1.000000e+00 : f32
      %div3A_787 = vector.broadcast %div3A : f32 to vector<16xf32>
      %div3A_788 = arith.divf %div3A_787, %max3A_786 : vector<16xf32>
      %get3A_789 = arith.index_cast %scan3A_783 : i32 to index
      %get3A_790 = arith.constant 0 : index
      %get3A_791 = tpu.vector_load %arg22[%get3A_789, %get3A_790] {strides = array<i32>} : memref<208x64xf32, #tpu.memory_space<vmem>>, vector<16xf32>,
      %mul3A_792 = arith.mulf %get3A_791, %div3A_788 : vector<16xf32>
      %swap3A_793 = arith.index_cast %scan3A_783 : i32 to index
      %swap3A_794 = arith.constant 0 : index
      %swap3A_795 = tpu.vector_load %arg22[%swap3A_793, %swap3A_794] {strides = array<i32>} : memref<208x64xf32, #tpu.memory_space<vmem>>, vector<16xf32>,
      tpu.vector_store %arg22[%swap3A_793, %swap3A_794], %mul3A_792 {strides = array<i32>} : memref<208x64xf32, #tpu.memory_space<vmem>>, vector<16xf32>,
      %get3A_796 = arith.index_cast %scan3A_783 : i32 to index
      %get3A_797 = arith.constant 16 : index
      %get3A_798 = tpu.vector_load %arg22[%get3A_796, %get3A_797] {strides = array<i32>} : memref<208x64xf32, #tpu.memory_space<vmem>>, vector<16xf32>,
      %mul3A_799 = arith.mulf %get3A_798, %div3A_788 : vector<16xf32>
      %swap3A_800 = arith.index_cast %scan3A_783 : i32 to index
      %swap3A_801 = arith.constant 16 : index
      %swap3A_802 = tpu.vector_load %arg22[%swap3A_800, %swap3A_801] {strides = array<i32>} : memref<208x64xf32, #tpu.memory_space<vmem>>, vector<16xf32>,
      tpu.vector_store %arg22[%swap3A_800, %swap3A_801], %mul3A_799 {strides = array<i32>} : memref<208x64xf32, #tpu.memory_space<vmem>>, vector<16xf32>,
      %get3A_803 = arith.index_cast %scan3A_783 : i32 to index
      %get3A_804 = arith.constant 32 : index
      %get3A_805 = tpu.vector_load %arg22[%get3A_803, %get3A_804] {strides = array<i32>} : memref<208x64xf32, #tpu.memory_space<vmem>>, vector<16xf32>,
      %mul3A_806 = arith.mulf %get3A_805, %div3A_788 : vector<16xf32>
      %swap3A_807 = arith.index_cast %scan3A_783 : i32 to index
      %swap3A_808 = arith.constant 32 : index
      %swap3A_809 = tpu.vector_load %arg22[%swap3A_807, %swap3A_808] {strides = array<i32>} : memref<208x64xf32, #tpu.memory_space<vmem>>, vector<16xf32>,
      tpu.vector_store %arg22[%swap3A_807, %swap3A_808], %mul3A_806 {strides = array<i32>} : memref<208x64xf32, #tpu.memory_space<vmem>>, vector<16xf32>,
      %get3A_810 = arith.index_cast %scan3A_783 : i32 to index
      %get3A_811 = arith.constant 48 : index
      %get3A_812 = tpu.vector_load %arg22[%get3A_810, %get3A_811] {strides = array<i32>} : memref<208x64xf32, #tpu.memory_space<vmem>>, vector<16xf32>,
      %mul3A_813 = arith.mulf %get3A_812, %div3A_788 : vector<16xf32>
      %swap3A_814 = arith.index_cast %scan3A_783 : i32 to index
      %swap3A_815 = arith.constant 48 : index
      %swap3A_816 = tpu.vector_load %arg22[%swap3A_814, %swap3A_815] {strides = array<i32>} : memref<208x64xf32, #tpu.memory_space<vmem>>, vector<16xf32>,
      tpu.vector_store %arg22[%swap3A_814, %swap3A_815], %mul3A_813 {strides = array<i32>} : memref<208x64xf32, #tpu.memory_space<vmem>>, vector<16xf32>,
      %scan3A_817 = arith.constant 0 : i32
      scf.yield %scan3A_817 : i32
    }
    %scan3A_776 = arith.constant 208 : i32
    %add3A_777 = arith.addi %mul3A_2, %add3A_769 : i32
    "tpu.region"() ({
      %run_scoped3A = tpu.sem_alloc : memref<!tpu.dma_semaphore, #tpu.memory_space<semaphore_mem>>
      %dma_start3A_783 = arith.constant 0 : i32
      %dma_start3A_784 = arith.constant 0 : i32
      %dma_start3A_785 = tpu.memref_slice %arg22[%dma_start3A_783, %dma_start3A_784] : memref<208x64xf32, #tpu.memory_space<vmem>> -> memref<208x64xf32, #tpu.memory_space<vmem>>
      %dma_start3A_786 = arith.constant 0 : i32
      %dma_start3A_787 = tpu.memref_slice %arg8[%add3A_777, %dma_start3A_786] : memref<20000x64xf32, #tpu.memory_space<hbm>> -> memref<208x64xf32, #tpu.memory_space<hbm>>
      %dma_start3A_788 = arith.constant 0 : i32
      %dma_start3A_789 = tpu.memref_slice %arg8[%add3A_777, %dma_start3A_788] : memref<20000x64xf32, #tpu.memory_space<hbm>> -> memref<208x64xf32, #tpu.memory_space<hbm>>
      %dma_start3A_790 = arith.constant 0 : i32
      %dma_start3A_791 = arith.constant 0 : i32
      %dma_start3A_792 = tpu.memref_slice %arg22[%dma_start3A_790, %dma_start3A_791] : memref<208x64xf32, #tpu.memory_space<vmem>> -> memref<208x64xf32, #tpu.memory_space<vmem>>
      tpu.enqueue_dma source(%dma_start3A_792 : memref<208x64xf32, #tpu.memory_space<vmem>>) target(%dma_start3A_789 : memref<208x64xf32, #tpu.memory_space<hbm>>) target_semaphore(%run_scoped3A : memref<!tpu.dma_semaphore, #tpu.memory_space<semaphore_mem>>)
      %dma_wait3A_793 = arith.constant 0 : i32
      %dma_wait3A_794 = arith.constant 0 : i32
      %dma_wait3A_795 = tpu.memref_slice %arg22[%dma_wait3A_793, %dma_wait3A_794] : memref<208x64xf32, #tpu.memory_space<vmem>> -> memref<208x64xf32, #tpu.memory_space<vmem>>
      %dma_wait3A_796 = arith.constant 0 : i32
      %dma_wait3A_797 = tpu.memref_slice %arg8[%add3A_777, %dma_wait3A_796] : memref<20000x64xf32, #tpu.memory_space<hbm>> -> memref<208x64xf32, #tpu.memory_space<hbm>>
      %dma_wait3A_798 = arith.constant 0 : i32
      %dma_wait3A_799 = tpu.memref_slice %arg8[%add3A_777, %dma_wait3A_798] : memref<20000x64xf32, #tpu.memory_space<hbm>> -> memref<208x64xf32, #tpu.memory_space<hbm>>
      %dma_wait3A_800 = arith.constant 0 : i32
      %dma_wait3A_801 = arith.constant 0 : i32
      %dma_wait3A_802 = tpu.memref_slice %arg22[%dma_wait3A_800, %dma_wait3A_801] : memref<208x64xf32, #tpu.memory_space<vmem>> -> memref<208x64xf32, #tpu.memory_space<vmem>>
      tpu.wait_dma2 semaphore(%run_scoped3A : memref<!tpu.dma_semaphore, #tpu.memory_space<semaphore_mem>>) src(%dma_wait3A_802 : memref<208x64xf32, #tpu.memory_space<vmem>>) dst(%dma_wait3A_799 : memref<208x64xf32, #tpu.memory_space<hbm>>)
      tpu.yield
    }) : () -> ()
    %eq3A_778 = arith.constant 15 : i32
    %eq3A_779 = arith.cmpi eq, %arg1, %eq3A_778 : i32
    %convert_element_type3A_780 = arith.extui %eq3A_779 : i1 to i32
    %cond3A_781 = arith.constant 0 : i32
    %cond3A_782 = arith.cmpi ne, %convert_element_type3A_780, %cond3A_781 : i32
    scf.if %cond3A_782 {
      "tpu.region"() ({
        %run_scoped3A = tpu.sem_alloc : memref<!tpu.dma_semaphore, #tpu.memory_space<semaphore_mem>>
        %dma_start3A_792 = arith.constant 0 : i32
        %dma_start3A_793 = arith.constant 0 : i32
        %dma_start3A_794 = tpu.memref_slice %arg22[%dma_start3A_792, %dma_start3A_793] : memref<208x64xf32, #tpu.memory_space<vmem>> -> memref<16x64xf32, #tpu.memory_space<vmem>>
        %dma_start3A_795 = arith.constant 9984 : i32
        %dma_start3A_796 = arith.constant 0 : i32
        %dma_start3A_797 = tpu.memref_slice %arg10[%dma_start3A_795, %dma_start3A_796] : memref<10008x64xf32, #tpu.memory_space<vmem_shared>> -> memref<16x64xf32, #tpu.memory_space<vmem_shared>>
        %dma_start3A_798 = arith.constant 0 : i32
        %dma_start3A_799 = arith.constant 0 : i32
        %dma_start3A_800 = tpu.memref_slice %arg22[%dma_start3A_798, %dma_start3A_799] : memref<208x64xf32, #tpu.memory_space<vmem>> -> memref<16x64xf32, #tpu.memory_space<vmem>>
        %dma_start3A_801 = arith.constant 9984 : i32
        %dma_start3A_802 = arith.constant 0 : i32
        %dma_start3A_803 = tpu.memref_slice %arg10[%dma_start3A_801, %dma_start3A_802] : memref<10008x64xf32, #tpu.memory_space<vmem_shared>> -> memref<16x64xf32, #tpu.memory_space<vmem_shared>>
        tpu.enqueue_dma source(%dma_start3A_803 : memref<16x64xf32, #tpu.memory_space<vmem_shared>>) target(%dma_start3A_800 : memref<16x64xf32, #tpu.memory_space<vmem>>) target_semaphore(%run_scoped3A : memref<!tpu.dma_semaphore, #tpu.memory_space<semaphore_mem>>)
        %dma_wait3A_804 = arith.constant 0 : i32
        %dma_wait3A_805 = arith.constant 0 : i32
        %dma_wait3A_806 = tpu.memref_slice %arg22[%dma_wait3A_804, %dma_wait3A_805] : memref<208x64xf32, #tpu.memory_space<vmem>> -> memref<16x64xf32, #tpu.memory_space<vmem>>
        %dma_wait3A_807 = arith.constant 9984 : i32
        %dma_wait3A_808 = arith.constant 0 : i32
        %dma_wait3A_809 = tpu.memref_slice %arg10[%dma_wait3A_807, %dma_wait3A_808] : memref<10008x64xf32, #tpu.memory_space<vmem_shared>> -> memref<16x64xf32, #tpu.memory_space<vmem_shared>>
        %dma_wait3A_810 = arith.constant 0 : i32
        %dma_wait3A_811 = arith.constant 0 : i32
        %dma_wait3A_812 = tpu.memref_slice %arg22[%dma_wait3A_810, %dma_wait3A_811] : memref<208x64xf32, #tpu.memory_space<vmem>> -> memref<16x64xf32, #tpu.memory_space<vmem>>
        %dma_wait3A_813 = arith.constant 9984 : i32
        %dma_wait3A_814 = arith.constant 0 : i32
        %dma_wait3A_815 = tpu.memref_slice %arg10[%dma_wait3A_813, %dma_wait3A_814] : memref<10008x64xf32, #tpu.memory_space<vmem_shared>> -> memref<16x64xf32, #tpu.memory_space<vmem_shared>>
        tpu.wait_dma2 semaphore(%run_scoped3A : memref<!tpu.dma_semaphore, #tpu.memory_space<semaphore_mem>>) src(%dma_wait3A_815 : memref<16x64xf32, #tpu.memory_space<vmem_shared>>) dst(%dma_wait3A_812 : memref<16x64xf32, #tpu.memory_space<vmem>>)
        tpu.yield
      }) : () -> ()
      "tpu.region"() ({
        %run_scoped3A = tpu.sem_alloc : memref<!tpu.dma_semaphore, #tpu.memory_space<semaphore_mem>>
        %dma_start3A_792 = arith.constant 0 : i32
        %dma_start3A_793 = tpu.memref_slice %arg23[%dma_start3A_792] : memref<208xf32, #tpu.memory_space<vmem>> -> memref<16xf32, #tpu.memory_space<vmem>>
        %dma_start3A_794 = arith.constant 9984 : i32
        %dma_start3A_795 = tpu.memref_slice %arg11[%dma_start3A_794] : memref<10008xf32, #tpu.memory_space<vmem_shared>> -> memref<16xf32, #tpu.memory_space<vmem_shared>>
        %dma_start3A_796 = arith.constant 0 : i32
        %dma_start3A_797 = tpu.memref_slice %arg23[%dma_start3A_796] : memref<208xf32, #tpu.memory_space<vmem>> -> memref<16xf32, #tpu.memory_space<vmem>>
        %dma_start3A_798 = arith.constant 9984 : i32
        %dma_start3A_799 = tpu.memref_slice %arg11[%dma_start3A_798] : memref<10008xf32, #tpu.memory_space<vmem_shared>> -> memref<16xf32, #tpu.memory_space<vmem_shared>>
        tpu.enqueue_dma source(%dma_start3A_799 : memref<16xf32, #tpu.memory_space<vmem_shared>>) target(%dma_start3A_797 : memref<16xf32, #tpu.memory_space<vmem>>) target_semaphore(%run_scoped3A : memref<!tpu.dma_semaphore, #tpu.memory_space<semaphore_mem>>)
        %dma_wait3A_800 = arith.constant 0 : i32
        %dma_wait3A_801 = tpu.memref_slice %arg23[%dma_wait3A_800] : memref<208xf32, #tpu.memory_space<vmem>> -> memref<16xf32, #tpu.memory_space<vmem>>
        %dma_wait3A_802 = arith.constant 9984 : i32
        %dma_wait3A_803 = tpu.memref_slice %arg11[%dma_wait3A_802] : memref<10008xf32, #tpu.memory_space<vmem_shared>> -> memref<16xf32, #tpu.memory_space<vmem_shared>>
        %dma_wait3A_804 = arith.constant 0 : i32
        %dma_wait3A_805 = tpu.memref_slice %arg23[%dma_wait3A_804] : memref<208xf32, #tpu.memory_space<vmem>> -> memref<16xf32, #tpu.memory_space<vmem>>
        %dma_wait3A_806 = arith.constant 9984 : i32
        %dma_wait3A_807 = tpu.memref_slice %arg11[%dma_wait3A_806] : memref<10008xf32, #tpu.memory_space<vmem_shared>> -> memref<16xf32, #tpu.memory_space<vmem_shared>>
        tpu.wait_dma2 semaphore(%run_scoped3A : memref<!tpu.dma_semaphore, #tpu.memory_space<semaphore_mem>>) src(%dma_wait3A_807 : memref<16xf32, #tpu.memory_space<vmem_shared>>) dst(%dma_wait3A_805 : memref<16xf32, #tpu.memory_space<vmem>>)
        tpu.yield
      }) : () -> ()
      %scan3A_783 = arith.constant 0 : i32
      %scan3A_784 = arith.constant 0 : i32
      %scan3A_785 = arith.constant 16 : i32
      %scan3A_786 = arith.addi %scan3A_784, %scan3A_785 : i32
      %scan3A_787 = arith.constant 1 : i32
      %scan3A_788 = scf.for %scan3A_792 = %scan3A_784 to %scan3A_786 step %scan3A_787 iter_args(%scan3A_793 = %scan3A_783) -> (i32)  : i32 {
        %broadcast_in_dim3A = vector.broadcast %scan3A_792 : i32 to vector<16xi32>
        %gather3A = tpu.vector_load_idx %arg23[%broadcast_in_dim3A] : memref<208xf32, #tpu.memory_space<vmem>>[vector<16xi32>], vector<16xf32>,
        %max3A = arith.constant 1.000000e+00 : f32
        %max3A_794 = vector.broadcast %max3A : f32 to vector<16xf32>
        %max3A_795 = arith.maximumf %gather3A, %max3A_794 : vector<16xf32>
        %div3A = arith.constant 1.000000e+00 : f32
        %div3A_796 = vector.broadcast %div3A : f32 to vector<16xf32>
        %div3A_797 = arith.divf %div3A_796, %max3A_795 : vector<16xf32>
        %get3A_798 = arith.index_cast %scan3A_792 : i32 to index
        %get3A_799 = arith.constant 0 : index
        %get3A_800 = tpu.vector_load %arg22[%get3A_798, %get3A_799] {strides = array<i32>} : memref<208x64xf32, #tpu.memory_space<vmem>>, vector<16xf32>,
        %mul3A_801 = arith.mulf %get3A_800, %div3A_797 : vector<16xf32>
        %swap3A_802 = arith.index_cast %scan3A_792 : i32 to index
        %swap3A_803 = arith.constant 0 : index
        %swap3A_804 = tpu.vector_load %arg22[%swap3A_802, %swap3A_803] {strides = array<i32>} : memref<208x64xf32, #tpu.memory_space<vmem>>, vector<16xf32>,
        tpu.vector_store %arg22[%swap3A_802, %swap3A_803], %mul3A_801 {strides = array<i32>} : memref<208x64xf32, #tpu.memory_space<vmem>>, vector<16xf32>,
        %get3A_805 = arith.index_cast %scan3A_792 : i32 to index
        %get3A_806 = arith.constant 16 : index
        %get3A_807 = tpu.vector_load %arg22[%get3A_805, %get3A_806] {strides = array<i32>} : memref<208x64xf32, #tpu.memory_space<vmem>>, vector<16xf32>,
        %mul3A_808 = arith.mulf %get3A_807, %div3A_797 : vector<16xf32>
        %swap3A_809 = arith.index_cast %scan3A_792 : i32 to index
        %swap3A_810 = arith.constant 16 : index
        %swap3A_811 = tpu.vector_load %arg22[%swap3A_809, %swap3A_810] {strides = array<i32>} : memref<208x64xf32, #tpu.memory_space<vmem>>, vector<16xf32>,
        tpu.vector_store %arg22[%swap3A_809, %swap3A_810], %mul3A_808 {strides = array<i32>} : memref<208x64xf32, #tpu.memory_space<vmem>>, vector<16xf32>,
        %get3A_812 = arith.index_cast %scan3A_792 : i32 to index
        %get3A_813 = arith.constant 32 : index
        %get3A_814 = tpu.vector_load %arg22[%get3A_812, %get3A_813] {strides = array<i32>} : memref<208x64xf32, #tpu.memory_space<vmem>>, vector<16xf32>,
        %mul3A_815 = arith.mulf %get3A_814, %div3A_797 : vector<16xf32>
        %swap3A_816 = arith.index_cast %scan3A_792 : i32 to index
        %swap3A_817 = arith.constant 32 : index
        %swap3A_818 = tpu.vector_load %arg22[%swap3A_816, %swap3A_817] {strides = array<i32>} : memref<208x64xf32, #tpu.memory_space<vmem>>, vector<16xf32>,
        tpu.vector_store %arg22[%swap3A_816, %swap3A_817], %mul3A_815 {strides = array<i32>} : memref<208x64xf32, #tpu.memory_space<vmem>>, vector<16xf32>,
        %get3A_819 = arith.index_cast %scan3A_792 : i32 to index
        %get3A_820 = arith.constant 48 : index
        %get3A_821 = tpu.vector_load %arg22[%get3A_819, %get3A_820] {strides = array<i32>} : memref<208x64xf32, #tpu.memory_space<vmem>>, vector<16xf32>,
        %mul3A_822 = arith.mulf %get3A_821, %div3A_797 : vector<16xf32>
        %swap3A_823 = arith.index_cast %scan3A_792 : i32 to index
        %swap3A_824 = arith.constant 48 : index
        %swap3A_825 = tpu.vector_load %arg22[%swap3A_823, %swap3A_824] {strides = array<i32>} : memref<208x64xf32, #tpu.memory_space<vmem>>, vector<16xf32>,
        tpu.vector_store %arg22[%swap3A_823, %swap3A_824], %mul3A_822 {strides = array<i32>} : memref<208x64xf32, #tpu.memory_space<vmem>>, vector<16xf32>,
        %scan3A_826 = arith.constant 0 : i32
        scf.yield %scan3A_826 : i32
      }
      %scan3A_789 = arith.constant 16 : i32
      %add3A_790 = arith.constant 9984 : i32
      %add3A_791 = arith.addi %mul3A_2, %add3A_790 : i32
      "tpu.region"() ({
        %run_scoped3A = tpu.sem_alloc : memref<!tpu.dma_semaphore, #tpu.memory_space<semaphore_mem>>
        %dma_start3A_792 = arith.constant 0 : i32
        %dma_start3A_793 = arith.constant 0 : i32
        %dma_start3A_794 = tpu.memref_slice %arg22[%dma_start3A_792, %dma_start3A_793] : memref<208x64xf32, #tpu.memory_space<vmem>> -> memref<16x64xf32, #tpu.memory_space<vmem>>
        %dma_start3A_795 = arith.constant 0 : i32
        %dma_start3A_796 = tpu.memref_slice %arg8[%add3A_791, %dma_start3A_795] : memref<20000x64xf32, #tpu.memory_space<hbm>> -> memref<16x64xf32, #tpu.memory_space<hbm>>
        %dma_start3A_797 = arith.constant 0 : i32
        %dma_start3A_798 = tpu.memref_slice %arg8[%add3A_791, %dma_start3A_797] : memref<20000x64xf32, #tpu.memory_space<hbm>> -> memref<16x64xf32, #tpu.memory_space<hbm>>
        %dma_start3A_799 = arith.constant 0 : i32
        %dma_start3A_800 = arith.constant 0 : i32
        %dma_start3A_801 = tpu.memref_slice %arg22[%dma_start3A_799, %dma_start3A_800] : memref<208x64xf32, #tpu.memory_space<vmem>> -> memref<16x64xf32, #tpu.memory_space<vmem>>
        tpu.enqueue_dma source(%dma_start3A_801 : memref<16x64xf32, #tpu.memory_space<vmem>>) target(%dma_start3A_798 : memref<16x64xf32, #tpu.memory_space<hbm>>) target_semaphore(%run_scoped3A : memref<!tpu.dma_semaphore, #tpu.memory_space<semaphore_mem>>)
        %dma_wait3A_802 = arith.constant 0 : i32
        %dma_wait3A_803 = arith.constant 0 : i32
        %dma_wait3A_804 = tpu.memref_slice %arg22[%dma_wait3A_802, %dma_wait3A_803] : memref<208x64xf32, #tpu.memory_space<vmem>> -> memref<16x64xf32, #tpu.memory_space<vmem>>
        %dma_wait3A_805 = arith.constant 0 : i32
        %dma_wait3A_806 = tpu.memref_slice %arg8[%add3A_791, %dma_wait3A_805] : memref<20000x64xf32, #tpu.memory_space<hbm>> -> memref<16x64xf32, #tpu.memory_space<hbm>>
        %dma_wait3A_807 = arith.constant 0 : i32
        %dma_wait3A_808 = tpu.memref_slice %arg8[%add3A_791, %dma_wait3A_807] : memref<20000x64xf32, #tpu.memory_space<hbm>> -> memref<16x64xf32, #tpu.memory_space<hbm>>
        %dma_wait3A_809 = arith.constant 0 : i32
        %dma_wait3A_810 = arith.constant 0 : i32
        %dma_wait3A_811 = tpu.memref_slice %arg22[%dma_wait3A_809, %dma_wait3A_810] : memref<208x64xf32, #tpu.memory_space<vmem>> -> memref<16x64xf32, #tpu.memory_space<vmem>>
        tpu.wait_dma2 semaphore(%run_scoped3A : memref<!tpu.dma_semaphore, #tpu.memory_space<semaphore_mem>>) src(%dma_wait3A_811 : memref<16x64xf32, #tpu.memory_space<vmem>>) dst(%dma_wait3A_808 : memref<16x64xf32, #tpu.memory_space<hbm>>)
        tpu.yield
      }) : () -> ()
    } else {
    }
    return
  }
}

module attributes {stable_mosaic.version = 14 : i64} {
  func.func @body(%arg0: i32, %arg1: memref<1000x128xf32, #tpu.memory_space<vmem>>, %arg2: memref<1000x64xf32, #tpu.memory_space<vmem>>, %arg3: memref<1000x64xf32, #tpu.memory_space<vmem>>, %arg4: memref<1000x64xf32, #tpu.memory_space<vmem>>, %arg5: memref<1000x64xf32, #tpu.memory_space<vmem>>, %arg6: memref<384x128xf32, #tpu.memory_space<vmem>>, %arg7: memref<1x128xf32, #tpu.memory_space<vmem>>, %arg8: memref<1000x128xf32, #tpu.memory_space<vmem>>) attributes {dimension_semantics = [#tpu.dimension_semantics<arbitrary>], iteration_bounds = array<i64: 10>, scalar_prefetch = 0 : i64, scratch_operands = 0 : i64, tpu.core_type = #tpu.core_type<tc>, window_params = [{transform_indices = @transform_0, window_bounds = array<i64: 1000, 128>}, {transform_indices = @transform_1, window_bounds = array<i64: 1000, 64>}, {transform_indices = @transform_2, window_bounds = array<i64: 1000, 64>}, {transform_indices = @transform_3, window_bounds = array<i64: 1000, 64>}, {transform_indices = @transform_4, window_bounds = array<i64: 1000, 64>}, {pipeline_mode = #tpu.pipeline_mode<synchronous>, transform_indices = @transform_5, window_bounds = array<i64: 384, 128>}, {pipeline_mode = #tpu.pipeline_mode<synchronous>, transform_indices = @transform_6, window_bounds = array<i64: 1, 128>}, {transform_indices = @transform_7, window_bounds = array<i64: 1000, 128>}]} {
    %get3A = arith.constant 0 : index
    %get3A_0 = arith.constant 0 : index
    %get3A_1 = vector.load %arg6[%get3A, %get3A_0] : memref<384x128xf32, #tpu.memory_space<vmem>>, vector<384x128xf32>
    %slice3A = vector.extract_strided_slice %get3A_1 {offsets = [0, 0], sizes = [128, 128], strides = [1, 1]} : vector<384x128xf32> to vector<128x128xf32>
    %slice3A_2 = vector.extract_strided_slice %get3A_1 {offsets = [256, 0], sizes = [128, 128], strides = [1, 1]} : vector<384x128xf32> to vector<128x128xf32>
    %sub3A = arith.subf %slice3A, %slice3A_2 : vector<128x128xf32>
    %slice3A_3 = vector.extract_strided_slice %get3A_1 {offsets = [128, 0], sizes = [128, 128], strides = [1, 1]} : vector<384x128xf32> to vector<128x128xf32>
    %slice3A_4 = vector.extract_strided_slice %get3A_1 {offsets = [256, 0], sizes = [128, 128], strides = [1, 1]} : vector<384x128xf32> to vector<128x128xf32>
    %mul3A = arith.constant 2.000000e+00 : f32
    %mul3A_5 = vector.broadcast %mul3A : f32 to vector<128x128xf32>
    %mul3A_6 = arith.mulf %slice3A_4, %mul3A_5 : vector<128x128xf32>
    %get3A_7 = arith.constant 0 : index
    %get3A_8 = arith.constant 0 : index
    %get3A_9 = vector.load %arg1[%get3A_7, %get3A_8] : memref<1000x128xf32, #tpu.memory_space<vmem>>, vector<1000x128xf32>
    %dot_general3A = arith.constant dense<0.000000e+00> : vector<1000x128xf32>
    %dot_general3A_10 = tpu.matmul %get3A_9, %sub3A, %dot_general3A {dimension_numbers = #tpu.dot_dimension_numbers<[1], [0], [0], [1], [0, 0, 1, 1], [], []>, transpose_lhs_hint = false} : vector<1000x128xf32>, vector<128x128xf32>, vector<1000x128xf32> -> vector<1000x128xf32>
    %get3A_11 = arith.constant 0 : index
    %get3A_12 = arith.constant 0 : index
    %get3A_13 = vector.load %arg2[%get3A_11, %get3A_12] : memref<1000x64xf32, #tpu.memory_space<vmem>>, vector<1000x64xf32>
    %slice3A_14 = vector.extract_strided_slice %slice3A_3 {offsets = [0, 0], sizes = [64, 128], strides = [1, 1]} : vector<128x128xf32> to vector<64x128xf32>
    %dot_general3A_15 = arith.constant dense<0.000000e+00> : vector<1000x128xf32>
    %dot_general3A_16 = tpu.matmul %get3A_13, %slice3A_14, %dot_general3A_15 {dimension_numbers = #tpu.dot_dimension_numbers<[1], [0], [0], [1], [0, 0, 1, 1], [], []>, transpose_lhs_hint = false} : vector<1000x64xf32>, vector<64x128xf32>, vector<1000x128xf32> -> vector<1000x128xf32>
    %add3A = arith.addf %dot_general3A_10, %dot_general3A_16 : vector<1000x128xf32>
    %get3A_17 = arith.constant 0 : index
    %get3A_18 = arith.constant 0 : index
    %get3A_19 = vector.load %arg3[%get3A_17, %get3A_18] : memref<1000x64xf32, #tpu.memory_space<vmem>>, vector<1000x64xf32>
    %slice3A_20 = vector.extract_strided_slice %slice3A_3 {offsets = [64, 0], sizes = [64, 128], strides = [1, 1]} : vector<128x128xf32> to vector<64x128xf32>
    %dot_general3A_21 = arith.constant dense<0.000000e+00> : vector<1000x128xf32>
    %dot_general3A_22 = tpu.matmul %get3A_19, %slice3A_20, %dot_general3A_21 {dimension_numbers = #tpu.dot_dimension_numbers<[1], [0], [0], [1], [0, 0, 1, 1], [], []>, transpose_lhs_hint = false} : vector<1000x64xf32>, vector<64x128xf32>, vector<1000x128xf32> -> vector<1000x128xf32>
    %add3A_23 = arith.addf %add3A, %dot_general3A_22 : vector<1000x128xf32>
    %get3A_24 = arith.constant 0 : index
    %get3A_25 = arith.constant 0 : index
    %get3A_26 = vector.load %arg4[%get3A_24, %get3A_25] : memref<1000x64xf32, #tpu.memory_space<vmem>>, vector<1000x64xf32>
    %slice3A_27 = vector.extract_strided_slice %mul3A_6 {offsets = [0, 0], sizes = [64, 128], strides = [1, 1]} : vector<128x128xf32> to vector<64x128xf32>
    %dot_general3A_28 = arith.constant dense<0.000000e+00> : vector<1000x128xf32>
    %dot_general3A_29 = tpu.matmul %get3A_26, %slice3A_27, %dot_general3A_28 {dimension_numbers = #tpu.dot_dimension_numbers<[1], [0], [0], [1], [0, 0, 1, 1], [], []>, transpose_lhs_hint = false} : vector<1000x64xf32>, vector<64x128xf32>, vector<1000x128xf32> -> vector<1000x128xf32>
    %add3A_30 = arith.addf %add3A_23, %dot_general3A_29 : vector<1000x128xf32>
    %get3A_31 = arith.constant 0 : index
    %get3A_32 = arith.constant 0 : index
    %get3A_33 = vector.load %arg5[%get3A_31, %get3A_32] : memref<1000x64xf32, #tpu.memory_space<vmem>>, vector<1000x64xf32>
    %slice3A_34 = vector.extract_strided_slice %mul3A_6 {offsets = [64, 0], sizes = [64, 128], strides = [1, 1]} : vector<128x128xf32> to vector<64x128xf32>
    %dot_general3A_35 = arith.constant dense<0.000000e+00> : vector<1000x128xf32>
    %dot_general3A_36 = tpu.matmul %get3A_33, %slice3A_34, %dot_general3A_35 {dimension_numbers = #tpu.dot_dimension_numbers<[1], [0], [0], [1], [0, 0, 1, 1], [], []>, transpose_lhs_hint = false} : vector<1000x64xf32>, vector<64x128xf32>, vector<1000x128xf32> -> vector<1000x128xf32>
    %add3A_37 = arith.addf %add3A_30, %dot_general3A_36 : vector<1000x128xf32>
    %get3A_38 = arith.constant 0 : index
    %get3A_39 = arith.constant 0 : index
    %get3A_40 = vector.load %arg7[%get3A_38, %get3A_39] : memref<1x128xf32, #tpu.memory_space<vmem>>, vector<1x128xf32>
    %add3A_41 = vector.broadcast %get3A_40 : vector<1x128xf32> to vector<1000x128xf32>
    %add3A_42 = arith.addf %add3A_37, %add3A_41 : vector<1000x128xf32>
    %swap3A = arith.constant 0 : index
    %swap3A_43 = arith.constant 0 : index
    %swap3A_44 = vector.load %arg8[%swap3A, %swap3A_43] : memref<1000x128xf32, #tpu.memory_space<vmem>>, vector<1000x128xf32>
    tpu.vector_store %arg8[%swap3A, %swap3A_43], %add3A_42 {strides = array<i32>} : memref<1000x128xf32, #tpu.memory_space<vmem>>, vector<1000x128xf32>,
    return
  }
  func.func @transform_0(%arg0: i32) -> (i32, i32) {
    %c0_i32 = arith.constant 0 : i32
    %c0_i32_0 = arith.constant 0 : i32
    return %arg0, %c0_i32 : i32, i32
  }
  func.func @transform_1(%arg0: i32) -> (i32, i32) {
    %c0_i32 = arith.constant 0 : i32
    %c0_i32_0 = arith.constant 0 : i32
    return %arg0, %c0_i32 : i32, i32
  }
  func.func @transform_2(%arg0: i32) -> (i32, i32) {
    %add3A = arith.constant 10 : i32
    %add3A_0 = arith.addi %arg0, %add3A : i32
    %c0_i32 = arith.constant 0 : i32
    %c0_i32_1 = arith.constant 0 : i32
    return %add3A_0, %c0_i32 : i32, i32
  }
  func.func @transform_3(%arg0: i32) -> (i32, i32) {
    %c0_i32 = arith.constant 0 : i32
    %c0_i32_0 = arith.constant 0 : i32
    return %arg0, %c0_i32 : i32, i32
  }
  func.func @transform_4(%arg0: i32) -> (i32, i32) {
    %add3A = arith.constant 10 : i32
    %add3A_0 = arith.addi %arg0, %add3A : i32
    %c0_i32 = arith.constant 0 : i32
    %c0_i32_1 = arith.constant 0 : i32
    return %add3A_0, %c0_i32 : i32, i32
  }
  func.func @transform_5(%arg0: i32) -> (i32, i32) {
    %c0_i32 = arith.constant 0 : i32
    %c0_i32_0 = arith.constant 0 : i32
    %c0_i32_1 = arith.constant 0 : i32
    return %c0_i32, %c0_i32_0 : i32, i32
  }
  func.func @transform_6(%arg0: i32) -> (i32, i32) {
    %c0_i32 = arith.constant 0 : i32
    %c0_i32_0 = arith.constant 0 : i32
    %c0_i32_1 = arith.constant 0 : i32
    return %c0_i32, %c0_i32_0 : i32, i32
  }
  func.func @transform_7(%arg0: i32) -> (i32, i32) {
    %c0_i32 = arith.constant 0 : i32
    %c0_i32_0 = arith.constant 0 : i32
    return %arg0, %c0_i32 : i32, i32
  }
}

</mosaic_0001>

<sc_bundles>
// kernel: kernel.4.cloned.1.call-start
scs
__scs_entry_jumppad:
0x0: {  	(pc) =	sbr.rel $0x88, $3  }
0x1: {  	(tag) =	ssettag $0x0;
	lr =	simm.s32 $0x1  }
0x2: {  	[smem:$0x3F9D] =	sst lr;
	_ =	strace $0xD0000000  }
0x3: {  	_ = 	snop  }
0x4: {  	_ = 	snop  }
0x5: {  	_ = 	snop  }
0x6: {  	_ = 	snop  }
0x7: {  	_ = 	snop  }
__scs_overlays_trampoline_lowered:
0x8: {  	[smem:$0x3FAC] =	sst s0  }
0x9: {  	[smem:$0x3FAD] =	sst s1  }
0xa: {  	[smem:$0x3FAE] =	sst s2  }
0xb: {  	[smem:$0x3FAF] =	sst s3  }
0xc: {  	[smem:$0x3FB0] =	sst s4  }
0xd: {  	[smem:$0x3FB1] =	sst s5  }
0xe: {  	[smem:$0x3FB2] =	sst s6  }
0xf: {  	[smem:$0x3FB3] =	sst s7  }
0x10: {  	[smem:$0x3FB4] =	sst s8  }
0x11: {  	[smem:$0x3FB5] =	sst s9;
	s0 =	simm.s32 @!p0 $0x0  }
0x12: {  	s1 =	sld [smem:$0x3F9B];
	s0 =	simm.s32 @p0 $0x1  }
0x13: {  	[smem:$0x3FB6] =	sst s0;
	s0 =	simm.s32 @!p1 $0x0  }
0x14: {  	s2 =	sld [smem:$0x3F9A];
	s0 =	simm.s32 @p1 $0x1  }
0x15: {  	[smem:$0x3FB7] =	sst s0;
	s0 =	simm.s32 @!p2 $0x0  }
0x16: {  	s3 =	sld [smem:$0x3FDB];
	s0 =	simm.s32 @p2 $0x1  }
0x17: {  	s4 =	simm.s32 $0x1BF5;
	[smem:$0x3FB9] =	sst s0  }
0x18: {  	s0 =	sld [smem:$0x3F9C];
	_ =	swait.ge [sflag:s4], $0x0  }
0x19: {  	s7 =	sld [smem:$0x3F9D]  }
0x1a: {  	s8 =	sadd.s32 $0xFFFFE003, lr  }
0x1b: {  	s9 =	sadd.s32 $0xFFFFFEF7, lr;
	s5 =	simm.s32 $0xFFFFFFFF;
	p2 =	slt.u32 s8, $0xFFFFF086  }
0x1c: {  	p1 =	slt.u32 s9, $0xF7A;
	s5 =	simm.s32 @!p2 $0x0  }
0x1d: {  	s5 =	simm.s32 @p1 $0x1;
	p0 =	seq.s32 s7, s2  }
0x1e: {  	s7 =	smul.u32 @!p0 $0xF7A, s2;
	p2 =	seq.s32 @!p0 s5, $0x0  }
0x1f: {  	s9 =	smul.u32 $0xF7A, s1;
	s8 =	simm.s32 @!p0 $0x1BF5;
	p2 =	por !p2, p0  }
0x20: {  	[sflag:s8] =	ssyncset.s32 @!p0 $0xFFFFF086;
	s6 =	sadd.s32 @!p0 s3, s7;
	s7 =	simm.s32 @!p0 $0x108  }
0x21: {  	s3 =	sadd.s32 s3, s9;
	s6 =	sadd.s32 @!p0 $0x88, s6;
	s7 =	simm.s32 @p2 $0x1082  }
0x22: {  	[simem:s7], [sflag:s8] =	dma.local @!p0 [hbm:s6], $0xF7A  }
0x23: {  	s9 =	sor.u32 $0xD0000000, s2;
	s6 =	simm.s32 $0x108;
	_ =	swait.ge @!p0 [sflag:s8], $0x0  }
0x24: {  	s3 =	sadd.s32 $0x88, s3;
	s6 =	simm.s32 @!p1 $0x1082;
	[sflag:s4] =	ssyncset.s32 $0xFFFFF086  }
0x25: {  	[simem:s6], [sflag:s4] =	dma.local [hbm:s3], $0xF7A  }
0x26: {  	[smem:$0x3F9D] =	sst s1;
	(tag) =	ssettag s2;
	_ =	strace s9  }
0x27: {  	s1 =	sld [smem:$0x3FAD]  }
0x28: {  	s2 =	sld [smem:$0x3FAE]  }
0x29: {  	s4 =	sld [smem:$0x3FB0]  }
0x2a: {  	p0 =	seq.s32 s5, $0x0;
	s5 =	sld [smem:$0x3FB1]  }
0x2b: {  	s6 =	sld [smem:$0x3FB2]  }
0x2c: {  	s7 =	sld [smem:$0x3FB3]  }
0x2d: {  	s3 =	simm.s32 $0x108;
	s8 =	sld [smem:$0x3FB4]  }
0x2e: {  	s3 =	simm.s32 @!p0 $0x1082;
	s9 =	sld [smem:$0x3FB5]  }
0x2f: {  	lr =	sadd.s32 s0, s3;
	s0 =	sld [smem:$0x3FAC]  }
0x30: {  	s3 =	sld [smem:$0x3FAF]  }
0x31: {  	[smem:$0x3FB8] =	sst s10  }
0x32: {  	s10 =	sld [smem:$0x3FB6];
	_ =	sdelay $0x3  }
0x33: {  	p0 =	seq.s32 s10, $0x1;
	s10 =	sld [smem:$0x3FB8];
	_ =	sdelay $0x3  }
0x34: {  	[smem:$0x3FB8] =	sst s10  }
0x35: {  	s10 =	sld [smem:$0x3FB7];
	_ =	sdelay $0x3  }
0x36: {  	p1 =	seq.s32 s10, $0x1;
	s10 =	sld [smem:$0x3FB8];
	_ =	sdelay $0x3  }
0x37: {  	[smem:$0x3FB8] =	sst s10  }
0x38: {  	s10 =	sld [smem:$0x3FB9]  }
0x39: {  	_ = 	snop;
	(pc) =	sbr.ind lr, $3  }
0x3a: {  	_ = 	snop  }
0x3b: {  	_ = 	snop  }
0x3c: {  	p2 =	seq.s32 s10, $0x1;
	s10 =	sld [smem:$0x3FB8]  }
0x3d: {  	_ =	shalt  }
0x3e: {  	_ =	shalt  }
0x3f: {  	_ =	shalt  }
0x40: {  	_ =	shalt  }
0x41: {  	_ =	shalt  }
0x42: {  	_ =	shalt  }
0x43: {  	_ =	shalt  }
0x44: {  	_ =	shalt  }
0x45: {  	_ =	shalt  }
0x46: {  	_ =	shalt  }
0x47: {  	_ =	shalt  }
0x48: {  	_ =	shalt  }
0x49: {  	_ =	shalt  }
0x4a: {  	_ =	shalt  }
0x4b: {  	_ =	shalt  }
0x4c: {  	_ =	shalt  }
0x4d: {  	_ =	shalt  }
0x4e: {  	_ =	shalt  }
0x4f: {  	_ =	shalt  }
0x50: {  	_ =	shalt  }
0x51: {  	_ =	shalt  }
0x52: {  	_ =	shalt  }
0x53: {  	_ =	shalt  }
0x54: {  	_ =	shalt  }
0x55: {  	_ =	shalt  }
0x56: {  	_ =	shalt  }
0x57: {  	_ =	shalt  }
0x58: {  	_ =	shalt  }
0x59: {  	_ =	shalt  }
0x5a: {  	_ =	shalt  }
0x5b: {  	_ =	shalt  }
0x5c: {  	_ =	shalt  }
0x5d: {  	_ =	shalt  }
0x5e: {  	_ =	shalt  }
0x5f: {  	_ =	shalt  }
0x60: {  	_ =	shalt  }
0x61: {  	_ =	shalt  }
0x62: {  	_ =	shalt  }
0x63: {  	_ =	shalt  }
0x64: {  	_ =	shalt  }
0x65: {  	_ =	shalt  }
0x66: {  	_ =	shalt  }
0x67: {  	_ =	shalt  }
0x68: {  	_ =	shalt  }
0x69: {  	_ =	shalt  }
0x6a: {  	_ =	shalt  }
0x6b: {  	_ =	shalt  }
0x6c: {  	_ =	shalt  }
0x6d: {  	_ =	shalt  }
0x6e: {  	_ =	shalt  }
0x6f: {  	_ =	shalt  }
0x70: {  	_ =	shalt  }
0x71: {  	_ =	shalt  }
0x72: {  	_ =	shalt  }
0x73: {  	_ =	shalt  }
0x74: {  	_ =	shalt  }
0x75: {  	_ =	shalt  }
0x76: {  	_ =	shalt  }
0x77: {  	_ =	shalt  }
0x78: {  	_ =	shalt  }
0x79: {  	_ =	shalt  }
0x7a: {  	_ =	shalt  }
0x7b: {  	_ =	shalt  }
0x7c: {  	_ =	shalt  }
0x7d: {  	_ =	shalt  }
0x7e: {  	_ =	shalt  }
0x7f: {  	_ =	shalt  }
0x80: {  	_ =	shalt  }
0x81: {  	_ =	shalt  }
0x82: {  	_ =	shalt  }
0x83: {  	_ =	shalt  }
0x84: {  	_ =	shalt  }
0x85: {  	_ =	shalt  }
0x86: {  	_ =	shalt  }
0x87: {  	_ =	shalt  }
.Lfunc_end0:
.L_simem_size_0:
called_computation_lowered:
.L_overlay_start_0:
0x88: {  	s2 =	sld [smem:$0x3FD9]  }
0x89: {  	s3 =	sld [smem:$0x3FFE];
	_ =	sdelay $0x1  }
0x8a: {  	s1 =	srdreg.scid  }
0x8b: {  	s0 =	sand.u32 $0x1, s1  }
0x8c: {  	s17 =	sshll.u32 s0, $0xA;
	s2 =	sadd.s32 s3, s2  }
0x8d: {  	s2 =	sadd.s32 s2, s17  }
0x8e: {  	[smem:$0x3FC4] =	sst s2  }
0x8f: {  	_ = 	snop  }
0x90: {  	s2 =	sld [smem:$0x3FD0];
	(tm) =	ssettm $0x1  }
0x91: {  	s18 =	sld [smem:$0x3FFB];
	_ =	sdelay $0x3  }
0x92: {  	_ =	strace s18  }
0x93: {  	s3 =	sld [smem:$0x3FFC];
	_ =	sdelay $0x3  }
0x94: {  	_ =	strace s3  }
0x95: {  	s3 =	sld [smem:$0x3FFD];
	_ =	sdelay $0x3  }
0x96: {  	_ =	strace s3  }
0x97: {  	_ =	strace $0x8FFFFFFF  }
0x98: {  	s19 =	sld [smem:$0x3FDB];
	_ =	sdelay $0x1  }
0x99: {  	s4 =	simm.s32 $_scs_section_size  }
0x9a: {  	s5 =	simm.s32 $_size__tile_overlayer_lowered;
	s6 =	simm.s32 $_tile_overlayer_lowered  }
0x9b: {  	s22 =	simm.s32 $0x1BFF;
	s21 =	sshll.u32 s6, $0x1;
	s3 =	sadd.s32 s4, s19  }
0x9c: {  	s7 =	simm.s32 $0x0;
	s20 =	sshll.u32 s5, $0x1;
	s5 =	sadd.s32 s21, s3  }
0x9d: {  	[timem:s7], [sflag:s22] =	dma.local [hbm:s5], s20  }
0x9e: {  	_ =	swait.ge [sflag:s22], s20  }
0x9f: {  	s4 =	ssub.s32 $0x0, s20;
	[sflag:s22] =	ssyncset.done $0x0  }
0xa0: {  	[sflag:s22] =	ssyncadd.s32 s4;
	_ =	sdelay $0x1  }
0xa1: {  	s23 =	simm.s32 $0x1B8B  }
0xa2: {  	_ =	swait.ge [sflag:s23], $0x1  }
0xa3: {  	[sflag:s23] =	ssyncset.done $0x0  }
0xa4: {  	s25 =	simm.s32 $0x1B8E;
	s24 =	sld [smem:$0x3FFE];
	[sflag:s23] =	ssyncadd.s32 $0xFFFFFFFF  }
0xa5: {  	s26 =	simm.s32 $execute0_lowered;
	[smem:$0x3FD2] =	sst s25  }
0xa6: {  	s5 =	sshll.u32 s26, $0x1;
	_ =	strace $0x80000046;
	[dreg:$0x1] =	wrdreg $0xFFFFFFFF  }
0xa7: {  	s28 =	simm.s32 $_size_execute0_lowered;
	s3 =	sadd.s32 s3, s5;
	[dreg:$0x0] =	wrdreg $0x0  }
0xa8: {  	s5 =	sshll.u32 s28, $0x1;
	[dreg:$0x2] =	wrdreg s3  }
0xa9: {  	[dreg:$0x3] =	wrdreg s5  }
0xaa: {  	[dreg:$0x4] =	wrdreg $0xC0  }
0xab: {  	_ =	task [dreg:s7], $0x5FFFF  }
0xac: {  	[dreg:$0x1] =	wrdreg $0xFFFFFFFF  }
0xad: {  	[dreg:$0x0] =	wrdreg $0x60  }
0xae: {  	[dreg:$0x2] =	wrdreg s2  }
0xaf: {  	[dreg:$0x3] =	wrdreg s24  }
0xb0: {  	[dreg:$0x4] =	wrdreg $0x0  }
0xb1: {  	[dreg:$0x5] =	wrdreg $0x9C600  }
0xb2: {  	[dreg:$0x6] =	wrdreg $0x138C00  }
0xb3: {  	[dreg:$0x7] =	wrdreg $0x9  }
0xb4: {  	_ =	task.clear_ibuf [dreg:s7], $0x8FFFF;
	_ =	strace $0x90000046  }
0xb5: {  	s29 =	simm.s32 $0x9;
	_ =	strace $0x80000048  }
0xb6: {  	_ =	swait.ge [sflag:s29], $0x1  }
0xb7: {  	[sflag:s29] =	ssyncadd.s32 $0xFFFFFFFF  }
0xb8: {  	_ =	strace $0x90000048  }
0xb9: {  	_ =	sfence  }
0xba: {  	s30 =	sld [smem:$0x0];
	_ =	sdelay $0x2  }
0xbb: {  	s31 =	sshll.u32 s1, $0xD;
	s1 =	sshrl.u32 s1, $0x2  }
0xbc: {  	s3 =	sand.u32 $0x4000, s31;
	s1 =	sadd.s32 s1, s30  }
0xbd: {  	s0 =	sor.u32 s3, s0;
	s1 =	sshll.u32 s1, $0x11  }
0xbe: {  	s0 =	sor.u32 s1, s0  }
0xbf: {  	s0 =	sadd.s32 $0x8F2B, s0  }
0xc0: {  	[sflag:s0] =	ssyncadd.remote.s32 $0x1  }
0xc1: {  	_ =	sfence.sel $0xFFFF  }
0xc2: {  	[dreg:$0x0] =	wrdreg $0xFFFFFFFF;
	(pc) =	sbr.abs _section_cstart, $3  }
0xc3: {  	[dreg:$0x1] =	wrdreg $0xFFFFFFFF  }
0xc4: {  	_ =	task.clear_ibuf [dreg:s7], $0x2FFFF;
	_ =	strace $0x9FFFFFFF  }
0xc5: {  	(tm) =	ssettm $0x7FFFFFFF  }
tec
execute0_lowered:
.L_overlay_start_1:
0x0: {  	(tag) =	ssettag $0x1  }
0x1: {  	s1 =	rddreg [dreg:$0x0]  }
0x2: {  	s0 =	rddreg [dreg:$0x1]  }
0x3: {  	s2 =	rddreg [dreg:$0x2]  }
0x4: {  	s3 =	rddreg [dreg:$0x3]  }
0x5: {  	s4 =	rddreg [dreg:$0x4];
	s5 =	simm.s32 $0x0  }
0x6: {  	s8 =	srdreg.scid;
	s29 =	simm.s32 $0x1A038;
	[smem:$0x7FF] =	sst s5  }
0x7: {  	s7 =	sadd.s32 $0x1200, s0;
	s6 =	sadd.s32 $0x1F400, s0;
	s9 =	sadd.s32 $0x1F200, s0  }
0x8: {  	s8 =	sand.u32 $0x1, s8;
	s10 =	sadd.s32 $0x1F000, s0;
	s12 =	sadd.s32 $0x46E00, s0  }
0x9: {  	_ =	strace $0x80000047;
	[dreg:$0x6] =	wrdreg s6;
	s6 =	stileid.u32  }
0xa: {  	s0 =	sadd.s32 $0x1FC00, s0;
	[dreg:$0x7] =	wrdreg s9;
	s11 =	smul.u32 $0x2710, s8  }
0xb: {  	[dreg:$0x8] =	wrdreg s10;
	s25 =	ssub.s32 $0x2, s8;
	s16 =	smul.u32 $0x9C400, s8  }
0xc: {  	s8 =	sshll.u32 s8, $0x7;
	s9 =	smul.u32 $0x270, s6;
	s13 =	sshrl.u32 s25, $0x1  }
0xd: {  	s26 =	smul.u32 $0x9C00, s6;
	s30 =	sor.u32 $0x13B38, s8;
	s31 =	sadd.s32 $0x13CB8, s8  }
0xe: {  	p0 =	sne.s32 s6, $0xF;
	s10 =	ssub.s32 s25, s13;
	s16 =	sshrl.u32 s16, $0x3  }
0xf: {  	s14 =	sadd.s32 s9, s11;
	s15 =	sadd.s32 $0xD0, s9;
	s23 =	sadd.s32 s26, s2  }
0x10: {  	s17 =	sadd.s32 $0x1A0, s9;
	s9 =	sadd.s32 s9, s4;
	[dreg:$0x11] =	wrdreg s23  }
0x11: {  	s16 =	sadd.s32 $0x13800, s16;
	s28 =	sadd.s32 s26, s3;
	[dreg:$0x13] =	wrdreg s9  }
0x12: {  	s19 =	sadd.s32 s11, s15;
	s26 =	sadd.s32 s15, s4;
	[dreg:$0x12] =	wrdreg s28  }
0x13: {  	s24 =	sshll.u32 s15, $0x6;
	s15 =	sadd.s32 s17, s4;
	[dreg:$0x16] =	wrdreg s26  }
0x14: {  	s14 =	sshll.u32 s14, $0x3;
	s23 =	sadd.s32 $0x9C000, s2;
	[dreg:$0x19] =	wrdreg s15  }
0x15: {  	s11 =	sadd.s32 s11, s17;
	s18 =	sadd.s32 s12, s14;
	[smem:$0x7FA] =	sst s23  }
0x16: {  	s9 =	sshll.u32 s17, $0x6;
	s21 =	sadd.s32 s0, s14;
	[dreg:$0x9] =	wrdreg s18  }
0x17: {  	s11 =	sshll.u32 s11, $0x3;
	s25 =	sadd.s32 s24, s2;
	[dreg:$0xd] =	wrdreg s21  }
0x18: {  	s13 =	sadd.s32 s9, s2;
	s14 =	smul.u32 $0x30, s6;
	[dreg:$0x14] =	wrdreg s25  }
0x19: {  	s23 =	simm.s32 $0x13CB8;
	s20 =	sadd.s32 s12, s11;
	[dreg:$0x17] =	wrdreg s13  }
0x1a: {  	s15 =	simm.s32 $0x17FB8;
	s11 =	sadd.s32 s0, s11;
	[dreg:$0xb] =	wrdreg s20  }
0x1b: {  	s18 =	sshll.u32 s19, $0x3;
	s21 =	smax.u32 s10, $0x1;
	[dreg:$0xf] =	wrdreg s11  }
0x1c: {  	s25 =	sadd.s32 $0x2700, s4;
	s10 =	simm.s32 $0x1D5B8;
	[dreg:$0x1f] =	wrdreg s21  }
0x1d: {  	s13 =	simm.s32 $0x19FB8;
	s19 =	sadd.s32 s12, s18;
	[smem:$0x7FC] =	sst s25  }
0x1e: {  	s12 =	sadd.s32 s12, s16;
	s22 =	sadd.s32 s0, s18;
	[dreg:$0xa] =	wrdreg s19  }
0x1f: {  	s0 =	sadd.s32 s0, s16;
	s16 =	sadd.s32 s7, s14;
	[dreg:$0xc] =	wrdreg s12  }
0x20: {  	s14 =	simm.s32 $0x2;
	s11 =	simm.s32 $0x15FB8;
	[dreg:$0xe] =	wrdreg s22  }
0x21: {  	s21 =	simm.s32 $0x1A0B8;
	[dreg:$0x10] =	wrdreg s0;
	s0 =	sadd.s32 s24, s3  }
0x22: {  	s12 =	smul.u32 $0x180, s6;
	s22 =	sadd.s32 s9, s3;
	[dreg:$0x1a] =	wrdreg s16  }
0x23: {  	s24 =	sadd.s32 $0x9C000, s3;
	s26 =	sadd.s32 $0xC00, s16;
	[dreg:$0x15] =	wrdreg s0  }
0x24: {  	s0 =	sor.u32 $0x13E38, s8;
	[smem:$0x7FB] =	sst s24;
	s9 =	sshrl.u32 s12, $0x3  }
0x25: {  	[smem:$0x7FD] =	sst s26;
	s26 =	simm.s32 $0x13E38;
	s9 =	sadd.s32 s7, s9  }
0x26: {  	s8 =	simm.s32 $0x13FB8;
	[dreg:$0x18] =	wrdreg s22;
	s17 =	sadd.s32 $0x300, s9  }
.Ltmp0:
0x27: {  	s18 =	sadd.s32 $0x600, s9;
	[dreg:$0x1b] =	wrdreg s17;
	(pc) =	sbr.rel .LBB2_1-.Ltmp0, $4  }
0x28: {  	s24 =	simm.s32 $0x0;
	s19 =	sadd.s32 $0x900, s9;
	[dreg:$0x1c] =	wrdreg s18  }
0x29: {  	s12 =	simm.s32 $0x1A138;
	s20 =	sadd.s32 $0xF00, s9;
	[dreg:$0x1d] =	wrdreg s19  }
0x2a: {  	s9 =	simm.s32 $0x1;
	[dreg:$0x1e] =	wrdreg s20;
	s17 =	simm.s32 $0x4  }
0x2b: {  	s20 =	simm.s32 $0x13B38;
	s18 =	simm.s32 $0x80;
	s19 =	simm.s32 $0x3  }
.LBB2_24:
0x2c: {  	[tilespmem:s24+$0xFFFFFFE0] =	vst v2  }
0x2d: {  	[tilespmem:s24+$0xFFFFFFF0] =	vst v1  }
0x2e: {  	[tilespmem:s24+$0x0] =	vst v4  }
0x2f: {  	[tilespmem:s24+$0x10] =	vst v3  }
0x30: {  	v0 =	vld.idx.msk [tilespmem:v0+s10+$0x0], $0xffff;
	_ =	sdelay $0x4  }
0x31: {  	v0 =	vmax.f32 v0, $1.000000000e+00  }
0x32: {  	(erf) = vrcp.f32 v0;
	_ =	sdelay $0x3  }
0x33: {  	s16 =	sadd.s32 $0x40, s24  }
0x34: {  	v61 =	vld [tilespmem:s16+$0xFFFFFFE0]  }
0x35: {  	v1 =	vld [tilespmem:s16+$0xFFFFFFF0]  }
0x36: {  	v2 =	vld [tilespmem:s16+$0x0]  }
0x37: {  	v3 =	vld [tilespmem:s16+$0x10]  }
0x38: {  	v62 =	vpop (erf)  }
0x39: {  	v0 =	vmul.f32 v62, v61  }
0x3a: {  	v1 =	vmul.f32 v1, v62  }
0x3b: {  	v2 =	vmul.f32 v2, v62;
	[tilespmem:s16+$0xFFFFFFE0] =	vst v0  }
0x3c: {  	v63 =	vmul.f32 v3, v62;
	[tilespmem:s16+$0xFFFFFFF0] =	vst v1  }
0x3d: {  	[tilespmem:s16+$0x0] =	vst v2  }
0x3e: {  	s24 =	rddreg [dreg:$0x10];
	s25 =	simm.s32 $0x1A1B8;
	[tilespmem:s16+$0x10] =	vst v63  }
0x3f: {  	[hbm4b:s24+s5] =	stream.linear.scatter [tilespmem:s25], [sflag:$0x4], $0x400, $0x38;
	[tilespmem:$0x1D688] =	vst v63  }
0x40: {  	_ =	swait.ge [sflag:s17], $0x400  }
0x41: {  	[sflag:s17] =	ssyncset.done $0x0  }
0x42: {  	s24 =	sld [smem:$0x7F9];
	[sflag:s17] =	ssyncadd.s32 $0xFFFFFC00  }
.LBB2_25:
0x43: {  	_ =	sdelay $0x1  }
0x44: {  	s16 =	rddreg [dreg:$0x1f];
	s24 =	sadd.s32 $0x1, s24  }
0x45: {  	p1 =	sne.s32 s24, s16  }
.Ltmp1:
0x46: {  	_ = 	snop;
	(pc) =	sbr.rel @!p1 .LBB2_26-.Ltmp1, $1  }
0x47: {  	_ =	sdelay $0x3  }
.LBB2_1:
0x48: {  	[smem:$0x7F9] =	sst s24  }
0x49: {  	s16 =	rddreg [dreg:$0x6];
	s24 =	simm.s32 $0x1A1B8  }
0x4a: {  	[tilespmem:s24], [sflag:$0x4] =	stream.linear.gather [hbm4b:s16+s5], $0x3400, $0x38;
	[tilespmem:$0x1D688] =	vst v63  }
0x4b: {  	_ =	swait.ge [sflag:s17], $0x3400  }
0x4c: {  	[sflag:s17] =	ssyncset.done $0x0  }
0x4d: {  	s25 =	rddreg [dreg:$0x7];
	[sflag:s17] =	ssyncadd.s32 $0xFFFFCC00  }
0x4e: {  	[tilespmem:s10], [sflag:$0x4] =	stream.linear.gather [hbm4b:s25+s5], $0xD0, $0x38;
	[tilespmem:$0x1D688] =	vst v63  }
0x4f: {  	_ =	swait.ge [sflag:s17], $0xD0  }
0x50: {  	[sflag:s17] =	ssyncset.done $0x0  }
0x51: {  	s25 =	rddreg [dreg:$0x11];
	[sflag:s17] =	ssyncadd.s32 $0xFFFFFF30  }
0x52: {  	[spmem:s25] =	stream.linear.scatter [tilespmem:s24], [sflag:$0x4], $0x3400, $0x38;
	[tilespmem:$0x1D688] =	vst v63  }
0x53: {  	_ =	swait.ge [sflag:s17], $0x3400  }
0x54: {  	[sflag:s17] =	ssyncset.done $0x0  }
0x55: {  	[sflag:s17] =	ssyncadd.s32 $0xFFFFCC00  }
0x56: {  	[spmem:s28] =	stream.linear.scatter [tilespmem:s24], [sflag:$0x4], $0x3400, $0x38;
	[tilespmem:$0x1D688] =	vst v63  }
0x57: {  	_ =	swait.ge [sflag:s17], $0x3400  }
0x58: {  	[sflag:s17] =	ssyncset.done $0x0  }
0x59: {  	s28 =	rddreg [dreg:$0x13];
	[sflag:s17] =	ssyncadd.s32 $0xFFFFCC00  }
0x5a: {  	[spmem:s28] =	stream.linear.scatter [tilespmem:s10], [sflag:$0x4], $0xD0, $0x38;
	[tilespmem:$0x1D688] =	vst v63  }
0x5b: {  	_ =	swait.ge [sflag:s17], $0xD0  }
0x5c: {  	[sflag:s17] =	ssyncset.done $0x0  }
0x5d: {  	s25 =	rddreg [dreg:$0x14];
	[sflag:s17] =	ssyncadd.s32 $0xFFFFFF30  }
0x5e: {  	[spmem:s25] =	stream.linear.scatter [tilespmem:s24], [sflag:$0x4], $0x3400, $0x38;
	[tilespmem:$0x1D688] =	vst v63  }
0x5f: {  	_ =	swait.ge [sflag:s17], $0x3400  }
0x60: {  	[sflag:s17] =	ssyncset.done $0x0  }
0x61: {  	s28 =	rddreg [dreg:$0x15];
	[sflag:s17] =	ssyncadd.s32 $0xFFFFCC00  }
0x62: {  	[spmem:s28] =	stream.linear.scatter [tilespmem:s24], [sflag:$0x4], $0x3400, $0x38;
	[tilespmem:$0x1D688] =	vst v63  }
0x63: {  	_ =	swait.ge [sflag:s17], $0x3400  }
0x64: {  	[sflag:s17] =	ssyncset.done $0x0  }
0x65: {  	s25 =	rddreg [dreg:$0x16];
	[sflag:s17] =	ssyncadd.s32 $0xFFFFCC00  }
0x66: {  	[spmem:s25] =	stream.linear.scatter [tilespmem:s10], [sflag:$0x4], $0xD0, $0x38;
	[tilespmem:$0x1D688] =	vst v63  }
0x67: {  	_ =	swait.ge [sflag:s17], $0xD0  }
0x68: {  	[sflag:s17] =	ssyncset.done $0x0  }
0x69: {  	s28 =	rddreg [dreg:$0x17];
	[sflag:s17] =	ssyncadd.s32 $0xFFFFFF30  }
0x6a: {  	[spmem:s28] =	stream.linear.scatter [tilespmem:s24], [sflag:$0x4], $0x3400, $0x38;
	[tilespmem:$0x1D688] =	vst v63  }
0x6b: {  	_ =	swait.ge [sflag:s17], $0x3400  }
0x6c: {  	[sflag:s17] =	ssyncset.done $0x0  }
0x6d: {  	[sflag:s17] =	ssyncadd.s32 $0xFFFFCC00  }
0x6e: {  	[spmem:s22] =	stream.linear.scatter [tilespmem:s24], [sflag:$0x4], $0x3400, $0x38;
	[tilespmem:$0x1D688] =	vst v63  }
0x6f: {  	_ =	swait.ge [sflag:s17], $0x3400  }
0x70: {  	[sflag:s17] =	ssyncset.done $0x0  }
0x71: {  	s22 =	rddreg [dreg:$0x19];
	[sflag:s17] =	ssyncadd.s32 $0xFFFFCC00  }
0x72: {  	[spmem:s22] =	stream.linear.scatter [tilespmem:s10], [sflag:$0x4], $0xD0, $0x38;
	[tilespmem:$0x1D688] =	vst v63  }
0x73: {  	_ =	swait.ge [sflag:s17], $0xD0  }
0x74: {  	s16 =	sld [smem:$0x7FA]  }
0x75: {  	[sflag:s17] =	ssyncset.done $0x0  }
0x76: {  	s25 =	simm.s32 @!p0 $0x4;
	s24 =	simm.s32 @!p0 $0x1A1B8;
	[sflag:s17] =	ssyncadd.s32 $0xFFFFFF30  }
0x77: {  	[spmem:s16] =	stream.linear.scatter @!p0 [tilespmem:s24], [sflag:$0x4], $0x400, $0x38;
	[tilespmem:$0x1D688] =	vst v63  }
0x78: {  	_ =	swait.ge @!p0 [sflag:s25], $0x400  }
0x79: {  	s16 =	sld [smem:$0x7FB]  }
0x7a: {  	[sflag:s25] =	ssyncset.done @!p0 $0x0  }
0x7b: {  	[sflag:s25] =	ssyncadd.s32 @!p0 $0xFFFFFC00  }
0x7c: {  	[spmem:s16] =	stream.linear.scatter @!p0 [tilespmem:s24], [sflag:$0x4], $0x400, $0x38;
	[tilespmem:$0x1D688] =	vst v63  }
0x7d: {  	_ =	swait.ge @!p0 [sflag:s25], $0x400  }
0x7e: {  	s16 =	sld [smem:$0x7FC]  }
0x7f: {  	[sflag:s25] =	ssyncset.done @!p0 $0x0  }
0x80: {  	s24 =	simm.s32 @!p0 $0x1D5B8;
	[sflag:s25] =	ssyncadd.s32 @!p0 $0xFFFFFC00  }
0x81: {  	[spmem:s16] =	stream.linear.scatter @!p0 [tilespmem:s24], [sflag:$0x4], $0x10, $0x38;
	[tilespmem:$0x1D688] =	vst v63  }
0x82: {  	_ =	swait.ge @!p0 [sflag:s25], $0x10  }
0x83: {  	[sflag:s25] =	ssyncset.done @!p0 $0x0  }
0x84: {  	s24 =	rddreg [dreg:$0x8];
	[sflag:s25] =	ssyncadd.s32 @!p0 $0xFFFFFFF0  }
0x85: {  	[tilespmem:s12], [sflag:$0x4] =	stream.linear.gather [hbm4b:s24+s5], $0x80, $0x38;
	[tilespmem:$0x1D688] =	vst v63  }
0x86: {  	_ =	swait.ge [sflag:s17], $0x80  }
0x87: {  	[sflag:s17] =	ssyncset.done $0x0  }
0x88: {  	[sflag:s17] =	ssyncadd.s32 $0xFFFFFF80  }
0x89: {  	[bflag:$0x0] =	sbarrier.arrive $0xFFFF  }
0x8a: {  	s25 =	rddreg [dreg:$0x1a]  }
0x8b: {  	[tilespmem:s20], [sflag:$0x2] =	stream.linear.gather [hbm4b:s25+s5], $0x180, $0x38;
	[tilespmem:$0x1D688] =	vst v63  }
0x8c: {  	s28 =	rddreg [dreg:$0x1b]  }
0x8d: {  	[tilespmem:s23], [sflag:$0x2] =	stream.linear.gather [hbm4b:s28+s5], $0x180, $0x38;
	[tilespmem:$0x1D688] =	vst v63  }
0x8e: {  	s22 =	rddreg [dreg:$0x1c]  }
0x8f: {  	[tilespmem:s26], [sflag:$0x2] =	stream.linear.gather [hbm4b:s22+s5], $0x180, $0x38;
	[tilespmem:$0x1D688] =	vst v63  }
0x90: {  	_ =	swait.ge [sflag:s14], $0x180  }
0x91: {  	[sflag:s14] =	ssyncset.done $0x0  }
0x92: {  	[sflag:s14] =	ssyncadd.s32 $0xFFFFFE80  }
0x93: {  	[tilespmem:s8], [sflag:$0x1] =	stream.indirect.gather [hbm4b:s1+s18], $0x40, s30, s18, $0xb8;
	[tilespmem:$0x1D688] =	vst v63  }
0x94: {  	_ =	swait.ge [sflag:s9], $0x2000  }
0x95: {  	[sflag:s9] =	ssyncset.done $0x0  }
0x96: {  	[sflag:s9] =	ssyncadd.s32 $0xFFFFE000  }
0x97: {  	v0 =	vld [tilespmem:$0x13C38]  }
0x98: {  	v1 =	vld [tilespmem:$0x13C48]  }
0x99: {  	v2 =	vld [tilespmem:$0x13C58]  }
0x9a: {  	v3 =	vld [tilespmem:$0x13C68]  }
0x9b: {  	v4 =	vld [tilespmem:$0x13C78]  }
0x9c: {  	v30 =	vld [tilespmem:$0x13C88];
	[tilespmem:$0x19FB8] =	vst v0  }
0x9d: {  	v31 =	vld [tilespmem:$0x13C98];
	[tilespmem:$0x19FC8] =	vst v1  }
0x9e: {  	v32 =	vld [tilespmem:$0x13CA8];
	[tilespmem:$0x19FD8] =	vst v2  }
0x9f: {  	[tilespmem:$0x19FE8] =	vst v3  }
0xa0: {  	[tilespmem:$0x19FF8] =	vst v4  }
0xa1: {  	[tilespmem:$0x1A008] =	vst v30  }
0xa2: {  	[tilespmem:$0x1A018] =	vst v31  }
0xa3: {  	[tilespmem:$0x1A028] =	vst v32  }
0xa4: {  	_ =	swait.ge [sflag:s14], $0x180  }
0xa5: {  	[sflag:s14] =	ssyncset.done $0x0  }
0xa6: {  	[sflag:s14] =	ssyncadd.s32 $0xFFFFFE80  }
0xa7: {  	[tilespmem:s11], [sflag:$0x1] =	stream.indirect.gather [hbm4b:s1+s18], $0x40, s31, s18, $0xb8;
	[tilespmem:$0x1D688] =	vst v63  }
0xa8: {  	_ = 	snop  }
0xa9: {  	[spmem:s2] =	stream.indirect.scatter.add.f32 [tilespmem:s8], [sflag:$0x3], $0x40, s13, s18, $0xb8;
	[tilespmem:$0x1D688] =	vst v63  }
0xaa: {  	_ = 	snop  }
0xab: {  	[spmem:s4] =	stream.indirect.scatter.add.f32 [tilespmem:s12], [sflag:$0x3], $0x1, s13, s18, $0xb8;
	[tilespmem:$0x1D688] =	vst v63  }
0xac: {  	s24 =	rddreg [dreg:$0x1d]  }
0xad: {  	[tilespmem:s20], [sflag:$0x2] =	stream.linear.gather [hbm4b:s24+s5], $0x180, $0x38;
	[tilespmem:$0x1D688] =	vst v63  }
0xae: {  	_ =	swait.ge [sflag:s9], $0x2000  }
0xaf: {  	[sflag:s9] =	ssyncset.done $0x0  }
0xb0: {  	[sflag:s9] =	ssyncadd.s32 $0xFFFFE000  }
0xb1: {  	v33 =	vld [tilespmem:$0x13DB8]  }
0xb2: {  	v34 =	vld [tilespmem:$0x13DC8]  }
0xb3: {  	v35 =	vld [tilespmem:$0x13DD8]  }
0xb4: {  	v36 =	vld [tilespmem:$0x13DE8]  }
0xb5: {  	v37 =	vld [tilespmem:$0x13DF8]  }
0xb6: {  	v38 =	vld [tilespmem:$0x13E08];
	[tilespmem:$0x1A038] =	vst v33  }
0xb7: {  	v39 =	vld [tilespmem:$0x13E18];
	[tilespmem:$0x1A048] =	vst v34  }
0xb8: {  	v40 =	vld [tilespmem:$0x13E28];
	[tilespmem:$0x1A058] =	vst v35  }
0xb9: {  	[tilespmem:$0x1A068] =	vst v36  }
0xba: {  	[tilespmem:$0x1A078] =	vst v37  }
0xbb: {  	[tilespmem:$0x1A088] =	vst v38  }
0xbc: {  	[tilespmem:$0x1A098] =	vst v39  }
0xbd: {  	[tilespmem:$0x1A0A8] =	vst v40  }
0xbe: {  	_ =	swait.ge [sflag:s14], $0x180  }
0xbf: {  	[sflag:s14] =	ssyncset.done $0x0  }
0xc0: {  	[sflag:s14] =	ssyncadd.s32 $0xFFFFFE80  }
0xc1: {  	[tilespmem:s15], [sflag:$0x1] =	stream.indirect.gather [hbm4b:s1+s18], $0x40, s0, s18, $0xb8;
	[tilespmem:$0x1D688] =	vst v63  }
0xc2: {  	_ = 	snop  }
0xc3: {  	[spmem:s2] =	stream.indirect.scatter.add.f32 [tilespmem:s11], [sflag:$0x3], $0x40, s29, s18, $0xb8;
	[tilespmem:$0x1D688] =	vst v63  }
0xc4: {  	s25 =	sld [smem:$0x7FD]  }
0xc5: {  	[spmem:s4] =	stream.indirect.scatter.add.f32 [tilespmem:s12], [sflag:$0x3], $0x1, s29, s18, $0xb8;
	[tilespmem:$0x1D688] =	vst v63  }
0xc6: {  	_ = 	snop  }
0xc7: {  	[tilespmem:s23], [sflag:$0x2] =	stream.linear.gather [hbm4b:s25+s5], $0x180, $0x38;
	[tilespmem:$0x1D688] =	vst v63  }
0xc8: {  	_ =	swait.ge [sflag:s9], $0x2000  }
0xc9: {  	[sflag:s9] =	ssyncset.done $0x0  }
0xca: {  	[sflag:s9] =	ssyncadd.s32 $0xFFFFE000  }
0xcb: {  	v41 =	vld [tilespmem:$0x13F38]  }
0xcc: {  	v42 =	vld [tilespmem:$0x13F48]  }
0xcd: {  	v43 =	vld [tilespmem:$0x13F58]  }
0xce: {  	v44 =	vld [tilespmem:$0x13F68]  }
0xcf: {  	v45 =	vld [tilespmem:$0x13F78]  }
0xd0: {  	v46 =	vld [tilespmem:$0x13F88];
	[tilespmem:$0x1A0B8] =	vst v41  }
0xd1: {  	v47 =	vld [tilespmem:$0x13F98];
	[tilespmem:$0x1A0C8] =	vst v42  }
0xd2: {  	v48 =	vld [tilespmem:$0x13FA8];
	[tilespmem:$0x1A0D8] =	vst v43  }
0xd3: {  	[tilespmem:$0x1A0E8] =	vst v44  }
0xd4: {  	[tilespmem:$0x1A0F8] =	vst v45  }
0xd5: {  	[tilespmem:$0x1A108] =	vst v46  }
0xd6: {  	[tilespmem:$0x1A118] =	vst v47  }
0xd7: {  	[tilespmem:$0x1A128] =	vst v48  }
0xd8: {  	_ =	swait.ge [sflag:s19], $0x2000  }
0xd9: {  	[sflag:s19] =	ssyncset.done $0x0  }
0xda: {  	[sflag:s19] =	ssyncadd.s32 $0xFFFFE000  }
0xdb: {  	_ =	swait.ge [sflag:s19], $0x80  }
0xdc: {  	[sflag:s19] =	ssyncset.done $0x0  }
0xdd: {  	[sflag:s19] =	ssyncadd.s32 $0xFFFFFF80  }
0xde: {  	_ =	swait.ge [sflag:s14], $0x180  }
0xdf: {  	[sflag:s14] =	ssyncset.done $0x0  }
0xe0: {  	[sflag:s14] =	ssyncadd.s32 $0xFFFFFE80  }
0xe1: {  	[tilespmem:s8], [sflag:$0x1] =	stream.indirect.gather [hbm4b:s1+s18], $0x40, s30, s18, $0xb8;
	[tilespmem:$0x1D688] =	vst v63  }
0xe2: {  	_ = 	snop  }
0xe3: {  	[spmem:s2] =	stream.indirect.scatter.add.f32 [tilespmem:s15], [sflag:$0x3], $0x40, s21, s18, $0xb8;
	[tilespmem:$0x1D688] =	vst v63  }
0xe4: {  	_ = 	snop  }
0xe5: {  	[spmem:s4] =	stream.indirect.scatter.add.f32 [tilespmem:s12], [sflag:$0x3], $0x1, s21, s18, $0xb8;
	[tilespmem:$0x1D688] =	vst v63  }
0xe6: {  	s28 =	rddreg [dreg:$0x1e]  }
0xe7: {  	[tilespmem:s26], [sflag:$0x2] =	stream.linear.gather [hbm4b:s28+s5], $0x180, $0x38;
	[tilespmem:$0x1D688] =	vst v63  }
0xe8: {  	_ =	swait.ge [sflag:s9], $0x2000  }
0xe9: {  	[sflag:s9] =	ssyncset.done $0x0  }
0xea: {  	[sflag:s9] =	ssyncadd.s32 $0xFFFFE000  }
0xeb: {  	v49 =	vld [tilespmem:$0x13CA8]  }
0xec: {  	v50 =	vld [tilespmem:$0x13C88]  }
0xed: {  	v51 =	vld [tilespmem:$0x13C98]  }
0xee: {  	v52 =	vld [tilespmem:$0x13C68]  }
0xef: {  	v53 =	vld [tilespmem:$0x13C78]  }
0xf0: {  	v5 =	vld [tilespmem:$0x13C38];
	[tilespmem:$0x1A028] =	vst v49  }
0xf1: {  	v54 =	vld [tilespmem:$0x13C58];
	[tilespmem:$0x1A008] =	vst v50  }
0xf2: {  	v55 =	vld [tilespmem:$0x13C48];
	[tilespmem:$0x1A018] =	vst v51  }
0xf3: {  	[tilespmem:$0x19FE8] =	vst v52  }
0xf4: {  	[tilespmem:$0x19FF8] =	vst v53  }
0xf5: {  	[tilespmem:$0x19FB8] =	vst v5  }
0xf6: {  	[tilespmem:$0x19FD8] =	vst v54  }
0xf7: {  	[tilespmem:$0x19FC8] =	vst v55  }
0xf8: {  	_ =	swait.ge [sflag:s19], $0x2000  }
0xf9: {  	[sflag:s19] =	ssyncset.done $0x0  }
0xfa: {  	[sflag:s19] =	ssyncadd.s32 $0xFFFFE000  }
0xfb: {  	_ =	swait.ge [sflag:s19], $0x80  }
0xfc: {  	[sflag:s19] =	ssyncset.done $0x0  }
0xfd: {  	[sflag:s19] =	ssyncadd.s32 $0xFFFFFF80  }
0xfe: {  	s22 =	sadd.s32 $0xFFFFF640, s6;
	_ =	swait.ge [sflag:s14], $0x180  }
0xff: {  	s25 =	sadd.s32 $0xA20, s22;
	[sflag:s14] =	ssyncset.done $0x0  }
0x100: {  	p1 =	slt.s32 s25, $0x9EF;
	[sflag:s14] =	ssyncadd.s32 $0xFFFFFE80  }
0x101: {  	[tilespmem:s11], [sflag:$0x1] =	stream.indirect.gather [hbm4b:s1+s18], $0x40, s31, s18, $0xb8;
	[tilespmem:$0x1D688] =	vst v63  }
0x102: {  	s25 =	simm.s32 @!p1 $0x9EF  }
0x103: {  	[spmem:s2] =	stream.indirect.scatter.add.f32 [tilespmem:s8], [sflag:$0x3], $0x40, s13, s18, $0xb8;
	[tilespmem:$0x1D688] =	vst v63  }
0x104: {  	s25 =	smul.u32 $0x30, s25  }
0x105: {  	[spmem:s4] =	stream.indirect.scatter.add.f32 [tilespmem:s12], [sflag:$0x3], $0x1, s13, s18, $0xb8;
	[tilespmem:$0x1D688] =	vst v63  }
0x106: {  	s25 =	sadd.s32 s7, s25  }
0x107: {  	[tilespmem:s20], [sflag:$0x2] =	stream.linear.gather [hbm4b:s25+s5], $0x180, $0x38;
	[tilespmem:$0x1D688] =	vst v63  }
0x108: {  	_ =	swait.ge [sflag:s9], $0x2000  }
0x109: {  	[sflag:s9] =	ssyncset.done $0x0  }
0x10a: {  	[sflag:s9] =	ssyncadd.s32 $0xFFFFE000  }
0x10b: {  	v56 =	vld [tilespmem:$0x13E28]  }
0x10c: {  	v57 =	vld [tilespmem:$0x13E08]  }
0x10d: {  	v58 =	vld [tilespmem:$0x13DC8]  }
0x10e: {  	v59 =	vld [tilespmem:$0x13E18]  }
0x10f: {  	v60 =	vld [tilespmem:$0x13DB8]  }
0x110: {  	v61 =	vld [tilespmem:$0x13DD8];
	[tilespmem:$0x1A0A8] =	vst v56  }
0x111: {  	v62 =	vld [tilespmem:$0x13DF8];
	[tilespmem:$0x1A088] =	vst v57  }
0x112: {  	v63 =	vld [tilespmem:$0x13DE8];
	[tilespmem:$0x1A048] =	vst v58  }
0x113: {  	[tilespmem:$0x1A098] =	vst v59  }
0x114: {  	[tilespmem:$0x1A038] =	vst v60  }
0x115: {  	[tilespmem:$0x1A058] =	vst v61  }
0x116: {  	[tilespmem:$0x1A078] =	vst v62  }
0x117: {  	[tilespmem:$0x1A068] =	vst v63  }
0x118: {  	_ =	swait.ge [sflag:s19], $0x2000  }
0x119: {  	[sflag:s19] =	ssyncset.done $0x0  }
0x11a: {  	[sflag:s19] =	ssyncadd.s32 $0xFFFFE000  }
0x11b: {  	_ =	swait.ge [sflag:s19], $0x80  }
0x11c: {  	[sflag:s19] =	ssyncset.done $0x0  }
0x11d: {  	[sflag:s19] =	ssyncadd.s32 $0xFFFFFF80  }
0x11e: {  	_ =	swait.ge [sflag:s14], $0x180  }
0x11f: {  	s25 =	sadd.s32 $0xA30, s22;
	[sflag:s14] =	ssyncset.done $0x0  }
0x120: {  	p1 =	slt.s32 s25, $0x9EF;
	[sflag:s14] =	ssyncadd.s32 $0xFFFFFE80  }
0x121: {  	[tilespmem:s15], [sflag:$0x1] =	stream.indirect.gather [hbm4b:s1+s18], $0x40, s0, s18, $0xb8;
	[tilespmem:$0x1D688] =	vst v63  }
0x122: {  	s25 =	simm.s32 @!p1 $0x9EF  }
0x123: {  	[spmem:s2] =	stream.indirect.scatter.add.f32 [tilespmem:s11], [sflag:$0x3], $0x40, s29, s18, $0xb8;
	[tilespmem:$0x1D688] =	vst v63  }
0x124: {  	s25 =	smul.u32 $0x30, s25  }
0x125: {  	[spmem:s4] =	stream.indirect.scatter.add.f32 [tilespmem:s12], [sflag:$0x3], $0x1, s29, s18, $0xb8;
	[tilespmem:$0x1D688] =	vst v63  }
0x126: {  	s28 =	sadd.s32 $0xA40, s22;
	s25 =	sadd.s32 s7, s25  }
0x127: {  	[tilespmem:s23], [sflag:$0x2] =	stream.linear.gather [hbm4b:s25+s5], $0x180, $0x38;
	[tilespmem:$0x1D688] =	vst v63  }
0x128: {  	p1 =	slt.s32 s28, $0x9EF;
	_ =	swait.ge [sflag:s9], $0x2000  }
0x129: {  	s28 =	simm.s32 @!p1 $0x9EF;
	[sflag:s9] =	ssyncset.done $0x0  }
0x12a: {  	s24 =	simm.s32 $0xFFFFF670;
	s25 =	smul.u32 $0x30, s28;
	[sflag:s9] =	ssyncadd.s32 $0xFFFFE000  }
.LBB2_2:
0x12b: {  	p1 =	sne.s32 s24, $0xFFFFFFD0;
	v0 =	vld [tilespmem:$0x13FA8];
	s28 =	smov.u32 s24;
	s24 =	sadd.s32 $0x30, s24  }
0x12c: {  	v1 =	vld [tilespmem:$0x13F98]  }
0x12d: {  	v2 =	vld [tilespmem:$0x13F88]  }
0x12e: {  	v3 =	vld [tilespmem:$0x13F78]  }
0x12f: {  	v4 =	vld [tilespmem:$0x13F68]  }
0x130: {  	v5 =	vld [tilespmem:$0x13F58];
	[tilespmem:$0x1A128] =	vst v0  }
0x131: {  	v0 =	vld [tilespmem:$0x13F48];
	[tilespmem:$0x1A118] =	vst v1  }
0x132: {  	v1 =	vld [tilespmem:$0x13F38];
	[tilespmem:$0x1A108] =	vst v2  }
0x133: {  	[tilespmem:$0x1A0F8] =	vst v3  }
0x134: {  	[tilespmem:$0x1A0E8] =	vst v4  }
0x135: {  	[tilespmem:$0x1A0D8] =	vst v5  }
0x136: {  	[tilespmem:$0x1A0C8] =	vst v0  }
0x137: {  	[tilespmem:$0x1A0B8] =	vst v1  }
0x138: {  	_ =	swait.ge [sflag:s19], $0x2000  }
0x139: {  	[sflag:s19] =	ssyncset.done $0x0  }
0x13a: {  	[sflag:s19] =	ssyncadd.s32 $0xFFFFE000  }
0x13b: {  	_ =	swait.ge [sflag:s19], $0x80  }
0x13c: {  	[sflag:s19] =	ssyncset.done $0x0  }
0x13d: {  	[sflag:s19] =	ssyncadd.s32 $0xFFFFFF80  }
0x13e: {  	_ =	swait.ge [sflag:s14], $0x180  }
0x13f: {  	[sflag:s14] =	ssyncset.done $0x0  }
0x140: {  	[sflag:s14] =	ssyncadd.s32 $0xFFFFFE80  }
0x141: {  	[tilespmem:s8], [sflag:$0x1] =	stream.indirect.gather [hbm4b:s1+s18], $0x40, s30, s18, $0xb8;
	[tilespmem:$0x1D688] =	vst v63  }
0x142: {  	_ = 	snop  }
0x143: {  	[spmem:s2] =	stream.indirect.scatter.add.f32 [tilespmem:s15], [sflag:$0x3], $0x40, s21, s18, $0xb8;
	[tilespmem:$0x1D688] =	vst v63  }
0x144: {  	_ = 	snop  }
0x145: {  	[spmem:s4] =	stream.indirect.scatter.add.f32 [tilespmem:s12], [sflag:$0x3], $0x1, s21, s18, $0xb8;
	[tilespmem:$0x1D688] =	vst v63  }
0x146: {  	s25 =	sadd.s32 s7, s25  }
0x147: {  	[tilespmem:s26], [sflag:$0x2] =	stream.linear.gather [hbm4b:s25+s5], $0x180, $0x38;
	[tilespmem:$0x1D688] =	vst v63  }
0x148: {  	_ =	swait.ge [sflag:s9], $0x2000  }
0x149: {  	[sflag:s9] =	ssyncset.done $0x0  }
0x14a: {  	[sflag:s9] =	ssyncadd.s32 $0xFFFFE000  }
0x14b: {  	v0 =	vld [tilespmem:$0x13CA8]  }
0x14c: {  	v1 =	vld [tilespmem:$0x13C88]  }
0x14d: {  	v2 =	vld [tilespmem:$0x13C98]  }
0x14e: {  	v3 =	vld [tilespmem:$0x13C68]  }
0x14f: {  	v4 =	vld [tilespmem:$0x13C78]  }
0x150: {  	v5 =	vld [tilespmem:$0x13C38];
	[tilespmem:$0x1A028] =	vst v0  }
0x151: {  	v0 =	vld [tilespmem:$0x13C58];
	[tilespmem:$0x1A008] =	vst v1  }
0x152: {  	v1 =	vld [tilespmem:$0x13C48];
	[tilespmem:$0x1A018] =	vst v2  }
0x153: {  	[tilespmem:$0x19FE8] =	vst v3  }
0x154: {  	[tilespmem:$0x19FF8] =	vst v4  }
0x155: {  	[tilespmem:$0x19FB8] =	vst v5  }
0x156: {  	[tilespmem:$0x19FD8] =	vst v0  }
0x157: {  	[tilespmem:$0x19FC8] =	vst v1  }
0x158: {  	_ =	swait.ge [sflag:s19], $0x2000  }
0x159: {  	[sflag:s19] =	ssyncset.done $0x0  }
0x15a: {  	s25 =	sadd.s32 s28, s6;
	[sflag:s19] =	ssyncadd.s32 $0xFFFFE000  }
0x15b: {  	s28 =	sadd.s32 $0xA30, s25;
	s22 =	sadd.s32 $0xA40, s25;
	_ =	swait.ge [sflag:s19], $0x80  }
0x15c: {  	s16 =	sadd.s32 $0xA20, s25;
	p2 =	slt.s32 s28, $0x9EF;
	[sflag:s19] =	ssyncset.done $0x0  }
0x15d: {  	p3 =	slt.s32 s16, $0x9EF;
	s28 =	simm.s32 @!p2 $0x9EF;
	[sflag:s19] =	ssyncadd.s32 $0xFFFFFF80  }
0x15e: {  	p2 =	slt.s32 s22, $0x9EF;
	s28 =	smul.u32 $0x30, s28;
	_ =	swait.ge [sflag:s14], $0x180  }
0x15f: {  	s16 =	simm.s32 @!p3 $0x9EF;
	s22 =	simm.s32 @!p2 $0x9EF;
	[sflag:s14] =	ssyncset.done $0x0  }
0x160: {  	s25 =	smul.u32 $0x30, s22;
	[sflag:s14] =	ssyncadd.s32 $0xFFFFFE80  }
0x161: {  	s16 =	smul.u32 $0x30, s16  }
0x162: {  	[tilespmem:s11], [sflag:$0x1] =	stream.indirect.gather [hbm4b:s1+s18], $0x40, s31, s18, $0xb8;
	[tilespmem:$0x1D688] =	vst v63  }
0x163: {  	s16 =	sadd.s32 s7, s16  }
0x164: {  	[spmem:s2] =	stream.indirect.scatter.add.f32 [tilespmem:s8], [sflag:$0x3], $0x40, s13, s18, $0xb8;
	[tilespmem:$0x1D688] =	vst v63  }
0x165: {  	_ = 	snop  }
0x166: {  	[spmem:s4] =	stream.indirect.scatter.add.f32 [tilespmem:s12], [sflag:$0x3], $0x1, s13, s18, $0xb8;
	[tilespmem:$0x1D688] =	vst v63  }
0x167: {  	_ = 	snop  }
0x168: {  	[tilespmem:s20], [sflag:$0x2] =	stream.linear.gather [hbm4b:s16+s5], $0x180, $0x38;
	[tilespmem:$0x1D688] =	vst v63  }
0x169: {  	_ =	swait.ge [sflag:s9], $0x2000  }
0x16a: {  	[sflag:s9] =	ssyncset.done $0x0  }
0x16b: {  	[sflag:s9] =	ssyncadd.s32 $0xFFFFE000  }
0x16c: {  	v0 =	vld [tilespmem:$0x13E28]  }
0x16d: {  	v1 =	vld [tilespmem:$0x13E08]  }
0x16e: {  	v2 =	vld [tilespmem:$0x13DC8]  }
0x16f: {  	v3 =	vld [tilespmem:$0x13E18]  }
0x170: {  	v4 =	vld [tilespmem:$0x13DB8]  }
0x171: {  	v5 =	vld [tilespmem:$0x13DD8];
	[tilespmem:$0x1A0A8] =	vst v0  }
0x172: {  	v0 =	vld [tilespmem:$0x13DF8];
	[tilespmem:$0x1A088] =	vst v1  }
0x173: {  	[tilespmem:$0x1A048] =	vst v2;
	v1 =	vld [tilespmem:$0x13DE8]  }
0x174: {  	[tilespmem:$0x1A098] =	vst v3  }
0x175: {  	[tilespmem:$0x1A038] =	vst v4  }
0x176: {  	[tilespmem:$0x1A058] =	vst v5  }
0x177: {  	[tilespmem:$0x1A078] =	vst v0  }
0x178: {  	[tilespmem:$0x1A068] =	vst v1  }
0x179: {  	_ =	swait.ge [sflag:s19], $0x2000  }
0x17a: {  	[sflag:s19] =	ssyncset.done $0x0  }
0x17b: {  	[sflag:s19] =	ssyncadd.s32 $0xFFFFE000  }
0x17c: {  	_ =	swait.ge [sflag:s19], $0x80  }
0x17d: {  	[sflag:s19] =	ssyncset.done $0x0  }
0x17e: {  	[sflag:s19] =	ssyncadd.s32 $0xFFFFFF80  }
0x17f: {  	_ =	swait.ge [sflag:s14], $0x180  }
0x180: {  	[sflag:s14] =	ssyncset.done $0x0  }
0x181: {  	[sflag:s14] =	ssyncadd.s32 $0xFFFFFE80  }
0x182: {  	[tilespmem:s15], [sflag:$0x1] =	stream.indirect.gather [hbm4b:s1+s18], $0x40, s0, s18, $0xb8;
	[tilespmem:$0x1D688] =	vst v63  }
0x183: {  	_ = 	snop  }
0x184: {  	[spmem:s2] =	stream.indirect.scatter.add.f32 [tilespmem:s11], [sflag:$0x3], $0x40, s29, s18, $0xb8;
	[tilespmem:$0x1D688] =	vst v63  }
0x185: {  	_ = 	snop  }
0x186: {  	[spmem:s4] =	stream.indirect.scatter.add.f32 [tilespmem:s12], [sflag:$0x3], $0x1, s29, s18, $0xb8;
	[tilespmem:$0x1D688] =	vst v63  }
.Ltmp2:
0x187: {  	s16 =	sadd.s32 s7, s28;
	(pc) =	sbr.rel @p1 .LBB2_2-.Ltmp2, $4  }
0x188: {  	[tilespmem:s23], [sflag:$0x2] =	stream.linear.gather [hbm4b:s16+s5], $0x180, $0x38;
	[tilespmem:$0x1D688] =	vst v63  }
0x189: {  	_ =	swait.ge [sflag:s9], $0x2000  }
0x18a: {  	[sflag:s9] =	ssyncset.done $0x0  }
0x18b: {  	[sflag:s9] =	ssyncadd.s32 $0xFFFFE000  }
0x18c: {  	v0 =	vld [tilespmem:$0x13FA8]  }
0x18d: {  	v1 =	vld [tilespmem:$0x13F98]  }
0x18e: {  	v2 =	vld [tilespmem:$0x13F88]  }
0x18f: {  	v3 =	vld [tilespmem:$0x13F78]  }
0x190: {  	v4 =	vld [tilespmem:$0x13F68]  }
0x191: {  	v5 =	vld [tilespmem:$0x13F58];
	[tilespmem:$0x1A128] =	vst v0  }
0x192: {  	v0 =	vld [tilespmem:$0x13F48];
	[tilespmem:$0x1A118] =	vst v1  }
0x193: {  	v1 =	vld [tilespmem:$0x13F38];
	[tilespmem:$0x1A108] =	vst v2  }
0x194: {  	[tilespmem:$0x1A0F8] =	vst v3  }
0x195: {  	[tilespmem:$0x1A0E8] =	vst v4  }
0x196: {  	[tilespmem:$0x1A0D8] =	vst v5  }
0x197: {  	[tilespmem:$0x1A0C8] =	vst v0  }
0x198: {  	[tilespmem:$0x1A0B8] =	vst v1  }
0x199: {  	_ =	swait.ge [sflag:s19], $0x2000  }
0x19a: {  	[sflag:s19] =	ssyncset.done $0x0  }
0x19b: {  	[sflag:s19] =	ssyncadd.s32 $0xFFFFE000  }
0x19c: {  	_ =	swait.ge [sflag:s19], $0x80  }
0x19d: {  	[sflag:s19] =	ssyncset.done $0x0  }
0x19e: {  	[sflag:s19] =	ssyncadd.s32 $0xFFFFFF80  }
0x19f: {  	_ =	swait.ge [sflag:s14], $0x180  }
0x1a0: {  	[sflag:s14] =	ssyncset.done $0x0  }
0x1a1: {  	[sflag:s14] =	ssyncadd.s32 $0xFFFFFE80  }
0x1a2: {  	[tilespmem:s8], [sflag:$0x1] =	stream.indirect.gather [hbm4b:s1+s18], $0x40, s30, s18, $0xb8;
	[tilespmem:$0x1D688] =	vst v63  }
0x1a3: {  	_ = 	snop  }
0x1a4: {  	[spmem:s2] =	stream.indirect.scatter.add.f32 [tilespmem:s15], [sflag:$0x3], $0x40, s21, s18, $0xb8;
	[tilespmem:$0x1D688] =	vst v63  }
0x1a5: {  	_ = 	snop  }
0x1a6: {  	[spmem:s4] =	stream.indirect.scatter.add.f32 [tilespmem:s12], [sflag:$0x3], $0x1, s21, s18, $0xb8;
	[tilespmem:$0x1D688] =	vst v63  }
0x1a7: {  	s16 =	sadd.s32 s7, s25  }
0x1a8: {  	[tilespmem:s26], [sflag:$0x2] =	stream.linear.gather [hbm4b:s16+s5], $0x180, $0x38;
	[tilespmem:$0x1D688] =	vst v63  }
0x1a9: {  	_ =	swait.ge [sflag:s9], $0x2000  }
0x1aa: {  	[sflag:s9] =	ssyncset.done $0x0  }
0x1ab: {  	[sflag:s9] =	ssyncadd.s32 $0xFFFFE000  }
0x1ac: {  	_ =	swait.ge [sflag:s19], $0x2000  }
0x1ad: {  	[sflag:s19] =	ssyncset.done $0x0  }
0x1ae: {  	[sflag:s19] =	ssyncadd.s32 $0xFFFFE000  }
0x1af: {  	_ =	swait.ge [sflag:s19], $0x80  }
0x1b0: {  	[sflag:s19] =	ssyncset.done $0x0  }
0x1b1: {  	[sflag:s19] =	ssyncadd.s32 $0xFFFFFF80  }
0x1b2: {  	_ =	swait.ge [sflag:s19], $0x2000  }
0x1b3: {  	[sflag:s19] =	ssyncset.done $0x0  }
0x1b4: {  	[sflag:s19] =	ssyncadd.s32 $0xFFFFE000  }
0x1b5: {  	_ =	swait.ge [sflag:s19], $0x80  }
0x1b6: {  	[sflag:s19] =	ssyncset.done $0x0  }
0x1b7: {  	[sflag:s19] =	ssyncadd.s32 $0xFFFFFF80  }
0x1b8: {  	_ =	swait.ge [sflag:s14], $0x180  }
0x1b9: {  	[sflag:s14] =	ssyncset.done $0x0  }
0x1ba: {  	[sflag:s14] =	ssyncadd.s32 $0xFFFFFE80  }
0x1bb: {  	_ =	swait.ge [sflag:s14], $0x180  }
0x1bc: {  	[sflag:s14] =	ssyncset.done $0x0  }
0x1bd: {  	[sflag:s14] =	ssyncadd.s32 $0xFFFFFE80  }
0x1be: {  	[bflag:$0x0] =	sbarrier.arrive $0xFFFF  }
0x1bf: {  	s22 =	simm.s32 $0x1A1B8;
	s28 =	rddreg [dreg:$0x11]  }
0x1c0: {  	[tilespmem:s22], [sflag:$0x4] =	stream.linear.gather [spmem:s28], $0x3400, $0x38;
	[tilespmem:$0x1D688] =	vst v63  }
0x1c1: {  	_ =	swait.ge [sflag:s17], $0x3400  }
0x1c2: {  	s24 =	simm.s32 $0x0;
	[sflag:s17] =	ssyncset.done $0x0  }
0x1c3: {  	v0 =	vmov s24;
	s25 =	rddreg [dreg:$0x13];
	[sflag:s17] =	ssyncadd.s32 $0xFFFFCC00  }
0x1c4: {  	[tilespmem:s10], [sflag:$0x4] =	stream.linear.gather [spmem:s25], $0xD0, $0x38;
	[tilespmem:$0x1D688] =	vst v63  }
0x1c5: {  	_ =	swait.ge [sflag:s17], $0xD0  }
0x1c6: {  	[sflag:s17] =	ssyncset.done $0x0  }
0x1c7: {  	[sflag:s17] =	ssyncadd.s32 $0xFFFFFF30  }
0x1c8: {  	v0 =	vld.idx.msk [tilespmem:v0+s10+$0x0], $0xffff;
	_ =	sdelay $0x4  }
0x1c9: {  	v0 =	vmax.f32 v0, $1.000000000e+00  }
0x1ca: {  	(erf) = vrcp.f32 v0;
	_ =	sdelay $0x1  }
0x1cb: {  	s24 =	simm.s32 $0x1A1D8  }
0x1cc: {  	v3 =	vld [tilespmem:s24+$0x10]  }
0x1cd: {  	v1 =	vld [tilespmem:s24+$0xFFFFFFE0]  }
0x1ce: {  	v0 =	vld [tilespmem:s24+$0xFFFFFFF0]  }
0x1cf: {  	v4 =	vld [tilespmem:s24+$0x0];
	_ =	sdelay $0x2  }
0x1d0: {  	v5 =	vpop (erf)  }
0x1d1: {  	s28 =	simm.s32 $0x1;
	v2 =	vmul.f32 v5, v1;
	v1 =	vmul.f32 v0, v5  }
0x1d2: {  	s25 =	simm.s32 $0x2;
	v0 =	vmov s28;
	v4 =	vmul.f32 v4, v5;
	v3 =	vmul.f32 v3, v5  }
.LBB2_4:
0x1d3: {  	p1 =	sne.s32 s25, $0xCF;
	[tilespmem:s24+$0xFFFFFFE0] =	vst v2  }
0x1d4: {  	[tilespmem:s24+$0xFFFFFFF0] =	vst v1  }
0x1d5: {  	[tilespmem:s24+$0x0] =	vst v4  }
0x1d6: {  	[tilespmem:s24+$0x10] =	vst v3  }
0x1d7: {  	v0 =	vld.idx.msk [tilespmem:v0+s10+$0x0], $0xffff;
	_ =	sdelay $0x5  }
0x1d8: {  	v0 =	vmax.f32 v0, $1.000000000e+00  }
0x1d9: {  	(erf) = vrcp.f32 v0;
	_ =	sdelay $0x1  }
0x1da: {  	s24 =	sadd.s32 $0x40, s24  }
0x1db: {  	v0 =	vld [tilespmem:s24+$0xFFFFFFF0]  }
0x1dc: {  	v3 =	vld [tilespmem:s24+$0x10]  }
0x1dd: {  	v1 =	vld [tilespmem:s24+$0xFFFFFFE0]  }
0x1de: {  	v4 =	vld [tilespmem:s24+$0x0]  }
.Ltmp3:
0x1df: {  	(pc) =	sbr.rel @p1 .LBB2_4-.Ltmp3, $4  }
0x1e0: {  	_ = 	snop  }
0x1e1: {  	v5 =	vpop (erf)  }
0x1e2: {  	v2 =	vmul.f32 v5, v1;
	v1 =	vmul.f32 v0, v5  }
0x1e3: {  	v0 =	vmov s25;
	s25 =	sadd.s32 $0x1, s25;
	v3 =	vmul.f32 v3, v5;
	v4 =	vmul.f32 v4, v5  }
0x1e4: {  	[tilespmem:s24+$0xFFFFFFE0] =	vst v2  }
0x1e5: {  	[tilespmem:s24+$0xFFFFFFF0] =	vst v1  }
0x1e6: {  	[tilespmem:s24+$0x0] =	vst v4  }
0x1e7: {  	[tilespmem:s24+$0x10] =	vst v3  }
0x1e8: {  	v0 =	vld.idx.msk [tilespmem:v0+s10+$0x0], $0xffff;
	_ =	sdelay $0x4  }
0x1e9: {  	v0 =	vmax.f32 v0, $1.000000000e+00  }
0x1ea: {  	(erf) = vrcp.f32 v0;
	_ =	sdelay $0x3  }
0x1eb: {  	s16 =	sadd.s32 $0x40, s24  }
0x1ec: {  	v0 =	vld [tilespmem:s16+$0xFFFFFFE0]  }
0x1ed: {  	v1 =	vld [tilespmem:s16+$0xFFFFFFF0]  }
0x1ee: {  	v2 =	vld [tilespmem:s16+$0x0]  }
0x1ef: {  	v3 =	vld [tilespmem:s16+$0x10]  }
0x1f0: {  	v4 =	vpop (erf)  }
0x1f1: {  	v0 =	vmul.f32 v4, v0  }
0x1f2: {  	v1 =	vmul.f32 v1, v4  }
0x1f3: {  	v2 =	vmul.f32 v2, v4;
	[tilespmem:s16+$0xFFFFFFE0] =	vst v0  }
0x1f4: {  	v0 =	vmul.f32 v3, v4;
	[tilespmem:s16+$0xFFFFFFF0] =	vst v1  }
0x1f5: {  	[tilespmem:s16+$0x0] =	vst v2  }
0x1f6: {  	s22 =	rddreg [dreg:$0x11];
	s24 =	simm.s32 $0x1A1B8;
	[tilespmem:s16+$0x10] =	vst v0  }
0x1f7: {  	[spmem:s22] =	stream.linear.scatter [tilespmem:s24], [sflag:$0x4], $0x3400, $0x38;
	[tilespmem:$0x1D688] =	vst v63  }
0x1f8: {  	_ =	swait.ge [sflag:s17], $0x3400  }
0x1f9: {  	[sflag:s17] =	ssyncset.done $0x0  }
0x1fa: {  	s25 =	simm.s32 $0x0;
	s22 =	rddreg [dreg:$0x9];
	[sflag:s17] =	ssyncadd.s32 $0xFFFFCC00  }
0x1fb: {  	[hbm4b:s22+s25] =	stream.linear.scatter [tilespmem:s24], [sflag:$0x4], $0x3400, $0x38;
	[tilespmem:$0x1D688] =	vst v63  }
0x1fc: {  	_ =	swait.ge [sflag:s17], $0x3400  }
0x1fd: {  	[sflag:s17] =	ssyncset.done $0x0  }
0x1fe: {  	s28 =	rddreg [dreg:$0x14];
	[sflag:s17] =	ssyncadd.s32 $0xFFFFCC00  }
0x1ff: {  	[tilespmem:s24], [sflag:$0x4] =	stream.linear.gather [spmem:s28], $0x3400, $0x38;
	[tilespmem:$0x1D688] =	vst v63  }
0x200: {  	_ =	swait.ge [sflag:s17], $0x3400  }
0x201: {  	[sflag:s17] =	ssyncset.done $0x0  }
0x202: {  	v0 =	vmov s25;
	s25 =	rddreg [dreg:$0x16];
	[sflag:s17] =	ssyncadd.s32 $0xFFFFCC00  }
0x203: {  	[tilespmem:s10], [sflag:$0x4] =	stream.linear.gather [spmem:s25], $0xD0, $0x38;
	[tilespmem:$0x1D688] =	vst v63  }
0x204: {  	_ =	swait.ge [sflag:s17], $0xD0  }
0x205: {  	[sflag:s17] =	ssyncset.done $0x0  }
0x206: {  	[sflag:s17] =	ssyncadd.s32 $0xFFFFFF30  }
0x207: {  	v0 =	vld.idx.msk [tilespmem:v0+s10+$0x0], $0xffff;
	_ =	sdelay $0x4  }
0x208: {  	v0 =	vmax.f32 v0, $1.000000000e+00  }
0x209: {  	(erf) = vrcp.f32 v0;
	_ =	sdelay $0x1  }
0x20a: {  	s24 =	simm.s32 $0x1A1D8  }
0x20b: {  	v3 =	vld [tilespmem:s24+$0x10]  }
0x20c: {  	v1 =	vld [tilespmem:s24+$0xFFFFFFE0]  }
0x20d: {  	v0 =	vld [tilespmem:s24+$0xFFFFFFF0]  }
0x20e: {  	v4 =	vld [tilespmem:s24+$0x0];
	_ =	sdelay $0x2  }
0x20f: {  	v5 =	vpop (erf)  }
0x210: {  	s28 =	simm.s32 $0x1;
	v2 =	vmul.f32 v5, v1;
	v1 =	vmul.f32 v0, v5  }
0x211: {  	s25 =	simm.s32 $0x2;
	v0 =	vmov s28;
	v4 =	vmul.f32 v4, v5;
	v3 =	vmul.f32 v3, v5  }
.LBB2_6:
0x212: {  	p1 =	sne.s32 s25, $0xCF;
	[tilespmem:s24+$0xFFFFFFE0] =	vst v2  }
0x213: {  	[tilespmem:s24+$0xFFFFFFF0] =	vst v1  }
0x214: {  	[tilespmem:s24+$0x0] =	vst v4  }
0x215: {  	[tilespmem:s24+$0x10] =	vst v3  }
0x216: {  	v0 =	vld.idx.msk [tilespmem:v0+s10+$0x0], $0xffff;
	_ =	sdelay $0x5  }
0x217: {  	v0 =	vmax.f32 v0, $1.000000000e+00  }
0x218: {  	(erf) = vrcp.f32 v0;
	_ =	sdelay $0x1  }
0x219: {  	s24 =	sadd.s32 $0x40, s24  }
0x21a: {  	v0 =	vld [tilespmem:s24+$0xFFFFFFF0]  }
0x21b: {  	v3 =	vld [tilespmem:s24+$0x10]  }
0x21c: {  	v1 =	vld [tilespmem:s24+$0xFFFFFFE0]  }
0x21d: {  	v4 =	vld [tilespmem:s24+$0x0]  }
.Ltmp4:
0x21e: {  	(pc) =	sbr.rel @p1 .LBB2_6-.Ltmp4, $4  }
0x21f: {  	_ = 	snop  }
0x220: {  	v5 =	vpop (erf)  }
0x221: {  	v2 =	vmul.f32 v5, v1;
	v1 =	vmul.f32 v0, v5  }
0x222: {  	v0 =	vmov s25;
	s25 =	sadd.s32 $0x1, s25;
	v3 =	vmul.f32 v3, v5;
	v4 =	vmul.f32 v4, v5  }
0x223: {  	[tilespmem:s24+$0xFFFFFFE0] =	vst v2  }
0x224: {  	[tilespmem:s24+$0xFFFFFFF0] =	vst v1  }
0x225: {  	[tilespmem:s24+$0x0] =	vst v4  }
0x226: {  	[tilespmem:s24+$0x10] =	vst v3  }
0x227: {  	v0 =	vld.idx.msk [tilespmem:v0+s10+$0x0], $0xffff;
	_ =	sdelay $0x4  }
0x228: {  	v0 =	vmax.f32 v0, $1.000000000e+00  }
0x229: {  	(erf) = vrcp.f32 v0;
	_ =	sdelay $0x3  }
0x22a: {  	s16 =	sadd.s32 $0x40, s24  }
0x22b: {  	v0 =	vld [tilespmem:s16+$0xFFFFFFE0]  }
0x22c: {  	v1 =	vld [tilespmem:s16+$0xFFFFFFF0]  }
0x22d: {  	v2 =	vld [tilespmem:s16+$0x0]  }
0x22e: {  	v3 =	vld [tilespmem:s16+$0x10]  }
0x22f: {  	v4 =	vpop (erf)  }
0x230: {  	v0 =	vmul.f32 v4, v0  }
0x231: {  	v1 =	vmul.f32 v1, v4  }
0x232: {  	v2 =	vmul.f32 v2, v4;
	[tilespmem:s16+$0xFFFFFFE0] =	vst v0  }
0x233: {  	v0 =	vmul.f32 v3, v4;
	[tilespmem:s16+$0xFFFFFFF0] =	vst v1  }
0x234: {  	[tilespmem:s16+$0x0] =	vst v2  }
0x235: {  	s22 =	rddreg [dreg:$0x14];
	s24 =	simm.s32 $0x1A1B8;
	[tilespmem:s16+$0x10] =	vst v0  }
0x236: {  	[spmem:s22] =	stream.linear.scatter [tilespmem:s24], [sflag:$0x4], $0x3400, $0x38;
	[tilespmem:$0x1D688] =	vst v63  }
0x237: {  	_ =	swait.ge [sflag:s17], $0x3400  }
0x238: {  	[sflag:s17] =	ssyncset.done $0x0  }
0x239: {  	s25 =	simm.s32 $0x0;
	s22 =	rddreg [dreg:$0xa];
	[sflag:s17] =	ssyncadd.s32 $0xFFFFCC00  }
0x23a: {  	[hbm4b:s22+s25] =	stream.linear.scatter [tilespmem:s24], [sflag:$0x4], $0x3400, $0x38;
	[tilespmem:$0x1D688] =	vst v63  }
0x23b: {  	_ =	swait.ge [sflag:s17], $0x3400  }
0x23c: {  	[sflag:s17] =	ssyncset.done $0x0  }
0x23d: {  	s28 =	rddreg [dreg:$0x17];
	[sflag:s17] =	ssyncadd.s32 $0xFFFFCC00  }
0x23e: {  	[tilespmem:s24], [sflag:$0x4] =	stream.linear.gather [spmem:s28], $0x3400, $0x38;
	[tilespmem:$0x1D688] =	vst v63  }
0x23f: {  	_ =	swait.ge [sflag:s17], $0x3400  }
0x240: {  	[sflag:s17] =	ssyncset.done $0x0  }
0x241: {  	v0 =	vmov s25;
	s25 =	rddreg [dreg:$0x19];
	[sflag:s17] =	ssyncadd.s32 $0xFFFFCC00  }
0x242: {  	[tilespmem:s10], [sflag:$0x4] =	stream.linear.gather [spmem:s25], $0xD0, $0x38;
	[tilespmem:$0x1D688] =	vst v63  }
0x243: {  	_ =	swait.ge [sflag:s17], $0xD0  }
0x244: {  	[sflag:s17] =	ssyncset.done $0x0  }
0x245: {  	[sflag:s17] =	ssyncadd.s32 $0xFFFFFF30  }
0x246: {  	v0 =	vld.idx.msk [tilespmem:v0+s10+$0x0], $0xffff;
	_ =	sdelay $0x4  }
0x247: {  	v0 =	vmax.f32 v0, $1.000000000e+00  }
0x248: {  	(erf) = vrcp.f32 v0;
	_ =	sdelay $0x1  }
0x249: {  	s24 =	simm.s32 $0x1A1D8  }
0x24a: {  	v3 =	vld [tilespmem:s24+$0x10]  }
0x24b: {  	v1 =	vld [tilespmem:s24+$0xFFFFFFE0]  }
0x24c: {  	v0 =	vld [tilespmem:s24+$0xFFFFFFF0]  }
0x24d: {  	v4 =	vld [tilespmem:s24+$0x0];
	_ =	sdelay $0x2  }
0x24e: {  	v5 =	vpop (erf)  }
0x24f: {  	s28 =	simm.s32 $0x1;
	v2 =	vmul.f32 v5, v1;
	v1 =	vmul.f32 v0, v5  }
0x250: {  	s25 =	simm.s32 $0x2;
	v0 =	vmov s28;
	v4 =	vmul.f32 v4, v5;
	v3 =	vmul.f32 v3, v5  }
.LBB2_8:
0x251: {  	p1 =	sne.s32 s25, $0xCF;
	[tilespmem:s24+$0xFFFFFFE0] =	vst v2  }
0x252: {  	[tilespmem:s24+$0xFFFFFFF0] =	vst v1  }
0x253: {  	[tilespmem:s24+$0x0] =	vst v4  }
0x254: {  	[tilespmem:s24+$0x10] =	vst v3  }
0x255: {  	v0 =	vld.idx.msk [tilespmem:v0+s10+$0x0], $0xffff;
	_ =	sdelay $0x5  }
0x256: {  	v0 =	vmax.f32 v0, $1.000000000e+00  }
0x257: {  	(erf) = vrcp.f32 v0;
	_ =	sdelay $0x1  }
0x258: {  	s24 =	sadd.s32 $0x40, s24  }
0x259: {  	v0 =	vld [tilespmem:s24+$0xFFFFFFF0]  }
0x25a: {  	v3 =	vld [tilespmem:s24+$0x10]  }
0x25b: {  	v1 =	vld [tilespmem:s24+$0xFFFFFFE0]  }
0x25c: {  	v4 =	vld [tilespmem:s24+$0x0]  }
.Ltmp5:
0x25d: {  	(pc) =	sbr.rel @p1 .LBB2_8-.Ltmp5, $4  }
0x25e: {  	_ = 	snop  }
0x25f: {  	v5 =	vpop (erf)  }
0x260: {  	v2 =	vmul.f32 v5, v1;
	v1 =	vmul.f32 v0, v5  }
0x261: {  	v0 =	vmov s25;
	s25 =	sadd.s32 $0x1, s25;
	v3 =	vmul.f32 v3, v5;
	v4 =	vmul.f32 v4, v5  }
0x262: {  	[tilespmem:s24+$0xFFFFFFE0] =	vst v2  }
0x263: {  	[tilespmem:s24+$0xFFFFFFF0] =	vst v1  }
0x264: {  	[tilespmem:s24+$0x0] =	vst v4  }
0x265: {  	[tilespmem:s24+$0x10] =	vst v3  }
0x266: {  	v0 =	vld.idx.msk [tilespmem:v0+s10+$0x0], $0xffff;
	_ =	sdelay $0x4  }
0x267: {  	v0 =	vmax.f32 v0, $1.000000000e+00  }
0x268: {  	(erf) = vrcp.f32 v0;
	_ =	sdelay $0x3  }
0x269: {  	s16 =	sadd.s32 $0x40, s24  }
0x26a: {  	v61 =	vld [tilespmem:s16+$0xFFFFFFE0]  }
0x26b: {  	v1 =	vld [tilespmem:s16+$0xFFFFFFF0]  }
0x26c: {  	v2 =	vld [tilespmem:s16+$0x0]  }
0x26d: {  	v3 =	vld [tilespmem:s16+$0x10]  }
0x26e: {  	v62 =	vpop (erf)  }
0x26f: {  	v0 =	vmul.f32 v62, v61  }
0x270: {  	v1 =	vmul.f32 v1, v62  }
0x271: {  	v2 =	vmul.f32 v2, v62;
	[tilespmem:s16+$0xFFFFFFE0] =	vst v0  }
0x272: {  	v63 =	vmul.f32 v3, v62;
	[tilespmem:s16+$0xFFFFFFF0] =	vst v1  }
0x273: {  	[tilespmem:s16+$0x0] =	vst v2  }
0x274: {  	s25 =	rddreg [dreg:$0x17];
	s22 =	simm.s32 $0x1A1B8;
	[tilespmem:s16+$0x10] =	vst v63  }
0x275: {  	[spmem:s25] =	stream.linear.scatter [tilespmem:s22], [sflag:$0x4], $0x3400, $0x38;
	[tilespmem:$0x1D688] =	vst v63  }
0x276: {  	_ =	swait.ge [sflag:s17], $0x3400  }
0x277: {  	[sflag:s17] =	ssyncset.done $0x0  }
.Ltmp6:
0x278: {  	s28 =	rddreg [dreg:$0xb];
	[sflag:s17] =	ssyncadd.s32 $0xFFFFCC00;
	(pc) =	sbr.rel @p0 .LBB2_13-.Ltmp6, $4  }
0x279: {  	[hbm4b:s28+s5] =	stream.linear.scatter [tilespmem:s22], [sflag:$0x4], $0x3400, $0x38;
	[tilespmem:$0x1D688] =	vst v63  }
0x27a: {  	_ =	swait.ge [sflag:s17], $0x3400  }
0x27b: {  	[sflag:s17] =	ssyncset.done $0x0  }
0x27c: {  	[sflag:s17] =	ssyncadd.s32 $0xFFFFCC00  }
0x27d: {  	s16 =	sld [smem:$0x7FA];
	_ =	sdelay $0x1  }
0x27e: {  	s22 =	simm.s32 $0x1A1B8  }
0x27f: {  	[tilespmem:s22], [sflag:$0x4] =	stream.linear.gather [spmem:s16], $0x400, $0x38;
	[tilespmem:$0x1D688] =	vst v63  }
0x280: {  	_ =	swait.ge [sflag:s17], $0x400  }
0x281: {  	s25 =	sld [smem:$0x7FC]  }
0x282: {  	s24 =	simm.s32 $0x0;
	[sflag:s17] =	ssyncset.done $0x0  }
0x283: {  	v0 =	vmov s24;
	[sflag:s17] =	ssyncadd.s32 $0xFFFFFC00  }
0x284: {  	[tilespmem:s10], [sflag:$0x4] =	stream.linear.gather [spmem:s25], $0x10, $0x38;
	[tilespmem:$0x1D688] =	vst v63  }
0x285: {  	_ =	swait.ge [sflag:s17], $0x10  }
0x286: {  	[sflag:s17] =	ssyncset.done $0x0  }
0x287: {  	[sflag:s17] =	ssyncadd.s32 $0xFFFFFFF0  }
0x288: {  	v0 =	vld.idx.msk [tilespmem:v0+s10+$0x0], $0xffff;
	_ =	sdelay $0x4  }
0x289: {  	v0 =	vmax.f32 v0, $1.000000000e+00  }
0x28a: {  	(erf) = vrcp.f32 v0;
	_ =	sdelay $0x1  }
0x28b: {  	s24 =	simm.s32 $0x1A1D8  }
0x28c: {  	v3 =	vld [tilespmem:s24+$0x10]  }
0x28d: {  	v1 =	vld [tilespmem:s24+$0xFFFFFFE0]  }
0x28e: {  	v0 =	vld [tilespmem:s24+$0xFFFFFFF0]  }
0x28f: {  	v4 =	vld [tilespmem:s24+$0x0];
	_ =	sdelay $0x2  }
0x290: {  	v5 =	vpop (erf)  }
0x291: {  	s28 =	simm.s32 $0x1;
	v2 =	vmul.f32 v5, v1;
	v1 =	vmul.f32 v0, v5  }
0x292: {  	s25 =	simm.s32 $0x2;
	v0 =	vmov s28;
	v4 =	vmul.f32 v4, v5;
	v3 =	vmul.f32 v3, v5  }
.LBB2_11:
0x293: {  	p1 =	sne.s32 s25, $0xF;
	[tilespmem:s24+$0xFFFFFFE0] =	vst v2  }
0x294: {  	[tilespmem:s24+$0xFFFFFFF0] =	vst v1  }
0x295: {  	[tilespmem:s24+$0x0] =	vst v4  }
0x296: {  	[tilespmem:s24+$0x10] =	vst v3  }
0x297: {  	v0 =	vld.idx.msk [tilespmem:v0+s10+$0x0], $0xffff;
	_ =	sdelay $0x5  }
0x298: {  	v0 =	vmax.f32 v0, $1.000000000e+00  }
0x299: {  	(erf) = vrcp.f32 v0;
	_ =	sdelay $0x1  }
0x29a: {  	s24 =	sadd.s32 $0x40, s24  }
0x29b: {  	v0 =	vld [tilespmem:s24+$0xFFFFFFF0]  }
0x29c: {  	v3 =	vld [tilespmem:s24+$0x10]  }
0x29d: {  	v1 =	vld [tilespmem:s24+$0xFFFFFFE0]  }
0x29e: {  	v4 =	vld [tilespmem:s24+$0x0]  }
.Ltmp7:
0x29f: {  	(pc) =	sbr.rel @p1 .LBB2_11-.Ltmp7, $4  }
0x2a0: {  	_ = 	snop  }
0x2a1: {  	v5 =	vpop (erf)  }
0x2a2: {  	v2 =	vmul.f32 v5, v1;
	v1 =	vmul.f32 v0, v5  }
0x2a3: {  	v0 =	vmov s25;
	s25 =	sadd.s32 $0x1, s25;
	v3 =	vmul.f32 v3, v5;
	v4 =	vmul.f32 v4, v5  }
0x2a4: {  	[tilespmem:s24+$0xFFFFFFE0] =	vst v2  }
0x2a5: {  	[tilespmem:s24+$0xFFFFFFF0] =	vst v1  }
0x2a6: {  	[tilespmem:s24+$0x0] =	vst v4  }
0x2a7: {  	[tilespmem:s24+$0x10] =	vst v3  }
0x2a8: {  	v0 =	vld.idx.msk [tilespmem:v0+s10+$0x0], $0xffff;
	_ =	sdelay $0x4  }
0x2a9: {  	v0 =	vmax.f32 v0, $1.000000000e+00  }
0x2aa: {  	(erf) = vrcp.f32 v0;
	_ =	sdelay $0x3  }
0x2ab: {  	s16 =	sadd.s32 $0x40, s24  }
0x2ac: {  	v61 =	vld [tilespmem:s16+$0xFFFFFFE0]  }
0x2ad: {  	v1 =	vld [tilespmem:s16+$0xFFFFFFF0]  }
0x2ae: {  	v2 =	vld [tilespmem:s16+$0x0]  }
0x2af: {  	v3 =	vld [tilespmem:s16+$0x10]  }
0x2b0: {  	v62 =	vpop (erf)  }
0x2b1: {  	v0 =	vmul.f32 v62, v61  }
0x2b2: {  	v1 =	vmul.f32 v1, v62  }
0x2b3: {  	v2 =	vmul.f32 v2, v62;
	[tilespmem:s16+$0xFFFFFFE0] =	vst v0  }
0x2b4: {  	s25 =	sld [smem:$0x7FA];
	v63 =	vmul.f32 v3, v62;
	[tilespmem:s16+$0xFFFFFFF0] =	vst v1  }
0x2b5: {  	[tilespmem:s16+$0x0] =	vst v2  }
0x2b6: {  	s22 =	simm.s32 $0x1A1B8;
	[tilespmem:s16+$0x10] =	vst v63  }
0x2b7: {  	[spmem:s25] =	stream.linear.scatter [tilespmem:s22], [sflag:$0x4], $0x400, $0x38;
	[tilespmem:$0x1D688] =	vst v63  }
0x2b8: {  	_ =	swait.ge [sflag:s17], $0x400  }
0x2b9: {  	[sflag:s17] =	ssyncset.done $0x0  }
0x2ba: {  	s28 =	rddreg [dreg:$0xc];
	[sflag:s17] =	ssyncadd.s32 $0xFFFFFC00  }
0x2bb: {  	[hbm4b:s28+s5] =	stream.linear.scatter [tilespmem:s22], [sflag:$0x4], $0x400, $0x38;
	[tilespmem:$0x1D688] =	vst v63  }
0x2bc: {  	_ =	swait.ge [sflag:s17], $0x400  }
0x2bd: {  	[sflag:s17] =	ssyncset.done $0x0  }
0x2be: {  	[sflag:s17] =	ssyncadd.s32 $0xFFFFFC00  }
.LBB2_13:
0x2bf: {  	[bflag:$0x0] =	sbarrier.arrive $0xFFFF  }
0x2c0: {  	s16 =	rddreg [dreg:$0x1a]  }
0x2c1: {  	[tilespmem:s20], [sflag:$0x2] =	stream.linear.gather [hbm4b:s16+s5], $0x180, $0x38;
	[tilespmem:$0x1D688] =	vst v63  }
0x2c2: {  	s25 =	rddreg [dreg:$0x1b]  }
0x2c3: {  	[tilespmem:s23], [sflag:$0x2] =	stream.linear.gather [hbm4b:s25+s5], $0x180, $0x38;
	[tilespmem:$0x1D688] =	vst v63  }
0x2c4: {  	s28 =	rddreg [dreg:$0x1c]  }
0x2c5: {  	[tilespmem:s26], [sflag:$0x2] =	stream.linear.gather [hbm4b:s28+s5], $0x180, $0x38;
	[tilespmem:$0x1D688] =	vst v63  }
0x2c6: {  	_ =	swait.ge [sflag:s14], $0x180  }
0x2c7: {  	[sflag:s14] =	ssyncset.done $0x0  }
0x2c8: {  	[sflag:s14] =	ssyncadd.s32 $0xFFFFFE80  }
0x2c9: {  	[tilespmem:s8], [sflag:$0x1] =	stream.indirect.gather [spmem:s2], $0x40, s20, s18, $0xb8;
	[tilespmem:$0x1D688] =	vst v63  }
0x2ca: {  	_ =	swait.ge [sflag:s9], $0x2000  }
0x2cb: {  	[sflag:s9] =	ssyncset.done $0x0  }
0x2cc: {  	[sflag:s9] =	ssyncadd.s32 $0xFFFFE000  }
0x2cd: {  	v0 =	vld [tilespmem:$0x13C38]  }
0x2ce: {  	v1 =	vld [tilespmem:$0x13C48]  }
0x2cf: {  	v2 =	vld [tilespmem:$0x13C58]  }
0x2d0: {  	v3 =	vld [tilespmem:$0x13C68]  }
0x2d1: {  	v4 =	vld [tilespmem:$0x13C78]  }
0x2d2: {  	v30 =	vld [tilespmem:$0x13C88];
	[tilespmem:$0x19FB8] =	vst v0  }
0x2d3: {  	v31 =	vld [tilespmem:$0x13C98];
	[tilespmem:$0x19FC8] =	vst v1  }
0x2d4: {  	v32 =	vld [tilespmem:$0x13CA8];
	[tilespmem:$0x19FD8] =	vst v2  }
0x2d5: {  	[tilespmem:$0x19FE8] =	vst v3  }
0x2d6: {  	[tilespmem:$0x19FF8] =	vst v4  }
0x2d7: {  	[tilespmem:$0x1A008] =	vst v30  }
0x2d8: {  	[tilespmem:$0x1A018] =	vst v31  }
0x2d9: {  	[tilespmem:$0x1A028] =	vst v32  }
0x2da: {  	_ =	swait.ge [sflag:s14], $0x180  }
0x2db: {  	[sflag:s14] =	ssyncset.done $0x0  }
0x2dc: {  	[sflag:s14] =	ssyncadd.s32 $0xFFFFFE80  }
0x2dd: {  	[tilespmem:s11], [sflag:$0x1] =	stream.indirect.gather [spmem:s2], $0x40, s23, s18, $0xb8;
	[tilespmem:$0x1D688] =	vst v63  }
0x2de: {  	_ = 	snop  }
0x2df: {  	[spmem:s3] =	stream.indirect.scatter.add.f32 [tilespmem:s8], [sflag:$0x3], $0x40, s13, s18, $0xb8;
	[tilespmem:$0x1D688] =	vst v63  }
0x2e0: {  	s22 =	rddreg [dreg:$0x1d]  }
0x2e1: {  	[tilespmem:s20], [sflag:$0x2] =	stream.linear.gather [hbm4b:s22+s5], $0x180, $0x38;
	[tilespmem:$0x1D688] =	vst v63  }
0x2e2: {  	_ =	swait.ge [sflag:s9], $0x2000  }
0x2e3: {  	[sflag:s9] =	ssyncset.done $0x0  }
0x2e4: {  	[sflag:s9] =	ssyncadd.s32 $0xFFFFE000  }
0x2e5: {  	v33 =	vld [tilespmem:$0x13DB8]  }
0x2e6: {  	v34 =	vld [tilespmem:$0x13DC8]  }
0x2e7: {  	v35 =	vld [tilespmem:$0x13DD8]  }
0x2e8: {  	v36 =	vld [tilespmem:$0x13DE8]  }
0x2e9: {  	v37 =	vld [tilespmem:$0x13DF8]  }
0x2ea: {  	v38 =	vld [tilespmem:$0x13E08];
	[tilespmem:$0x1A038] =	vst v33  }
0x2eb: {  	v39 =	vld [tilespmem:$0x13E18];
	[tilespmem:$0x1A048] =	vst v34  }
0x2ec: {  	v40 =	vld [tilespmem:$0x13E28];
	[tilespmem:$0x1A058] =	vst v35  }
0x2ed: {  	[tilespmem:$0x1A068] =	vst v36  }
0x2ee: {  	[tilespmem:$0x1A078] =	vst v37  }
0x2ef: {  	[tilespmem:$0x1A088] =	vst v38  }
0x2f0: {  	[tilespmem:$0x1A098] =	vst v39  }
0x2f1: {  	[tilespmem:$0x1A0A8] =	vst v40  }
0x2f2: {  	_ =	swait.ge [sflag:s14], $0x180  }
0x2f3: {  	[sflag:s14] =	ssyncset.done $0x0  }
0x2f4: {  	[sflag:s14] =	ssyncadd.s32 $0xFFFFFE80  }
0x2f5: {  	[tilespmem:s15], [sflag:$0x1] =	stream.indirect.gather [spmem:s2], $0x40, s26, s18, $0xb8;
	[tilespmem:$0x1D688] =	vst v63  }
0x2f6: {  	s24 =	sld [smem:$0x7FD]  }
0x2f7: {  	[spmem:s3] =	stream.indirect.scatter.add.f32 [tilespmem:s11], [sflag:$0x3], $0x40, s29, s18, $0xb8;
	[tilespmem:$0x1D688] =	vst v63  }
0x2f8: {  	_ = 	snop  }
0x2f9: {  	[tilespmem:s23], [sflag:$0x2] =	stream.linear.gather [hbm4b:s24+s5], $0x180, $0x38;
	[tilespmem:$0x1D688] =	vst v63  }
0x2fa: {  	_ =	swait.ge [sflag:s9], $0x2000  }
0x2fb: {  	[sflag:s9] =	ssyncset.done $0x0  }
0x2fc: {  	[sflag:s9] =	ssyncadd.s32 $0xFFFFE000  }
0x2fd: {  	v41 =	vld [tilespmem:$0x13F38]  }
0x2fe: {  	v42 =	vld [tilespmem:$0x13F48]  }
0x2ff: {  	v43 =	vld [tilespmem:$0x13F58]  }
0x300: {  	v44 =	vld [tilespmem:$0x13F68]  }
0x301: {  	v45 =	vld [tilespmem:$0x13F78]  }
0x302: {  	v46 =	vld [tilespmem:$0x13F88];
	[tilespmem:$0x1A0B8] =	vst v41  }
0x303: {  	v47 =	vld [tilespmem:$0x13F98];
	[tilespmem:$0x1A0C8] =	vst v42  }
0x304: {  	v48 =	vld [tilespmem:$0x13FA8];
	[tilespmem:$0x1A0D8] =	vst v43  }
0x305: {  	[tilespmem:$0x1A0E8] =	vst v44  }
0x306: {  	[tilespmem:$0x1A0F8] =	vst v45  }
0x307: {  	[tilespmem:$0x1A108] =	vst v46  }
0x308: {  	[tilespmem:$0x1A118] =	vst v47  }
0x309: {  	[tilespmem:$0x1A128] =	vst v48  }
0x30a: {  	_ =	swait.ge [sflag:s19], $0x2000  }
0x30b: {  	[sflag:s19] =	ssyncset.done $0x0  }
0x30c: {  	[sflag:s19] =	ssyncadd.s32 $0xFFFFE000  }
0x30d: {  	_ =	swait.ge [sflag:s14], $0x180  }
0x30e: {  	[sflag:s14] =	ssyncset.done $0x0  }
0x30f: {  	[sflag:s14] =	ssyncadd.s32 $0xFFFFFE80  }
0x310: {  	[tilespmem:s8], [sflag:$0x1] =	stream.indirect.gather [spmem:s2], $0x40, s20, s18, $0xb8;
	[tilespmem:$0x1D688] =	vst v63  }
0x311: {  	_ = 	snop  }
0x312: {  	[spmem:s3] =	stream.indirect.scatter.add.f32 [tilespmem:s15], [sflag:$0x3], $0x40, s21, s18, $0xb8;
	[tilespmem:$0x1D688] =	vst v63  }
0x313: {  	s25 =	rddreg [dreg:$0x1e]  }
0x314: {  	[tilespmem:s26], [sflag:$0x2] =	stream.linear.gather [hbm4b:s25+s5], $0x180, $0x38;
	[tilespmem:$0x1D688] =	vst v63  }
0x315: {  	_ =	swait.ge [sflag:s9], $0x2000  }
0x316: {  	[sflag:s9] =	ssyncset.done $0x0  }
0x317: {  	[sflag:s9] =	ssyncadd.s32 $0xFFFFE000  }
0x318: {  	v49 =	vld [tilespmem:$0x13CA8]  }
0x319: {  	v50 =	vld [tilespmem:$0x13C88]  }
0x31a: {  	v51 =	vld [tilespmem:$0x13C98]  }
0x31b: {  	v52 =	vld [tilespmem:$0x13C68]  }
0x31c: {  	v53 =	vld [tilespmem:$0x13C78]  }
0x31d: {  	v5 =	vld [tilespmem:$0x13C38];
	[tilespmem:$0x1A028] =	vst v49  }
0x31e: {  	v54 =	vld [tilespmem:$0x13C58];
	[tilespmem:$0x1A008] =	vst v50  }
0x31f: {  	v55 =	vld [tilespmem:$0x13C48];
	[tilespmem:$0x1A018] =	vst v51  }
0x320: {  	[tilespmem:$0x19FE8] =	vst v52  }
0x321: {  	[tilespmem:$0x19FF8] =	vst v53  }
0x322: {  	[tilespmem:$0x19FB8] =	vst v5  }
0x323: {  	[tilespmem:$0x19FD8] =	vst v54  }
0x324: {  	[tilespmem:$0x19FC8] =	vst v55  }
0x325: {  	_ =	swait.ge [sflag:s19], $0x2000  }
0x326: {  	[sflag:s19] =	ssyncset.done $0x0  }
0x327: {  	s28 =	sadd.s32 $0xFFFFF640, s6;
	[sflag:s19] =	ssyncadd.s32 $0xFFFFE000  }
0x328: {  	s22 =	sadd.s32 $0xA20, s28;
	_ =	swait.ge [sflag:s14], $0x180  }
0x329: {  	p1 =	slt.s32 s22, $0x9EF;
	[sflag:s14] =	ssyncset.done $0x0  }
0x32a: {  	s22 =	simm.s32 @!p1 $0x9EF;
	[sflag:s14] =	ssyncadd.s32 $0xFFFFFE80  }
0x32b: {  	[tilespmem:s11], [sflag:$0x1] =	stream.indirect.gather [spmem:s2], $0x40, s23, s18, $0xb8;
	[tilespmem:$0x1D688] =	vst v63  }
0x32c: {  	s22 =	smul.u32 $0x30, s22  }
0x32d: {  	[spmem:s3] =	stream.indirect.scatter.add.f32 [tilespmem:s8], [sflag:$0x3], $0x40, s13, s18, $0xb8;
	[tilespmem:$0x1D688] =	vst v63  }
0x32e: {  	s22 =	sadd.s32 s7, s22  }
0x32f: {  	[tilespmem:s20], [sflag:$0x2] =	stream.linear.gather [hbm4b:s22+s5], $0x180, $0x38;
	[tilespmem:$0x1D688] =	vst v63  }
0x330: {  	_ =	swait.ge [sflag:s9], $0x2000  }
0x331: {  	[sflag:s9] =	ssyncset.done $0x0  }
0x332: {  	[sflag:s9] =	ssyncadd.s32 $0xFFFFE000  }
0x333: {  	v56 =	vld [tilespmem:$0x13E18]  }
0x334: {  	v57 =	vld [tilespmem:$0x13E28]  }
0x335: {  	v58 =	vld [tilespmem:$0x13E08]  }
0x336: {  	v59 =	vld [tilespmem:$0x13DF8]  }
0x337: {  	v60 =	vld [tilespmem:$0x13DB8]  }
0x338: {  	v61 =	vld [tilespmem:$0x13DC8];
	[tilespmem:$0x1A098] =	vst v56  }
0x339: {  	v62 =	vld [tilespmem:$0x13DD8];
	[tilespmem:$0x1A0A8] =	vst v57  }
0x33a: {  	v63 =	vld [tilespmem:$0x13DE8];
	[tilespmem:$0x1A088] =	vst v58  }
0x33b: {  	[tilespmem:$0x1A078] =	vst v59  }
0x33c: {  	[tilespmem:$0x1A038] =	vst v60  }
0x33d: {  	[tilespmem:$0x1A048] =	vst v61  }
0x33e: {  	[tilespmem:$0x1A058] =	vst v62  }
0x33f: {  	[tilespmem:$0x1A068] =	vst v63  }
0x340: {  	_ =	swait.ge [sflag:s19], $0x2000  }
0x341: {  	[sflag:s19] =	ssyncset.done $0x0  }
0x342: {  	[sflag:s19] =	ssyncadd.s32 $0xFFFFE000  }
0x343: {  	s22 =	sadd.s32 $0xA30, s28;
	_ =	swait.ge [sflag:s14], $0x180  }
0x344: {  	p1 =	slt.s32 s22, $0x9EF;
	[sflag:s14] =	ssyncset.done $0x0  }
0x345: {  	s22 =	simm.s32 @!p1 $0x9EF;
	[sflag:s14] =	ssyncadd.s32 $0xFFFFFE80  }
0x346: {  	[tilespmem:s15], [sflag:$0x1] =	stream.indirect.gather [spmem:s2], $0x40, s26, s18, $0xb8;
	[tilespmem:$0x1D688] =	vst v63  }
0x347: {  	s22 =	smul.u32 $0x30, s22  }
0x348: {  	[spmem:s3] =	stream.indirect.scatter.add.f32 [tilespmem:s11], [sflag:$0x3], $0x40, s29, s18, $0xb8;
	[tilespmem:$0x1D688] =	vst v63  }
0x349: {  	s16 =	sadd.s32 $0xA40, s28;
	s22 =	sadd.s32 s7, s22  }
0x34a: {  	[tilespmem:s23], [sflag:$0x2] =	stream.linear.gather [hbm4b:s22+s5], $0x180, $0x38;
	[tilespmem:$0x1D688] =	vst v63  }
0x34b: {  	p1 =	slt.s32 s16, $0x9EF;
	_ =	swait.ge [sflag:s9], $0x2000  }
0x34c: {  	s16 =	simm.s32 @!p1 $0x9EF;
	[sflag:s9] =	ssyncset.done $0x0  }
0x34d: {  	s24 =	simm.s32 $0xFFFFF670;
	s25 =	smul.u32 $0x30, s16;
	[sflag:s9] =	ssyncadd.s32 $0xFFFFE000  }
.LBB2_14:
0x34e: {  	p1 =	sne.s32 s24, $0xFFFFFFD0;
	v0 =	vld [tilespmem:$0x13F38];
	s28 =	smov.u32 s24;
	s24 =	sadd.s32 $0x30, s24  }
0x34f: {  	v1 =	vld [tilespmem:$0x13F48]  }
0x350: {  	v2 =	vld [tilespmem:$0x13F98]  }
0x351: {  	v3 =	vld [tilespmem:$0x13F88]  }
0x352: {  	v4 =	vld [tilespmem:$0x13F68]  }
0x353: {  	[tilespmem:$0x1A0B8] =	vst v0;
	v0 =	vld [tilespmem:$0x13F78]  }
0x354: {  	[tilespmem:$0x1A0C8] =	vst v1;
	v1 =	vld [tilespmem:$0x13FA8]  }
0x355: {  	v5 =	vld [tilespmem:$0x13F58];
	[tilespmem:$0x1A118] =	vst v2  }
0x356: {  	[tilespmem:$0x1A108] =	vst v3  }
0x357: {  	[tilespmem:$0x1A0E8] =	vst v4  }
0x358: {  	[tilespmem:$0x1A0F8] =	vst v0  }
0x359: {  	[tilespmem:$0x1A128] =	vst v1  }
0x35a: {  	[tilespmem:$0x1A0D8] =	vst v5  }
0x35b: {  	_ =	swait.ge [sflag:s19], $0x2000  }
0x35c: {  	[sflag:s19] =	ssyncset.done $0x0  }
0x35d: {  	[sflag:s19] =	ssyncadd.s32 $0xFFFFE000  }
0x35e: {  	_ =	swait.ge [sflag:s14], $0x180  }
0x35f: {  	[sflag:s14] =	ssyncset.done $0x0  }
0x360: {  	[sflag:s14] =	ssyncadd.s32 $0xFFFFFE80  }
0x361: {  	[tilespmem:s8], [sflag:$0x1] =	stream.indirect.gather [spmem:s2], $0x40, s20, s18, $0xb8;
	[tilespmem:$0x1D688] =	vst v63  }
0x362: {  	s16 =	sadd.s32 s7, s25  }
0x363: {  	[spmem:s3] =	stream.indirect.scatter.add.f32 [tilespmem:s15], [sflag:$0x3], $0x40, s21, s18, $0xb8;
	[tilespmem:$0x1D688] =	vst v63  }
0x364: {  	_ = 	snop  }
0x365: {  	[tilespmem:s26], [sflag:$0x2] =	stream.linear.gather [hbm4b:s16+s5], $0x180, $0x38;
	[tilespmem:$0x1D688] =	vst v63  }
0x366: {  	_ =	swait.ge [sflag:s9], $0x2000  }
0x367: {  	[sflag:s9] =	ssyncset.done $0x0  }
0x368: {  	[sflag:s9] =	ssyncadd.s32 $0xFFFFE000  }
0x369: {  	v0 =	vld [tilespmem:$0x13CA8]  }
0x36a: {  	v1 =	vld [tilespmem:$0x13C88]  }
0x36b: {  	v2 =	vld [tilespmem:$0x13C98]  }
0x36c: {  	v3 =	vld [tilespmem:$0x13C68]  }
0x36d: {  	v4 =	vld [tilespmem:$0x13C78]  }
0x36e: {  	v5 =	vld [tilespmem:$0x13C38];
	[tilespmem:$0x1A028] =	vst v0  }
0x36f: {  	v0 =	vld [tilespmem:$0x13C58];
	[tilespmem:$0x1A008] =	vst v1  }
0x370: {  	v1 =	vld [tilespmem:$0x13C48];
	[tilespmem:$0x1A018] =	vst v2  }
0x371: {  	[tilespmem:$0x19FE8] =	vst v3  }
0x372: {  	[tilespmem:$0x19FF8] =	vst v4  }
0x373: {  	[tilespmem:$0x19FB8] =	vst v5  }
0x374: {  	[tilespmem:$0x19FD8] =	vst v0  }
0x375: {  	[tilespmem:$0x19FC8] =	vst v1  }
0x376: {  	_ =	swait.ge [sflag:s19], $0x2000  }
0x377: {  	[sflag:s19] =	ssyncset.done $0x0  }
0x378: {  	[sflag:s19] =	ssyncadd.s32 $0xFFFFE000  }
0x379: {  	s16 =	sadd.s32 s28, s6;
	_ =	swait.ge [sflag:s14], $0x180  }
0x37a: {  	s22 =	sadd.s32 $0xA20, s16;
	s25 =	sadd.s32 $0xA30, s16;
	[sflag:s14] =	ssyncset.done $0x0  }
0x37b: {  	p2 =	slt.s32 s22, $0x9EF;
	p3 =	slt.s32 s25, $0x9EF;
	[sflag:s14] =	ssyncadd.s32 $0xFFFFFE80  }
0x37c: {  	[tilespmem:s11], [sflag:$0x1] =	stream.indirect.gather [spmem:s2], $0x40, s23, s18, $0xb8;
	[tilespmem:$0x1D688] =	vst v63  }
0x37d: {  	s16 =	sadd.s32 $0xA40, s16;
	s22 =	simm.s32 @!p2 $0x9EF;
	s25 =	simm.s32 @!p3 $0x9EF  }
0x37e: {  	[spmem:s3] =	stream.indirect.scatter.add.f32 [tilespmem:s8], [sflag:$0x3], $0x40, s13, s18, $0xb8;
	[tilespmem:$0x1D688] =	vst v63  }
0x37f: {  	p2 =	slt.s32 s16, $0x9EF;
	s22 =	smul.u32 $0x30, s22  }
0x380: {  	s28 =	smul.u32 $0x30, s25;
	s16 =	simm.s32 @!p2 $0x9EF  }
0x381: {  	s25 =	smul.u32 $0x30, s16;
	s22 =	sadd.s32 s7, s22  }
0x382: {  	[tilespmem:s20], [sflag:$0x2] =	stream.linear.gather [hbm4b:s22+s5], $0x180, $0x38;
	[tilespmem:$0x1D688] =	vst v63  }
0x383: {  	_ =	swait.ge [sflag:s9], $0x2000  }
0x384: {  	[sflag:s9] =	ssyncset.done $0x0  }
0x385: {  	[sflag:s9] =	ssyncadd.s32 $0xFFFFE000  }
0x386: {  	v0 =	vld [tilespmem:$0x13E18]  }
0x387: {  	v1 =	vld [tilespmem:$0x13E28]  }
0x388: {  	v2 =	vld [tilespmem:$0x13E08]  }
0x389: {  	v3 =	vld [tilespmem:$0x13DF8]  }
0x38a: {  	v4 =	vld [tilespmem:$0x13DB8]  }
0x38b: {  	v5 =	vld [tilespmem:$0x13DC8];
	[tilespmem:$0x1A098] =	vst v0  }
0x38c: {  	v0 =	vld [tilespmem:$0x13DD8];
	[tilespmem:$0x1A0A8] =	vst v1  }
0x38d: {  	v1 =	vld [tilespmem:$0x13DE8];
	[tilespmem:$0x1A088] =	vst v2  }
0x38e: {  	[tilespmem:$0x1A078] =	vst v3  }
0x38f: {  	[tilespmem:$0x1A038] =	vst v4  }
0x390: {  	[tilespmem:$0x1A048] =	vst v5  }
0x391: {  	[tilespmem:$0x1A058] =	vst v0  }
0x392: {  	[tilespmem:$0x1A068] =	vst v1  }
0x393: {  	_ =	swait.ge [sflag:s19], $0x2000  }
0x394: {  	[sflag:s19] =	ssyncset.done $0x0  }
0x395: {  	[sflag:s19] =	ssyncadd.s32 $0xFFFFE000  }
0x396: {  	_ =	swait.ge [sflag:s14], $0x180  }
0x397: {  	[sflag:s14] =	ssyncset.done $0x0  }
0x398: {  	[sflag:s14] =	ssyncadd.s32 $0xFFFFFE80  }
0x399: {  	[tilespmem:s15], [sflag:$0x1] =	stream.indirect.gather [spmem:s2], $0x40, s26, s18, $0xb8;
	[tilespmem:$0x1D688] =	vst v63  }
0x39a: {  	_ = 	snop  }
0x39b: {  	[spmem:s3] =	stream.indirect.scatter.add.f32 [tilespmem:s11], [sflag:$0x3], $0x40, s29, s18, $0xb8;
	[tilespmem:$0x1D688] =	vst v63  }
.Ltmp8:
0x39c: {  	s16 =	sadd.s32 s7, s28;
	(pc) =	sbr.rel @p1 .LBB2_14-.Ltmp8, $4  }
0x39d: {  	[tilespmem:s23], [sflag:$0x2] =	stream.linear.gather [hbm4b:s16+s5], $0x180, $0x38;
	[tilespmem:$0x1D688] =	vst v63  }
0x39e: {  	_ =	swait.ge [sflag:s9], $0x2000  }
0x39f: {  	[sflag:s9] =	ssyncset.done $0x0  }
0x3a0: {  	[sflag:s9] =	ssyncadd.s32 $0xFFFFE000  }
0x3a1: {  	v0 =	vld [tilespmem:$0x13F38]  }
0x3a2: {  	v1 =	vld [tilespmem:$0x13F48]  }
0x3a3: {  	v2 =	vld [tilespmem:$0x13F98]  }
0x3a4: {  	v3 =	vld [tilespmem:$0x13F88]  }
0x3a5: {  	v4 =	vld [tilespmem:$0x13F68]  }
0x3a6: {  	v5 =	vld [tilespmem:$0x13F58];
	[tilespmem:$0x1A0B8] =	vst v0  }
0x3a7: {  	v0 =	vld [tilespmem:$0x13F78];
	[tilespmem:$0x1A0C8] =	vst v1  }
0x3a8: {  	v1 =	vld [tilespmem:$0x13FA8];
	[tilespmem:$0x1A118] =	vst v2  }
0x3a9: {  	[tilespmem:$0x1A108] =	vst v3  }
0x3aa: {  	[tilespmem:$0x1A0E8] =	vst v4  }
0x3ab: {  	[tilespmem:$0x1A0D8] =	vst v5  }
0x3ac: {  	[tilespmem:$0x1A0F8] =	vst v0  }
0x3ad: {  	[tilespmem:$0x1A128] =	vst v1  }
0x3ae: {  	_ =	swait.ge [sflag:s19], $0x2000  }
0x3af: {  	[sflag:s19] =	ssyncset.done $0x0  }
0x3b0: {  	[sflag:s19] =	ssyncadd.s32 $0xFFFFE000  }
0x3b1: {  	_ =	swait.ge [sflag:s14], $0x180  }
0x3b2: {  	[sflag:s14] =	ssyncset.done $0x0  }
0x3b3: {  	[sflag:s14] =	ssyncadd.s32 $0xFFFFFE80  }
0x3b4: {  	[tilespmem:s8], [sflag:$0x1] =	stream.indirect.gather [spmem:s2], $0x40, s20, s18, $0xb8;
	[tilespmem:$0x1D688] =	vst v63  }
0x3b5: {  	_ = 	snop  }
0x3b6: {  	[spmem:s3] =	stream.indirect.scatter.add.f32 [tilespmem:s15], [sflag:$0x3], $0x40, s21, s18, $0xb8;
	[tilespmem:$0x1D688] =	vst v63  }
0x3b7: {  	s16 =	sadd.s32 s7, s25  }
0x3b8: {  	[tilespmem:s26], [sflag:$0x2] =	stream.linear.gather [hbm4b:s16+s5], $0x180, $0x38;
	[tilespmem:$0x1D688] =	vst v63  }
0x3b9: {  	_ =	swait.ge [sflag:s9], $0x2000  }
0x3ba: {  	[sflag:s9] =	ssyncset.done $0x0  }
0x3bb: {  	[sflag:s9] =	ssyncadd.s32 $0xFFFFE000  }
0x3bc: {  	_ =	swait.ge [sflag:s19], $0x2000  }
0x3bd: {  	[sflag:s19] =	ssyncset.done $0x0  }
0x3be: {  	[sflag:s19] =	ssyncadd.s32 $0xFFFFE000  }
0x3bf: {  	_ =	swait.ge [sflag:s19], $0x2000  }
0x3c0: {  	[sflag:s19] =	ssyncset.done $0x0  }
0x3c1: {  	[sflag:s19] =	ssyncadd.s32 $0xFFFFE000  }
0x3c2: {  	_ =	swait.ge [sflag:s14], $0x180  }
0x3c3: {  	[sflag:s14] =	ssyncset.done $0x0  }
0x3c4: {  	[sflag:s14] =	ssyncadd.s32 $0xFFFFFE80  }
0x3c5: {  	_ =	swait.ge [sflag:s14], $0x180  }
0x3c6: {  	[sflag:s14] =	ssyncset.done $0x0  }
0x3c7: {  	[sflag:s14] =	ssyncadd.s32 $0xFFFFFE80  }
0x3c8: {  	[bflag:$0x0] =	sbarrier.arrive $0xFFFF  }
0x3c9: {  	s25 =	simm.s32 $0x1A1B8;
	s28 =	rddreg [dreg:$0x12]  }
0x3ca: {  	[tilespmem:s25], [sflag:$0x4] =	stream.linear.gather [spmem:s28], $0x3400, $0x38;
	[tilespmem:$0x1D688] =	vst v63  }
0x3cb: {  	_ =	swait.ge [sflag:s17], $0x3400  }
0x3cc: {  	s22 =	simm.s32 $0x0;
	[sflag:s17] =	ssyncset.done $0x0  }
0x3cd: {  	v0 =	vmov s22;
	s24 =	rddreg [dreg:$0x13];
	[sflag:s17] =	ssyncadd.s32 $0xFFFFCC00  }
0x3ce: {  	[tilespmem:s10], [sflag:$0x4] =	stream.linear.gather [spmem:s24], $0xD0, $0x38;
	[tilespmem:$0x1D688] =	vst v63  }
0x3cf: {  	_ =	swait.ge [sflag:s17], $0xD0  }
0x3d0: {  	[sflag:s17] =	ssyncset.done $0x0  }
0x3d1: {  	[sflag:s17] =	ssyncadd.s32 $0xFFFFFF30  }
0x3d2: {  	v0 =	vld.idx.msk [tilespmem:v0+s10+$0x0], $0xffff;
	_ =	sdelay $0x4  }
0x3d3: {  	v0 =	vmax.f32 v0, $1.000000000e+00  }
0x3d4: {  	(erf) = vrcp.f32 v0;
	_ =	sdelay $0x1  }
0x3d5: {  	s24 =	simm.s32 $0x1A1D8  }
0x3d6: {  	v3 =	vld [tilespmem:s24+$0x10]  }
0x3d7: {  	v1 =	vld [tilespmem:s24+$0xFFFFFFE0]  }
0x3d8: {  	v0 =	vld [tilespmem:s24+$0xFFFFFFF0]  }
0x3d9: {  	v4 =	vld [tilespmem:s24+$0x0];
	_ =	sdelay $0x2  }
0x3da: {  	v5 =	vpop (erf)  }
0x3db: {  	s25 =	simm.s32 $0x1;
	v2 =	vmul.f32 v5, v1;
	v1 =	vmul.f32 v0, v5  }
0x3dc: {  	v0 =	vmov s25;
	s25 =	simm.s32 $0x2;
	v4 =	vmul.f32 v4, v5;
	v3 =	vmul.f32 v3, v5  }
.LBB2_16:
0x3dd: {  	p1 =	sne.s32 s25, $0xCF;
	[tilespmem:s24+$0xFFFFFFE0] =	vst v2  }
0x3de: {  	[tilespmem:s24+$0xFFFFFFF0] =	vst v1  }
0x3df: {  	[tilespmem:s24+$0x0] =	vst v4  }
0x3e0: {  	[tilespmem:s24+$0x10] =	vst v3  }
0x3e1: {  	v0 =	vld.idx.msk [tilespmem:v0+s10+$0x0], $0xffff;
	_ =	sdelay $0x5  }
0x3e2: {  	v0 =	vmax.f32 v0, $1.000000000e+00  }
0x3e3: {  	(erf) = vrcp.f32 v0;
	_ =	sdelay $0x1  }
0x3e4: {  	s24 =	sadd.s32 $0x40, s24  }
0x3e5: {  	v0 =	vld [tilespmem:s24+$0xFFFFFFF0]  }
0x3e6: {  	v3 =	vld [tilespmem:s24+$0x10]  }
0x3e7: {  	v1 =	vld [tilespmem:s24+$0xFFFFFFE0]  }
0x3e8: {  	v4 =	vld [tilespmem:s24+$0x0]  }
.Ltmp9:
0x3e9: {  	(pc) =	sbr.rel @p1 .LBB2_16-.Ltmp9, $4  }
0x3ea: {  	_ = 	snop  }
0x3eb: {  	v5 =	vpop (erf)  }
0x3ec: {  	v2 =	vmul.f32 v5, v1;
	v1 =	vmul.f32 v0, v5  }
0x3ed: {  	v0 =	vmov s25;
	s25 =	sadd.s32 $0x1, s25;
	v3 =	vmul.f32 v3, v5;
	v4 =	vmul.f32 v4, v5  }
0x3ee: {  	[tilespmem:s24+$0xFFFFFFE0] =	vst v2  }
0x3ef: {  	[tilespmem:s24+$0xFFFFFFF0] =	vst v1  }
0x3f0: {  	[tilespmem:s24+$0x0] =	vst v4  }
0x3f1: {  	[tilespmem:s24+$0x10] =	vst v3  }
0x3f2: {  	v0 =	vld.idx.msk [tilespmem:v0+s10+$0x0], $0xffff;
	_ =	sdelay $0x4  }
0x3f3: {  	v0 =	vmax.f32 v0, $1.000000000e+00  }
0x3f4: {  	(erf) = vrcp.f32 v0;
	_ =	sdelay $0x3  }
0x3f5: {  	s16 =	sadd.s32 $0x40, s24  }
0x3f6: {  	v0 =	vld [tilespmem:s16+$0xFFFFFFE0]  }
0x3f7: {  	v1 =	vld [tilespmem:s16+$0xFFFFFFF0]  }
0x3f8: {  	v2 =	vld [tilespmem:s16+$0x0]  }
0x3f9: {  	v3 =	vld [tilespmem:s16+$0x10]  }
0x3fa: {  	v4 =	vpop (erf)  }
0x3fb: {  	v0 =	vmul.f32 v4, v0  }
0x3fc: {  	v1 =	vmul.f32 v1, v4  }
0x3fd: {  	v2 =	vmul.f32 v2, v4;
	[tilespmem:s16+$0xFFFFFFE0] =	vst v0  }
0x3fe: {  	v0 =	vmul.f32 v3, v4;
	[tilespmem:s16+$0xFFFFFFF0] =	vst v1  }
0x3ff: {  	[tilespmem:s16+$0x0] =	vst v2  }
0x400: {  	s22 =	rddreg [dreg:$0xd];
	s24 =	simm.s32 $0x1A1B8;
	[tilespmem:s16+$0x10] =	vst v0;
	s16 =	simm.s32 $0x0  }
0x401: {  	[hbm4b:s22+s16] =	stream.linear.scatter [tilespmem:s24], [sflag:$0x4], $0x3400, $0x38;
	[tilespmem:$0x1D688] =	vst v63  }
0x402: {  	_ =	swait.ge [sflag:s17], $0x3400  }
0x403: {  	[sflag:s17] =	ssyncset.done $0x0  }
0x404: {  	s25 =	rddreg [dreg:$0x15];
	[sflag:s17] =	ssyncadd.s32 $0xFFFFCC00  }
0x405: {  	[tilespmem:s24], [sflag:$0x4] =	stream.linear.gather [spmem:s25], $0x3400, $0x38;
	[tilespmem:$0x1D688] =	vst v63  }
0x406: {  	_ =	swait.ge [sflag:s17], $0x3400  }
0x407: {  	[sflag:s17] =	ssyncset.done $0x0  }
0x408: {  	v0 =	vmov s16;
	s24 =	rddreg [dreg:$0x16];
	[sflag:s17] =	ssyncadd.s32 $0xFFFFCC00  }
0x409: {  	[tilespmem:s10], [sflag:$0x4] =	stream.linear.gather [spmem:s24], $0xD0, $0x38;
	[tilespmem:$0x1D688] =	vst v63  }
0x40a: {  	_ =	swait.ge [sflag:s17], $0xD0  }
0x40b: {  	[sflag:s17] =	ssyncset.done $0x0  }
0x40c: {  	[sflag:s17] =	ssyncadd.s32 $0xFFFFFF30  }
0x40d: {  	v0 =	vld.idx.msk [tilespmem:v0+s10+$0x0], $0xffff;
	_ =	sdelay $0x4  }
0x40e: {  	v0 =	vmax.f32 v0, $1.000000000e+00  }
0x40f: {  	(erf) = vrcp.f32 v0;
	_ =	sdelay $0x1  }
0x410: {  	s24 =	simm.s32 $0x1A1D8  }
0x411: {  	v3 =	vld [tilespmem:s24+$0x10]  }
0x412: {  	v1 =	vld [tilespmem:s24+$0xFFFFFFE0]  }
0x413: {  	v0 =	vld [tilespmem:s24+$0xFFFFFFF0]  }
0x414: {  	v4 =	vld [tilespmem:s24+$0x0];
	_ =	sdelay $0x2  }
0x415: {  	v5 =	vpop (erf)  }
0x416: {  	s25 =	simm.s32 $0x1;
	v2 =	vmul.f32 v5, v1;
	v1 =	vmul.f32 v0, v5  }
0x417: {  	v0 =	vmov s25;
	s25 =	simm.s32 $0x2;
	v4 =	vmul.f32 v4, v5;
	v3 =	vmul.f32 v3, v5  }
.LBB2_18:
0x418: {  	p1 =	sne.s32 s25, $0xCF;
	[tilespmem:s24+$0xFFFFFFE0] =	vst v2  }
0x419: {  	[tilespmem:s24+$0xFFFFFFF0] =	vst v1  }
0x41a: {  	[tilespmem:s24+$0x0] =	vst v4  }
0x41b: {  	[tilespmem:s24+$0x10] =	vst v3  }
0x41c: {  	v0 =	vld.idx.msk [tilespmem:v0+s10+$0x0], $0xffff;
	_ =	sdelay $0x5  }
0x41d: {  	v0 =	vmax.f32 v0, $1.000000000e+00  }
0x41e: {  	(erf) = vrcp.f32 v0;
	_ =	sdelay $0x1  }
0x41f: {  	s24 =	sadd.s32 $0x40, s24  }
0x420: {  	v0 =	vld [tilespmem:s24+$0xFFFFFFF0]  }
0x421: {  	v3 =	vld [tilespmem:s24+$0x10]  }
0x422: {  	v1 =	vld [tilespmem:s24+$0xFFFFFFE0]  }
0x423: {  	v4 =	vld [tilespmem:s24+$0x0]  }
.Ltmp10:
0x424: {  	(pc) =	sbr.rel @p1 .LBB2_18-.Ltmp10, $4  }
0x425: {  	_ = 	snop  }
0x426: {  	v5 =	vpop (erf)  }
0x427: {  	v2 =	vmul.f32 v5, v1;
	v1 =	vmul.f32 v0, v5  }
0x428: {  	v0 =	vmov s25;
	s25 =	sadd.s32 $0x1, s25;
	v3 =	vmul.f32 v3, v5;
	v4 =	vmul.f32 v4, v5  }
0x429: {  	[tilespmem:s24+$0xFFFFFFE0] =	vst v2  }
0x42a: {  	[tilespmem:s24+$0xFFFFFFF0] =	vst v1  }
0x42b: {  	[tilespmem:s24+$0x0] =	vst v4  }
0x42c: {  	[tilespmem:s24+$0x10] =	vst v3  }
0x42d: {  	v0 =	vld.idx.msk [tilespmem:v0+s10+$0x0], $0xffff;
	_ =	sdelay $0x4  }
0x42e: {  	v0 =	vmax.f32 v0, $1.000000000e+00  }
0x42f: {  	(erf) = vrcp.f32 v0;
	_ =	sdelay $0x3  }
0x430: {  	s16 =	sadd.s32 $0x40, s24  }
0x431: {  	v0 =	vld [tilespmem:s16+$0xFFFFFFE0]  }
0x432: {  	v1 =	vld [tilespmem:s16+$0xFFFFFFF0]  }
0x433: {  	v2 =	vld [tilespmem:s16+$0x0]  }
0x434: {  	v3 =	vld [tilespmem:s16+$0x10]  }
0x435: {  	v4 =	vpop (erf)  }
0x436: {  	v0 =	vmul.f32 v4, v0  }
0x437: {  	v1 =	vmul.f32 v1, v4  }
0x438: {  	v2 =	vmul.f32 v2, v4;
	[tilespmem:s16+$0xFFFFFFE0] =	vst v0  }
0x439: {  	v0 =	vmul.f32 v3, v4;
	[tilespmem:s16+$0xFFFFFFF0] =	vst v1  }
0x43a: {  	[tilespmem:s16+$0x0] =	vst v2  }
0x43b: {  	s22 =	rddreg [dreg:$0xe];
	s25 =	simm.s32 $0x1A1B8;
	[tilespmem:s16+$0x10] =	vst v0;
	s16 =	simm.s32 $0x0  }
0x43c: {  	[hbm4b:s22+s16] =	stream.linear.scatter [tilespmem:s25], [sflag:$0x4], $0x3400, $0x38;
	[tilespmem:$0x1D688] =	vst v63  }
0x43d: {  	_ =	swait.ge [sflag:s17], $0x3400  }
0x43e: {  	[sflag:s17] =	ssyncset.done $0x0  }
0x43f: {  	s22 =	rddreg [dreg:$0x18];
	[sflag:s17] =	ssyncadd.s32 $0xFFFFCC00  }
0x440: {  	[tilespmem:s25], [sflag:$0x4] =	stream.linear.gather [spmem:s22], $0x3400, $0x38;
	[tilespmem:$0x1D688] =	vst v63  }
0x441: {  	_ =	swait.ge [sflag:s17], $0x3400  }
0x442: {  	[sflag:s17] =	ssyncset.done $0x0  }
0x443: {  	v0 =	vmov s16;
	s24 =	rddreg [dreg:$0x19];
	[sflag:s17] =	ssyncadd.s32 $0xFFFFCC00  }
0x444: {  	[tilespmem:s10], [sflag:$0x4] =	stream.linear.gather [spmem:s24], $0xD0, $0x38;
	[tilespmem:$0x1D688] =	vst v63  }
0x445: {  	_ =	swait.ge [sflag:s17], $0xD0  }
0x446: {  	[sflag:s17] =	ssyncset.done $0x0  }
0x447: {  	[sflag:s17] =	ssyncadd.s32 $0xFFFFFF30  }
0x448: {  	v0 =	vld.idx.msk [tilespmem:v0+s10+$0x0], $0xffff;
	_ =	sdelay $0x4  }
0x449: {  	v0 =	vmax.f32 v0, $1.000000000e+00  }
0x44a: {  	(erf) = vrcp.f32 v0;
	_ =	sdelay $0x1  }
0x44b: {  	s24 =	simm.s32 $0x1A1D8  }
0x44c: {  	v3 =	vld [tilespmem:s24+$0x10]  }
0x44d: {  	v1 =	vld [tilespmem:s24+$0xFFFFFFE0]  }
0x44e: {  	v0 =	vld [tilespmem:s24+$0xFFFFFFF0]  }
0x44f: {  	v4 =	vld [tilespmem:s24+$0x0];
	_ =	sdelay $0x2  }
0x450: {  	v5 =	vpop (erf)  }
0x451: {  	s25 =	simm.s32 $0x1;
	v2 =	vmul.f32 v5, v1;
	v1 =	vmul.f32 v0, v5  }
0x452: {  	v0 =	vmov s25;
	s25 =	simm.s32 $0x2;
	v4 =	vmul.f32 v4, v5;
	v3 =	vmul.f32 v3, v5  }
.LBB2_20:
0x453: {  	p1 =	sne.s32 s25, $0xCF;
	[tilespmem:s24+$0xFFFFFFE0] =	vst v2  }
0x454: {  	[tilespmem:s24+$0xFFFFFFF0] =	vst v1  }
0x455: {  	[tilespmem:s24+$0x0] =	vst v4  }
0x456: {  	[tilespmem:s24+$0x10] =	vst v3  }
0x457: {  	v0 =	vld.idx.msk [tilespmem:v0+s10+$0x0], $0xffff;
	_ =	sdelay $0x5  }
0x458: {  	v0 =	vmax.f32 v0, $1.000000000e+00  }
0x459: {  	(erf) = vrcp.f32 v0;
	_ =	sdelay $0x1  }
0x45a: {  	s24 =	sadd.s32 $0x40, s24  }
0x45b: {  	v0 =	vld [tilespmem:s24+$0xFFFFFFF0]  }
0x45c: {  	v3 =	vld [tilespmem:s24+$0x10]  }
0x45d: {  	v1 =	vld [tilespmem:s24+$0xFFFFFFE0]  }
0x45e: {  	v4 =	vld [tilespmem:s24+$0x0]  }
.Ltmp11:
0x45f: {  	(pc) =	sbr.rel @p1 .LBB2_20-.Ltmp11, $4  }
0x460: {  	_ = 	snop  }
0x461: {  	v5 =	vpop (erf)  }
0x462: {  	v2 =	vmul.f32 v5, v1;
	v1 =	vmul.f32 v0, v5  }
0x463: {  	v0 =	vmov s25;
	s25 =	sadd.s32 $0x1, s25;
	v3 =	vmul.f32 v3, v5;
	v4 =	vmul.f32 v4, v5  }
0x464: {  	[tilespmem:s24+$0xFFFFFFE0] =	vst v2  }
0x465: {  	[tilespmem:s24+$0xFFFFFFF0] =	vst v1  }
0x466: {  	[tilespmem:s24+$0x0] =	vst v4  }
0x467: {  	[tilespmem:s24+$0x10] =	vst v3  }
0x468: {  	v0 =	vld.idx.msk [tilespmem:v0+s10+$0x0], $0xffff;
	_ =	sdelay $0x4  }
0x469: {  	v0 =	vmax.f32 v0, $1.000000000e+00  }
0x46a: {  	(erf) = vrcp.f32 v0;
	_ =	sdelay $0x3  }
0x46b: {  	s16 =	sadd.s32 $0x40, s24  }
0x46c: {  	v61 =	vld [tilespmem:s16+$0xFFFFFFE0]  }
0x46d: {  	v1 =	vld [tilespmem:s16+$0xFFFFFFF0]  }
0x46e: {  	v2 =	vld [tilespmem:s16+$0x0]  }
0x46f: {  	v3 =	vld [tilespmem:s16+$0x10]  }
0x470: {  	v62 =	vpop (erf)  }
0x471: {  	v0 =	vmul.f32 v62, v61  }
0x472: {  	v1 =	vmul.f32 v1, v62  }
0x473: {  	v2 =	vmul.f32 v2, v62;
	[tilespmem:s16+$0xFFFFFFE0] =	vst v0  }
0x474: {  	v63 =	vmul.f32 v3, v62;
	[tilespmem:s16+$0xFFFFFFF0] =	vst v1  }
0x475: {  	[tilespmem:s16+$0x0] =	vst v2  }
.Ltmp12:
0x476: {  	s25 =	simm.s32 $0x1A1B8;
	s24 =	rddreg [dreg:$0xf];
	[tilespmem:s16+$0x10] =	vst v63;
	(pc) =	sbr.rel @p0 .LBB2_25-.Ltmp12, $4  }
0x477: {  	[hbm4b:s24+s5] =	stream.linear.scatter [tilespmem:s25], [sflag:$0x4], $0x3400, $0x38;
	[tilespmem:$0x1D688] =	vst v63  }
0x478: {  	_ =	swait.ge [sflag:s17], $0x3400  }
0x479: {  	[sflag:s17] =	ssyncset.done $0x0  }
0x47a: {  	s24 =	sld [smem:$0x7F9];
	[sflag:s17] =	ssyncadd.s32 $0xFFFFCC00  }
0x47b: {  	s16 =	sld [smem:$0x7FB];
	_ =	sdelay $0x1  }
0x47c: {  	s24 =	simm.s32 $0x1A1B8  }
0x47d: {  	[tilespmem:s24], [sflag:$0x4] =	stream.linear.gather [spmem:s16], $0x400, $0x38;
	[tilespmem:$0x1D688] =	vst v63  }
0x47e: {  	_ =	swait.ge [sflag:s17], $0x400  }
0x47f: {  	s24 =	sld [smem:$0x7FC]  }
0x480: {  	s25 =	simm.s32 $0x0;
	[sflag:s17] =	ssyncset.done $0x0  }
0x481: {  	v0 =	vmov s25;
	[sflag:s17] =	ssyncadd.s32 $0xFFFFFC00  }
0x482: {  	[tilespmem:s10], [sflag:$0x4] =	stream.linear.gather [spmem:s24], $0x10, $0x38;
	[tilespmem:$0x1D688] =	vst v63  }
0x483: {  	_ =	swait.ge [sflag:s17], $0x10  }
0x484: {  	[sflag:s17] =	ssyncset.done $0x0  }
0x485: {  	[sflag:s17] =	ssyncadd.s32 $0xFFFFFFF0  }
0x486: {  	v0 =	vld.idx.msk [tilespmem:v0+s10+$0x0], $0xffff;
	_ =	sdelay $0x4  }
0x487: {  	v0 =	vmax.f32 v0, $1.000000000e+00  }
0x488: {  	(erf) = vrcp.f32 v0;
	_ =	sdelay $0x1  }
0x489: {  	s24 =	simm.s32 $0x1A1D8  }
0x48a: {  	v3 =	vld [tilespmem:s24+$0x10]  }
0x48b: {  	v1 =	vld [tilespmem:s24+$0xFFFFFFE0]  }
0x48c: {  	v0 =	vld [tilespmem:s24+$0xFFFFFFF0]  }
0x48d: {  	v4 =	vld [tilespmem:s24+$0x0];
	_ =	sdelay $0x2  }
0x48e: {  	v5 =	vpop (erf)  }
0x48f: {  	s25 =	simm.s32 $0x1;
	v2 =	vmul.f32 v5, v1;
	v1 =	vmul.f32 v0, v5  }
0x490: {  	v0 =	vmov s25;
	s25 =	simm.s32 $0x2;
	v4 =	vmul.f32 v4, v5;
	v3 =	vmul.f32 v3, v5  }
.LBB2_23:
0x491: {  	p1 =	sne.s32 s25, $0xF;
	[tilespmem:s24+$0xFFFFFFE0] =	vst v2  }
0x492: {  	[tilespmem:s24+$0xFFFFFFF0] =	vst v1  }
0x493: {  	[tilespmem:s24+$0x0] =	vst v4  }
0x494: {  	[tilespmem:s24+$0x10] =	vst v3  }
0x495: {  	v0 =	vld.idx.msk [tilespmem:v0+s10+$0x0], $0xffff;
	_ =	sdelay $0x5  }
0x496: {  	v0 =	vmax.f32 v0, $1.000000000e+00  }
0x497: {  	(erf) = vrcp.f32 v0;
	_ =	sdelay $0x1  }
0x498: {  	s24 =	sadd.s32 $0x40, s24  }
0x499: {  	v0 =	vld [tilespmem:s24+$0xFFFFFFF0]  }
0x49a: {  	v3 =	vld [tilespmem:s24+$0x10]  }
0x49b: {  	v1 =	vld [tilespmem:s24+$0xFFFFFFE0]  }
0x49c: {  	v4 =	vld [tilespmem:s24+$0x0]  }
.Ltmp13:
0x49d: {  	(pc) =	sbr.rel @p1 .LBB2_23-.Ltmp13, $4  }
0x49e: {  	_ = 	snop  }
0x49f: {  	v5 =	vpop (erf)  }
0x4a0: {  	v2 =	vmul.f32 v5, v1;
	v1 =	vmul.f32 v0, v5  }
0x4a1: {  	v0 =	vmov s25;
	s25 =	sadd.s32 $0x1, s25;
	v3 =	vmul.f32 v3, v5;
	v4 =	vmul.f32 v4, v5  }
.Ltmp14:
0x4a2: {  	_ = 	snop;
	(pc) =	sbr.rel .LBB2_24-.Ltmp14, $1  }
0x4a3: {  	_ =	sdelay $0x3  }
.LBB2_26:
0x4a4: {  	_ =	sfence.sel $0x180000  }
0x4a5: {  	[bflag:$0x0] =	sbarrier.arrive $0xFFFF  }
0x4a6: {  	_ =	strace $0x90000047  }
0x4a7: {  	[bflag:$0x2] =	sbarrier.arrive $0xFFFF  }
0x4a8: {  	p0 =	sne.s32 s6, $0x0;
	s0 =	rddreg [dreg:$0x5]  }
0x4a9: {  	s0 =	sadd.s32 @!p0 $0x100000, s0  }
0x4aa: {  	[sflag:s0] =	ssyncadd.tile.s32 @!p0 $0x1;
	_ =	shalt  }
.Lfunc_end2:
_tile_overlayer_lowered:
.L_overlay_start_2:
0x4ab: {  	(tag) =	ssettag $0x2  }
0x4ac: {  	s0 =	rddreg [dreg:$0x0];
	s2 =	stileid.u32  }
0x4ad: {  	s1 =	rddreg [dreg:$0x1];
	p0 =	sne.s32 s2, $0x0  }
0x4ae: {  	s3 =	rddreg [dreg:$0x2];
	[bflag:$0x3] =	sbarrier.arrive $0xFFFF;
	s2 =	simm.s32 @!p0 $0x1C04  }
0x4af: {  	[timem:s3], [sflag:s2] =	dma.local @!p0 [hbm:s0], s1  }
0x4b0: {  	s0 =	simm.s32 @!p0 $0x4  }
0x4b1: {  	_ =	swait.ge @!p0 [sflag:s0], s1  }
0x4b2: {  	s1 =	ssub.s32 @!p0 $0x0, s1;
	[sflag:s0] =	ssyncset.done @!p0 $0x0  }
0x4b3: {  	[sflag:s0] =	ssyncadd.s32 @!p0 s1  }
0x4b4: {  	[bflag:$0x3] =	sbarrier.arrive $0xFFFF  }
0x4b5: {  	_ =	shalt  }

</sc_bundles>
